<compile_context>
chip_gen: v7x
topology: tpu7x:2x2x1
jax: 0.10.2.dev20260603
libtpu: 0.0.44.dev20260713+nightly
codegen_flags: <defaults>
</compile_context>

<pallas_src>
import functools

import jax
import jax.numpy as jnp
from jax import lax
from jax.experimental import pallas as pl
from jax.experimental.pallas import tpu as pltpu
from jax.experimental.pallas import tpu_sc as plsc


def _fold_table(table, W, bias):

    def body(t_ref, w_ref, b_ref, o_ref):
        o_ref[...] = (
            lax.dot_general(
                w_ref[...], t_ref[...],
                dimension_numbers=(((1,), (1,)), ((), ())),
                preferred_element_type=jnp.float32,
            )
            + b_ref[...]
        )

    return pl.pallas_call(
        body,
        out_shape=jax.ShapeDtypeStruct((W.shape[0], table.shape[0]), jnp.float32),
    )(table, W, bias.reshape(-1, 1))


def _sc_gather_tiled(t_flat, idx_w, bsz, seqlen, h):
    voc = t_flat.shape[0] // h
    info = plsc.get_sparse_core_info()
    nw = info.num_cores * info.num_subcores
    bpw = bsz // nw
    btw_n = bpw // 128
    cl = 2
    chunks = seqlen // cl
    groups = cl * btw_n * 8

    mesh = plsc.VectorSubcoreMesh(core_axis_name="c", subcore_axis_name="s")

    @functools.partial(
        pl.kernel,
        mesh=mesh,
        compiler_params=pltpu.CompilerParams(
            use_tc_tiling_on_sc=False, needs_layout_passes=False
        ),
        out_type=jax.ShapeDtypeStruct(
            (seqlen, h // 8, bsz // 128, 8, 128), jnp.float32
        ),
        scratch_types=[
            pltpu.VMEM((t_flat.shape[0],), jnp.float32),
            pltpu.VMEM((2, cl * bpw), jnp.int32),
            pltpu.VMEM((2, cl, h // 8, btw_n, 8, 128), jnp.float32),
            pltpu.SemaphoreType.DMA,
            pltpu.SemaphoreType.DMA,
        ],
    )
    def gather_kernel(t_hbm, idx_hbm, out_hbm, t_v, idx_v, tile_v, sem_in, sem_out):
        wid = lax.axis_index("s") * info.num_cores + lax.axis_index("c")
        btw = wid * btw_n
        i0w = wid * seqlen * bpw
        pltpu.sync_copy(t_hbm, t_v)
        pltpu.async_copy(
            idx_hbm.at[pl.ds(i0w, cl * bpw)], idx_v.at[0], sem_in
        ).wait()

        def out_slice(c):
            return out_hbm.at[pl.ds(c * cl, cl), :, pl.ds(btw, btw_n)]

        def do_chunk(c, p):
            @pl.when(c + 1 < chunks)
            def _():
                pltpu.async_copy(
                    idx_hbm.at[pl.ds(i0w + (c + 1) * cl * bpw, cl * bpw)],
                    idx_v.at[1 - p],
                    sem_in,
                )

            @pl.when(c >= 2)
            def _():
                pltpu.make_async_copy(
                    tile_v.at[p], out_slice(c - 2), sem_out
                ).wait()

            tv = tile_v.at[p]
            ixp = idx_v.at[p]
            hf = h // 2

            def load16(g):
                return ixp[pl.ds(g * 16, 16)]

            def store(g, hh, val):
                ll = lax.shift_right_logical(g, 5)
                btl = lax.shift_right_logical(g, 3) & 3
                blg = (g & 7) * 16
                tv[ll, hh // 8, btl, hh % 8, pl.ds(blg, 16)] = val

            def group_body(g, carry2):
                idx16 = load16(g)
                cur = []
                for i in range(hf):
                    cur.append(plsc.load_gather(t_v, [idx16 + i * voc]))
                    store(g - 1, hf + i, carry2[i])
                cur2 = []
                for i in range(hf):
                    cur2.append(plsc.load_gather(t_v, [idx16 + (hf + i) * voc]))
                    store(g, i, cur[i])
                return tuple(cur2)

            idx0 = load16(0)
            cur = [plsc.load_gather(t_v, [idx0 + i * voc]) for i in range(hf)]
            cur2 = []
            for i in range(hf):
                cur2.append(plsc.load_gather(t_v, [idx0 + (hf + i) * voc]))
                store(0, i, cur[i])
            last = lax.fori_loop(1, groups, group_body, tuple(cur2))
            for i in range(hf):
                store(groups - 1, hf + i, last[i])

            pltpu.async_copy(tv, out_slice(c), sem_out)

        def two_chunks(cc, carry):
            c = cc * 2

            @pl.when(c > 0)
            def _():
                pltpu.make_async_copy(
                    idx_hbm.at[pl.ds(i0w + c * cl * bpw, cl * bpw)],
                    idx_v.at[0],
                    sem_in,
                ).wait()

            do_chunk(c, 0)

            pltpu.make_async_copy(
                idx_hbm.at[pl.ds(i0w + (c + 1) * cl * bpw, cl * bpw)],
                idx_v.at[1],
                sem_in,
            ).wait()
            do_chunk(c + 1, 1)
            return carry

        lax.fori_loop(0, chunks // 2, two_chunks, 0)

        for c, p in ((chunks - 2, 0), (chunks - 1, 1)):
            pltpu.make_async_copy(tile_v.at[p], out_slice(c), sem_out).wait()

    return gather_kernel(t_flat, idx_w)


def kernel(x, embed_table, W, b):
    bsz, seqlen = x.shape
    h = embed_table.shape[1]
    t_folded = _fold_table(embed_table, W, b)
    nw = 32
    idx_w = (
        x.astype(jnp.int32).T.reshape(seqlen, nw, bsz // nw)
        .swapaxes(0, 1).reshape(-1)
    )
    out5 = _sc_gather_tiled(t_folded.reshape(-1), idx_w, bsz, seqlen, h)
    return out5.transpose(2, 4, 0, 1, 3).reshape(bsz, seqlen, h)

# --- scband reference (transcript-rebuilt; emitter-appended) ---
"""Pipeline reference for scband-simple-model-54992761258616 (READ-ONLY COPY).

The authoritative reference and input builder live on the scoring server;
editing this copy changes nothing except your own understanding.
"""

import jax, jax.numpy as jnp
import numpy as np

HIDDEN = 32
VOCAB = 100
B = 16384
L = 200

def setup_inputs(seed: int = 0) -> dict:
    key = jax.random.key(seed)
    k1, k2, k3, k4 = jax.random.split(key, 4)
    x = jax.random.randint(k1, (B, L), 0, VOCAB, dtype=jnp.int64 if jax.config.jax_enable_x64 else jnp.int32)
    embed_table = jax.random.normal(k2, (VOCAB, HIDDEN), dtype=jnp.float32)
    W = jax.random.normal(k3, (HIDDEN, HIDDEN), dtype=jnp.float32) * (1.0 / np.sqrt(HIDDEN))
    b = jax.random.normal(k4, (HIDDEN,), dtype=jnp.float32) * 0.01
    return {"x": x, "embed_table": embed_table, "W": W, "b": b}

def reference(x, embed_table, W, b):
    # x is integer dtype -> embedding lookup (gather)
    e = jnp.take(embed_table, x, axis=0)  # [B, L, HIDDEN]
    e = e.reshape(e.shape[0], -1, HIDDEN).astype(jnp.float32)
    # nn.Linear: y = x @ W^T + b
    out = jnp.einsum('bld,hd->blh', e, W) + b
    return out

if __name__ == "__main__":
    import jax
    _d = setup_inputs()
    print(jax.jit(kernel)(*tuple(_d.values())))

</pallas_src>

<mosaic_0001>
#map = affine_map<(d0, d1) -> (0)>
#map1 = affine_map<(d0, d1) -> (0, 0, 0, 0, 0)>
module attributes {stable_mosaic.version = 14 : i64} {
  func.func @gather_kernel(%arg0: i32, %arg1: i32, %arg2: memref<3200xf32, #tpu.memory_space<hbm>>, %arg3: memref<3276800xi32, #tpu.memory_space<hbm>>, %arg4: memref<200x4x128x8x128xf32, #tpu.memory_space<hbm>>, %arg5: memref<3200xf32, #tpu.memory_space<vmem>>, %arg6: memref<2x1024xi32, #tpu.memory_space<vmem>>, %arg7: memref<2x2x4x4x8x128xf32, #tpu.memory_space<vmem>>, %arg8: memref<!tpu.dma_semaphore, #tpu.memory_space<semaphore_mem>>, %arg9: memref<!tpu.dma_semaphore, #tpu.memory_space<semaphore_mem>>) attributes {dimension_semantics = [#tpu.dimension_semantics<core_parallel>, #tpu.dimension_semantics<subcore_parallel>], iteration_bounds = array<i64: 2, 16>, scalar_prefetch = 0 : i64, scratch_operands = 5 : i64, tpu.core_type = #tpu.core_type<sc_vector_subcore>, window_params = [{transform_indices = #map}, {transform_indices = #map}, {transform_indices = #map1}]} {
    %mul3A = arith.constant 2 : i32
    %mul3A_0 = arith.muli %arg1, %mul3A : i32
    %add3A = arith.addi %mul3A_0, %arg0 : i32
    %mul3A_1 = arith.constant 4 : i32
    %mul3A_2 = arith.muli %add3A, %mul3A_1 : i32
    %mul3A_3 = arith.constant 200 : i32
    %mul3A_4 = arith.muli %add3A, %mul3A_3 : i32
    %mul3A_5 = arith.constant 512 : i32
    %mul3A_6 = arith.muli %mul3A_4, %mul3A_5 : i32
    "tpu.region"() ({
      %run_scoped3A = tpu.sem_alloc : memref<!tpu.dma_semaphore, #tpu.memory_space<semaphore_mem>>
      tpu.enqueue_dma source(%arg2 : memref<3200xf32, #tpu.memory_space<hbm>>) target(%arg5 : memref<3200xf32, #tpu.memory_space<vmem>>) target_semaphore(%run_scoped3A : memref<!tpu.dma_semaphore, #tpu.memory_space<semaphore_mem>>)
      tpu.wait_dma2 semaphore(%run_scoped3A : memref<!tpu.dma_semaphore, #tpu.memory_space<semaphore_mem>>) src(%arg2 : memref<3200xf32, #tpu.memory_space<hbm>>) dst(%arg5 : memref<3200xf32, #tpu.memory_space<vmem>>)
      tpu.yield
    }) : () -> ()
    %dma_start3A = arith.constant 0 : i32
    %dma_start3A_7 = arith.constant 0 : i32
    %dma_start3A_8 = tpu.memref_slice %arg6[%dma_start3A, %dma_start3A_7] : memref<2x1024xi32, #tpu.memory_space<vmem>> -> memref<1x1024xi32, #tpu.memory_space<vmem>>
    %dma_start3A_9 = tpu.memref_squeeze %dma_start3A_8 : memref<1x1024xi32, #tpu.memory_space<vmem>> -> memref<1024xi32, #tpu.memory_space<vmem>>
    %dma_start3A_10 = tpu.memref_slice %arg3[%mul3A_6] : memref<3276800xi32, #tpu.memory_space<hbm>> -> memref<1024xi32, #tpu.memory_space<hbm>>
    %dma_start3A_11 = arith.constant 0 : i32
    %dma_start3A_12 = tpu.memref_slice %arg6[%dma_start3A, %dma_start3A_11] : memref<2x1024xi32, #tpu.memory_space<vmem>> -> memref<1x1024xi32, #tpu.memory_space<vmem>>
    %dma_start3A_13 = tpu.memref_squeeze %dma_start3A_12 : memref<1x1024xi32, #tpu.memory_space<vmem>> -> memref<1024xi32, #tpu.memory_space<vmem>>
    %dma_start3A_14 = tpu.memref_slice %arg3[%mul3A_6] : memref<3276800xi32, #tpu.memory_space<hbm>> -> memref<1024xi32, #tpu.memory_space<hbm>>
    tpu.enqueue_dma source(%dma_start3A_14 : memref<1024xi32, #tpu.memory_space<hbm>>) target(%dma_start3A_13 : memref<1024xi32, #tpu.memory_space<vmem>>) target_semaphore(%arg8 : memref<!tpu.dma_semaphore, #tpu.memory_space<semaphore_mem>>)
    %dma_wait3A = arith.constant 0 : i32
    %dma_wait3A_15 = arith.constant 0 : i32
    %dma_wait3A_16 = tpu.memref_slice %arg6[%dma_wait3A, %dma_wait3A_15] : memref<2x1024xi32, #tpu.memory_space<vmem>> -> memref<1x1024xi32, #tpu.memory_space<vmem>>
    %dma_wait3A_17 = tpu.memref_squeeze %dma_wait3A_16 : memref<1x1024xi32, #tpu.memory_space<vmem>> -> memref<1024xi32, #tpu.memory_space<vmem>>
    %dma_wait3A_18 = tpu.memref_slice %arg3[%mul3A_6] : memref<3276800xi32, #tpu.memory_space<hbm>> -> memref<1024xi32, #tpu.memory_space<hbm>>
    %dma_wait3A_19 = arith.constant 0 : i32
    %dma_wait3A_20 = tpu.memref_slice %arg6[%dma_wait3A, %dma_wait3A_19] : memref<2x1024xi32, #tpu.memory_space<vmem>> -> memref<1x1024xi32, #tpu.memory_space<vmem>>
    %dma_wait3A_21 = tpu.memref_squeeze %dma_wait3A_20 : memref<1x1024xi32, #tpu.memory_space<vmem>> -> memref<1024xi32, #tpu.memory_space<vmem>>
    %dma_wait3A_22 = tpu.memref_slice %arg3[%mul3A_6] : memref<3276800xi32, #tpu.memory_space<hbm>> -> memref<1024xi32, #tpu.memory_space<hbm>>
    tpu.wait_dma2 semaphore(%arg8 : memref<!tpu.dma_semaphore, #tpu.memory_space<semaphore_mem>>) src(%dma_wait3A_22 : memref<1024xi32, #tpu.memory_space<hbm>>) dst(%dma_wait3A_21 : memref<1024xi32, #tpu.memory_space<vmem>>)
    %scan3A = arith.constant 0 : i32
    %scan3A_23 = arith.constant 0 : i32
    %scan3A_24 = arith.constant 50 : i32
    %scan3A_25 = arith.addi %scan3A_23, %scan3A_24 : i32
    %scan3A_26 = arith.constant 1 : i32
    scf.for %scan3A_78 = %scan3A_23 to %scan3A_25 step %scan3A_26  : i32 {
      %mul3A_79 = arith.constant 2 : i32
      %mul3A_80 = arith.muli %scan3A_78, %mul3A_79 : i32
      %gt3A = arith.constant 0 : i32
      %gt3A_81 = arith.cmpi sgt, %mul3A_80, %gt3A : i32
      %convert_element_type3A = arith.extui %gt3A_81 : i1 to i32
      %cond3A = arith.constant 0 : i32
      %cond3A_82 = arith.cmpi ne, %convert_element_type3A, %cond3A : i32
      scf.if %cond3A_82 {
        %mul3A_1988 = arith.constant 2 : i32
        %mul3A_1989 = arith.muli %mul3A_80, %mul3A_1988 : i32
        %mul3A_1990 = arith.constant 512 : i32
        %mul3A_1991 = arith.muli %mul3A_1989, %mul3A_1990 : i32
        %add3A_1992 = arith.addi %mul3A_6, %mul3A_1991 : i32
        %dma_wait3A_1993 = arith.constant 0 : i32
        %dma_wait3A_1994 = arith.constant 0 : i32
        %dma_wait3A_1995 = tpu.memref_slice %arg6[%dma_wait3A_1993, %dma_wait3A_1994] : memref<2x1024xi32, #tpu.memory_space<vmem>> -> memref<1x1024xi32, #tpu.memory_space<vmem>>
        %dma_wait3A_1996 = tpu.memref_squeeze %dma_wait3A_1995 : memref<1x1024xi32, #tpu.memory_space<vmem>> -> memref<1024xi32, #tpu.memory_space<vmem>>
        %dma_wait3A_1997 = tpu.memref_slice %arg3[%add3A_1992] : memref<3276800xi32, #tpu.memory_space<hbm>> -> memref<1024xi32, #tpu.memory_space<hbm>>
        %dma_wait3A_1998 = arith.constant 0 : i32
        %dma_wait3A_1999 = tpu.memref_slice %arg6[%dma_wait3A_1993, %dma_wait3A_1998] : memref<2x1024xi32, #tpu.memory_space<vmem>> -> memref<1x1024xi32, #tpu.memory_space<vmem>>
        %dma_wait3A_2000 = tpu.memref_squeeze %dma_wait3A_1999 : memref<1x1024xi32, #tpu.memory_space<vmem>> -> memref<1024xi32, #tpu.memory_space<vmem>>
        %dma_wait3A_2001 = tpu.memref_slice %arg3[%add3A_1992] : memref<3276800xi32, #tpu.memory_space<hbm>> -> memref<1024xi32, #tpu.memory_space<hbm>>
        tpu.wait_dma2 semaphore(%arg8 : memref<!tpu.dma_semaphore, #tpu.memory_space<semaphore_mem>>) src(%dma_wait3A_2001 : memref<1024xi32, #tpu.memory_space<hbm>>) dst(%dma_wait3A_2000 : memref<1024xi32, #tpu.memory_space<vmem>>)
      } else {
      }
      %add3A_83 = arith.constant 1 : i32
      %add3A_84 = arith.addi %mul3A_80, %add3A_83 : i32
      %lt3A = arith.constant 100 : i32
      %lt3A_85 = arith.cmpi slt, %add3A_84, %lt3A : i32
      %convert_element_type3A_86 = arith.extui %lt3A_85 : i1 to i32
      %cond3A_87 = arith.constant 0 : i32
      %cond3A_88 = arith.cmpi ne, %convert_element_type3A_86, %cond3A_87 : i32
      scf.if %cond3A_88 {
        %add3A_1988 = arith.constant 1 : i32
        %add3A_1989 = arith.addi %mul3A_80, %add3A_1988 : i32
        %mul3A_1990 = arith.constant 2 : i32
        %mul3A_1991 = arith.muli %add3A_1989, %mul3A_1990 : i32
        %mul3A_1992 = arith.constant 512 : i32
        %mul3A_1993 = arith.muli %mul3A_1991, %mul3A_1992 : i32
        %add3A_1994 = arith.addi %mul3A_6, %mul3A_1993 : i32
        %dma_start3A_1995 = arith.constant 1 : i32
        %dma_start3A_1996 = arith.constant 0 : i32
        %dma_start3A_1997 = tpu.memref_slice %arg6[%dma_start3A_1995, %dma_start3A_1996] : memref<2x1024xi32, #tpu.memory_space<vmem>> -> memref<1x1024xi32, #tpu.memory_space<vmem>>
        %dma_start3A_1998 = tpu.memref_squeeze %dma_start3A_1997 : memref<1x1024xi32, #tpu.memory_space<vmem>> -> memref<1024xi32, #tpu.memory_space<vmem>>
        %dma_start3A_1999 = tpu.memref_slice %arg3[%add3A_1994] : memref<3276800xi32, #tpu.memory_space<hbm>> -> memref<1024xi32, #tpu.memory_space<hbm>>
        %dma_start3A_2000 = arith.constant 0 : i32
        %dma_start3A_2001 = tpu.memref_slice %arg6[%dma_start3A_1995, %dma_start3A_2000] : memref<2x1024xi32, #tpu.memory_space<vmem>> -> memref<1x1024xi32, #tpu.memory_space<vmem>>
        %dma_start3A_2002 = tpu.memref_squeeze %dma_start3A_2001 : memref<1x1024xi32, #tpu.memory_space<vmem>> -> memref<1024xi32, #tpu.memory_space<vmem>>
        %dma_start3A_2003 = tpu.memref_slice %arg3[%add3A_1994] : memref<3276800xi32, #tpu.memory_space<hbm>> -> memref<1024xi32, #tpu.memory_space<hbm>>
        tpu.enqueue_dma source(%dma_start3A_2003 : memref<1024xi32, #tpu.memory_space<hbm>>) target(%dma_start3A_2002 : memref<1024xi32, #tpu.memory_space<vmem>>) target_semaphore(%arg8 : memref<!tpu.dma_semaphore, #tpu.memory_space<semaphore_mem>>)
      } else {
      }
      %ge3A = arith.constant 2 : i32
      %ge3A_89 = arith.cmpi sge, %mul3A_80, %ge3A : i32
      %convert_element_type3A_90 = arith.extui %ge3A_89 : i1 to i32
      %cond3A_91 = arith.constant 0 : i32
      %cond3A_92 = arith.cmpi ne, %convert_element_type3A_90, %cond3A_91 : i32
      scf.if %cond3A_92 {
        %sub3A = arith.constant 2 : i32
        %sub3A_1988 = arith.subi %mul3A_80, %sub3A : i32
        %mul3A_1989 = arith.constant 2 : i32
        %mul3A_1990 = arith.muli %sub3A_1988, %mul3A_1989 : i32
        %dma_wait3A_1991 = arith.constant 0 : i32
        %dma_wait3A_1992 = arith.constant 0 : i32
        %dma_wait3A_1993 = arith.constant 0 : i32
        %dma_wait3A_1994 = arith.constant 0 : i32
        %dma_wait3A_1995 = arith.constant 0 : i32
        %dma_wait3A_1996 = arith.constant 0 : i32
        %dma_wait3A_1997 = tpu.memref_slice %arg7[%dma_wait3A_1991, %dma_wait3A_1992, %dma_wait3A_1993, %dma_wait3A_1994, %dma_wait3A_1995, %dma_wait3A_1996] : memref<2x2x4x4x8x128xf32, #tpu.memory_space<vmem>> -> memref<1x2x4x4x8x128xf32, #tpu.memory_space<vmem>>
        %dma_wait3A_1998 = tpu.memref_squeeze %dma_wait3A_1997 : memref<1x2x4x4x8x128xf32, #tpu.memory_space<vmem>> -> memref<2x4x4x8x128xf32, #tpu.memory_space<vmem>>
        %dma_wait3A_1999 = arith.constant 0 : i32
        %dma_wait3A_2000 = arith.constant 0 : i32
        %dma_wait3A_2001 = arith.constant 0 : i32
        %dma_wait3A_2002 = tpu.memref_slice %arg4[%mul3A_1990, %dma_wait3A_1999, %mul3A_2, %dma_wait3A_2000, %dma_wait3A_2001] : memref<200x4x128x8x128xf32, #tpu.memory_space<hbm>> -> memref<2x4x4x8x128xf32, #tpu.memory_space<hbm>>
        %dma_wait3A_2003 = arith.constant 0 : i32
        %dma_wait3A_2004 = arith.constant 0 : i32
        %dma_wait3A_2005 = arith.constant 0 : i32
        %dma_wait3A_2006 = tpu.memref_slice %arg4[%mul3A_1990, %dma_wait3A_2003, %mul3A_2, %dma_wait3A_2004, %dma_wait3A_2005] : memref<200x4x128x8x128xf32, #tpu.memory_space<hbm>> -> memref<2x4x4x8x128xf32, #tpu.memory_space<hbm>>
        %dma_wait3A_2007 = arith.constant 0 : i32
        %dma_wait3A_2008 = arith.constant 0 : i32
        %dma_wait3A_2009 = arith.constant 0 : i32
        %dma_wait3A_2010 = arith.constant 0 : i32
        %dma_wait3A_2011 = arith.constant 0 : i32
        %dma_wait3A_2012 = tpu.memref_slice %arg7[%dma_wait3A_1991, %dma_wait3A_2007, %dma_wait3A_2008, %dma_wait3A_2009, %dma_wait3A_2010, %dma_wait3A_2011] : memref<2x2x4x4x8x128xf32, #tpu.memory_space<vmem>> -> memref<1x2x4x4x8x128xf32, #tpu.memory_space<vmem>>
        %dma_wait3A_2013 = tpu.memref_squeeze %dma_wait3A_2012 : memref<1x2x4x4x8x128xf32, #tpu.memory_space<vmem>> -> memref<2x4x4x8x128xf32, #tpu.memory_space<vmem>>
        tpu.wait_dma2 semaphore(%arg9 : memref<!tpu.dma_semaphore, #tpu.memory_space<semaphore_mem>>) src(%dma_wait3A_2013 : memref<2x4x4x8x128xf32, #tpu.memory_space<vmem>>) dst(%dma_wait3A_2006 : memref<2x4x4x8x128xf32, #tpu.memory_space<hbm>>)
      } else {
      }
      %get3A = arith.constant 0 : i32
      %get3A_93 = arith.constant 0 : i32
      %get3A_94 = tpu.memref_slice %arg6[%get3A, %get3A_93] : memref<2x1024xi32, #tpu.memory_space<vmem>> -> memref<1x1024xi32, #tpu.memory_space<vmem>>
      %get3A_95 = tpu.memref_squeeze %get3A_94 : memref<1x1024xi32, #tpu.memory_space<vmem>> -> memref<1024xi32, #tpu.memory_space<vmem>>
      %get3A_96 = arith.constant 0 : index
      %get3A_97 = tpu.vector_load %get3A_95[%get3A_96] {strides = array<i32>} : memref<1024xi32, #tpu.memory_space<vmem>>, vector<16xi32>,
      %add3A_98 = arith.constant 0 : i32
      %add3A_99 = vector.broadcast %add3A_98 : i32 to vector<16xi32>
      %add3A_100 = arith.addi %get3A_97, %add3A_99 : vector<16xi32>
      %gather3A = tpu.vector_load_idx %arg5[%add3A_100] : memref<3200xf32, #tpu.memory_space<vmem>>[vector<16xi32>], vector<16xf32>,
      %add3A_101 = arith.constant 100 : i32
      %add3A_102 = vector.broadcast %add3A_101 : i32 to vector<16xi32>
      %add3A_103 = arith.addi %get3A_97, %add3A_102 : vector<16xi32>
      %gather3A_104 = tpu.vector_load_idx %arg5[%add3A_103] : memref<3200xf32, #tpu.memory_space<vmem>>[vector<16xi32>], vector<16xf32>,
      %add3A_105 = arith.constant 200 : i32
      %add3A_106 = vector.broadcast %add3A_105 : i32 to vector<16xi32>
      %add3A_107 = arith.addi %get3A_97, %add3A_106 : vector<16xi32>
      %gather3A_108 = tpu.vector_load_idx %arg5[%add3A_107] : memref<3200xf32, #tpu.memory_space<vmem>>[vector<16xi32>], vector<16xf32>,
      %add3A_109 = arith.constant 300 : i32
      %add3A_110 = vector.broadcast %add3A_109 : i32 to vector<16xi32>
      %add3A_111 = arith.addi %get3A_97, %add3A_110 : vector<16xi32>
      %gather3A_112 = tpu.vector_load_idx %arg5[%add3A_111] : memref<3200xf32, #tpu.memory_space<vmem>>[vector<16xi32>], vector<16xf32>,
      %add3A_113 = arith.constant 400 : i32
      %add3A_114 = vector.broadcast %add3A_113 : i32 to vector<16xi32>
      %add3A_115 = arith.addi %get3A_97, %add3A_114 : vector<16xi32>
      %gather3A_116 = tpu.vector_load_idx %arg5[%add3A_115] : memref<3200xf32, #tpu.memory_space<vmem>>[vector<16xi32>], vector<16xf32>,
      %add3A_117 = arith.constant 500 : i32
      %add3A_118 = vector.broadcast %add3A_117 : i32 to vector<16xi32>
      %add3A_119 = arith.addi %get3A_97, %add3A_118 : vector<16xi32>
      %gather3A_120 = tpu.vector_load_idx %arg5[%add3A_119] : memref<3200xf32, #tpu.memory_space<vmem>>[vector<16xi32>], vector<16xf32>,
      %add3A_121 = arith.constant 600 : i32
      %add3A_122 = vector.broadcast %add3A_121 : i32 to vector<16xi32>
      %add3A_123 = arith.addi %get3A_97, %add3A_122 : vector<16xi32>
      %gather3A_124 = tpu.vector_load_idx %arg5[%add3A_123] : memref<3200xf32, #tpu.memory_space<vmem>>[vector<16xi32>], vector<16xf32>,
      %add3A_125 = arith.constant 700 : i32
      %add3A_126 = vector.broadcast %add3A_125 : i32 to vector<16xi32>
      %add3A_127 = arith.addi %get3A_97, %add3A_126 : vector<16xi32>
      %gather3A_128 = tpu.vector_load_idx %arg5[%add3A_127] : memref<3200xf32, #tpu.memory_space<vmem>>[vector<16xi32>], vector<16xf32>,
      %add3A_129 = arith.constant 800 : i32
      %add3A_130 = vector.broadcast %add3A_129 : i32 to vector<16xi32>
      %add3A_131 = arith.addi %get3A_97, %add3A_130 : vector<16xi32>
      %gather3A_132 = tpu.vector_load_idx %arg5[%add3A_131] : memref<3200xf32, #tpu.memory_space<vmem>>[vector<16xi32>], vector<16xf32>,
      %add3A_133 = arith.constant 900 : i32
      %add3A_134 = vector.broadcast %add3A_133 : i32 to vector<16xi32>
      %add3A_135 = arith.addi %get3A_97, %add3A_134 : vector<16xi32>
      %gather3A_136 = tpu.vector_load_idx %arg5[%add3A_135] : memref<3200xf32, #tpu.memory_space<vmem>>[vector<16xi32>], vector<16xf32>,
      %add3A_137 = arith.constant 1000 : i32
      %add3A_138 = vector.broadcast %add3A_137 : i32 to vector<16xi32>
      %add3A_139 = arith.addi %get3A_97, %add3A_138 : vector<16xi32>
      %gather3A_140 = tpu.vector_load_idx %arg5[%add3A_139] : memref<3200xf32, #tpu.memory_space<vmem>>[vector<16xi32>], vector<16xf32>,
      %add3A_141 = arith.constant 1100 : i32
      %add3A_142 = vector.broadcast %add3A_141 : i32 to vector<16xi32>
      %add3A_143 = arith.addi %get3A_97, %add3A_142 : vector<16xi32>
      %gather3A_144 = tpu.vector_load_idx %arg5[%add3A_143] : memref<3200xf32, #tpu.memory_space<vmem>>[vector<16xi32>], vector<16xf32>,
      %add3A_145 = arith.constant 1200 : i32
      %add3A_146 = vector.broadcast %add3A_145 : i32 to vector<16xi32>
      %add3A_147 = arith.addi %get3A_97, %add3A_146 : vector<16xi32>
      %gather3A_148 = tpu.vector_load_idx %arg5[%add3A_147] : memref<3200xf32, #tpu.memory_space<vmem>>[vector<16xi32>], vector<16xf32>,
      %add3A_149 = arith.constant 1300 : i32
      %add3A_150 = vector.broadcast %add3A_149 : i32 to vector<16xi32>
      %add3A_151 = arith.addi %get3A_97, %add3A_150 : vector<16xi32>
      %gather3A_152 = tpu.vector_load_idx %arg5[%add3A_151] : memref<3200xf32, #tpu.memory_space<vmem>>[vector<16xi32>], vector<16xf32>,
      %add3A_153 = arith.constant 1400 : i32
      %add3A_154 = vector.broadcast %add3A_153 : i32 to vector<16xi32>
      %add3A_155 = arith.addi %get3A_97, %add3A_154 : vector<16xi32>
      %gather3A_156 = tpu.vector_load_idx %arg5[%add3A_155] : memref<3200xf32, #tpu.memory_space<vmem>>[vector<16xi32>], vector<16xf32>,
      %add3A_157 = arith.constant 1500 : i32
      %add3A_158 = vector.broadcast %add3A_157 : i32 to vector<16xi32>
      %add3A_159 = arith.addi %get3A_97, %add3A_158 : vector<16xi32>
      %gather3A_160 = tpu.vector_load_idx %arg5[%add3A_159] : memref<3200xf32, #tpu.memory_space<vmem>>[vector<16xi32>], vector<16xf32>,
      %add3A_161 = arith.constant 1600 : i32
      %add3A_162 = vector.broadcast %add3A_161 : i32 to vector<16xi32>
      %add3A_163 = arith.addi %get3A_97, %add3A_162 : vector<16xi32>
      %gather3A_164 = tpu.vector_load_idx %arg5[%add3A_163] : memref<3200xf32, #tpu.memory_space<vmem>>[vector<16xi32>], vector<16xf32>,
      %shift_right_logical3A = arith.constant 0 : i32
      %shift_right_logical3A_165 = arith.constant 5 : i32
      %shift_right_logical3A_166 = arith.shrui %shift_right_logical3A, %shift_right_logical3A_165 : i32
      %shift_right_logical3A_167 = arith.constant 0 : i32
      %shift_right_logical3A_168 = arith.constant 3 : i32
      %shift_right_logical3A_169 = arith.shrui %shift_right_logical3A_167, %shift_right_logical3A_168 : i32
      %and3A = arith.constant 3 : i32
      %and3A_170 = arith.andi %shift_right_logical3A_169, %and3A : i32
      %swap3A = arith.constant 0 : i32
      %swap3A_171 = arith.constant 0 : i32
      %swap3A_172 = arith.constant 0 : i32
      %swap3A_173 = arith.constant 0 : i32
      %swap3A_174 = arith.constant 0 : i32
      %swap3A_175 = arith.constant 0 : i32
      %swap3A_176 = arith.constant 0 : i32
      %swap3A_177 = arith.constant 0 : i32
      %swap3A_178 = tpu.memref_slice %arg7[%swap3A, %swap3A_173, %swap3A_174, %swap3A_175, %swap3A_176, %swap3A_177] : memref<2x2x4x4x8x128xf32, #tpu.memory_space<vmem>> -> memref<1x2x4x4x8x128xf32, #tpu.memory_space<vmem>>
      %swap3A_179 = tpu.memref_squeeze %swap3A_178 : memref<1x2x4x4x8x128xf32, #tpu.memory_space<vmem>> -> memref<2x4x4x8x128xf32, #tpu.memory_space<vmem>>
      %swap3A_180 = arith.index_cast %shift_right_logical3A_166 : i32 to index
      %swap3A_181 = arith.index_cast %swap3A_171 : i32 to index
      %swap3A_182 = arith.index_cast %and3A_170 : i32 to index
      %swap3A_183 = arith.index_cast %swap3A_172 : i32 to index
      %swap3A_184 = arith.constant 0 : index
      %swap3A_185 = tpu.vector_load %swap3A_179[%swap3A_180, %swap3A_181, %swap3A_182, %swap3A_183, %swap3A_184] {strides = array<i32>} : memref<2x4x4x8x128xf32, #tpu.memory_space<vmem>>, vector<16xf32>,
      tpu.vector_store %swap3A_179[%swap3A_180, %swap3A_181, %swap3A_182, %swap3A_183, %swap3A_184], %gather3A {strides = array<i32>} : memref<2x4x4x8x128xf32, #tpu.memory_space<vmem>>, vector<16xf32>,
      %add3A_186 = arith.constant 1700 : i32
      %add3A_187 = vector.broadcast %add3A_186 : i32 to vector<16xi32>
      %add3A_188 = arith.addi %get3A_97, %add3A_187 : vector<16xi32>
      %gather3A_189 = tpu.vector_load_idx %arg5[%add3A_188] : memref<3200xf32, #tpu.memory_space<vmem>>[vector<16xi32>], vector<16xf32>,
      %shift_right_logical3A_190 = arith.constant 0 : i32
      %shift_right_logical3A_191 = arith.constant 5 : i32
      %shift_right_logical3A_192 = arith.shrui %shift_right_logical3A_190, %shift_right_logical3A_191 : i32
      %shift_right_logical3A_193 = arith.constant 0 : i32
      %shift_right_logical3A_194 = arith.constant 3 : i32
      %shift_right_logical3A_195 = arith.shrui %shift_right_logical3A_193, %shift_right_logical3A_194 : i32
      %and3A_196 = arith.constant 3 : i32
      %and3A_197 = arith.andi %shift_right_logical3A_195, %and3A_196 : i32
      %swap3A_198 = arith.constant 0 : i32
      %swap3A_199 = arith.constant 0 : i32
      %swap3A_200 = arith.constant 1 : i32
      %swap3A_201 = arith.constant 0 : i32
      %swap3A_202 = arith.constant 0 : i32
      %swap3A_203 = arith.constant 0 : i32
      %swap3A_204 = arith.constant 0 : i32
      %swap3A_205 = arith.constant 0 : i32
      %swap3A_206 = tpu.memref_slice %arg7[%swap3A_198, %swap3A_201, %swap3A_202, %swap3A_203, %swap3A_204, %swap3A_205] : memref<2x2x4x4x8x128xf32, #tpu.memory_space<vmem>> -> memref<1x2x4x4x8x128xf32, #tpu.memory_space<vmem>>
      %swap3A_207 = tpu.memref_squeeze %swap3A_206 : memref<1x2x4x4x8x128xf32, #tpu.memory_space<vmem>> -> memref<2x4x4x8x128xf32, #tpu.memory_space<vmem>>
      %swap3A_208 = arith.index_cast %shift_right_logical3A_192 : i32 to index
      %swap3A_209 = arith.index_cast %swap3A_199 : i32 to index
      %swap3A_210 = arith.index_cast %and3A_197 : i32 to index
      %swap3A_211 = arith.index_cast %swap3A_200 : i32 to index
      %swap3A_212 = arith.constant 0 : index
      %swap3A_213 = tpu.vector_load %swap3A_207[%swap3A_208, %swap3A_209, %swap3A_210, %swap3A_211, %swap3A_212] {strides = array<i32>} : memref<2x4x4x8x128xf32, #tpu.memory_space<vmem>>, vector<16xf32>,
      tpu.vector_store %swap3A_207[%swap3A_208, %swap3A_209, %swap3A_210, %swap3A_211, %swap3A_212], %gather3A_104 {strides = array<i32>} : memref<2x4x4x8x128xf32, #tpu.memory_space<vmem>>, vector<16xf32>,
      %add3A_214 = arith.constant 1800 : i32
      %add3A_215 = vector.broadcast %add3A_214 : i32 to vector<16xi32>
      %add3A_216 = arith.addi %get3A_97, %add3A_215 : vector<16xi32>
      %gather3A_217 = tpu.vector_load_idx %arg5[%add3A_216] : memref<3200xf32, #tpu.memory_space<vmem>>[vector<16xi32>], vector<16xf32>,
      %shift_right_logical3A_218 = arith.constant 0 : i32
      %shift_right_logical3A_219 = arith.constant 5 : i32
      %shift_right_logical3A_220 = arith.shrui %shift_right_logical3A_218, %shift_right_logical3A_219 : i32
      %shift_right_logical3A_221 = arith.constant 0 : i32
      %shift_right_logical3A_222 = arith.constant 3 : i32
      %shift_right_logical3A_223 = arith.shrui %shift_right_logical3A_221, %shift_right_logical3A_222 : i32
      %and3A_224 = arith.constant 3 : i32
      %and3A_225 = arith.andi %shift_right_logical3A_223, %and3A_224 : i32
      %swap3A_226 = arith.constant 0 : i32
      %swap3A_227 = arith.constant 0 : i32
      %swap3A_228 = arith.constant 2 : i32
      %swap3A_229 = arith.constant 0 : i32
      %swap3A_230 = arith.constant 0 : i32
      %swap3A_231 = arith.constant 0 : i32
      %swap3A_232 = arith.constant 0 : i32
      %swap3A_233 = arith.constant 0 : i32
      %swap3A_234 = tpu.memref_slice %arg7[%swap3A_226, %swap3A_229, %swap3A_230, %swap3A_231, %swap3A_232, %swap3A_233] : memref<2x2x4x4x8x128xf32, #tpu.memory_space<vmem>> -> memref<1x2x4x4x8x128xf32, #tpu.memory_space<vmem>>
      %swap3A_235 = tpu.memref_squeeze %swap3A_234 : memref<1x2x4x4x8x128xf32, #tpu.memory_space<vmem>> -> memref<2x4x4x8x128xf32, #tpu.memory_space<vmem>>
      %swap3A_236 = arith.index_cast %shift_right_logical3A_220 : i32 to index
      %swap3A_237 = arith.index_cast %swap3A_227 : i32 to index
      %swap3A_238 = arith.index_cast %and3A_225 : i32 to index
      %swap3A_239 = arith.index_cast %swap3A_228 : i32 to index
      %swap3A_240 = arith.constant 0 : index
      %swap3A_241 = tpu.vector_load %swap3A_235[%swap3A_236, %swap3A_237, %swap3A_238, %swap3A_239, %swap3A_240] {strides = array<i32>} : memref<2x4x4x8x128xf32, #tpu.memory_space<vmem>>, vector<16xf32>,
      tpu.vector_store %swap3A_235[%swap3A_236, %swap3A_237, %swap3A_238, %swap3A_239, %swap3A_240], %gather3A_108 {strides = array<i32>} : memref<2x4x4x8x128xf32, #tpu.memory_space<vmem>>, vector<16xf32>,
      %add3A_242 = arith.constant 1900 : i32
      %add3A_243 = vector.broadcast %add3A_242 : i32 to vector<16xi32>
      %add3A_244 = arith.addi %get3A_97, %add3A_243 : vector<16xi32>
      %gather3A_245 = tpu.vector_load_idx %arg5[%add3A_244] : memref<3200xf32, #tpu.memory_space<vmem>>[vector<16xi32>], vector<16xf32>,
      %shift_right_logical3A_246 = arith.constant 0 : i32
      %shift_right_logical3A_247 = arith.constant 5 : i32
      %shift_right_logical3A_248 = arith.shrui %shift_right_logical3A_246, %shift_right_logical3A_247 : i32
      %shift_right_logical3A_249 = arith.constant 0 : i32
      %shift_right_logical3A_250 = arith.constant 3 : i32
      %shift_right_logical3A_251 = arith.shrui %shift_right_logical3A_249, %shift_right_logical3A_250 : i32
      %and3A_252 = arith.constant 3 : i32
      %and3A_253 = arith.andi %shift_right_logical3A_251, %and3A_252 : i32
      %swap3A_254 = arith.constant 0 : i32
      %swap3A_255 = arith.constant 0 : i32
      %swap3A_256 = arith.constant 3 : i32
      %swap3A_257 = arith.constant 0 : i32
      %swap3A_258 = arith.constant 0 : i32
      %swap3A_259 = arith.constant 0 : i32
      %swap3A_260 = arith.constant 0 : i32
      %swap3A_261 = arith.constant 0 : i32
      %swap3A_262 = tpu.memref_slice %arg7[%swap3A_254, %swap3A_257, %swap3A_258, %swap3A_259, %swap3A_260, %swap3A_261] : memref<2x2x4x4x8x128xf32, #tpu.memory_space<vmem>> -> memref<1x2x4x4x8x128xf32, #tpu.memory_space<vmem>>
      %swap3A_263 = tpu.memref_squeeze %swap3A_262 : memref<1x2x4x4x8x128xf32, #tpu.memory_space<vmem>> -> memref<2x4x4x8x128xf32, #tpu.memory_space<vmem>>
      %swap3A_264 = arith.index_cast %shift_right_logical3A_248 : i32 to index
      %swap3A_265 = arith.index_cast %swap3A_255 : i32 to index
      %swap3A_266 = arith.index_cast %and3A_253 : i32 to index
      %swap3A_267 = arith.index_cast %swap3A_256 : i32 to index
      %swap3A_268 = arith.constant 0 : index
      %swap3A_269 = tpu.vector_load %swap3A_263[%swap3A_264, %swap3A_265, %swap3A_266, %swap3A_267, %swap3A_268] {strides = array<i32>} : memref<2x4x4x8x128xf32, #tpu.memory_space<vmem>>, vector<16xf32>,
      tpu.vector_store %swap3A_263[%swap3A_264, %swap3A_265, %swap3A_266, %swap3A_267, %swap3A_268], %gather3A_112 {strides = array<i32>} : memref<2x4x4x8x128xf32, #tpu.memory_space<vmem>>, vector<16xf32>,
      %add3A_270 = arith.constant 2000 : i32
      %add3A_271 = vector.broadcast %add3A_270 : i32 to vector<16xi32>
      %add3A_272 = arith.addi %get3A_97, %add3A_271 : vector<16xi32>
      %gather3A_273 = tpu.vector_load_idx %arg5[%add3A_272] : memref<3200xf32, #tpu.memory_space<vmem>>[vector<16xi32>], vector<16xf32>,
      %shift_right_logical3A_274 = arith.constant 0 : i32
      %shift_right_logical3A_275 = arith.constant 5 : i32
      %shift_right_logical3A_276 = arith.shrui %shift_right_logical3A_274, %shift_right_logical3A_275 : i32
      %shift_right_logical3A_277 = arith.constant 0 : i32
      %shift_right_logical3A_278 = arith.constant 3 : i32
      %shift_right_logical3A_279 = arith.shrui %shift_right_logical3A_277, %shift_right_logical3A_278 : i32
      %and3A_280 = arith.constant 3 : i32
      %and3A_281 = arith.andi %shift_right_logical3A_279, %and3A_280 : i32
      %swap3A_282 = arith.constant 0 : i32
      %swap3A_283 = arith.constant 0 : i32
      %swap3A_284 = arith.constant 4 : i32
      %swap3A_285 = arith.constant 0 : i32
      %swap3A_286 = arith.constant 0 : i32
      %swap3A_287 = arith.constant 0 : i32
      %swap3A_288 = arith.constant 0 : i32
      %swap3A_289 = arith.constant 0 : i32
      %swap3A_290 = tpu.memref_slice %arg7[%swap3A_282, %swap3A_285, %swap3A_286, %swap3A_287, %swap3A_288, %swap3A_289] : memref<2x2x4x4x8x128xf32, #tpu.memory_space<vmem>> -> memref<1x2x4x4x8x128xf32, #tpu.memory_space<vmem>>
      %swap3A_291 = tpu.memref_squeeze %swap3A_290 : memref<1x2x4x4x8x128xf32, #tpu.memory_space<vmem>> -> memref<2x4x4x8x128xf32, #tpu.memory_space<vmem>>
      %swap3A_292 = arith.index_cast %shift_right_logical3A_276 : i32 to index
      %swap3A_293 = arith.index_cast %swap3A_283 : i32 to index
      %swap3A_294 = arith.index_cast %and3A_281 : i32 to index
      %swap3A_295 = arith.index_cast %swap3A_284 : i32 to index
      %swap3A_296 = arith.constant 0 : index
      %swap3A_297 = tpu.vector_load %swap3A_291[%swap3A_292, %swap3A_293, %swap3A_294, %swap3A_295, %swap3A_296] {strides = array<i32>} : memref<2x4x4x8x128xf32, #tpu.memory_space<vmem>>, vector<16xf32>,
      tpu.vector_store %swap3A_291[%swap3A_292, %swap3A_293, %swap3A_294, %swap3A_295, %swap3A_296], %gather3A_116 {strides = array<i32>} : memref<2x4x4x8x128xf32, #tpu.memory_space<vmem>>, vector<16xf32>,
      %add3A_298 = arith.constant 2100 : i32
      %add3A_299 = vector.broadcast %add3A_298 : i32 to vector<16xi32>
      %add3A_300 = arith.addi %get3A_97, %add3A_299 : vector<16xi32>
      %gather3A_301 = tpu.vector_load_idx %arg5[%add3A_300] : memref<3200xf32, #tpu.memory_space<vmem>>[vector<16xi32>], vector<16xf32>,
      %shift_right_logical3A_302 = arith.constant 0 : i32
      %shift_right_logical3A_303 = arith.constant 5 : i32
      %shift_right_logical3A_304 = arith.shrui %shift_right_logical3A_302, %shift_right_logical3A_303 : i32
      %shift_right_logical3A_305 = arith.constant 0 : i32
      %shift_right_logical3A_306 = arith.constant 3 : i32
      %shift_right_logical3A_307 = arith.shrui %shift_right_logical3A_305, %shift_right_logical3A_306 : i32
      %and3A_308 = arith.constant 3 : i32
      %and3A_309 = arith.andi %shift_right_logical3A_307, %and3A_308 : i32
      %swap3A_310 = arith.constant 0 : i32
      %swap3A_311 = arith.constant 0 : i32
      %swap3A_312 = arith.constant 5 : i32
      %swap3A_313 = arith.constant 0 : i32
      %swap3A_314 = arith.constant 0 : i32
      %swap3A_315 = arith.constant 0 : i32
      %swap3A_316 = arith.constant 0 : i32
      %swap3A_317 = arith.constant 0 : i32
      %swap3A_318 = tpu.memref_slice %arg7[%swap3A_310, %swap3A_313, %swap3A_314, %swap3A_315, %swap3A_316, %swap3A_317] : memref<2x2x4x4x8x128xf32, #tpu.memory_space<vmem>> -> memref<1x2x4x4x8x128xf32, #tpu.memory_space<vmem>>
      %swap3A_319 = tpu.memref_squeeze %swap3A_318 : memref<1x2x4x4x8x128xf32, #tpu.memory_space<vmem>> -> memref<2x4x4x8x128xf32, #tpu.memory_space<vmem>>
      %swap3A_320 = arith.index_cast %shift_right_logical3A_304 : i32 to index
      %swap3A_321 = arith.index_cast %swap3A_311 : i32 to index
      %swap3A_322 = arith.index_cast %and3A_309 : i32 to index
      %swap3A_323 = arith.index_cast %swap3A_312 : i32 to index
      %swap3A_324 = arith.constant 0 : index
      %swap3A_325 = tpu.vector_load %swap3A_319[%swap3A_320, %swap3A_321, %swap3A_322, %swap3A_323, %swap3A_324] {strides = array<i32>} : memref<2x4x4x8x128xf32, #tpu.memory_space<vmem>>, vector<16xf32>,
      tpu.vector_store %swap3A_319[%swap3A_320, %swap3A_321, %swap3A_322, %swap3A_323, %swap3A_324], %gather3A_120 {strides = array<i32>} : memref<2x4x4x8x128xf32, #tpu.memory_space<vmem>>, vector<16xf32>,
      %add3A_326 = arith.constant 2200 : i32
      %add3A_327 = vector.broadcast %add3A_326 : i32 to vector<16xi32>
      %add3A_328 = arith.addi %get3A_97, %add3A_327 : vector<16xi32>
      %gather3A_329 = tpu.vector_load_idx %arg5[%add3A_328] : memref<3200xf32, #tpu.memory_space<vmem>>[vector<16xi32>], vector<16xf32>,
      %shift_right_logical3A_330 = arith.constant 0 : i32
      %shift_right_logical3A_331 = arith.constant 5 : i32
      %shift_right_logical3A_332 = arith.shrui %shift_right_logical3A_330, %shift_right_logical3A_331 : i32
      %shift_right_logical3A_333 = arith.constant 0 : i32
      %shift_right_logical3A_334 = arith.constant 3 : i32
      %shift_right_logical3A_335 = arith.shrui %shift_right_logical3A_333, %shift_right_logical3A_334 : i32
      %and3A_336 = arith.constant 3 : i32
      %and3A_337 = arith.andi %shift_right_logical3A_335, %and3A_336 : i32
      %swap3A_338 = arith.constant 0 : i32
      %swap3A_339 = arith.constant 0 : i32
      %swap3A_340 = arith.constant 6 : i32
      %swap3A_341 = arith.constant 0 : i32
      %swap3A_342 = arith.constant 0 : i32
      %swap3A_343 = arith.constant 0 : i32
      %swap3A_344 = arith.constant 0 : i32
      %swap3A_345 = arith.constant 0 : i32
      %swap3A_346 = tpu.memref_slice %arg7[%swap3A_338, %swap3A_341, %swap3A_342, %swap3A_343, %swap3A_344, %swap3A_345] : memref<2x2x4x4x8x128xf32, #tpu.memory_space<vmem>> -> memref<1x2x4x4x8x128xf32, #tpu.memory_space<vmem>>
      %swap3A_347 = tpu.memref_squeeze %swap3A_346 : memref<1x2x4x4x8x128xf32, #tpu.memory_space<vmem>> -> memref<2x4x4x8x128xf32, #tpu.memory_space<vmem>>
      %swap3A_348 = arith.index_cast %shift_right_logical3A_332 : i32 to index
      %swap3A_349 = arith.index_cast %swap3A_339 : i32 to index
      %swap3A_350 = arith.index_cast %and3A_337 : i32 to index
      %swap3A_351 = arith.index_cast %swap3A_340 : i32 to index
      %swap3A_352 = arith.constant 0 : index
      %swap3A_353 = tpu.vector_load %swap3A_347[%swap3A_348, %swap3A_349, %swap3A_350, %swap3A_351, %swap3A_352] {strides = array<i32>} : memref<2x4x4x8x128xf32, #tpu.memory_space<vmem>>, vector<16xf32>,
      tpu.vector_store %swap3A_347[%swap3A_348, %swap3A_349, %swap3A_350, %swap3A_351, %swap3A_352], %gather3A_124 {strides = array<i32>} : memref<2x4x4x8x128xf32, #tpu.memory_space<vmem>>, vector<16xf32>,
      %add3A_354 = arith.constant 2300 : i32
      %add3A_355 = vector.broadcast %add3A_354 : i32 to vector<16xi32>
      %add3A_356 = arith.addi %get3A_97, %add3A_355 : vector<16xi32>
      %gather3A_357 = tpu.vector_load_idx %arg5[%add3A_356] : memref<3200xf32, #tpu.memory_space<vmem>>[vector<16xi32>], vector<16xf32>,
      %shift_right_logical3A_358 = arith.constant 0 : i32
      %shift_right_logical3A_359 = arith.constant 5 : i32
      %shift_right_logical3A_360 = arith.shrui %shift_right_logical3A_358, %shift_right_logical3A_359 : i32
      %shift_right_logical3A_361 = arith.constant 0 : i32
      %shift_right_logical3A_362 = arith.constant 3 : i32
      %shift_right_logical3A_363 = arith.shrui %shift_right_logical3A_361, %shift_right_logical3A_362 : i32
      %and3A_364 = arith.constant 3 : i32
      %and3A_365 = arith.andi %shift_right_logical3A_363, %and3A_364 : i32
      %swap3A_366 = arith.constant 0 : i32
      %swap3A_367 = arith.constant 0 : i32
      %swap3A_368 = arith.constant 7 : i32
      %swap3A_369 = arith.constant 0 : i32
      %swap3A_370 = arith.constant 0 : i32
      %swap3A_371 = arith.constant 0 : i32
      %swap3A_372 = arith.constant 0 : i32
      %swap3A_373 = arith.constant 0 : i32
      %swap3A_374 = tpu.memref_slice %arg7[%swap3A_366, %swap3A_369, %swap3A_370, %swap3A_371, %swap3A_372, %swap3A_373] : memref<2x2x4x4x8x128xf32, #tpu.memory_space<vmem>> -> memref<1x2x4x4x8x128xf32, #tpu.memory_space<vmem>>
      %swap3A_375 = tpu.memref_squeeze %swap3A_374 : memref<1x2x4x4x8x128xf32, #tpu.memory_space<vmem>> -> memref<2x4x4x8x128xf32, #tpu.memory_space<vmem>>
      %swap3A_376 = arith.index_cast %shift_right_logical3A_360 : i32 to index
      %swap3A_377 = arith.index_cast %swap3A_367 : i32 to index
      %swap3A_378 = arith.index_cast %and3A_365 : i32 to index
      %swap3A_379 = arith.index_cast %swap3A_368 : i32 to index
      %swap3A_380 = arith.constant 0 : index
      %swap3A_381 = tpu.vector_load %swap3A_375[%swap3A_376, %swap3A_377, %swap3A_378, %swap3A_379, %swap3A_380] {strides = array<i32>} : memref<2x4x4x8x128xf32, #tpu.memory_space<vmem>>, vector<16xf32>,
      tpu.vector_store %swap3A_375[%swap3A_376, %swap3A_377, %swap3A_378, %swap3A_379, %swap3A_380], %gather3A_128 {strides = array<i32>} : memref<2x4x4x8x128xf32, #tpu.memory_space<vmem>>, vector<16xf32>,
      %add3A_382 = arith.constant 2400 : i32
      %add3A_383 = vector.broadcast %add3A_382 : i32 to vector<16xi32>
      %add3A_384 = arith.addi %get3A_97, %add3A_383 : vector<16xi32>
      %gather3A_385 = tpu.vector_load_idx %arg5[%add3A_384] : memref<3200xf32, #tpu.memory_space<vmem>>[vector<16xi32>], vector<16xf32>,
      %shift_right_logical3A_386 = arith.constant 0 : i32
      %shift_right_logical3A_387 = arith.constant 5 : i32
      %shift_right_logical3A_388 = arith.shrui %shift_right_logical3A_386, %shift_right_logical3A_387 : i32
      %shift_right_logical3A_389 = arith.constant 0 : i32
      %shift_right_logical3A_390 = arith.constant 3 : i32
      %shift_right_logical3A_391 = arith.shrui %shift_right_logical3A_389, %shift_right_logical3A_390 : i32
      %and3A_392 = arith.constant 3 : i32
      %and3A_393 = arith.andi %shift_right_logical3A_391, %and3A_392 : i32
      %swap3A_394 = arith.constant 0 : i32
      %swap3A_395 = arith.constant 1 : i32
      %swap3A_396 = arith.constant 0 : i32
      %swap3A_397 = arith.constant 0 : i32
      %swap3A_398 = arith.constant 0 : i32
      %swap3A_399 = arith.constant 0 : i32
      %swap3A_400 = arith.constant 0 : i32
      %swap3A_401 = arith.constant 0 : i32
      %swap3A_402 = tpu.memref_slice %arg7[%swap3A_394, %swap3A_397, %swap3A_398, %swap3A_399, %swap3A_400, %swap3A_401] : memref<2x2x4x4x8x128xf32, #tpu.memory_space<vmem>> -> memref<1x2x4x4x8x128xf32, #tpu.memory_space<vmem>>
      %swap3A_403 = tpu.memref_squeeze %swap3A_402 : memref<1x2x4x4x8x128xf32, #tpu.memory_space<vmem>> -> memref<2x4x4x8x128xf32, #tpu.memory_space<vmem>>
      %swap3A_404 = arith.index_cast %shift_right_logical3A_388 : i32 to index
      %swap3A_405 = arith.index_cast %swap3A_395 : i32 to index
      %swap3A_406 = arith.index_cast %and3A_393 : i32 to index
      %swap3A_407 = arith.index_cast %swap3A_396 : i32 to index
      %swap3A_408 = arith.constant 0 : index
      %swap3A_409 = tpu.vector_load %swap3A_403[%swap3A_404, %swap3A_405, %swap3A_406, %swap3A_407, %swap3A_408] {strides = array<i32>} : memref<2x4x4x8x128xf32, #tpu.memory_space<vmem>>, vector<16xf32>,
      tpu.vector_store %swap3A_403[%swap3A_404, %swap3A_405, %swap3A_406, %swap3A_407, %swap3A_408], %gather3A_132 {strides = array<i32>} : memref<2x4x4x8x128xf32, #tpu.memory_space<vmem>>, vector<16xf32>,
      %add3A_410 = arith.constant 2500 : i32
      %add3A_411 = vector.broadcast %add3A_410 : i32 to vector<16xi32>
      %add3A_412 = arith.addi %get3A_97, %add3A_411 : vector<16xi32>
      %gather3A_413 = tpu.vector_load_idx %arg5[%add3A_412] : memref<3200xf32, #tpu.memory_space<vmem>>[vector<16xi32>], vector<16xf32>,
      %shift_right_logical3A_414 = arith.constant 0 : i32
      %shift_right_logical3A_415 = arith.constant 5 : i32
      %shift_right_logical3A_416 = arith.shrui %shift_right_logical3A_414, %shift_right_logical3A_415 : i32
      %shift_right_logical3A_417 = arith.constant 0 : i32
      %shift_right_logical3A_418 = arith.constant 3 : i32
      %shift_right_logical3A_419 = arith.shrui %shift_right_logical3A_417, %shift_right_logical3A_418 : i32
      %and3A_420 = arith.constant 3 : i32
      %and3A_421 = arith.andi %shift_right_logical3A_419, %and3A_420 : i32
      %swap3A_422 = arith.constant 0 : i32
      %swap3A_423 = arith.constant 1 : i32
      %swap3A_424 = arith.constant 1 : i32
      %swap3A_425 = arith.constant 0 : i32
      %swap3A_426 = arith.constant 0 : i32
      %swap3A_427 = arith.constant 0 : i32
      %swap3A_428 = arith.constant 0 : i32
      %swap3A_429 = arith.constant 0 : i32
      %swap3A_430 = tpu.memref_slice %arg7[%swap3A_422, %swap3A_425, %swap3A_426, %swap3A_427, %swap3A_428, %swap3A_429] : memref<2x2x4x4x8x128xf32, #tpu.memory_space<vmem>> -> memref<1x2x4x4x8x128xf32, #tpu.memory_space<vmem>>
      %swap3A_431 = tpu.memref_squeeze %swap3A_430 : memref<1x2x4x4x8x128xf32, #tpu.memory_space<vmem>> -> memref<2x4x4x8x128xf32, #tpu.memory_space<vmem>>
      %swap3A_432 = arith.index_cast %shift_right_logical3A_416 : i32 to index
      %swap3A_433 = arith.index_cast %swap3A_423 : i32 to index
      %swap3A_434 = arith.index_cast %and3A_421 : i32 to index
      %swap3A_435 = arith.index_cast %swap3A_424 : i32 to index
      %swap3A_436 = arith.constant 0 : index
      %swap3A_437 = tpu.vector_load %swap3A_431[%swap3A_432, %swap3A_433, %swap3A_434, %swap3A_435, %swap3A_436] {strides = array<i32>} : memref<2x4x4x8x128xf32, #tpu.memory_space<vmem>>, vector<16xf32>,
      tpu.vector_store %swap3A_431[%swap3A_432, %swap3A_433, %swap3A_434, %swap3A_435, %swap3A_436], %gather3A_136 {strides = array<i32>} : memref<2x4x4x8x128xf32, #tpu.memory_space<vmem>>, vector<16xf32>,
      %add3A_438 = arith.constant 2600 : i32
      %add3A_439 = vector.broadcast %add3A_438 : i32 to vector<16xi32>
      %add3A_440 = arith.addi %get3A_97, %add3A_439 : vector<16xi32>
      %gather3A_441 = tpu.vector_load_idx %arg5[%add3A_440] : memref<3200xf32, #tpu.memory_space<vmem>>[vector<16xi32>], vector<16xf32>,
      %shift_right_logical3A_442 = arith.constant 0 : i32
      %shift_right_logical3A_443 = arith.constant 5 : i32
      %shift_right_logical3A_444 = arith.shrui %shift_right_logical3A_442, %shift_right_logical3A_443 : i32
      %shift_right_logical3A_445 = arith.constant 0 : i32
      %shift_right_logical3A_446 = arith.constant 3 : i32
      %shift_right_logical3A_447 = arith.shrui %shift_right_logical3A_445, %shift_right_logical3A_446 : i32
      %and3A_448 = arith.constant 3 : i32
      %and3A_449 = arith.andi %shift_right_logical3A_447, %and3A_448 : i32
      %swap3A_450 = arith.constant 0 : i32
      %swap3A_451 = arith.constant 1 : i32
      %swap3A_452 = arith.constant 2 : i32
      %swap3A_453 = arith.constant 0 : i32
      %swap3A_454 = arith.constant 0 : i32
      %swap3A_455 = arith.constant 0 : i32
      %swap3A_456 = arith.constant 0 : i32
      %swap3A_457 = arith.constant 0 : i32
      %swap3A_458 = tpu.memref_slice %arg7[%swap3A_450, %swap3A_453, %swap3A_454, %swap3A_455, %swap3A_456, %swap3A_457] : memref<2x2x4x4x8x128xf32, #tpu.memory_space<vmem>> -> memref<1x2x4x4x8x128xf32, #tpu.memory_space<vmem>>
      %swap3A_459 = tpu.memref_squeeze %swap3A_458 : memref<1x2x4x4x8x128xf32, #tpu.memory_space<vmem>> -> memref<2x4x4x8x128xf32, #tpu.memory_space<vmem>>
      %swap3A_460 = arith.index_cast %shift_right_logical3A_444 : i32 to index
      %swap3A_461 = arith.index_cast %swap3A_451 : i32 to index
      %swap3A_462 = arith.index_cast %and3A_449 : i32 to index
      %swap3A_463 = arith.index_cast %swap3A_452 : i32 to index
      %swap3A_464 = arith.constant 0 : index
      %swap3A_465 = tpu.vector_load %swap3A_459[%swap3A_460, %swap3A_461, %swap3A_462, %swap3A_463, %swap3A_464] {strides = array<i32>} : memref<2x4x4x8x128xf32, #tpu.memory_space<vmem>>, vector<16xf32>,
      tpu.vector_store %swap3A_459[%swap3A_460, %swap3A_461, %swap3A_462, %swap3A_463, %swap3A_464], %gather3A_140 {strides = array<i32>} : memref<2x4x4x8x128xf32, #tpu.memory_space<vmem>>, vector<16xf32>,
      %add3A_466 = arith.constant 2700 : i32
      %add3A_467 = vector.broadcast %add3A_466 : i32 to vector<16xi32>
      %add3A_468 = arith.addi %get3A_97, %add3A_467 : vector<16xi32>
      %gather3A_469 = tpu.vector_load_idx %arg5[%add3A_468] : memref<3200xf32, #tpu.memory_space<vmem>>[vector<16xi32>], vector<16xf32>,
      %shift_right_logical3A_470 = arith.constant 0 : i32
      %shift_right_logical3A_471 = arith.constant 5 : i32
      %shift_right_logical3A_472 = arith.shrui %shift_right_logical3A_470, %shift_right_logical3A_471 : i32
      %shift_right_logical3A_473 = arith.constant 0 : i32
      %shift_right_logical3A_474 = arith.constant 3 : i32
      %shift_right_logical3A_475 = arith.shrui %shift_right_logical3A_473, %shift_right_logical3A_474 : i32
      %and3A_476 = arith.constant 3 : i32
      %and3A_477 = arith.andi %shift_right_logical3A_475, %and3A_476 : i32
      %swap3A_478 = arith.constant 0 : i32
      %swap3A_479 = arith.constant 1 : i32
      %swap3A_480 = arith.constant 3 : i32
      %swap3A_481 = arith.constant 0 : i32
      %swap3A_482 = arith.constant 0 : i32
      %swap3A_483 = arith.constant 0 : i32
      %swap3A_484 = arith.constant 0 : i32
      %swap3A_485 = arith.constant 0 : i32
      %swap3A_486 = tpu.memref_slice %arg7[%swap3A_478, %swap3A_481, %swap3A_482, %swap3A_483, %swap3A_484, %swap3A_485] : memref<2x2x4x4x8x128xf32, #tpu.memory_space<vmem>> -> memref<1x2x4x4x8x128xf32, #tpu.memory_space<vmem>>
      %swap3A_487 = tpu.memref_squeeze %swap3A_486 : memref<1x2x4x4x8x128xf32, #tpu.memory_space<vmem>> -> memref<2x4x4x8x128xf32, #tpu.memory_space<vmem>>
      %swap3A_488 = arith.index_cast %shift_right_logical3A_472 : i32 to index
      %swap3A_489 = arith.index_cast %swap3A_479 : i32 to index
      %swap3A_490 = arith.index_cast %and3A_477 : i32 to index
      %swap3A_491 = arith.index_cast %swap3A_480 : i32 to index
      %swap3A_492 = arith.constant 0 : index
      %swap3A_493 = tpu.vector_load %swap3A_487[%swap3A_488, %swap3A_489, %swap3A_490, %swap3A_491, %swap3A_492] {strides = array<i32>} : memref<2x4x4x8x128xf32, #tpu.memory_space<vmem>>, vector<16xf32>,
      tpu.vector_store %swap3A_487[%swap3A_488, %swap3A_489, %swap3A_490, %swap3A_491, %swap3A_492], %gather3A_144 {strides = array<i32>} : memref<2x4x4x8x128xf32, #tpu.memory_space<vmem>>, vector<16xf32>,
      %add3A_494 = arith.constant 2800 : i32
      %add3A_495 = vector.broadcast %add3A_494 : i32 to vector<16xi32>
      %add3A_496 = arith.addi %get3A_97, %add3A_495 : vector<16xi32>
      %gather3A_497 = tpu.vector_load_idx %arg5[%add3A_496] : memref<3200xf32, #tpu.memory_space<vmem>>[vector<16xi32>], vector<16xf32>,
      %shift_right_logical3A_498 = arith.constant 0 : i32
      %shift_right_logical3A_499 = arith.constant 5 : i32
      %shift_right_logical3A_500 = arith.shrui %shift_right_logical3A_498, %shift_right_logical3A_499 : i32
      %shift_right_logical3A_501 = arith.constant 0 : i32
      %shift_right_logical3A_502 = arith.constant 3 : i32
      %shift_right_logical3A_503 = arith.shrui %shift_right_logical3A_501, %shift_right_logical3A_502 : i32
      %and3A_504 = arith.constant 3 : i32
      %and3A_505 = arith.andi %shift_right_logical3A_503, %and3A_504 : i32
      %swap3A_506 = arith.constant 0 : i32
      %swap3A_507 = arith.constant 1 : i32
      %swap3A_508 = arith.constant 4 : i32
      %swap3A_509 = arith.constant 0 : i32
      %swap3A_510 = arith.constant 0 : i32
      %swap3A_511 = arith.constant 0 : i32
      %swap3A_512 = arith.constant 0 : i32
      %swap3A_513 = arith.constant 0 : i32
      %swap3A_514 = tpu.memref_slice %arg7[%swap3A_506, %swap3A_509, %swap3A_510, %swap3A_511, %swap3A_512, %swap3A_513] : memref<2x2x4x4x8x128xf32, #tpu.memory_space<vmem>> -> memref<1x2x4x4x8x128xf32, #tpu.memory_space<vmem>>
      %swap3A_515 = tpu.memref_squeeze %swap3A_514 : memref<1x2x4x4x8x128xf32, #tpu.memory_space<vmem>> -> memref<2x4x4x8x128xf32, #tpu.memory_space<vmem>>
      %swap3A_516 = arith.index_cast %shift_right_logical3A_500 : i32 to index
      %swap3A_517 = arith.index_cast %swap3A_507 : i32 to index
      %swap3A_518 = arith.index_cast %and3A_505 : i32 to index
      %swap3A_519 = arith.index_cast %swap3A_508 : i32 to index
      %swap3A_520 = arith.constant 0 : index
      %swap3A_521 = tpu.vector_load %swap3A_515[%swap3A_516, %swap3A_517, %swap3A_518, %swap3A_519, %swap3A_520] {strides = array<i32>} : memref<2x4x4x8x128xf32, #tpu.memory_space<vmem>>, vector<16xf32>,
      tpu.vector_store %swap3A_515[%swap3A_516, %swap3A_517, %swap3A_518, %swap3A_519, %swap3A_520], %gather3A_148 {strides = array<i32>} : memref<2x4x4x8x128xf32, #tpu.memory_space<vmem>>, vector<16xf32>,
      %add3A_522 = arith.constant 2900 : i32
      %add3A_523 = vector.broadcast %add3A_522 : i32 to vector<16xi32>
      %add3A_524 = arith.addi %get3A_97, %add3A_523 : vector<16xi32>
      %gather3A_525 = tpu.vector_load_idx %arg5[%add3A_524] : memref<3200xf32, #tpu.memory_space<vmem>>[vector<16xi32>], vector<16xf32>,
      %shift_right_logical3A_526 = arith.constant 0 : i32
      %shift_right_logical3A_527 = arith.constant 5 : i32
      %shift_right_logical3A_528 = arith.shrui %shift_right_logical3A_526, %shift_right_logical3A_527 : i32
      %shift_right_logical3A_529 = arith.constant 0 : i32
      %shift_right_logical3A_530 = arith.constant 3 : i32
      %shift_right_logical3A_531 = arith.shrui %shift_right_logical3A_529, %shift_right_logical3A_530 : i32
      %and3A_532 = arith.constant 3 : i32
      %and3A_533 = arith.andi %shift_right_logical3A_531, %and3A_532 : i32
      %swap3A_534 = arith.constant 0 : i32
      %swap3A_535 = arith.constant 1 : i32
      %swap3A_536 = arith.constant 5 : i32
      %swap3A_537 = arith.constant 0 : i32
      %swap3A_538 = arith.constant 0 : i32
      %swap3A_539 = arith.constant 0 : i32
      %swap3A_540 = arith.constant 0 : i32
      %swap3A_541 = arith.constant 0 : i32
      %swap3A_542 = tpu.memref_slice %arg7[%swap3A_534, %swap3A_537, %swap3A_538, %swap3A_539, %swap3A_540, %swap3A_541] : memref<2x2x4x4x8x128xf32, #tpu.memory_space<vmem>> -> memref<1x2x4x4x8x128xf32, #tpu.memory_space<vmem>>
      %swap3A_543 = tpu.memref_squeeze %swap3A_542 : memref<1x2x4x4x8x128xf32, #tpu.memory_space<vmem>> -> memref<2x4x4x8x128xf32, #tpu.memory_space<vmem>>
      %swap3A_544 = arith.index_cast %shift_right_logical3A_528 : i32 to index
      %swap3A_545 = arith.index_cast %swap3A_535 : i32 to index
      %swap3A_546 = arith.index_cast %and3A_533 : i32 to index
      %swap3A_547 = arith.index_cast %swap3A_536 : i32 to index
      %swap3A_548 = arith.constant 0 : index
      %swap3A_549 = tpu.vector_load %swap3A_543[%swap3A_544, %swap3A_545, %swap3A_546, %swap3A_547, %swap3A_548] {strides = array<i32>} : memref<2x4x4x8x128xf32, #tpu.memory_space<vmem>>, vector<16xf32>,
      tpu.vector_store %swap3A_543[%swap3A_544, %swap3A_545, %swap3A_546, %swap3A_547, %swap3A_548], %gather3A_152 {strides = array<i32>} : memref<2x4x4x8x128xf32, #tpu.memory_space<vmem>>, vector<16xf32>,
      %add3A_550 = arith.constant 3000 : i32
      %add3A_551 = vector.broadcast %add3A_550 : i32 to vector<16xi32>
      %add3A_552 = arith.addi %get3A_97, %add3A_551 : vector<16xi32>
      %gather3A_553 = tpu.vector_load_idx %arg5[%add3A_552] : memref<3200xf32, #tpu.memory_space<vmem>>[vector<16xi32>], vector<16xf32>,
      %shift_right_logical3A_554 = arith.constant 0 : i32
      %shift_right_logical3A_555 = arith.constant 5 : i32
      %shift_right_logical3A_556 = arith.shrui %shift_right_logical3A_554, %shift_right_logical3A_555 : i32
      %shift_right_logical3A_557 = arith.constant 0 : i32
      %shift_right_logical3A_558 = arith.constant 3 : i32
      %shift_right_logical3A_559 = arith.shrui %shift_right_logical3A_557, %shift_right_logical3A_558 : i32
      %and3A_560 = arith.constant 3 : i32
      %and3A_561 = arith.andi %shift_right_logical3A_559, %and3A_560 : i32
      %swap3A_562 = arith.constant 0 : i32
      %swap3A_563 = arith.constant 1 : i32
      %swap3A_564 = arith.constant 6 : i32
      %swap3A_565 = arith.constant 0 : i32
      %swap3A_566 = arith.constant 0 : i32
      %swap3A_567 = arith.constant 0 : i32
      %swap3A_568 = arith.constant 0 : i32
      %swap3A_569 = arith.constant 0 : i32
      %swap3A_570 = tpu.memref_slice %arg7[%swap3A_562, %swap3A_565, %swap3A_566, %swap3A_567, %swap3A_568, %swap3A_569] : memref<2x2x4x4x8x128xf32, #tpu.memory_space<vmem>> -> memref<1x2x4x4x8x128xf32, #tpu.memory_space<vmem>>
      %swap3A_571 = tpu.memref_squeeze %swap3A_570 : memref<1x2x4x4x8x128xf32, #tpu.memory_space<vmem>> -> memref<2x4x4x8x128xf32, #tpu.memory_space<vmem>>
      %swap3A_572 = arith.index_cast %shift_right_logical3A_556 : i32 to index
      %swap3A_573 = arith.index_cast %swap3A_563 : i32 to index
      %swap3A_574 = arith.index_cast %and3A_561 : i32 to index
      %swap3A_575 = arith.index_cast %swap3A_564 : i32 to index
      %swap3A_576 = arith.constant 0 : index
      %swap3A_577 = tpu.vector_load %swap3A_571[%swap3A_572, %swap3A_573, %swap3A_574, %swap3A_575, %swap3A_576] {strides = array<i32>} : memref<2x4x4x8x128xf32, #tpu.memory_space<vmem>>, vector<16xf32>,
      tpu.vector_store %swap3A_571[%swap3A_572, %swap3A_573, %swap3A_574, %swap3A_575, %swap3A_576], %gather3A_156 {strides = array<i32>} : memref<2x4x4x8x128xf32, #tpu.memory_space<vmem>>, vector<16xf32>,
      %add3A_578 = arith.constant 3100 : i32
      %add3A_579 = vector.broadcast %add3A_578 : i32 to vector<16xi32>
      %add3A_580 = arith.addi %get3A_97, %add3A_579 : vector<16xi32>
      %gather3A_581 = tpu.vector_load_idx %arg5[%add3A_580] : memref<3200xf32, #tpu.memory_space<vmem>>[vector<16xi32>], vector<16xf32>,
      %shift_right_logical3A_582 = arith.constant 0 : i32
      %shift_right_logical3A_583 = arith.constant 5 : i32
      %shift_right_logical3A_584 = arith.shrui %shift_right_logical3A_582, %shift_right_logical3A_583 : i32
      %shift_right_logical3A_585 = arith.constant 0 : i32
      %shift_right_logical3A_586 = arith.constant 3 : i32
      %shift_right_logical3A_587 = arith.shrui %shift_right_logical3A_585, %shift_right_logical3A_586 : i32
      %and3A_588 = arith.constant 3 : i32
      %and3A_589 = arith.andi %shift_right_logical3A_587, %and3A_588 : i32
      %swap3A_590 = arith.constant 0 : i32
      %swap3A_591 = arith.constant 1 : i32
      %swap3A_592 = arith.constant 7 : i32
      %swap3A_593 = arith.constant 0 : i32
      %swap3A_594 = arith.constant 0 : i32
      %swap3A_595 = arith.constant 0 : i32
      %swap3A_596 = arith.constant 0 : i32
      %swap3A_597 = arith.constant 0 : i32
      %swap3A_598 = tpu.memref_slice %arg7[%swap3A_590, %swap3A_593, %swap3A_594, %swap3A_595, %swap3A_596, %swap3A_597] : memref<2x2x4x4x8x128xf32, #tpu.memory_space<vmem>> -> memref<1x2x4x4x8x128xf32, #tpu.memory_space<vmem>>
      %swap3A_599 = tpu.memref_squeeze %swap3A_598 : memref<1x2x4x4x8x128xf32, #tpu.memory_space<vmem>> -> memref<2x4x4x8x128xf32, #tpu.memory_space<vmem>>
      %swap3A_600 = arith.index_cast %shift_right_logical3A_584 : i32 to index
      %swap3A_601 = arith.index_cast %swap3A_591 : i32 to index
      %swap3A_602 = arith.index_cast %and3A_589 : i32 to index
      %swap3A_603 = arith.index_cast %swap3A_592 : i32 to index
      %swap3A_604 = arith.constant 0 : index
      %swap3A_605 = tpu.vector_load %swap3A_599[%swap3A_600, %swap3A_601, %swap3A_602, %swap3A_603, %swap3A_604] {strides = array<i32>} : memref<2x4x4x8x128xf32, #tpu.memory_space<vmem>>, vector<16xf32>,
      tpu.vector_store %swap3A_599[%swap3A_600, %swap3A_601, %swap3A_602, %swap3A_603, %swap3A_604], %gather3A_160 {strides = array<i32>} : memref<2x4x4x8x128xf32, #tpu.memory_space<vmem>>, vector<16xf32>,
      %scan3A_606 = arith.constant 0 : i32
      %scan3A_607 = arith.constant 0 : i32
      %scan3A_608 = arith.constant 1 : i32
      %scan3A_609 = arith.constant 63 : i32
      %scan3A_610 = arith.addi %scan3A_608, %scan3A_609 : i32
      %scan3A_611 = arith.constant 1 : i32
      %scan3A_612:16 = scf.for %scan3A_1988 = %scan3A_608 to %scan3A_610 step %scan3A_611 iter_args(%scan3A_1989 = %gather3A_164, %scan3A_1990 = %gather3A_189, %scan3A_1991 = %gather3A_217, %scan3A_1992 = %gather3A_245, %scan3A_1993 = %gather3A_273, %scan3A_1994 = %gather3A_301, %scan3A_1995 = %gather3A_329, %scan3A_1996 = %gather3A_357, %scan3A_1997 = %gather3A_385, %scan3A_1998 = %gather3A_413, %scan3A_1999 = %gather3A_441, %scan3A_2000 = %gather3A_469, %scan3A_2001 = %gather3A_497, %scan3A_2002 = %gather3A_525, %scan3A_2003 = %gather3A_553, %scan3A_2004 = %gather3A_581) -> (vector<16xf32>, vector<16xf32>, vector<16xf32>, vector<16xf32>, vector<16xf32>, vector<16xf32>, vector<16xf32>, vector<16xf32>, vector<16xf32>, vector<16xf32>, vector<16xf32>, vector<16xf32>, vector<16xf32>, vector<16xf32>, vector<16xf32>, vector<16xf32>)  : i32 {
        %mul3A_2005 = arith.constant 16 : i32
        %mul3A_2006 = arith.muli %scan3A_1988, %mul3A_2005 : i32
        %get3A_2007 = arith.constant 0 : i32
        %get3A_2008 = tpu.memref_slice %arg6[%scan3A_606, %get3A_2007] : memref<2x1024xi32, #tpu.memory_space<vmem>> -> memref<1x1024xi32, #tpu.memory_space<vmem>>
        %get3A_2009 = tpu.memref_squeeze %get3A_2008 : memref<1x1024xi32, #tpu.memory_space<vmem>> -> memref<1024xi32, #tpu.memory_space<vmem>>
        %get3A_2010 = arith.index_cast %mul3A_2006 : i32 to index
        %get3A_2011 = tpu.vector_load %get3A_2009[%get3A_2010] {strides = array<i32>} : memref<1024xi32, #tpu.memory_space<vmem>>, vector<16xi32>,
        %add3A_2012 = arith.constant 0 : i32
        %add3A_2013 = vector.broadcast %add3A_2012 : i32 to vector<16xi32>
        %add3A_2014 = arith.addi %get3A_2011, %add3A_2013 : vector<16xi32>
        %gather3A_2015 = tpu.vector_load_idx %arg5[%add3A_2014] : memref<3200xf32, #tpu.memory_space<vmem>>[vector<16xi32>], vector<16xf32>,
        %sub3A = arith.constant 1 : i32
        %sub3A_2016 = arith.subi %scan3A_1988, %sub3A : i32
        %shift_right_logical3A_2017 = arith.constant 5 : i32
        %shift_right_logical3A_2018 = arith.shrui %sub3A_2016, %shift_right_logical3A_2017 : i32
        %shift_right_logical3A_2019 = arith.constant 3 : i32
        %shift_right_logical3A_2020 = arith.shrui %sub3A_2016, %shift_right_logical3A_2019 : i32
        %and3A_2021 = arith.constant 3 : i32
        %and3A_2022 = arith.andi %shift_right_logical3A_2020, %and3A_2021 : i32
        %and3A_2023 = arith.constant 7 : i32
        %and3A_2024 = arith.andi %sub3A_2016, %and3A_2023 : i32
        %mul3A_2025 = arith.constant 16 : i32
        %mul3A_2026 = arith.muli %and3A_2024, %mul3A_2025 : i32
        %swap3A_2027 = arith.constant 2 : i32
        %swap3A_2028 = arith.constant 0 : i32
        %swap3A_2029 = arith.constant 0 : i32
        %swap3A_2030 = arith.constant 0 : i32
        %swap3A_2031 = arith.constant 0 : i32
        %swap3A_2032 = arith.constant 0 : i32
        %swap3A_2033 = arith.constant 0 : i32
        %swap3A_2034 = tpu.memref_slice %arg7[%scan3A_607, %swap3A_2029, %swap3A_2030, %swap3A_2031, %swap3A_2032, %swap3A_2033] : memref<2x2x4x4x8x128xf32, #tpu.memory_space<vmem>> -> memref<1x2x4x4x8x128xf32, #tpu.memory_space<vmem>>
        %swap3A_2035 = tpu.memref_squeeze %swap3A_2034 : memref<1x2x4x4x8x128xf32, #tpu.memory_space<vmem>> -> memref<2x4x4x8x128xf32, #tpu.memory_space<vmem>>
        %swap3A_2036 = arith.index_cast %shift_right_logical3A_2018 : i32 to index
        %swap3A_2037 = arith.index_cast %swap3A_2027 : i32 to index
        %swap3A_2038 = arith.index_cast %and3A_2022 : i32 to index
        %swap3A_2039 = arith.index_cast %swap3A_2028 : i32 to index
        %swap3A_2040 = arith.index_cast %mul3A_2026 : i32 to index
        %swap3A_2041 = tpu.vector_load %swap3A_2035[%swap3A_2036, %swap3A_2037, %swap3A_2038, %swap3A_2039, %swap3A_2040] {strides = array<i32>} : memref<2x4x4x8x128xf32, #tpu.memory_space<vmem>>, vector<16xf32>,
        tpu.vector_store %swap3A_2035[%swap3A_2036, %swap3A_2037, %swap3A_2038, %swap3A_2039, %swap3A_2040], %scan3A_1989 {strides = array<i32>} : memref<2x4x4x8x128xf32, #tpu.memory_space<vmem>>, vector<16xf32>,
        %add3A_2042 = arith.constant 100 : i32
        %add3A_2043 = vector.broadcast %add3A_2042 : i32 to vector<16xi32>
        %add3A_2044 = arith.addi %get3A_2011, %add3A_2043 : vector<16xi32>
        %gather3A_2045 = tpu.vector_load_idx %arg5[%add3A_2044] : memref<3200xf32, #tpu.memory_space<vmem>>[vector<16xi32>], vector<16xf32>,
        %sub3A_2046 = arith.constant 1 : i32
        %sub3A_2047 = arith.subi %scan3A_1988, %sub3A_2046 : i32
        %shift_right_logical3A_2048 = arith.constant 5 : i32
        %shift_right_logical3A_2049 = arith.shrui %sub3A_2047, %shift_right_logical3A_2048 : i32
        %shift_right_logical3A_2050 = arith.constant 3 : i32
        %shift_right_logical3A_2051 = arith.shrui %sub3A_2047, %shift_right_logical3A_2050 : i32
        %and3A_2052 = arith.constant 3 : i32
        %and3A_2053 = arith.andi %shift_right_logical3A_2051, %and3A_2052 : i32
        %and3A_2054 = arith.constant 7 : i32
        %and3A_2055 = arith.andi %sub3A_2047, %and3A_2054 : i32
        %mul3A_2056 = arith.constant 16 : i32
        %mul3A_2057 = arith.muli %and3A_2055, %mul3A_2056 : i32
        %swap3A_2058 = arith.constant 2 : i32
        %swap3A_2059 = arith.constant 1 : i32
        %swap3A_2060 = arith.constant 0 : i32
        %swap3A_2061 = arith.constant 0 : i32
        %swap3A_2062 = arith.constant 0 : i32
        %swap3A_2063 = arith.constant 0 : i32
        %swap3A_2064 = arith.constant 0 : i32
        %swap3A_2065 = tpu.memref_slice %arg7[%scan3A_607, %swap3A_2060, %swap3A_2061, %swap3A_2062, %swap3A_2063, %swap3A_2064] : memref<2x2x4x4x8x128xf32, #tpu.memory_space<vmem>> -> memref<1x2x4x4x8x128xf32, #tpu.memory_space<vmem>>
        %swap3A_2066 = tpu.memref_squeeze %swap3A_2065 : memref<1x2x4x4x8x128xf32, #tpu.memory_space<vmem>> -> memref<2x4x4x8x128xf32, #tpu.memory_space<vmem>>
        %swap3A_2067 = arith.index_cast %shift_right_logical3A_2049 : i32 to index
        %swap3A_2068 = arith.index_cast %swap3A_2058 : i32 to index
        %swap3A_2069 = arith.index_cast %and3A_2053 : i32 to index
        %swap3A_2070 = arith.index_cast %swap3A_2059 : i32 to index
        %swap3A_2071 = arith.index_cast %mul3A_2057 : i32 to index
        %swap3A_2072 = tpu.vector_load %swap3A_2066[%swap3A_2067, %swap3A_2068, %swap3A_2069, %swap3A_2070, %swap3A_2071] {strides = array<i32>} : memref<2x4x4x8x128xf32, #tpu.memory_space<vmem>>, vector<16xf32>,
        tpu.vector_store %swap3A_2066[%swap3A_2067, %swap3A_2068, %swap3A_2069, %swap3A_2070, %swap3A_2071], %scan3A_1990 {strides = array<i32>} : memref<2x4x4x8x128xf32, #tpu.memory_space<vmem>>, vector<16xf32>,
        %add3A_2073 = arith.constant 200 : i32
        %add3A_2074 = vector.broadcast %add3A_2073 : i32 to vector<16xi32>
        %add3A_2075 = arith.addi %get3A_2011, %add3A_2074 : vector<16xi32>
        %gather3A_2076 = tpu.vector_load_idx %arg5[%add3A_2075] : memref<3200xf32, #tpu.memory_space<vmem>>[vector<16xi32>], vector<16xf32>,
        %sub3A_2077 = arith.constant 1 : i32
        %sub3A_2078 = arith.subi %scan3A_1988, %sub3A_2077 : i32
        %shift_right_logical3A_2079 = arith.constant 5 : i32
        %shift_right_logical3A_2080 = arith.shrui %sub3A_2078, %shift_right_logical3A_2079 : i32
        %shift_right_logical3A_2081 = arith.constant 3 : i32
        %shift_right_logical3A_2082 = arith.shrui %sub3A_2078, %shift_right_logical3A_2081 : i32
        %and3A_2083 = arith.constant 3 : i32
        %and3A_2084 = arith.andi %shift_right_logical3A_2082, %and3A_2083 : i32
        %and3A_2085 = arith.constant 7 : i32
        %and3A_2086 = arith.andi %sub3A_2078, %and3A_2085 : i32
        %mul3A_2087 = arith.constant 16 : i32
        %mul3A_2088 = arith.muli %and3A_2086, %mul3A_2087 : i32
        %swap3A_2089 = arith.constant 2 : i32
        %swap3A_2090 = arith.constant 2 : i32
        %swap3A_2091 = arith.constant 0 : i32
        %swap3A_2092 = arith.constant 0 : i32
        %swap3A_2093 = arith.constant 0 : i32
        %swap3A_2094 = arith.constant 0 : i32
        %swap3A_2095 = arith.constant 0 : i32
        %swap3A_2096 = tpu.memref_slice %arg7[%scan3A_607, %swap3A_2091, %swap3A_2092, %swap3A_2093, %swap3A_2094, %swap3A_2095] : memref<2x2x4x4x8x128xf32, #tpu.memory_space<vmem>> -> memref<1x2x4x4x8x128xf32, #tpu.memory_space<vmem>>
        %swap3A_2097 = tpu.memref_squeeze %swap3A_2096 : memref<1x2x4x4x8x128xf32, #tpu.memory_space<vmem>> -> memref<2x4x4x8x128xf32, #tpu.memory_space<vmem>>
        %swap3A_2098 = arith.index_cast %shift_right_logical3A_2080 : i32 to index
        %swap3A_2099 = arith.index_cast %swap3A_2089 : i32 to index
        %swap3A_2100 = arith.index_cast %and3A_2084 : i32 to index
        %swap3A_2101 = arith.index_cast %swap3A_2090 : i32 to index
        %swap3A_2102 = arith.index_cast %mul3A_2088 : i32 to index
        %swap3A_2103 = tpu.vector_load %swap3A_2097[%swap3A_2098, %swap3A_2099, %swap3A_2100, %swap3A_2101, %swap3A_2102] {strides = array<i32>} : memref<2x4x4x8x128xf32, #tpu.memory_space<vmem>>, vector<16xf32>,
        tpu.vector_store %swap3A_2097[%swap3A_2098, %swap3A_2099, %swap3A_2100, %swap3A_2101, %swap3A_2102], %scan3A_1991 {strides = array<i32>} : memref<2x4x4x8x128xf32, #tpu.memory_space<vmem>>, vector<16xf32>,
        %add3A_2104 = arith.constant 300 : i32
        %add3A_2105 = vector.broadcast %add3A_2104 : i32 to vector<16xi32>
        %add3A_2106 = arith.addi %get3A_2011, %add3A_2105 : vector<16xi32>
        %gather3A_2107 = tpu.vector_load_idx %arg5[%add3A_2106] : memref<3200xf32, #tpu.memory_space<vmem>>[vector<16xi32>], vector<16xf32>,
        %sub3A_2108 = arith.constant 1 : i32
        %sub3A_2109 = arith.subi %scan3A_1988, %sub3A_2108 : i32
        %shift_right_logical3A_2110 = arith.constant 5 : i32
        %shift_right_logical3A_2111 = arith.shrui %sub3A_2109, %shift_right_logical3A_2110 : i32
        %shift_right_logical3A_2112 = arith.constant 3 : i32
        %shift_right_logical3A_2113 = arith.shrui %sub3A_2109, %shift_right_logical3A_2112 : i32
        %and3A_2114 = arith.constant 3 : i32
        %and3A_2115 = arith.andi %shift_right_logical3A_2113, %and3A_2114 : i32
        %and3A_2116 = arith.constant 7 : i32
        %and3A_2117 = arith.andi %sub3A_2109, %and3A_2116 : i32
        %mul3A_2118 = arith.constant 16 : i32
        %mul3A_2119 = arith.muli %and3A_2117, %mul3A_2118 : i32
        %swap3A_2120 = arith.constant 2 : i32
        %swap3A_2121 = arith.constant 3 : i32
        %swap3A_2122 = arith.constant 0 : i32
        %swap3A_2123 = arith.constant 0 : i32
        %swap3A_2124 = arith.constant 0 : i32
        %swap3A_2125 = arith.constant 0 : i32
        %swap3A_2126 = arith.constant 0 : i32
        %swap3A_2127 = tpu.memref_slice %arg7[%scan3A_607, %swap3A_2122, %swap3A_2123, %swap3A_2124, %swap3A_2125, %swap3A_2126] : memref<2x2x4x4x8x128xf32, #tpu.memory_space<vmem>> -> memref<1x2x4x4x8x128xf32, #tpu.memory_space<vmem>>
        %swap3A_2128 = tpu.memref_squeeze %swap3A_2127 : memref<1x2x4x4x8x128xf32, #tpu.memory_space<vmem>> -> memref<2x4x4x8x128xf32, #tpu.memory_space<vmem>>
        %swap3A_2129 = arith.index_cast %shift_right_logical3A_2111 : i32 to index
        %swap3A_2130 = arith.index_cast %swap3A_2120 : i32 to index
        %swap3A_2131 = arith.index_cast %and3A_2115 : i32 to index
        %swap3A_2132 = arith.index_cast %swap3A_2121 : i32 to index
        %swap3A_2133 = arith.index_cast %mul3A_2119 : i32 to index
        %swap3A_2134 = tpu.vector_load %swap3A_2128[%swap3A_2129, %swap3A_2130, %swap3A_2131, %swap3A_2132, %swap3A_2133] {strides = array<i32>} : memref<2x4x4x8x128xf32, #tpu.memory_space<vmem>>, vector<16xf32>,
        tpu.vector_store %swap3A_2128[%swap3A_2129, %swap3A_2130, %swap3A_2131, %swap3A_2132, %swap3A_2133], %scan3A_1992 {strides = array<i32>} : memref<2x4x4x8x128xf32, #tpu.memory_space<vmem>>, vector<16xf32>,
        %add3A_2135 = arith.constant 400 : i32
        %add3A_2136 = vector.broadcast %add3A_2135 : i32 to vector<16xi32>
        %add3A_2137 = arith.addi %get3A_2011, %add3A_2136 : vector<16xi32>
        %gather3A_2138 = tpu.vector_load_idx %arg5[%add3A_2137] : memref<3200xf32, #tpu.memory_space<vmem>>[vector<16xi32>], vector<16xf32>,
        %sub3A_2139 = arith.constant 1 : i32
        %sub3A_2140 = arith.subi %scan3A_1988, %sub3A_2139 : i32
        %shift_right_logical3A_2141 = arith.constant 5 : i32
        %shift_right_logical3A_2142 = arith.shrui %sub3A_2140, %shift_right_logical3A_2141 : i32
        %shift_right_logical3A_2143 = arith.constant 3 : i32
        %shift_right_logical3A_2144 = arith.shrui %sub3A_2140, %shift_right_logical3A_2143 : i32
        %and3A_2145 = arith.constant 3 : i32
        %and3A_2146 = arith.andi %shift_right_logical3A_2144, %and3A_2145 : i32
        %and3A_2147 = arith.constant 7 : i32
        %and3A_2148 = arith.andi %sub3A_2140, %and3A_2147 : i32
        %mul3A_2149 = arith.constant 16 : i32
        %mul3A_2150 = arith.muli %and3A_2148, %mul3A_2149 : i32
        %swap3A_2151 = arith.constant 2 : i32
        %swap3A_2152 = arith.constant 4 : i32
        %swap3A_2153 = arith.constant 0 : i32
        %swap3A_2154 = arith.constant 0 : i32
        %swap3A_2155 = arith.constant 0 : i32
        %swap3A_2156 = arith.constant 0 : i32
        %swap3A_2157 = arith.constant 0 : i32
        %swap3A_2158 = tpu.memref_slice %arg7[%scan3A_607, %swap3A_2153, %swap3A_2154, %swap3A_2155, %swap3A_2156, %swap3A_2157] : memref<2x2x4x4x8x128xf32, #tpu.memory_space<vmem>> -> memref<1x2x4x4x8x128xf32, #tpu.memory_space<vmem>>
        %swap3A_2159 = tpu.memref_squeeze %swap3A_2158 : memref<1x2x4x4x8x128xf32, #tpu.memory_space<vmem>> -> memref<2x4x4x8x128xf32, #tpu.memory_space<vmem>>
        %swap3A_2160 = arith.index_cast %shift_right_logical3A_2142 : i32 to index
        %swap3A_2161 = arith.index_cast %swap3A_2151 : i32 to index
        %swap3A_2162 = arith.index_cast %and3A_2146 : i32 to index
        %swap3A_2163 = arith.index_cast %swap3A_2152 : i32 to index
        %swap3A_2164 = arith.index_cast %mul3A_2150 : i32 to index
        %swap3A_2165 = tpu.vector_load %swap3A_2159[%swap3A_2160, %swap3A_2161, %swap3A_2162, %swap3A_2163, %swap3A_2164] {strides = array<i32>} : memref<2x4x4x8x128xf32, #tpu.memory_space<vmem>>, vector<16xf32>,
        tpu.vector_store %swap3A_2159[%swap3A_2160, %swap3A_2161, %swap3A_2162, %swap3A_2163, %swap3A_2164], %scan3A_1993 {strides = array<i32>} : memref<2x4x4x8x128xf32, #tpu.memory_space<vmem>>, vector<16xf32>,
        %add3A_2166 = arith.constant 500 : i32
        %add3A_2167 = vector.broadcast %add3A_2166 : i32 to vector<16xi32>
        %add3A_2168 = arith.addi %get3A_2011, %add3A_2167 : vector<16xi32>
        %gather3A_2169 = tpu.vector_load_idx %arg5[%add3A_2168] : memref<3200xf32, #tpu.memory_space<vmem>>[vector<16xi32>], vector<16xf32>,
        %sub3A_2170 = arith.constant 1 : i32
        %sub3A_2171 = arith.subi %scan3A_1988, %sub3A_2170 : i32
        %shift_right_logical3A_2172 = arith.constant 5 : i32
        %shift_right_logical3A_2173 = arith.shrui %sub3A_2171, %shift_right_logical3A_2172 : i32
        %shift_right_logical3A_2174 = arith.constant 3 : i32
        %shift_right_logical3A_2175 = arith.shrui %sub3A_2171, %shift_right_logical3A_2174 : i32
        %and3A_2176 = arith.constant 3 : i32
        %and3A_2177 = arith.andi %shift_right_logical3A_2175, %and3A_2176 : i32
        %and3A_2178 = arith.constant 7 : i32
        %and3A_2179 = arith.andi %sub3A_2171, %and3A_2178 : i32
        %mul3A_2180 = arith.constant 16 : i32
        %mul3A_2181 = arith.muli %and3A_2179, %mul3A_2180 : i32
        %swap3A_2182 = arith.constant 2 : i32
        %swap3A_2183 = arith.constant 5 : i32
        %swap3A_2184 = arith.constant 0 : i32
        %swap3A_2185 = arith.constant 0 : i32
        %swap3A_2186 = arith.constant 0 : i32
        %swap3A_2187 = arith.constant 0 : i32
        %swap3A_2188 = arith.constant 0 : i32
        %swap3A_2189 = tpu.memref_slice %arg7[%scan3A_607, %swap3A_2184, %swap3A_2185, %swap3A_2186, %swap3A_2187, %swap3A_2188] : memref<2x2x4x4x8x128xf32, #tpu.memory_space<vmem>> -> memref<1x2x4x4x8x128xf32, #tpu.memory_space<vmem>>
        %swap3A_2190 = tpu.memref_squeeze %swap3A_2189 : memref<1x2x4x4x8x128xf32, #tpu.memory_space<vmem>> -> memref<2x4x4x8x128xf32, #tpu.memory_space<vmem>>
        %swap3A_2191 = arith.index_cast %shift_right_logical3A_2173 : i32 to index
        %swap3A_2192 = arith.index_cast %swap3A_2182 : i32 to index
        %swap3A_2193 = arith.index_cast %and3A_2177 : i32 to index
        %swap3A_2194 = arith.index_cast %swap3A_2183 : i32 to index
        %swap3A_2195 = arith.index_cast %mul3A_2181 : i32 to index
        %swap3A_2196 = tpu.vector_load %swap3A_2190[%swap3A_2191, %swap3A_2192, %swap3A_2193, %swap3A_2194, %swap3A_2195] {strides = array<i32>} : memref<2x4x4x8x128xf32, #tpu.memory_space<vmem>>, vector<16xf32>,
        tpu.vector_store %swap3A_2190[%swap3A_2191, %swap3A_2192, %swap3A_2193, %swap3A_2194, %swap3A_2195], %scan3A_1994 {strides = array<i32>} : memref<2x4x4x8x128xf32, #tpu.memory_space<vmem>>, vector<16xf32>,
        %add3A_2197 = arith.constant 600 : i32
        %add3A_2198 = vector.broadcast %add3A_2197 : i32 to vector<16xi32>
        %add3A_2199 = arith.addi %get3A_2011, %add3A_2198 : vector<16xi32>
        %gather3A_2200 = tpu.vector_load_idx %arg5[%add3A_2199] : memref<3200xf32, #tpu.memory_space<vmem>>[vector<16xi32>], vector<16xf32>,
        %sub3A_2201 = arith.constant 1 : i32
        %sub3A_2202 = arith.subi %scan3A_1988, %sub3A_2201 : i32
        %shift_right_logical3A_2203 = arith.constant 5 : i32
        %shift_right_logical3A_2204 = arith.shrui %sub3A_2202, %shift_right_logical3A_2203 : i32
        %shift_right_logical3A_2205 = arith.constant 3 : i32
        %shift_right_logical3A_2206 = arith.shrui %sub3A_2202, %shift_right_logical3A_2205 : i32
        %and3A_2207 = arith.constant 3 : i32
        %and3A_2208 = arith.andi %shift_right_logical3A_2206, %and3A_2207 : i32
        %and3A_2209 = arith.constant 7 : i32
        %and3A_2210 = arith.andi %sub3A_2202, %and3A_2209 : i32
        %mul3A_2211 = arith.constant 16 : i32
        %mul3A_2212 = arith.muli %and3A_2210, %mul3A_2211 : i32
        %swap3A_2213 = arith.constant 2 : i32
        %swap3A_2214 = arith.constant 6 : i32
        %swap3A_2215 = arith.constant 0 : i32
        %swap3A_2216 = arith.constant 0 : i32
        %swap3A_2217 = arith.constant 0 : i32
        %swap3A_2218 = arith.constant 0 : i32
        %swap3A_2219 = arith.constant 0 : i32
        %swap3A_2220 = tpu.memref_slice %arg7[%scan3A_607, %swap3A_2215, %swap3A_2216, %swap3A_2217, %swap3A_2218, %swap3A_2219] : memref<2x2x4x4x8x128xf32, #tpu.memory_space<vmem>> -> memref<1x2x4x4x8x128xf32, #tpu.memory_space<vmem>>
        %swap3A_2221 = tpu.memref_squeeze %swap3A_2220 : memref<1x2x4x4x8x128xf32, #tpu.memory_space<vmem>> -> memref<2x4x4x8x128xf32, #tpu.memory_space<vmem>>
        %swap3A_2222 = arith.index_cast %shift_right_logical3A_2204 : i32 to index
        %swap3A_2223 = arith.index_cast %swap3A_2213 : i32 to index
        %swap3A_2224 = arith.index_cast %and3A_2208 : i32 to index
        %swap3A_2225 = arith.index_cast %swap3A_2214 : i32 to index
        %swap3A_2226 = arith.index_cast %mul3A_2212 : i32 to index
        %swap3A_2227 = tpu.vector_load %swap3A_2221[%swap3A_2222, %swap3A_2223, %swap3A_2224, %swap3A_2225, %swap3A_2226] {strides = array<i32>} : memref<2x4x4x8x128xf32, #tpu.memory_space<vmem>>, vector<16xf32>,
        tpu.vector_store %swap3A_2221[%swap3A_2222, %swap3A_2223, %swap3A_2224, %swap3A_2225, %swap3A_2226], %scan3A_1995 {strides = array<i32>} : memref<2x4x4x8x128xf32, #tpu.memory_space<vmem>>, vector<16xf32>,
        %add3A_2228 = arith.constant 700 : i32
        %add3A_2229 = vector.broadcast %add3A_2228 : i32 to vector<16xi32>
        %add3A_2230 = arith.addi %get3A_2011, %add3A_2229 : vector<16xi32>
        %gather3A_2231 = tpu.vector_load_idx %arg5[%add3A_2230] : memref<3200xf32, #tpu.memory_space<vmem>>[vector<16xi32>], vector<16xf32>,
        %sub3A_2232 = arith.constant 1 : i32
        %sub3A_2233 = arith.subi %scan3A_1988, %sub3A_2232 : i32
        %shift_right_logical3A_2234 = arith.constant 5 : i32
        %shift_right_logical3A_2235 = arith.shrui %sub3A_2233, %shift_right_logical3A_2234 : i32
        %shift_right_logical3A_2236 = arith.constant 3 : i32
        %shift_right_logical3A_2237 = arith.shrui %sub3A_2233, %shift_right_logical3A_2236 : i32
        %and3A_2238 = arith.constant 3 : i32
        %and3A_2239 = arith.andi %shift_right_logical3A_2237, %and3A_2238 : i32
        %and3A_2240 = arith.constant 7 : i32
        %and3A_2241 = arith.andi %sub3A_2233, %and3A_2240 : i32
        %mul3A_2242 = arith.constant 16 : i32
        %mul3A_2243 = arith.muli %and3A_2241, %mul3A_2242 : i32
        %swap3A_2244 = arith.constant 2 : i32
        %swap3A_2245 = arith.constant 7 : i32
        %swap3A_2246 = arith.constant 0 : i32
        %swap3A_2247 = arith.constant 0 : i32
        %swap3A_2248 = arith.constant 0 : i32
        %swap3A_2249 = arith.constant 0 : i32
        %swap3A_2250 = arith.constant 0 : i32
        %swap3A_2251 = tpu.memref_slice %arg7[%scan3A_607, %swap3A_2246, %swap3A_2247, %swap3A_2248, %swap3A_2249, %swap3A_2250] : memref<2x2x4x4x8x128xf32, #tpu.memory_space<vmem>> -> memref<1x2x4x4x8x128xf32, #tpu.memory_space<vmem>>
        %swap3A_2252 = tpu.memref_squeeze %swap3A_2251 : memref<1x2x4x4x8x128xf32, #tpu.memory_space<vmem>> -> memref<2x4x4x8x128xf32, #tpu.memory_space<vmem>>
        %swap3A_2253 = arith.index_cast %shift_right_logical3A_2235 : i32 to index
        %swap3A_2254 = arith.index_cast %swap3A_2244 : i32 to index
        %swap3A_2255 = arith.index_cast %and3A_2239 : i32 to index
        %swap3A_2256 = arith.index_cast %swap3A_2245 : i32 to index
        %swap3A_2257 = arith.index_cast %mul3A_2243 : i32 to index
        %swap3A_2258 = tpu.vector_load %swap3A_2252[%swap3A_2253, %swap3A_2254, %swap3A_2255, %swap3A_2256, %swap3A_2257] {strides = array<i32>} : memref<2x4x4x8x128xf32, #tpu.memory_space<vmem>>, vector<16xf32>,
        tpu.vector_store %swap3A_2252[%swap3A_2253, %swap3A_2254, %swap3A_2255, %swap3A_2256, %swap3A_2257], %scan3A_1996 {strides = array<i32>} : memref<2x4x4x8x128xf32, #tpu.memory_space<vmem>>, vector<16xf32>,
        %add3A_2259 = arith.constant 800 : i32
        %add3A_2260 = vector.broadcast %add3A_2259 : i32 to vector<16xi32>
        %add3A_2261 = arith.addi %get3A_2011, %add3A_2260 : vector<16xi32>
        %gather3A_2262 = tpu.vector_load_idx %arg5[%add3A_2261] : memref<3200xf32, #tpu.memory_space<vmem>>[vector<16xi32>], vector<16xf32>,
        %sub3A_2263 = arith.constant 1 : i32
        %sub3A_2264 = arith.subi %scan3A_1988, %sub3A_2263 : i32
        %shift_right_logical3A_2265 = arith.constant 5 : i32
        %shift_right_logical3A_2266 = arith.shrui %sub3A_2264, %shift_right_logical3A_2265 : i32
        %shift_right_logical3A_2267 = arith.constant 3 : i32
        %shift_right_logical3A_2268 = arith.shrui %sub3A_2264, %shift_right_logical3A_2267 : i32
        %and3A_2269 = arith.constant 3 : i32
        %and3A_2270 = arith.andi %shift_right_logical3A_2268, %and3A_2269 : i32
        %and3A_2271 = arith.constant 7 : i32
        %and3A_2272 = arith.andi %sub3A_2264, %and3A_2271 : i32
        %mul3A_2273 = arith.constant 16 : i32
        %mul3A_2274 = arith.muli %and3A_2272, %mul3A_2273 : i32
        %swap3A_2275 = arith.constant 3 : i32
        %swap3A_2276 = arith.constant 0 : i32
        %swap3A_2277 = arith.constant 0 : i32
        %swap3A_2278 = arith.constant 0 : i32
        %swap3A_2279 = arith.constant 0 : i32
        %swap3A_2280 = arith.constant 0 : i32
        %swap3A_2281 = arith.constant 0 : i32
        %swap3A_2282 = tpu.memref_slice %arg7[%scan3A_607, %swap3A_2277, %swap3A_2278, %swap3A_2279, %swap3A_2280, %swap3A_2281] : memref<2x2x4x4x8x128xf32, #tpu.memory_space<vmem>> -> memref<1x2x4x4x8x128xf32, #tpu.memory_space<vmem>>
        %swap3A_2283 = tpu.memref_squeeze %swap3A_2282 : memref<1x2x4x4x8x128xf32, #tpu.memory_space<vmem>> -> memref<2x4x4x8x128xf32, #tpu.memory_space<vmem>>
        %swap3A_2284 = arith.index_cast %shift_right_logical3A_2266 : i32 to index
        %swap3A_2285 = arith.index_cast %swap3A_2275 : i32 to index
        %swap3A_2286 = arith.index_cast %and3A_2270 : i32 to index
        %swap3A_2287 = arith.index_cast %swap3A_2276 : i32 to index
        %swap3A_2288 = arith.index_cast %mul3A_2274 : i32 to index
        %swap3A_2289 = tpu.vector_load %swap3A_2283[%swap3A_2284, %swap3A_2285, %swap3A_2286, %swap3A_2287, %swap3A_2288] {strides = array<i32>} : memref<2x4x4x8x128xf32, #tpu.memory_space<vmem>>, vector<16xf32>,
        tpu.vector_store %swap3A_2283[%swap3A_2284, %swap3A_2285, %swap3A_2286, %swap3A_2287, %swap3A_2288], %scan3A_1997 {strides = array<i32>} : memref<2x4x4x8x128xf32, #tpu.memory_space<vmem>>, vector<16xf32>,
        %add3A_2290 = arith.constant 900 : i32
        %add3A_2291 = vector.broadcast %add3A_2290 : i32 to vector<16xi32>
        %add3A_2292 = arith.addi %get3A_2011, %add3A_2291 : vector<16xi32>
        %gather3A_2293 = tpu.vector_load_idx %arg5[%add3A_2292] : memref<3200xf32, #tpu.memory_space<vmem>>[vector<16xi32>], vector<16xf32>,
        %sub3A_2294 = arith.constant 1 : i32
        %sub3A_2295 = arith.subi %scan3A_1988, %sub3A_2294 : i32
        %shift_right_logical3A_2296 = arith.constant 5 : i32
        %shift_right_logical3A_2297 = arith.shrui %sub3A_2295, %shift_right_logical3A_2296 : i32
        %shift_right_logical3A_2298 = arith.constant 3 : i32
        %shift_right_logical3A_2299 = arith.shrui %sub3A_2295, %shift_right_logical3A_2298 : i32
        %and3A_2300 = arith.constant 3 : i32
        %and3A_2301 = arith.andi %shift_right_logical3A_2299, %and3A_2300 : i32
        %and3A_2302 = arith.constant 7 : i32
        %and3A_2303 = arith.andi %sub3A_2295, %and3A_2302 : i32
        %mul3A_2304 = arith.constant 16 : i32
        %mul3A_2305 = arith.muli %and3A_2303, %mul3A_2304 : i32
        %swap3A_2306 = arith.constant 3 : i32
        %swap3A_2307 = arith.constant 1 : i32
        %swap3A_2308 = arith.constant 0 : i32
        %swap3A_2309 = arith.constant 0 : i32
        %swap3A_2310 = arith.constant 0 : i32
        %swap3A_2311 = arith.constant 0 : i32
        %swap3A_2312 = arith.constant 0 : i32
        %swap3A_2313 = tpu.memref_slice %arg7[%scan3A_607, %swap3A_2308, %swap3A_2309, %swap3A_2310, %swap3A_2311, %swap3A_2312] : memref<2x2x4x4x8x128xf32, #tpu.memory_space<vmem>> -> memref<1x2x4x4x8x128xf32, #tpu.memory_space<vmem>>
        %swap3A_2314 = tpu.memref_squeeze %swap3A_2313 : memref<1x2x4x4x8x128xf32, #tpu.memory_space<vmem>> -> memref<2x4x4x8x128xf32, #tpu.memory_space<vmem>>
        %swap3A_2315 = arith.index_cast %shift_right_logical3A_2297 : i32 to index
        %swap3A_2316 = arith.index_cast %swap3A_2306 : i32 to index
        %swap3A_2317 = arith.index_cast %and3A_2301 : i32 to index
        %swap3A_2318 = arith.index_cast %swap3A_2307 : i32 to index
        %swap3A_2319 = arith.index_cast %mul3A_2305 : i32 to index
        %swap3A_2320 = tpu.vector_load %swap3A_2314[%swap3A_2315, %swap3A_2316, %swap3A_2317, %swap3A_2318, %swap3A_2319] {strides = array<i32>} : memref<2x4x4x8x128xf32, #tpu.memory_space<vmem>>, vector<16xf32>,
        tpu.vector_store %swap3A_2314[%swap3A_2315, %swap3A_2316, %swap3A_2317, %swap3A_2318, %swap3A_2319], %scan3A_1998 {strides = array<i32>} : memref<2x4x4x8x128xf32, #tpu.memory_space<vmem>>, vector<16xf32>,
        %add3A_2321 = arith.constant 1000 : i32
        %add3A_2322 = vector.broadcast %add3A_2321 : i32 to vector<16xi32>
        %add3A_2323 = arith.addi %get3A_2011, %add3A_2322 : vector<16xi32>
        %gather3A_2324 = tpu.vector_load_idx %arg5[%add3A_2323] : memref<3200xf32, #tpu.memory_space<vmem>>[vector<16xi32>], vector<16xf32>,
        %sub3A_2325 = arith.constant 1 : i32
        %sub3A_2326 = arith.subi %scan3A_1988, %sub3A_2325 : i32
        %shift_right_logical3A_2327 = arith.constant 5 : i32
        %shift_right_logical3A_2328 = arith.shrui %sub3A_2326, %shift_right_logical3A_2327 : i32
        %shift_right_logical3A_2329 = arith.constant 3 : i32
        %shift_right_logical3A_2330 = arith.shrui %sub3A_2326, %shift_right_logical3A_2329 : i32
        %and3A_2331 = arith.constant 3 : i32
        %and3A_2332 = arith.andi %shift_right_logical3A_2330, %and3A_2331 : i32
        %and3A_2333 = arith.constant 7 : i32
        %and3A_2334 = arith.andi %sub3A_2326, %and3A_2333 : i32
        %mul3A_2335 = arith.constant 16 : i32
        %mul3A_2336 = arith.muli %and3A_2334, %mul3A_2335 : i32
        %swap3A_2337 = arith.constant 3 : i32
        %swap3A_2338 = arith.constant 2 : i32
        %swap3A_2339 = arith.constant 0 : i32
        %swap3A_2340 = arith.constant 0 : i32
        %swap3A_2341 = arith.constant 0 : i32
        %swap3A_2342 = arith.constant 0 : i32
        %swap3A_2343 = arith.constant 0 : i32
        %swap3A_2344 = tpu.memref_slice %arg7[%scan3A_607, %swap3A_2339, %swap3A_2340, %swap3A_2341, %swap3A_2342, %swap3A_2343] : memref<2x2x4x4x8x128xf32, #tpu.memory_space<vmem>> -> memref<1x2x4x4x8x128xf32, #tpu.memory_space<vmem>>
        %swap3A_2345 = tpu.memref_squeeze %swap3A_2344 : memref<1x2x4x4x8x128xf32, #tpu.memory_space<vmem>> -> memref<2x4x4x8x128xf32, #tpu.memory_space<vmem>>
        %swap3A_2346 = arith.index_cast %shift_right_logical3A_2328 : i32 to index
        %swap3A_2347 = arith.index_cast %swap3A_2337 : i32 to index
        %swap3A_2348 = arith.index_cast %and3A_2332 : i32 to index
        %swap3A_2349 = arith.index_cast %swap3A_2338 : i32 to index
        %swap3A_2350 = arith.index_cast %mul3A_2336 : i32 to index
        %swap3A_2351 = tpu.vector_load %swap3A_2345[%swap3A_2346, %swap3A_2347, %swap3A_2348, %swap3A_2349, %swap3A_2350] {strides = array<i32>} : memref<2x4x4x8x128xf32, #tpu.memory_space<vmem>>, vector<16xf32>,
        tpu.vector_store %swap3A_2345[%swap3A_2346, %swap3A_2347, %swap3A_2348, %swap3A_2349, %swap3A_2350], %scan3A_1999 {strides = array<i32>} : memref<2x4x4x8x128xf32, #tpu.memory_space<vmem>>, vector<16xf32>,
        %add3A_2352 = arith.constant 1100 : i32
        %add3A_2353 = vector.broadcast %add3A_2352 : i32 to vector<16xi32>
        %add3A_2354 = arith.addi %get3A_2011, %add3A_2353 : vector<16xi32>
        %gather3A_2355 = tpu.vector_load_idx %arg5[%add3A_2354] : memref<3200xf32, #tpu.memory_space<vmem>>[vector<16xi32>], vector<16xf32>,
        %sub3A_2356 = arith.constant 1 : i32
        %sub3A_2357 = arith.subi %scan3A_1988, %sub3A_2356 : i32
        %shift_right_logical3A_2358 = arith.constant 5 : i32
        %shift_right_logical3A_2359 = arith.shrui %sub3A_2357, %shift_right_logical3A_2358 : i32
        %shift_right_logical3A_2360 = arith.constant 3 : i32
        %shift_right_logical3A_2361 = arith.shrui %sub3A_2357, %shift_right_logical3A_2360 : i32
        %and3A_2362 = arith.constant 3 : i32
        %and3A_2363 = arith.andi %shift_right_logical3A_2361, %and3A_2362 : i32
        %and3A_2364 = arith.constant 7 : i32
        %and3A_2365 = arith.andi %sub3A_2357, %and3A_2364 : i32
        %mul3A_2366 = arith.constant 16 : i32
        %mul3A_2367 = arith.muli %and3A_2365, %mul3A_2366 : i32
        %swap3A_2368 = arith.constant 3 : i32
        %swap3A_2369 = arith.constant 3 : i32
        %swap3A_2370 = arith.constant 0 : i32
        %swap3A_2371 = arith.constant 0 : i32
        %swap3A_2372 = arith.constant 0 : i32
        %swap3A_2373 = arith.constant 0 : i32
        %swap3A_2374 = arith.constant 0 : i32
        %swap3A_2375 = tpu.memref_slice %arg7[%scan3A_607, %swap3A_2370, %swap3A_2371, %swap3A_2372, %swap3A_2373, %swap3A_2374] : memref<2x2x4x4x8x128xf32, #tpu.memory_space<vmem>> -> memref<1x2x4x4x8x128xf32, #tpu.memory_space<vmem>>
        %swap3A_2376 = tpu.memref_squeeze %swap3A_2375 : memref<1x2x4x4x8x128xf32, #tpu.memory_space<vmem>> -> memref<2x4x4x8x128xf32, #tpu.memory_space<vmem>>
        %swap3A_2377 = arith.index_cast %shift_right_logical3A_2359 : i32 to index
        %swap3A_2378 = arith.index_cast %swap3A_2368 : i32 to index
        %swap3A_2379 = arith.index_cast %and3A_2363 : i32 to index
        %swap3A_2380 = arith.index_cast %swap3A_2369 : i32 to index
        %swap3A_2381 = arith.index_cast %mul3A_2367 : i32 to index
        %swap3A_2382 = tpu.vector_load %swap3A_2376[%swap3A_2377, %swap3A_2378, %swap3A_2379, %swap3A_2380, %swap3A_2381] {strides = array<i32>} : memref<2x4x4x8x128xf32, #tpu.memory_space<vmem>>, vector<16xf32>,
        tpu.vector_store %swap3A_2376[%swap3A_2377, %swap3A_2378, %swap3A_2379, %swap3A_2380, %swap3A_2381], %scan3A_2000 {strides = array<i32>} : memref<2x4x4x8x128xf32, #tpu.memory_space<vmem>>, vector<16xf32>,
        %add3A_2383 = arith.constant 1200 : i32
        %add3A_2384 = vector.broadcast %add3A_2383 : i32 to vector<16xi32>
        %add3A_2385 = arith.addi %get3A_2011, %add3A_2384 : vector<16xi32>
        %gather3A_2386 = tpu.vector_load_idx %arg5[%add3A_2385] : memref<3200xf32, #tpu.memory_space<vmem>>[vector<16xi32>], vector<16xf32>,
        %sub3A_2387 = arith.constant 1 : i32
        %sub3A_2388 = arith.subi %scan3A_1988, %sub3A_2387 : i32
        %shift_right_logical3A_2389 = arith.constant 5 : i32
        %shift_right_logical3A_2390 = arith.shrui %sub3A_2388, %shift_right_logical3A_2389 : i32
        %shift_right_logical3A_2391 = arith.constant 3 : i32
        %shift_right_logical3A_2392 = arith.shrui %sub3A_2388, %shift_right_logical3A_2391 : i32
        %and3A_2393 = arith.constant 3 : i32
        %and3A_2394 = arith.andi %shift_right_logical3A_2392, %and3A_2393 : i32
        %and3A_2395 = arith.constant 7 : i32
        %and3A_2396 = arith.andi %sub3A_2388, %and3A_2395 : i32
        %mul3A_2397 = arith.constant 16 : i32
        %mul3A_2398 = arith.muli %and3A_2396, %mul3A_2397 : i32
        %swap3A_2399 = arith.constant 3 : i32
        %swap3A_2400 = arith.constant 4 : i32
        %swap3A_2401 = arith.constant 0 : i32
        %swap3A_2402 = arith.constant 0 : i32
        %swap3A_2403 = arith.constant 0 : i32
        %swap3A_2404 = arith.constant 0 : i32
        %swap3A_2405 = arith.constant 0 : i32
        %swap3A_2406 = tpu.memref_slice %arg7[%scan3A_607, %swap3A_2401, %swap3A_2402, %swap3A_2403, %swap3A_2404, %swap3A_2405] : memref<2x2x4x4x8x128xf32, #tpu.memory_space<vmem>> -> memref<1x2x4x4x8x128xf32, #tpu.memory_space<vmem>>
        %swap3A_2407 = tpu.memref_squeeze %swap3A_2406 : memref<1x2x4x4x8x128xf32, #tpu.memory_space<vmem>> -> memref<2x4x4x8x128xf32, #tpu.memory_space<vmem>>
        %swap3A_2408 = arith.index_cast %shift_right_logical3A_2390 : i32 to index
        %swap3A_2409 = arith.index_cast %swap3A_2399 : i32 to index
        %swap3A_2410 = arith.index_cast %and3A_2394 : i32 to index
        %swap3A_2411 = arith.index_cast %swap3A_2400 : i32 to index
        %swap3A_2412 = arith.index_cast %mul3A_2398 : i32 to index
        %swap3A_2413 = tpu.vector_load %swap3A_2407[%swap3A_2408, %swap3A_2409, %swap3A_2410, %swap3A_2411, %swap3A_2412] {strides = array<i32>} : memref<2x4x4x8x128xf32, #tpu.memory_space<vmem>>, vector<16xf32>,
        tpu.vector_store %swap3A_2407[%swap3A_2408, %swap3A_2409, %swap3A_2410, %swap3A_2411, %swap3A_2412], %scan3A_2001 {strides = array<i32>} : memref<2x4x4x8x128xf32, #tpu.memory_space<vmem>>, vector<16xf32>,
        %add3A_2414 = arith.constant 1300 : i32
        %add3A_2415 = vector.broadcast %add3A_2414 : i32 to vector<16xi32>
        %add3A_2416 = arith.addi %get3A_2011, %add3A_2415 : vector<16xi32>
        %gather3A_2417 = tpu.vector_load_idx %arg5[%add3A_2416] : memref<3200xf32, #tpu.memory_space<vmem>>[vector<16xi32>], vector<16xf32>,
        %sub3A_2418 = arith.constant 1 : i32
        %sub3A_2419 = arith.subi %scan3A_1988, %sub3A_2418 : i32
        %shift_right_logical3A_2420 = arith.constant 5 : i32
        %shift_right_logical3A_2421 = arith.shrui %sub3A_2419, %shift_right_logical3A_2420 : i32
        %shift_right_logical3A_2422 = arith.constant 3 : i32
        %shift_right_logical3A_2423 = arith.shrui %sub3A_2419, %shift_right_logical3A_2422 : i32
        %and3A_2424 = arith.constant 3 : i32
        %and3A_2425 = arith.andi %shift_right_logical3A_2423, %and3A_2424 : i32
        %and3A_2426 = arith.constant 7 : i32
        %and3A_2427 = arith.andi %sub3A_2419, %and3A_2426 : i32
        %mul3A_2428 = arith.constant 16 : i32
        %mul3A_2429 = arith.muli %and3A_2427, %mul3A_2428 : i32
        %swap3A_2430 = arith.constant 3 : i32
        %swap3A_2431 = arith.constant 5 : i32
        %swap3A_2432 = arith.constant 0 : i32
        %swap3A_2433 = arith.constant 0 : i32
        %swap3A_2434 = arith.constant 0 : i32
        %swap3A_2435 = arith.constant 0 : i32
        %swap3A_2436 = arith.constant 0 : i32
        %swap3A_2437 = tpu.memref_slice %arg7[%scan3A_607, %swap3A_2432, %swap3A_2433, %swap3A_2434, %swap3A_2435, %swap3A_2436] : memref<2x2x4x4x8x128xf32, #tpu.memory_space<vmem>> -> memref<1x2x4x4x8x128xf32, #tpu.memory_space<vmem>>
        %swap3A_2438 = tpu.memref_squeeze %swap3A_2437 : memref<1x2x4x4x8x128xf32, #tpu.memory_space<vmem>> -> memref<2x4x4x8x128xf32, #tpu.memory_space<vmem>>
        %swap3A_2439 = arith.index_cast %shift_right_logical3A_2421 : i32 to index
        %swap3A_2440 = arith.index_cast %swap3A_2430 : i32 to index
        %swap3A_2441 = arith.index_cast %and3A_2425 : i32 to index
        %swap3A_2442 = arith.index_cast %swap3A_2431 : i32 to index
        %swap3A_2443 = arith.index_cast %mul3A_2429 : i32 to index
        %swap3A_2444 = tpu.vector_load %swap3A_2438[%swap3A_2439, %swap3A_2440, %swap3A_2441, %swap3A_2442, %swap3A_2443] {strides = array<i32>} : memref<2x4x4x8x128xf32, #tpu.memory_space<vmem>>, vector<16xf32>,
        tpu.vector_store %swap3A_2438[%swap3A_2439, %swap3A_2440, %swap3A_2441, %swap3A_2442, %swap3A_2443], %scan3A_2002 {strides = array<i32>} : memref<2x4x4x8x128xf32, #tpu.memory_space<vmem>>, vector<16xf32>,
        %add3A_2445 = arith.constant 1400 : i32
        %add3A_2446 = vector.broadcast %add3A_2445 : i32 to vector<16xi32>
        %add3A_2447 = arith.addi %get3A_2011, %add3A_2446 : vector<16xi32>
        %gather3A_2448 = tpu.vector_load_idx %arg5[%add3A_2447] : memref<3200xf32, #tpu.memory_space<vmem>>[vector<16xi32>], vector<16xf32>,
        %sub3A_2449 = arith.constant 1 : i32
        %sub3A_2450 = arith.subi %scan3A_1988, %sub3A_2449 : i32
        %shift_right_logical3A_2451 = arith.constant 5 : i32
        %shift_right_logical3A_2452 = arith.shrui %sub3A_2450, %shift_right_logical3A_2451 : i32
        %shift_right_logical3A_2453 = arith.constant 3 : i32
        %shift_right_logical3A_2454 = arith.shrui %sub3A_2450, %shift_right_logical3A_2453 : i32
        %and3A_2455 = arith.constant 3 : i32
        %and3A_2456 = arith.andi %shift_right_logical3A_2454, %and3A_2455 : i32
        %and3A_2457 = arith.constant 7 : i32
        %and3A_2458 = arith.andi %sub3A_2450, %and3A_2457 : i32
        %mul3A_2459 = arith.constant 16 : i32
        %mul3A_2460 = arith.muli %and3A_2458, %mul3A_2459 : i32
        %swap3A_2461 = arith.constant 3 : i32
        %swap3A_2462 = arith.constant 6 : i32
        %swap3A_2463 = arith.constant 0 : i32
        %swap3A_2464 = arith.constant 0 : i32
        %swap3A_2465 = arith.constant 0 : i32
        %swap3A_2466 = arith.constant 0 : i32
        %swap3A_2467 = arith.constant 0 : i32
        %swap3A_2468 = tpu.memref_slice %arg7[%scan3A_607, %swap3A_2463, %swap3A_2464, %swap3A_2465, %swap3A_2466, %swap3A_2467] : memref<2x2x4x4x8x128xf32, #tpu.memory_space<vmem>> -> memref<1x2x4x4x8x128xf32, #tpu.memory_space<vmem>>
        %swap3A_2469 = tpu.memref_squeeze %swap3A_2468 : memref<1x2x4x4x8x128xf32, #tpu.memory_space<vmem>> -> memref<2x4x4x8x128xf32, #tpu.memory_space<vmem>>
        %swap3A_2470 = arith.index_cast %shift_right_logical3A_2452 : i32 to index
        %swap3A_2471 = arith.index_cast %swap3A_2461 : i32 to index
        %swap3A_2472 = arith.index_cast %and3A_2456 : i32 to index
        %swap3A_2473 = arith.index_cast %swap3A_2462 : i32 to index
        %swap3A_2474 = arith.index_cast %mul3A_2460 : i32 to index
        %swap3A_2475 = tpu.vector_load %swap3A_2469[%swap3A_2470, %swap3A_2471, %swap3A_2472, %swap3A_2473, %swap3A_2474] {strides = array<i32>} : memref<2x4x4x8x128xf32, #tpu.memory_space<vmem>>, vector<16xf32>,
        tpu.vector_store %swap3A_2469[%swap3A_2470, %swap3A_2471, %swap3A_2472, %swap3A_2473, %swap3A_2474], %scan3A_2003 {strides = array<i32>} : memref<2x4x4x8x128xf32, #tpu.memory_space<vmem>>, vector<16xf32>,
        %add3A_2476 = arith.constant 1500 : i32
        %add3A_2477 = vector.broadcast %add3A_2476 : i32 to vector<16xi32>
        %add3A_2478 = arith.addi %get3A_2011, %add3A_2477 : vector<16xi32>
        %gather3A_2479 = tpu.vector_load_idx %arg5[%add3A_2478] : memref<3200xf32, #tpu.memory_space<vmem>>[vector<16xi32>], vector<16xf32>,
        %sub3A_2480 = arith.constant 1 : i32
        %sub3A_2481 = arith.subi %scan3A_1988, %sub3A_2480 : i32
        %shift_right_logical3A_2482 = arith.constant 5 : i32
        %shift_right_logical3A_2483 = arith.shrui %sub3A_2481, %shift_right_logical3A_2482 : i32
        %shift_right_logical3A_2484 = arith.constant 3 : i32
        %shift_right_logical3A_2485 = arith.shrui %sub3A_2481, %shift_right_logical3A_2484 : i32
        %and3A_2486 = arith.constant 3 : i32
        %and3A_2487 = arith.andi %shift_right_logical3A_2485, %and3A_2486 : i32
        %and3A_2488 = arith.constant 7 : i32
        %and3A_2489 = arith.andi %sub3A_2481, %and3A_2488 : i32
        %mul3A_2490 = arith.constant 16 : i32
        %mul3A_2491 = arith.muli %and3A_2489, %mul3A_2490 : i32
        %swap3A_2492 = arith.constant 3 : i32
        %swap3A_2493 = arith.constant 7 : i32
        %swap3A_2494 = arith.constant 0 : i32
        %swap3A_2495 = arith.constant 0 : i32
        %swap3A_2496 = arith.constant 0 : i32
        %swap3A_2497 = arith.constant 0 : i32
        %swap3A_2498 = arith.constant 0 : i32
        %swap3A_2499 = tpu.memref_slice %arg7[%scan3A_607, %swap3A_2494, %swap3A_2495, %swap3A_2496, %swap3A_2497, %swap3A_2498] : memref<2x2x4x4x8x128xf32, #tpu.memory_space<vmem>> -> memref<1x2x4x4x8x128xf32, #tpu.memory_space<vmem>>
        %swap3A_2500 = tpu.memref_squeeze %swap3A_2499 : memref<1x2x4x4x8x128xf32, #tpu.memory_space<vmem>> -> memref<2x4x4x8x128xf32, #tpu.memory_space<vmem>>
        %swap3A_2501 = arith.index_cast %shift_right_logical3A_2483 : i32 to index
        %swap3A_2502 = arith.index_cast %swap3A_2492 : i32 to index
        %swap3A_2503 = arith.index_cast %and3A_2487 : i32 to index
        %swap3A_2504 = arith.index_cast %swap3A_2493 : i32 to index
        %swap3A_2505 = arith.index_cast %mul3A_2491 : i32 to index
        %swap3A_2506 = tpu.vector_load %swap3A_2500[%swap3A_2501, %swap3A_2502, %swap3A_2503, %swap3A_2504, %swap3A_2505] {strides = array<i32>} : memref<2x4x4x8x128xf32, #tpu.memory_space<vmem>>, vector<16xf32>,
        tpu.vector_store %swap3A_2500[%swap3A_2501, %swap3A_2502, %swap3A_2503, %swap3A_2504, %swap3A_2505], %scan3A_2004 {strides = array<i32>} : memref<2x4x4x8x128xf32, #tpu.memory_space<vmem>>, vector<16xf32>,
        %add3A_2507 = arith.constant 1600 : i32
        %add3A_2508 = vector.broadcast %add3A_2507 : i32 to vector<16xi32>
        %add3A_2509 = arith.addi %get3A_2011, %add3A_2508 : vector<16xi32>
        %gather3A_2510 = tpu.vector_load_idx %arg5[%add3A_2509] : memref<3200xf32, #tpu.memory_space<vmem>>[vector<16xi32>], vector<16xf32>,
        %shift_right_logical3A_2511 = arith.constant 5 : i32
        %shift_right_logical3A_2512 = arith.shrui %scan3A_1988, %shift_right_logical3A_2511 : i32
        %shift_right_logical3A_2513 = arith.constant 3 : i32
        %shift_right_logical3A_2514 = arith.shrui %scan3A_1988, %shift_right_logical3A_2513 : i32
        %and3A_2515 = arith.constant 3 : i32
        %and3A_2516 = arith.andi %shift_right_logical3A_2514, %and3A_2515 : i32
        %and3A_2517 = arith.constant 7 : i32
        %and3A_2518 = arith.andi %scan3A_1988, %and3A_2517 : i32
        %mul3A_2519 = arith.constant 16 : i32
        %mul3A_2520 = arith.muli %and3A_2518, %mul3A_2519 : i32
        %swap3A_2521 = arith.constant 0 : i32
        %swap3A_2522 = arith.constant 0 : i32
        %swap3A_2523 = arith.constant 0 : i32
        %swap3A_2524 = arith.constant 0 : i32
        %swap3A_2525 = arith.constant 0 : i32
        %swap3A_2526 = arith.constant 0 : i32
        %swap3A_2527 = arith.constant 0 : i32
        %swap3A_2528 = tpu.memref_slice %arg7[%scan3A_607, %swap3A_2523, %swap3A_2524, %swap3A_2525, %swap3A_2526, %swap3A_2527] : memref<2x2x4x4x8x128xf32, #tpu.memory_space<vmem>> -> memref<1x2x4x4x8x128xf32, #tpu.memory_space<vmem>>
        %swap3A_2529 = tpu.memref_squeeze %swap3A_2528 : memref<1x2x4x4x8x128xf32, #tpu.memory_space<vmem>> -> memref<2x4x4x8x128xf32, #tpu.memory_space<vmem>>
        %swap3A_2530 = arith.index_cast %shift_right_logical3A_2512 : i32 to index
        %swap3A_2531 = arith.index_cast %swap3A_2521 : i32 to index
        %swap3A_2532 = arith.index_cast %and3A_2516 : i32 to index
        %swap3A_2533 = arith.index_cast %swap3A_2522 : i32 to index
        %swap3A_2534 = arith.index_cast %mul3A_2520 : i32 to index
        %swap3A_2535 = tpu.vector_load %swap3A_2529[%swap3A_2530, %swap3A_2531, %swap3A_2532, %swap3A_2533, %swap3A_2534] {strides = array<i32>} : memref<2x4x4x8x128xf32, #tpu.memory_space<vmem>>, vector<16xf32>,
        tpu.vector_store %swap3A_2529[%swap3A_2530, %swap3A_2531, %swap3A_2532, %swap3A_2533, %swap3A_2534], %gather3A_2015 {strides = array<i32>} : memref<2x4x4x8x128xf32, #tpu.memory_space<vmem>>, vector<16xf32>,
        %add3A_2536 = arith.constant 1700 : i32
        %add3A_2537 = vector.broadcast %add3A_2536 : i32 to vector<16xi32>
        %add3A_2538 = arith.addi %get3A_2011, %add3A_2537 : vector<16xi32>
        %gather3A_2539 = tpu.vector_load_idx %arg5[%add3A_2538] : memref<3200xf32, #tpu.memory_space<vmem>>[vector<16xi32>], vector<16xf32>,
        %shift_right_logical3A_2540 = arith.constant 5 : i32
        %shift_right_logical3A_2541 = arith.shrui %scan3A_1988, %shift_right_logical3A_2540 : i32
        %shift_right_logical3A_2542 = arith.constant 3 : i32
        %shift_right_logical3A_2543 = arith.shrui %scan3A_1988, %shift_right_logical3A_2542 : i32
        %and3A_2544 = arith.constant 3 : i32
        %and3A_2545 = arith.andi %shift_right_logical3A_2543, %and3A_2544 : i32
        %and3A_2546 = arith.constant 7 : i32
        %and3A_2547 = arith.andi %scan3A_1988, %and3A_2546 : i32
        %mul3A_2548 = arith.constant 16 : i32
        %mul3A_2549 = arith.muli %and3A_2547, %mul3A_2548 : i32
        %swap3A_2550 = arith.constant 0 : i32
        %swap3A_2551 = arith.constant 1 : i32
        %swap3A_2552 = arith.constant 0 : i32
        %swap3A_2553 = arith.constant 0 : i32
        %swap3A_2554 = arith.constant 0 : i32
        %swap3A_2555 = arith.constant 0 : i32
        %swap3A_2556 = arith.constant 0 : i32
        %swap3A_2557 = tpu.memref_slice %arg7[%scan3A_607, %swap3A_2552, %swap3A_2553, %swap3A_2554, %swap3A_2555, %swap3A_2556] : memref<2x2x4x4x8x128xf32, #tpu.memory_space<vmem>> -> memref<1x2x4x4x8x128xf32, #tpu.memory_space<vmem>>
        %swap3A_2558 = tpu.memref_squeeze %swap3A_2557 : memref<1x2x4x4x8x128xf32, #tpu.memory_space<vmem>> -> memref<2x4x4x8x128xf32, #tpu.memory_space<vmem>>
        %swap3A_2559 = arith.index_cast %shift_right_logical3A_2541 : i32 to index
        %swap3A_2560 = arith.index_cast %swap3A_2550 : i32 to index
        %swap3A_2561 = arith.index_cast %and3A_2545 : i32 to index
        %swap3A_2562 = arith.index_cast %swap3A_2551 : i32 to index
        %swap3A_2563 = arith.index_cast %mul3A_2549 : i32 to index
        %swap3A_2564 = tpu.vector_load %swap3A_2558[%swap3A_2559, %swap3A_2560, %swap3A_2561, %swap3A_2562, %swap3A_2563] {strides = array<i32>} : memref<2x4x4x8x128xf32, #tpu.memory_space<vmem>>, vector<16xf32>,
        tpu.vector_store %swap3A_2558[%swap3A_2559, %swap3A_2560, %swap3A_2561, %swap3A_2562, %swap3A_2563], %gather3A_2045 {strides = array<i32>} : memref<2x4x4x8x128xf32, #tpu.memory_space<vmem>>, vector<16xf32>,
        %add3A_2565 = arith.constant 1800 : i32
        %add3A_2566 = vector.broadcast %add3A_2565 : i32 to vector<16xi32>
        %add3A_2567 = arith.addi %get3A_2011, %add3A_2566 : vector<16xi32>
        %gather3A_2568 = tpu.vector_load_idx %arg5[%add3A_2567] : memref<3200xf32, #tpu.memory_space<vmem>>[vector<16xi32>], vector<16xf32>,
        %shift_right_logical3A_2569 = arith.constant 5 : i32
        %shift_right_logical3A_2570 = arith.shrui %scan3A_1988, %shift_right_logical3A_2569 : i32
        %shift_right_logical3A_2571 = arith.constant 3 : i32
        %shift_right_logical3A_2572 = arith.shrui %scan3A_1988, %shift_right_logical3A_2571 : i32
        %and3A_2573 = arith.constant 3 : i32
        %and3A_2574 = arith.andi %shift_right_logical3A_2572, %and3A_2573 : i32
        %and3A_2575 = arith.constant 7 : i32
        %and3A_2576 = arith.andi %scan3A_1988, %and3A_2575 : i32
        %mul3A_2577 = arith.constant 16 : i32
        %mul3A_2578 = arith.muli %and3A_2576, %mul3A_2577 : i32
        %swap3A_2579 = arith.constant 0 : i32
        %swap3A_2580 = arith.constant 2 : i32
        %swap3A_2581 = arith.constant 0 : i32
        %swap3A_2582 = arith.constant 0 : i32
        %swap3A_2583 = arith.constant 0 : i32
        %swap3A_2584 = arith.constant 0 : i32
        %swap3A_2585 = arith.constant 0 : i32
        %swap3A_2586 = tpu.memref_slice %arg7[%scan3A_607, %swap3A_2581, %swap3A_2582, %swap3A_2583, %swap3A_2584, %swap3A_2585] : memref<2x2x4x4x8x128xf32, #tpu.memory_space<vmem>> -> memref<1x2x4x4x8x128xf32, #tpu.memory_space<vmem>>
        %swap3A_2587 = tpu.memref_squeeze %swap3A_2586 : memref<1x2x4x4x8x128xf32, #tpu.memory_space<vmem>> -> memref<2x4x4x8x128xf32, #tpu.memory_space<vmem>>
        %swap3A_2588 = arith.index_cast %shift_right_logical3A_2570 : i32 to index
        %swap3A_2589 = arith.index_cast %swap3A_2579 : i32 to index
        %swap3A_2590 = arith.index_cast %and3A_2574 : i32 to index
        %swap3A_2591 = arith.index_cast %swap3A_2580 : i32 to index
        %swap3A_2592 = arith.index_cast %mul3A_2578 : i32 to index
        %swap3A_2593 = tpu.vector_load %swap3A_2587[%swap3A_2588, %swap3A_2589, %swap3A_2590, %swap3A_2591, %swap3A_2592] {strides = array<i32>} : memref<2x4x4x8x128xf32, #tpu.memory_space<vmem>>, vector<16xf32>,
        tpu.vector_store %swap3A_2587[%swap3A_2588, %swap3A_2589, %swap3A_2590, %swap3A_2591, %swap3A_2592], %gather3A_2076 {strides = array<i32>} : memref<2x4x4x8x128xf32, #tpu.memory_space<vmem>>, vector<16xf32>,
        %add3A_2594 = arith.constant 1900 : i32
        %add3A_2595 = vector.broadcast %add3A_2594 : i32 to vector<16xi32>
        %add3A_2596 = arith.addi %get3A_2011, %add3A_2595 : vector<16xi32>
        %gather3A_2597 = tpu.vector_load_idx %arg5[%add3A_2596] : memref<3200xf32, #tpu.memory_space<vmem>>[vector<16xi32>], vector<16xf32>,
        %shift_right_logical3A_2598 = arith.constant 5 : i32
        %shift_right_logical3A_2599 = arith.shrui %scan3A_1988, %shift_right_logical3A_2598 : i32
        %shift_right_logical3A_2600 = arith.constant 3 : i32
        %shift_right_logical3A_2601 = arith.shrui %scan3A_1988, %shift_right_logical3A_2600 : i32
        %and3A_2602 = arith.constant 3 : i32
        %and3A_2603 = arith.andi %shift_right_logical3A_2601, %and3A_2602 : i32
        %and3A_2604 = arith.constant 7 : i32
        %and3A_2605 = arith.andi %scan3A_1988, %and3A_2604 : i32
        %mul3A_2606 = arith.constant 16 : i32
        %mul3A_2607 = arith.muli %and3A_2605, %mul3A_2606 : i32
        %swap3A_2608 = arith.constant 0 : i32
        %swap3A_2609 = arith.constant 3 : i32
        %swap3A_2610 = arith.constant 0 : i32
        %swap3A_2611 = arith.constant 0 : i32
        %swap3A_2612 = arith.constant 0 : i32
        %swap3A_2613 = arith.constant 0 : i32
        %swap3A_2614 = arith.constant 0 : i32
        %swap3A_2615 = tpu.memref_slice %arg7[%scan3A_607, %swap3A_2610, %swap3A_2611, %swap3A_2612, %swap3A_2613, %swap3A_2614] : memref<2x2x4x4x8x128xf32, #tpu.memory_space<vmem>> -> memref<1x2x4x4x8x128xf32, #tpu.memory_space<vmem>>
        %swap3A_2616 = tpu.memref_squeeze %swap3A_2615 : memref<1x2x4x4x8x128xf32, #tpu.memory_space<vmem>> -> memref<2x4x4x8x128xf32, #tpu.memory_space<vmem>>
        %swap3A_2617 = arith.index_cast %shift_right_logical3A_2599 : i32 to index
        %swap3A_2618 = arith.index_cast %swap3A_2608 : i32 to index
        %swap3A_2619 = arith.index_cast %and3A_2603 : i32 to index
        %swap3A_2620 = arith.index_cast %swap3A_2609 : i32 to index
        %swap3A_2621 = arith.index_cast %mul3A_2607 : i32 to index
        %swap3A_2622 = tpu.vector_load %swap3A_2616[%swap3A_2617, %swap3A_2618, %swap3A_2619, %swap3A_2620, %swap3A_2621] {strides = array<i32>} : memref<2x4x4x8x128xf32, #tpu.memory_space<vmem>>, vector<16xf32>,
        tpu.vector_store %swap3A_2616[%swap3A_2617, %swap3A_2618, %swap3A_2619, %swap3A_2620, %swap3A_2621], %gather3A_2107 {strides = array<i32>} : memref<2x4x4x8x128xf32, #tpu.memory_space<vmem>>, vector<16xf32>,
        %add3A_2623 = arith.constant 2000 : i32
        %add3A_2624 = vector.broadcast %add3A_2623 : i32 to vector<16xi32>
        %add3A_2625 = arith.addi %get3A_2011, %add3A_2624 : vector<16xi32>
        %gather3A_2626 = tpu.vector_load_idx %arg5[%add3A_2625] : memref<3200xf32, #tpu.memory_space<vmem>>[vector<16xi32>], vector<16xf32>,
        %shift_right_logical3A_2627 = arith.constant 5 : i32
        %shift_right_logical3A_2628 = arith.shrui %scan3A_1988, %shift_right_logical3A_2627 : i32
        %shift_right_logical3A_2629 = arith.constant 3 : i32
        %shift_right_logical3A_2630 = arith.shrui %scan3A_1988, %shift_right_logical3A_2629 : i32
        %and3A_2631 = arith.constant 3 : i32
        %and3A_2632 = arith.andi %shift_right_logical3A_2630, %and3A_2631 : i32
        %and3A_2633 = arith.constant 7 : i32
        %and3A_2634 = arith.andi %scan3A_1988, %and3A_2633 : i32
        %mul3A_2635 = arith.constant 16 : i32
        %mul3A_2636 = arith.muli %and3A_2634, %mul3A_2635 : i32
        %swap3A_2637 = arith.constant 0 : i32
        %swap3A_2638 = arith.constant 4 : i32
        %swap3A_2639 = arith.constant 0 : i32
        %swap3A_2640 = arith.constant 0 : i32
        %swap3A_2641 = arith.constant 0 : i32
        %swap3A_2642 = arith.constant 0 : i32
        %swap3A_2643 = arith.constant 0 : i32
        %swap3A_2644 = tpu.memref_slice %arg7[%scan3A_607, %swap3A_2639, %swap3A_2640, %swap3A_2641, %swap3A_2642, %swap3A_2643] : memref<2x2x4x4x8x128xf32, #tpu.memory_space<vmem>> -> memref<1x2x4x4x8x128xf32, #tpu.memory_space<vmem>>
        %swap3A_2645 = tpu.memref_squeeze %swap3A_2644 : memref<1x2x4x4x8x128xf32, #tpu.memory_space<vmem>> -> memref<2x4x4x8x128xf32, #tpu.memory_space<vmem>>
        %swap3A_2646 = arith.index_cast %shift_right_logical3A_2628 : i32 to index
        %swap3A_2647 = arith.index_cast %swap3A_2637 : i32 to index
        %swap3A_2648 = arith.index_cast %and3A_2632 : i32 to index
        %swap3A_2649 = arith.index_cast %swap3A_2638 : i32 to index
        %swap3A_2650 = arith.index_cast %mul3A_2636 : i32 to index
        %swap3A_2651 = tpu.vector_load %swap3A_2645[%swap3A_2646, %swap3A_2647, %swap3A_2648, %swap3A_2649, %swap3A_2650] {strides = array<i32>} : memref<2x4x4x8x128xf32, #tpu.memory_space<vmem>>, vector<16xf32>,
        tpu.vector_store %swap3A_2645[%swap3A_2646, %swap3A_2647, %swap3A_2648, %swap3A_2649, %swap3A_2650], %gather3A_2138 {strides = array<i32>} : memref<2x4x4x8x128xf32, #tpu.memory_space<vmem>>, vector<16xf32>,
        %add3A_2652 = arith.constant 2100 : i32
        %add3A_2653 = vector.broadcast %add3A_2652 : i32 to vector<16xi32>
        %add3A_2654 = arith.addi %get3A_2011, %add3A_2653 : vector<16xi32>
        %gather3A_2655 = tpu.vector_load_idx %arg5[%add3A_2654] : memref<3200xf32, #tpu.memory_space<vmem>>[vector<16xi32>], vector<16xf32>,
        %shift_right_logical3A_2656 = arith.constant 5 : i32
        %shift_right_logical3A_2657 = arith.shrui %scan3A_1988, %shift_right_logical3A_2656 : i32
        %shift_right_logical3A_2658 = arith.constant 3 : i32
        %shift_right_logical3A_2659 = arith.shrui %scan3A_1988, %shift_right_logical3A_2658 : i32
        %and3A_2660 = arith.constant 3 : i32
        %and3A_2661 = arith.andi %shift_right_logical3A_2659, %and3A_2660 : i32
        %and3A_2662 = arith.constant 7 : i32
        %and3A_2663 = arith.andi %scan3A_1988, %and3A_2662 : i32
        %mul3A_2664 = arith.constant 16 : i32
        %mul3A_2665 = arith.muli %and3A_2663, %mul3A_2664 : i32
        %swap3A_2666 = arith.constant 0 : i32
        %swap3A_2667 = arith.constant 5 : i32
        %swap3A_2668 = arith.constant 0 : i32
        %swap3A_2669 = arith.constant 0 : i32
        %swap3A_2670 = arith.constant 0 : i32
        %swap3A_2671 = arith.constant 0 : i32
        %swap3A_2672 = arith.constant 0 : i32
        %swap3A_2673 = tpu.memref_slice %arg7[%scan3A_607, %swap3A_2668, %swap3A_2669, %swap3A_2670, %swap3A_2671, %swap3A_2672] : memref<2x2x4x4x8x128xf32, #tpu.memory_space<vmem>> -> memref<1x2x4x4x8x128xf32, #tpu.memory_space<vmem>>
        %swap3A_2674 = tpu.memref_squeeze %swap3A_2673 : memref<1x2x4x4x8x128xf32, #tpu.memory_space<vmem>> -> memref<2x4x4x8x128xf32, #tpu.memory_space<vmem>>
        %swap3A_2675 = arith.index_cast %shift_right_logical3A_2657 : i32 to index
        %swap3A_2676 = arith.index_cast %swap3A_2666 : i32 to index
        %swap3A_2677 = arith.index_cast %and3A_2661 : i32 to index
        %swap3A_2678 = arith.index_cast %swap3A_2667 : i32 to index
        %swap3A_2679 = arith.index_cast %mul3A_2665 : i32 to index
        %swap3A_2680 = tpu.vector_load %swap3A_2674[%swap3A_2675, %swap3A_2676, %swap3A_2677, %swap3A_2678, %swap3A_2679] {strides = array<i32>} : memref<2x4x4x8x128xf32, #tpu.memory_space<vmem>>, vector<16xf32>,
        tpu.vector_store %swap3A_2674[%swap3A_2675, %swap3A_2676, %swap3A_2677, %swap3A_2678, %swap3A_2679], %gather3A_2169 {strides = array<i32>} : memref<2x4x4x8x128xf32, #tpu.memory_space<vmem>>, vector<16xf32>,
        %add3A_2681 = arith.constant 2200 : i32
        %add3A_2682 = vector.broadcast %add3A_2681 : i32 to vector<16xi32>
        %add3A_2683 = arith.addi %get3A_2011, %add3A_2682 : vector<16xi32>
        %gather3A_2684 = tpu.vector_load_idx %arg5[%add3A_2683] : memref<3200xf32, #tpu.memory_space<vmem>>[vector<16xi32>], vector<16xf32>,
        %shift_right_logical3A_2685 = arith.constant 5 : i32
        %shift_right_logical3A_2686 = arith.shrui %scan3A_1988, %shift_right_logical3A_2685 : i32
        %shift_right_logical3A_2687 = arith.constant 3 : i32
        %shift_right_logical3A_2688 = arith.shrui %scan3A_1988, %shift_right_logical3A_2687 : i32
        %and3A_2689 = arith.constant 3 : i32
        %and3A_2690 = arith.andi %shift_right_logical3A_2688, %and3A_2689 : i32
        %and3A_2691 = arith.constant 7 : i32
        %and3A_2692 = arith.andi %scan3A_1988, %and3A_2691 : i32
        %mul3A_2693 = arith.constant 16 : i32
        %mul3A_2694 = arith.muli %and3A_2692, %mul3A_2693 : i32
        %swap3A_2695 = arith.constant 0 : i32
        %swap3A_2696 = arith.constant 6 : i32
        %swap3A_2697 = arith.constant 0 : i32
        %swap3A_2698 = arith.constant 0 : i32
        %swap3A_2699 = arith.constant 0 : i32
        %swap3A_2700 = arith.constant 0 : i32
        %swap3A_2701 = arith.constant 0 : i32
        %swap3A_2702 = tpu.memref_slice %arg7[%scan3A_607, %swap3A_2697, %swap3A_2698, %swap3A_2699, %swap3A_2700, %swap3A_2701] : memref<2x2x4x4x8x128xf32, #tpu.memory_space<vmem>> -> memref<1x2x4x4x8x128xf32, #tpu.memory_space<vmem>>
        %swap3A_2703 = tpu.memref_squeeze %swap3A_2702 : memref<1x2x4x4x8x128xf32, #tpu.memory_space<vmem>> -> memref<2x4x4x8x128xf32, #tpu.memory_space<vmem>>
        %swap3A_2704 = arith.index_cast %shift_right_logical3A_2686 : i32 to index
        %swap3A_2705 = arith.index_cast %swap3A_2695 : i32 to index
        %swap3A_2706 = arith.index_cast %and3A_2690 : i32 to index
        %swap3A_2707 = arith.index_cast %swap3A_2696 : i32 to index
        %swap3A_2708 = arith.index_cast %mul3A_2694 : i32 to index
        %swap3A_2709 = tpu.vector_load %swap3A_2703[%swap3A_2704, %swap3A_2705, %swap3A_2706, %swap3A_2707, %swap3A_2708] {strides = array<i32>} : memref<2x4x4x8x128xf32, #tpu.memory_space<vmem>>, vector<16xf32>,
        tpu.vector_store %swap3A_2703[%swap3A_2704, %swap3A_2705, %swap3A_2706, %swap3A_2707, %swap3A_2708], %gather3A_2200 {strides = array<i32>} : memref<2x4x4x8x128xf32, #tpu.memory_space<vmem>>, vector<16xf32>,
        %add3A_2710 = arith.constant 2300 : i32
        %add3A_2711 = vector.broadcast %add3A_2710 : i32 to vector<16xi32>
        %add3A_2712 = arith.addi %get3A_2011, %add3A_2711 : vector<16xi32>
        %gather3A_2713 = tpu.vector_load_idx %arg5[%add3A_2712] : memref<3200xf32, #tpu.memory_space<vmem>>[vector<16xi32>], vector<16xf32>,
        %shift_right_logical3A_2714 = arith.constant 5 : i32
        %shift_right_logical3A_2715 = arith.shrui %scan3A_1988, %shift_right_logical3A_2714 : i32
        %shift_right_logical3A_2716 = arith.constant 3 : i32
        %shift_right_logical3A_2717 = arith.shrui %scan3A_1988, %shift_right_logical3A_2716 : i32
        %and3A_2718 = arith.constant 3 : i32
        %and3A_2719 = arith.andi %shift_right_logical3A_2717, %and3A_2718 : i32
        %and3A_2720 = arith.constant 7 : i32
        %and3A_2721 = arith.andi %scan3A_1988, %and3A_2720 : i32
        %mul3A_2722 = arith.constant 16 : i32
        %mul3A_2723 = arith.muli %and3A_2721, %mul3A_2722 : i32
        %swap3A_2724 = arith.constant 0 : i32
        %swap3A_2725 = arith.constant 7 : i32
        %swap3A_2726 = arith.constant 0 : i32
        %swap3A_2727 = arith.constant 0 : i32
        %swap3A_2728 = arith.constant 0 : i32
        %swap3A_2729 = arith.constant 0 : i32
        %swap3A_2730 = arith.constant 0 : i32
        %swap3A_2731 = tpu.memref_slice %arg7[%scan3A_607, %swap3A_2726, %swap3A_2727, %swap3A_2728, %swap3A_2729, %swap3A_2730] : memref<2x2x4x4x8x128xf32, #tpu.memory_space<vmem>> -> memref<1x2x4x4x8x128xf32, #tpu.memory_space<vmem>>
        %swap3A_2732 = tpu.memref_squeeze %swap3A_2731 : memref<1x2x4x4x8x128xf32, #tpu.memory_space<vmem>> -> memref<2x4x4x8x128xf32, #tpu.memory_space<vmem>>
        %swap3A_2733 = arith.index_cast %shift_right_logical3A_2715 : i32 to index
        %swap3A_2734 = arith.index_cast %swap3A_2724 : i32 to index
        %swap3A_2735 = arith.index_cast %and3A_2719 : i32 to index
        %swap3A_2736 = arith.index_cast %swap3A_2725 : i32 to index
        %swap3A_2737 = arith.index_cast %mul3A_2723 : i32 to index
        %swap3A_2738 = tpu.vector_load %swap3A_2732[%swap3A_2733, %swap3A_2734, %swap3A_2735, %swap3A_2736, %swap3A_2737] {strides = array<i32>} : memref<2x4x4x8x128xf32, #tpu.memory_space<vmem>>, vector<16xf32>,
        tpu.vector_store %swap3A_2732[%swap3A_2733, %swap3A_2734, %swap3A_2735, %swap3A_2736, %swap3A_2737], %gather3A_2231 {strides = array<i32>} : memref<2x4x4x8x128xf32, #tpu.memory_space<vmem>>, vector<16xf32>,
        %add3A_2739 = arith.constant 2400 : i32
        %add3A_2740 = vector.broadcast %add3A_2739 : i32 to vector<16xi32>
        %add3A_2741 = arith.addi %get3A_2011, %add3A_2740 : vector<16xi32>
        %gather3A_2742 = tpu.vector_load_idx %arg5[%add3A_2741] : memref<3200xf32, #tpu.memory_space<vmem>>[vector<16xi32>], vector<16xf32>,
        %shift_right_logical3A_2743 = arith.constant 5 : i32
        %shift_right_logical3A_2744 = arith.shrui %scan3A_1988, %shift_right_logical3A_2743 : i32
        %shift_right_logical3A_2745 = arith.constant 3 : i32
        %shift_right_logical3A_2746 = arith.shrui %scan3A_1988, %shift_right_logical3A_2745 : i32
        %and3A_2747 = arith.constant 3 : i32
        %and3A_2748 = arith.andi %shift_right_logical3A_2746, %and3A_2747 : i32
        %and3A_2749 = arith.constant 7 : i32
        %and3A_2750 = arith.andi %scan3A_1988, %and3A_2749 : i32
        %mul3A_2751 = arith.constant 16 : i32
        %mul3A_2752 = arith.muli %and3A_2750, %mul3A_2751 : i32
        %swap3A_2753 = arith.constant 1 : i32
        %swap3A_2754 = arith.constant 0 : i32
        %swap3A_2755 = arith.constant 0 : i32
        %swap3A_2756 = arith.constant 0 : i32
        %swap3A_2757 = arith.constant 0 : i32
        %swap3A_2758 = arith.constant 0 : i32
        %swap3A_2759 = arith.constant 0 : i32
        %swap3A_2760 = tpu.memref_slice %arg7[%scan3A_607, %swap3A_2755, %swap3A_2756, %swap3A_2757, %swap3A_2758, %swap3A_2759] : memref<2x2x4x4x8x128xf32, #tpu.memory_space<vmem>> -> memref<1x2x4x4x8x128xf32, #tpu.memory_space<vmem>>
        %swap3A_2761 = tpu.memref_squeeze %swap3A_2760 : memref<1x2x4x4x8x128xf32, #tpu.memory_space<vmem>> -> memref<2x4x4x8x128xf32, #tpu.memory_space<vmem>>
        %swap3A_2762 = arith.index_cast %shift_right_logical3A_2744 : i32 to index
        %swap3A_2763 = arith.index_cast %swap3A_2753 : i32 to index
        %swap3A_2764 = arith.index_cast %and3A_2748 : i32 to index
        %swap3A_2765 = arith.index_cast %swap3A_2754 : i32 to index
        %swap3A_2766 = arith.index_cast %mul3A_2752 : i32 to index
        %swap3A_2767 = tpu.vector_load %swap3A_2761[%swap3A_2762, %swap3A_2763, %swap3A_2764, %swap3A_2765, %swap3A_2766] {strides = array<i32>} : memref<2x4x4x8x128xf32, #tpu.memory_space<vmem>>, vector<16xf32>,
        tpu.vector_store %swap3A_2761[%swap3A_2762, %swap3A_2763, %swap3A_2764, %swap3A_2765, %swap3A_2766], %gather3A_2262 {strides = array<i32>} : memref<2x4x4x8x128xf32, #tpu.memory_space<vmem>>, vector<16xf32>,
        %add3A_2768 = arith.constant 2500 : i32
        %add3A_2769 = vector.broadcast %add3A_2768 : i32 to vector<16xi32>
        %add3A_2770 = arith.addi %get3A_2011, %add3A_2769 : vector<16xi32>
        %gather3A_2771 = tpu.vector_load_idx %arg5[%add3A_2770] : memref<3200xf32, #tpu.memory_space<vmem>>[vector<16xi32>], vector<16xf32>,
        %shift_right_logical3A_2772 = arith.constant 5 : i32
        %shift_right_logical3A_2773 = arith.shrui %scan3A_1988, %shift_right_logical3A_2772 : i32
        %shift_right_logical3A_2774 = arith.constant 3 : i32
        %shift_right_logical3A_2775 = arith.shrui %scan3A_1988, %shift_right_logical3A_2774 : i32
        %and3A_2776 = arith.constant 3 : i32
        %and3A_2777 = arith.andi %shift_right_logical3A_2775, %and3A_2776 : i32
        %and3A_2778 = arith.constant 7 : i32
        %and3A_2779 = arith.andi %scan3A_1988, %and3A_2778 : i32
        %mul3A_2780 = arith.constant 16 : i32
        %mul3A_2781 = arith.muli %and3A_2779, %mul3A_2780 : i32
        %swap3A_2782 = arith.constant 1 : i32
        %swap3A_2783 = arith.constant 1 : i32
        %swap3A_2784 = arith.constant 0 : i32
        %swap3A_2785 = arith.constant 0 : i32
        %swap3A_2786 = arith.constant 0 : i32
        %swap3A_2787 = arith.constant 0 : i32
        %swap3A_2788 = arith.constant 0 : i32
        %swap3A_2789 = tpu.memref_slice %arg7[%scan3A_607, %swap3A_2784, %swap3A_2785, %swap3A_2786, %swap3A_2787, %swap3A_2788] : memref<2x2x4x4x8x128xf32, #tpu.memory_space<vmem>> -> memref<1x2x4x4x8x128xf32, #tpu.memory_space<vmem>>
        %swap3A_2790 = tpu.memref_squeeze %swap3A_2789 : memref<1x2x4x4x8x128xf32, #tpu.memory_space<vmem>> -> memref<2x4x4x8x128xf32, #tpu.memory_space<vmem>>
        %swap3A_2791 = arith.index_cast %shift_right_logical3A_2773 : i32 to index
        %swap3A_2792 = arith.index_cast %swap3A_2782 : i32 to index
        %swap3A_2793 = arith.index_cast %and3A_2777 : i32 to index
        %swap3A_2794 = arith.index_cast %swap3A_2783 : i32 to index
        %swap3A_2795 = arith.index_cast %mul3A_2781 : i32 to index
        %swap3A_2796 = tpu.vector_load %swap3A_2790[%swap3A_2791, %swap3A_2792, %swap3A_2793, %swap3A_2794, %swap3A_2795] {strides = array<i32>} : memref<2x4x4x8x128xf32, #tpu.memory_space<vmem>>, vector<16xf32>,
        tpu.vector_store %swap3A_2790[%swap3A_2791, %swap3A_2792, %swap3A_2793, %swap3A_2794, %swap3A_2795], %gather3A_2293 {strides = array<i32>} : memref<2x4x4x8x128xf32, #tpu.memory_space<vmem>>, vector<16xf32>,
        %add3A_2797 = arith.constant 2600 : i32
        %add3A_2798 = vector.broadcast %add3A_2797 : i32 to vector<16xi32>
        %add3A_2799 = arith.addi %get3A_2011, %add3A_2798 : vector<16xi32>
        %gather3A_2800 = tpu.vector_load_idx %arg5[%add3A_2799] : memref<3200xf32, #tpu.memory_space<vmem>>[vector<16xi32>], vector<16xf32>,
        %shift_right_logical3A_2801 = arith.constant 5 : i32
        %shift_right_logical3A_2802 = arith.shrui %scan3A_1988, %shift_right_logical3A_2801 : i32
        %shift_right_logical3A_2803 = arith.constant 3 : i32
        %shift_right_logical3A_2804 = arith.shrui %scan3A_1988, %shift_right_logical3A_2803 : i32
        %and3A_2805 = arith.constant 3 : i32
        %and3A_2806 = arith.andi %shift_right_logical3A_2804, %and3A_2805 : i32
        %and3A_2807 = arith.constant 7 : i32
        %and3A_2808 = arith.andi %scan3A_1988, %and3A_2807 : i32
        %mul3A_2809 = arith.constant 16 : i32
        %mul3A_2810 = arith.muli %and3A_2808, %mul3A_2809 : i32
        %swap3A_2811 = arith.constant 1 : i32
        %swap3A_2812 = arith.constant 2 : i32
        %swap3A_2813 = arith.constant 0 : i32
        %swap3A_2814 = arith.constant 0 : i32
        %swap3A_2815 = arith.constant 0 : i32
        %swap3A_2816 = arith.constant 0 : i32
        %swap3A_2817 = arith.constant 0 : i32
        %swap3A_2818 = tpu.memref_slice %arg7[%scan3A_607, %swap3A_2813, %swap3A_2814, %swap3A_2815, %swap3A_2816, %swap3A_2817] : memref<2x2x4x4x8x128xf32, #tpu.memory_space<vmem>> -> memref<1x2x4x4x8x128xf32, #tpu.memory_space<vmem>>
        %swap3A_2819 = tpu.memref_squeeze %swap3A_2818 : memref<1x2x4x4x8x128xf32, #tpu.memory_space<vmem>> -> memref<2x4x4x8x128xf32, #tpu.memory_space<vmem>>
        %swap3A_2820 = arith.index_cast %shift_right_logical3A_2802 : i32 to index
        %swap3A_2821 = arith.index_cast %swap3A_2811 : i32 to index
        %swap3A_2822 = arith.index_cast %and3A_2806 : i32 to index
        %swap3A_2823 = arith.index_cast %swap3A_2812 : i32 to index
        %swap3A_2824 = arith.index_cast %mul3A_2810 : i32 to index
        %swap3A_2825 = tpu.vector_load %swap3A_2819[%swap3A_2820, %swap3A_2821, %swap3A_2822, %swap3A_2823, %swap3A_2824] {strides = array<i32>} : memref<2x4x4x8x128xf32, #tpu.memory_space<vmem>>, vector<16xf32>,
        tpu.vector_store %swap3A_2819[%swap3A_2820, %swap3A_2821, %swap3A_2822, %swap3A_2823, %swap3A_2824], %gather3A_2324 {strides = array<i32>} : memref<2x4x4x8x128xf32, #tpu.memory_space<vmem>>, vector<16xf32>,
        %add3A_2826 = arith.constant 2700 : i32
        %add3A_2827 = vector.broadcast %add3A_2826 : i32 to vector<16xi32>
        %add3A_2828 = arith.addi %get3A_2011, %add3A_2827 : vector<16xi32>
        %gather3A_2829 = tpu.vector_load_idx %arg5[%add3A_2828] : memref<3200xf32, #tpu.memory_space<vmem>>[vector<16xi32>], vector<16xf32>,
        %shift_right_logical3A_2830 = arith.constant 5 : i32
        %shift_right_logical3A_2831 = arith.shrui %scan3A_1988, %shift_right_logical3A_2830 : i32
        %shift_right_logical3A_2832 = arith.constant 3 : i32
        %shift_right_logical3A_2833 = arith.shrui %scan3A_1988, %shift_right_logical3A_2832 : i32
        %and3A_2834 = arith.constant 3 : i32
        %and3A_2835 = arith.andi %shift_right_logical3A_2833, %and3A_2834 : i32
        %and3A_2836 = arith.constant 7 : i32
        %and3A_2837 = arith.andi %scan3A_1988, %and3A_2836 : i32
        %mul3A_2838 = arith.constant 16 : i32
        %mul3A_2839 = arith.muli %and3A_2837, %mul3A_2838 : i32
        %swap3A_2840 = arith.constant 1 : i32
        %swap3A_2841 = arith.constant 3 : i32
        %swap3A_2842 = arith.constant 0 : i32
        %swap3A_2843 = arith.constant 0 : i32
        %swap3A_2844 = arith.constant 0 : i32
        %swap3A_2845 = arith.constant 0 : i32
        %swap3A_2846 = arith.constant 0 : i32
        %swap3A_2847 = tpu.memref_slice %arg7[%scan3A_607, %swap3A_2842, %swap3A_2843, %swap3A_2844, %swap3A_2845, %swap3A_2846] : memref<2x2x4x4x8x128xf32, #tpu.memory_space<vmem>> -> memref<1x2x4x4x8x128xf32, #tpu.memory_space<vmem>>
        %swap3A_2848 = tpu.memref_squeeze %swap3A_2847 : memref<1x2x4x4x8x128xf32, #tpu.memory_space<vmem>> -> memref<2x4x4x8x128xf32, #tpu.memory_space<vmem>>
        %swap3A_2849 = arith.index_cast %shift_right_logical3A_2831 : i32 to index
        %swap3A_2850 = arith.index_cast %swap3A_2840 : i32 to index
        %swap3A_2851 = arith.index_cast %and3A_2835 : i32 to index
        %swap3A_2852 = arith.index_cast %swap3A_2841 : i32 to index
        %swap3A_2853 = arith.index_cast %mul3A_2839 : i32 to index
        %swap3A_2854 = tpu.vector_load %swap3A_2848[%swap3A_2849, %swap3A_2850, %swap3A_2851, %swap3A_2852, %swap3A_2853] {strides = array<i32>} : memref<2x4x4x8x128xf32, #tpu.memory_space<vmem>>, vector<16xf32>,
        tpu.vector_store %swap3A_2848[%swap3A_2849, %swap3A_2850, %swap3A_2851, %swap3A_2852, %swap3A_2853], %gather3A_2355 {strides = array<i32>} : memref<2x4x4x8x128xf32, #tpu.memory_space<vmem>>, vector<16xf32>,
        %add3A_2855 = arith.constant 2800 : i32
        %add3A_2856 = vector.broadcast %add3A_2855 : i32 to vector<16xi32>
        %add3A_2857 = arith.addi %get3A_2011, %add3A_2856 : vector<16xi32>
        %gather3A_2858 = tpu.vector_load_idx %arg5[%add3A_2857] : memref<3200xf32, #tpu.memory_space<vmem>>[vector<16xi32>], vector<16xf32>,
        %shift_right_logical3A_2859 = arith.constant 5 : i32
        %shift_right_logical3A_2860 = arith.shrui %scan3A_1988, %shift_right_logical3A_2859 : i32
        %shift_right_logical3A_2861 = arith.constant 3 : i32
        %shift_right_logical3A_2862 = arith.shrui %scan3A_1988, %shift_right_logical3A_2861 : i32
        %and3A_2863 = arith.constant 3 : i32
        %and3A_2864 = arith.andi %shift_right_logical3A_2862, %and3A_2863 : i32
        %and3A_2865 = arith.constant 7 : i32
        %and3A_2866 = arith.andi %scan3A_1988, %and3A_2865 : i32
        %mul3A_2867 = arith.constant 16 : i32
        %mul3A_2868 = arith.muli %and3A_2866, %mul3A_2867 : i32
        %swap3A_2869 = arith.constant 1 : i32
        %swap3A_2870 = arith.constant 4 : i32
        %swap3A_2871 = arith.constant 0 : i32
        %swap3A_2872 = arith.constant 0 : i32
        %swap3A_2873 = arith.constant 0 : i32
        %swap3A_2874 = arith.constant 0 : i32
        %swap3A_2875 = arith.constant 0 : i32
        %swap3A_2876 = tpu.memref_slice %arg7[%scan3A_607, %swap3A_2871, %swap3A_2872, %swap3A_2873, %swap3A_2874, %swap3A_2875] : memref<2x2x4x4x8x128xf32, #tpu.memory_space<vmem>> -> memref<1x2x4x4x8x128xf32, #tpu.memory_space<vmem>>
        %swap3A_2877 = tpu.memref_squeeze %swap3A_2876 : memref<1x2x4x4x8x128xf32, #tpu.memory_space<vmem>> -> memref<2x4x4x8x128xf32, #tpu.memory_space<vmem>>
        %swap3A_2878 = arith.index_cast %shift_right_logical3A_2860 : i32 to index
        %swap3A_2879 = arith.index_cast %swap3A_2869 : i32 to index
        %swap3A_2880 = arith.index_cast %and3A_2864 : i32 to index
        %swap3A_2881 = arith.index_cast %swap3A_2870 : i32 to index
        %swap3A_2882 = arith.index_cast %mul3A_2868 : i32 to index
        %swap3A_2883 = tpu.vector_load %swap3A_2877[%swap3A_2878, %swap3A_2879, %swap3A_2880, %swap3A_2881, %swap3A_2882] {strides = array<i32>} : memref<2x4x4x8x128xf32, #tpu.memory_space<vmem>>, vector<16xf32>,
        tpu.vector_store %swap3A_2877[%swap3A_2878, %swap3A_2879, %swap3A_2880, %swap3A_2881, %swap3A_2882], %gather3A_2386 {strides = array<i32>} : memref<2x4x4x8x128xf32, #tpu.memory_space<vmem>>, vector<16xf32>,
        %add3A_2884 = arith.constant 2900 : i32
        %add3A_2885 = vector.broadcast %add3A_2884 : i32 to vector<16xi32>
        %add3A_2886 = arith.addi %get3A_2011, %add3A_2885 : vector<16xi32>
        %gather3A_2887 = tpu.vector_load_idx %arg5[%add3A_2886] : memref<3200xf32, #tpu.memory_space<vmem>>[vector<16xi32>], vector<16xf32>,
        %shift_right_logical3A_2888 = arith.constant 5 : i32
        %shift_right_logical3A_2889 = arith.shrui %scan3A_1988, %shift_right_logical3A_2888 : i32
        %shift_right_logical3A_2890 = arith.constant 3 : i32
        %shift_right_logical3A_2891 = arith.shrui %scan3A_1988, %shift_right_logical3A_2890 : i32
        %and3A_2892 = arith.constant 3 : i32
        %and3A_2893 = arith.andi %shift_right_logical3A_2891, %and3A_2892 : i32
        %and3A_2894 = arith.constant 7 : i32
        %and3A_2895 = arith.andi %scan3A_1988, %and3A_2894 : i32
        %mul3A_2896 = arith.constant 16 : i32
        %mul3A_2897 = arith.muli %and3A_2895, %mul3A_2896 : i32
        %swap3A_2898 = arith.constant 1 : i32
        %swap3A_2899 = arith.constant 5 : i32
        %swap3A_2900 = arith.constant 0 : i32
        %swap3A_2901 = arith.constant 0 : i32
        %swap3A_2902 = arith.constant 0 : i32
        %swap3A_2903 = arith.constant 0 : i32
        %swap3A_2904 = arith.constant 0 : i32
        %swap3A_2905 = tpu.memref_slice %arg7[%scan3A_607, %swap3A_2900, %swap3A_2901, %swap3A_2902, %swap3A_2903, %swap3A_2904] : memref<2x2x4x4x8x128xf32, #tpu.memory_space<vmem>> -> memref<1x2x4x4x8x128xf32, #tpu.memory_space<vmem>>
        %swap3A_2906 = tpu.memref_squeeze %swap3A_2905 : memref<1x2x4x4x8x128xf32, #tpu.memory_space<vmem>> -> memref<2x4x4x8x128xf32, #tpu.memory_space<vmem>>
        %swap3A_2907 = arith.index_cast %shift_right_logical3A_2889 : i32 to index
        %swap3A_2908 = arith.index_cast %swap3A_2898 : i32 to index
        %swap3A_2909 = arith.index_cast %and3A_2893 : i32 to index
        %swap3A_2910 = arith.index_cast %swap3A_2899 : i32 to index
        %swap3A_2911 = arith.index_cast %mul3A_2897 : i32 to index
        %swap3A_2912 = tpu.vector_load %swap3A_2906[%swap3A_2907, %swap3A_2908, %swap3A_2909, %swap3A_2910, %swap3A_2911] {strides = array<i32>} : memref<2x4x4x8x128xf32, #tpu.memory_space<vmem>>, vector<16xf32>,
        tpu.vector_store %swap3A_2906[%swap3A_2907, %swap3A_2908, %swap3A_2909, %swap3A_2910, %swap3A_2911], %gather3A_2417 {strides = array<i32>} : memref<2x4x4x8x128xf32, #tpu.memory_space<vmem>>, vector<16xf32>,
        %add3A_2913 = arith.constant 3000 : i32
        %add3A_2914 = vector.broadcast %add3A_2913 : i32 to vector<16xi32>
        %add3A_2915 = arith.addi %get3A_2011, %add3A_2914 : vector<16xi32>
        %gather3A_2916 = tpu.vector_load_idx %arg5[%add3A_2915] : memref<3200xf32, #tpu.memory_space<vmem>>[vector<16xi32>], vector<16xf32>,
        %shift_right_logical3A_2917 = arith.constant 5 : i32
        %shift_right_logical3A_2918 = arith.shrui %scan3A_1988, %shift_right_logical3A_2917 : i32
        %shift_right_logical3A_2919 = arith.constant 3 : i32
        %shift_right_logical3A_2920 = arith.shrui %scan3A_1988, %shift_right_logical3A_2919 : i32
        %and3A_2921 = arith.constant 3 : i32
        %and3A_2922 = arith.andi %shift_right_logical3A_2920, %and3A_2921 : i32
        %and3A_2923 = arith.constant 7 : i32
        %and3A_2924 = arith.andi %scan3A_1988, %and3A_2923 : i32
        %mul3A_2925 = arith.constant 16 : i32
        %mul3A_2926 = arith.muli %and3A_2924, %mul3A_2925 : i32
        %swap3A_2927 = arith.constant 1 : i32
        %swap3A_2928 = arith.constant 6 : i32
        %swap3A_2929 = arith.constant 0 : i32
        %swap3A_2930 = arith.constant 0 : i32
        %swap3A_2931 = arith.constant 0 : i32
        %swap3A_2932 = arith.constant 0 : i32
        %swap3A_2933 = arith.constant 0 : i32
        %swap3A_2934 = tpu.memref_slice %arg7[%scan3A_607, %swap3A_2929, %swap3A_2930, %swap3A_2931, %swap3A_2932, %swap3A_2933] : memref<2x2x4x4x8x128xf32, #tpu.memory_space<vmem>> -> memref<1x2x4x4x8x128xf32, #tpu.memory_space<vmem>>
        %swap3A_2935 = tpu.memref_squeeze %swap3A_2934 : memref<1x2x4x4x8x128xf32, #tpu.memory_space<vmem>> -> memref<2x4x4x8x128xf32, #tpu.memory_space<vmem>>
        %swap3A_2936 = arith.index_cast %shift_right_logical3A_2918 : i32 to index
        %swap3A_2937 = arith.index_cast %swap3A_2927 : i32 to index
        %swap3A_2938 = arith.index_cast %and3A_2922 : i32 to index
        %swap3A_2939 = arith.index_cast %swap3A_2928 : i32 to index
        %swap3A_2940 = arith.index_cast %mul3A_2926 : i32 to index
        %swap3A_2941 = tpu.vector_load %swap3A_2935[%swap3A_2936, %swap3A_2937, %swap3A_2938, %swap3A_2939, %swap3A_2940] {strides = array<i32>} : memref<2x4x4x8x128xf32, #tpu.memory_space<vmem>>, vector<16xf32>,
        tpu.vector_store %swap3A_2935[%swap3A_2936, %swap3A_2937, %swap3A_2938, %swap3A_2939, %swap3A_2940], %gather3A_2448 {strides = array<i32>} : memref<2x4x4x8x128xf32, #tpu.memory_space<vmem>>, vector<16xf32>,
        %add3A_2942 = arith.constant 3100 : i32
        %add3A_2943 = vector.broadcast %add3A_2942 : i32 to vector<16xi32>
        %add3A_2944 = arith.addi %get3A_2011, %add3A_2943 : vector<16xi32>
        %gather3A_2945 = tpu.vector_load_idx %arg5[%add3A_2944] : memref<3200xf32, #tpu.memory_space<vmem>>[vector<16xi32>], vector<16xf32>,
        %shift_right_logical3A_2946 = arith.constant 5 : i32
        %shift_right_logical3A_2947 = arith.shrui %scan3A_1988, %shift_right_logical3A_2946 : i32
        %shift_right_logical3A_2948 = arith.constant 3 : i32
        %shift_right_logical3A_2949 = arith.shrui %scan3A_1988, %shift_right_logical3A_2948 : i32
        %and3A_2950 = arith.constant 3 : i32
        %and3A_2951 = arith.andi %shift_right_logical3A_2949, %and3A_2950 : i32
        %and3A_2952 = arith.constant 7 : i32
        %and3A_2953 = arith.andi %scan3A_1988, %and3A_2952 : i32
        %mul3A_2954 = arith.constant 16 : i32
        %mul3A_2955 = arith.muli %and3A_2953, %mul3A_2954 : i32
        %swap3A_2956 = arith.constant 1 : i32
        %swap3A_2957 = arith.constant 7 : i32
        %swap3A_2958 = arith.constant 0 : i32
        %swap3A_2959 = arith.constant 0 : i32
        %swap3A_2960 = arith.constant 0 : i32
        %swap3A_2961 = arith.constant 0 : i32
        %swap3A_2962 = arith.constant 0 : i32
        %swap3A_2963 = tpu.memref_slice %arg7[%scan3A_607, %swap3A_2958, %swap3A_2959, %swap3A_2960, %swap3A_2961, %swap3A_2962] : memref<2x2x4x4x8x128xf32, #tpu.memory_space<vmem>> -> memref<1x2x4x4x8x128xf32, #tpu.memory_space<vmem>>
        %swap3A_2964 = tpu.memref_squeeze %swap3A_2963 : memref<1x2x4x4x8x128xf32, #tpu.memory_space<vmem>> -> memref<2x4x4x8x128xf32, #tpu.memory_space<vmem>>
        %swap3A_2965 = arith.index_cast %shift_right_logical3A_2947 : i32 to index
        %swap3A_2966 = arith.index_cast %swap3A_2956 : i32 to index
        %swap3A_2967 = arith.index_cast %and3A_2951 : i32 to index
        %swap3A_2968 = arith.index_cast %swap3A_2957 : i32 to index
        %swap3A_2969 = arith.index_cast %mul3A_2955 : i32 to index
        %swap3A_2970 = tpu.vector_load %swap3A_2964[%swap3A_2965, %swap3A_2966, %swap3A_2967, %swap3A_2968, %swap3A_2969] {strides = array<i32>} : memref<2x4x4x8x128xf32, #tpu.memory_space<vmem>>, vector<16xf32>,
        tpu.vector_store %swap3A_2964[%swap3A_2965, %swap3A_2966, %swap3A_2967, %swap3A_2968, %swap3A_2969], %gather3A_2479 {strides = array<i32>} : memref<2x4x4x8x128xf32, #tpu.memory_space<vmem>>, vector<16xf32>,
        scf.yield %gather3A_2510, %gather3A_2539, %gather3A_2568, %gather3A_2597, %gather3A_2626, %gather3A_2655, %gather3A_2684, %gather3A_2713, %gather3A_2742, %gather3A_2771, %gather3A_2800, %gather3A_2829, %gather3A_2858, %gather3A_2887, %gather3A_2916, %gather3A_2945 : vector<16xf32>, vector<16xf32>, vector<16xf32>, vector<16xf32>, vector<16xf32>, vector<16xf32>, vector<16xf32>, vector<16xf32>, vector<16xf32>, vector<16xf32>, vector<16xf32>, vector<16xf32>, vector<16xf32>, vector<16xf32>, vector<16xf32>, vector<16xf32>
      }
      %scan3A_613 = arith.constant 63 : i32
      %shift_right_logical3A_614 = arith.constant 63 : i32
      %shift_right_logical3A_615 = arith.constant 5 : i32
      %shift_right_logical3A_616 = arith.shrui %shift_right_logical3A_614, %shift_right_logical3A_615 : i32
      %shift_right_logical3A_617 = arith.constant 63 : i32
      %shift_right_logical3A_618 = arith.constant 3 : i32
      %shift_right_logical3A_619 = arith.shrui %shift_right_logical3A_617, %shift_right_logical3A_618 : i32
      %and3A_620 = arith.constant 3 : i32
      %and3A_621 = arith.andi %shift_right_logical3A_619, %and3A_620 : i32
      %swap3A_622 = arith.constant 0 : i32
      %swap3A_623 = arith.constant 2 : i32
      %swap3A_624 = arith.constant 0 : i32
      %swap3A_625 = arith.constant 0 : i32
      %swap3A_626 = arith.constant 0 : i32
      %swap3A_627 = arith.constant 0 : i32
      %swap3A_628 = arith.constant 0 : i32
      %swap3A_629 = arith.constant 0 : i32
      %swap3A_630 = tpu.memref_slice %arg7[%swap3A_622, %swap3A_625, %swap3A_626, %swap3A_627, %swap3A_628, %swap3A_629] : memref<2x2x4x4x8x128xf32, #tpu.memory_space<vmem>> -> memref<1x2x4x4x8x128xf32, #tpu.memory_space<vmem>>
      %swap3A_631 = tpu.memref_squeeze %swap3A_630 : memref<1x2x4x4x8x128xf32, #tpu.memory_space<vmem>> -> memref<2x4x4x8x128xf32, #tpu.memory_space<vmem>>
      %swap3A_632 = arith.index_cast %shift_right_logical3A_616 : i32 to index
      %swap3A_633 = arith.index_cast %swap3A_623 : i32 to index
      %swap3A_634 = arith.index_cast %and3A_621 : i32 to index
      %swap3A_635 = arith.index_cast %swap3A_624 : i32 to index
      %swap3A_636 = arith.constant 112 : index
      %swap3A_637 = tpu.vector_load %swap3A_631[%swap3A_632, %swap3A_633, %swap3A_634, %swap3A_635, %swap3A_636] {strides = array<i32>} : memref<2x4x4x8x128xf32, #tpu.memory_space<vmem>>, vector<16xf32>,
      tpu.vector_store %swap3A_631[%swap3A_632, %swap3A_633, %swap3A_634, %swap3A_635, %swap3A_636], %scan3A_612#0 {strides = array<i32>} : memref<2x4x4x8x128xf32, #tpu.memory_space<vmem>>, vector<16xf32>,
      %shift_right_logical3A_638 = arith.constant 63 : i32
      %shift_right_logical3A_639 = arith.constant 5 : i32
      %shift_right_logical3A_640 = arith.shrui %shift_right_logical3A_638, %shift_right_logical3A_639 : i32
      %shift_right_logical3A_641 = arith.constant 63 : i32
      %shift_right_logical3A_642 = arith.constant 3 : i32
      %shift_right_logical3A_643 = arith.shrui %shift_right_logical3A_641, %shift_right_logical3A_642 : i32
      %and3A_644 = arith.constant 3 : i32
      %and3A_645 = arith.andi %shift_right_logical3A_643, %and3A_644 : i32
      %swap3A_646 = arith.constant 0 : i32
      %swap3A_647 = arith.constant 2 : i32
      %swap3A_648 = arith.constant 1 : i32
      %swap3A_649 = arith.constant 0 : i32
      %swap3A_650 = arith.constant 0 : i32
      %swap3A_651 = arith.constant 0 : i32
      %swap3A_652 = arith.constant 0 : i32
      %swap3A_653 = arith.constant 0 : i32
      %swap3A_654 = tpu.memref_slice %arg7[%swap3A_646, %swap3A_649, %swap3A_650, %swap3A_651, %swap3A_652, %swap3A_653] : memref<2x2x4x4x8x128xf32, #tpu.memory_space<vmem>> -> memref<1x2x4x4x8x128xf32, #tpu.memory_space<vmem>>
      %swap3A_655 = tpu.memref_squeeze %swap3A_654 : memref<1x2x4x4x8x128xf32, #tpu.memory_space<vmem>> -> memref<2x4x4x8x128xf32, #tpu.memory_space<vmem>>
      %swap3A_656 = arith.index_cast %shift_right_logical3A_640 : i32 to index
      %swap3A_657 = arith.index_cast %swap3A_647 : i32 to index
      %swap3A_658 = arith.index_cast %and3A_645 : i32 to index
      %swap3A_659 = arith.index_cast %swap3A_648 : i32 to index
      %swap3A_660 = arith.constant 112 : index
      %swap3A_661 = tpu.vector_load %swap3A_655[%swap3A_656, %swap3A_657, %swap3A_658, %swap3A_659, %swap3A_660] {strides = array<i32>} : memref<2x4x4x8x128xf32, #tpu.memory_space<vmem>>, vector<16xf32>,
      tpu.vector_store %swap3A_655[%swap3A_656, %swap3A_657, %swap3A_658, %swap3A_659, %swap3A_660], %scan3A_612#1 {strides = array<i32>} : memref<2x4x4x8x128xf32, #tpu.memory_space<vmem>>, vector<16xf32>,
      %shift_right_logical3A_662 = arith.constant 63 : i32
      %shift_right_logical3A_663 = arith.constant 5 : i32
      %shift_right_logical3A_664 = arith.shrui %shift_right_logical3A_662, %shift_right_logical3A_663 : i32
      %shift_right_logical3A_665 = arith.constant 63 : i32
      %shift_right_logical3A_666 = arith.constant 3 : i32
      %shift_right_logical3A_667 = arith.shrui %shift_right_logical3A_665, %shift_right_logical3A_666 : i32
      %and3A_668 = arith.constant 3 : i32
      %and3A_669 = arith.andi %shift_right_logical3A_667, %and3A_668 : i32
      %swap3A_670 = arith.constant 0 : i32
      %swap3A_671 = arith.constant 2 : i32
      %swap3A_672 = arith.constant 2 : i32
      %swap3A_673 = arith.constant 0 : i32
      %swap3A_674 = arith.constant 0 : i32
      %swap3A_675 = arith.constant 0 : i32
      %swap3A_676 = arith.constant 0 : i32
      %swap3A_677 = arith.constant 0 : i32
      %swap3A_678 = tpu.memref_slice %arg7[%swap3A_670, %swap3A_673, %swap3A_674, %swap3A_675, %swap3A_676, %swap3A_677] : memref<2x2x4x4x8x128xf32, #tpu.memory_space<vmem>> -> memref<1x2x4x4x8x128xf32, #tpu.memory_space<vmem>>
      %swap3A_679 = tpu.memref_squeeze %swap3A_678 : memref<1x2x4x4x8x128xf32, #tpu.memory_space<vmem>> -> memref<2x4x4x8x128xf32, #tpu.memory_space<vmem>>
      %swap3A_680 = arith.index_cast %shift_right_logical3A_664 : i32 to index
      %swap3A_681 = arith.index_cast %swap3A_671 : i32 to index
      %swap3A_682 = arith.index_cast %and3A_669 : i32 to index
      %swap3A_683 = arith.index_cast %swap3A_672 : i32 to index
      %swap3A_684 = arith.constant 112 : index
      %swap3A_685 = tpu.vector_load %swap3A_679[%swap3A_680, %swap3A_681, %swap3A_682, %swap3A_683, %swap3A_684] {strides = array<i32>} : memref<2x4x4x8x128xf32, #tpu.memory_space<vmem>>, vector<16xf32>,
      tpu.vector_store %swap3A_679[%swap3A_680, %swap3A_681, %swap3A_682, %swap3A_683, %swap3A_684], %scan3A_612#2 {strides = array<i32>} : memref<2x4x4x8x128xf32, #tpu.memory_space<vmem>>, vector<16xf32>,
      %shift_right_logical3A_686 = arith.constant 63 : i32
      %shift_right_logical3A_687 = arith.constant 5 : i32
      %shift_right_logical3A_688 = arith.shrui %shift_right_logical3A_686, %shift_right_logical3A_687 : i32
      %shift_right_logical3A_689 = arith.constant 63 : i32
      %shift_right_logical3A_690 = arith.constant 3 : i32
      %shift_right_logical3A_691 = arith.shrui %shift_right_logical3A_689, %shift_right_logical3A_690 : i32
      %and3A_692 = arith.constant 3 : i32
      %and3A_693 = arith.andi %shift_right_logical3A_691, %and3A_692 : i32
      %swap3A_694 = arith.constant 0 : i32
      %swap3A_695 = arith.constant 2 : i32
      %swap3A_696 = arith.constant 3 : i32
      %swap3A_697 = arith.constant 0 : i32
      %swap3A_698 = arith.constant 0 : i32
      %swap3A_699 = arith.constant 0 : i32
      %swap3A_700 = arith.constant 0 : i32
      %swap3A_701 = arith.constant 0 : i32
      %swap3A_702 = tpu.memref_slice %arg7[%swap3A_694, %swap3A_697, %swap3A_698, %swap3A_699, %swap3A_700, %swap3A_701] : memref<2x2x4x4x8x128xf32, #tpu.memory_space<vmem>> -> memref<1x2x4x4x8x128xf32, #tpu.memory_space<vmem>>
      %swap3A_703 = tpu.memref_squeeze %swap3A_702 : memref<1x2x4x4x8x128xf32, #tpu.memory_space<vmem>> -> memref<2x4x4x8x128xf32, #tpu.memory_space<vmem>>
      %swap3A_704 = arith.index_cast %shift_right_logical3A_688 : i32 to index
      %swap3A_705 = arith.index_cast %swap3A_695 : i32 to index
      %swap3A_706 = arith.index_cast %and3A_693 : i32 to index
      %swap3A_707 = arith.index_cast %swap3A_696 : i32 to index
      %swap3A_708 = arith.constant 112 : index
      %swap3A_709 = tpu.vector_load %swap3A_703[%swap3A_704, %swap3A_705, %swap3A_706, %swap3A_707, %swap3A_708] {strides = array<i32>} : memref<2x4x4x8x128xf32, #tpu.memory_space<vmem>>, vector<16xf32>,
      tpu.vector_store %swap3A_703[%swap3A_704, %swap3A_705, %swap3A_706, %swap3A_707, %swap3A_708], %scan3A_612#3 {strides = array<i32>} : memref<2x4x4x8x128xf32, #tpu.memory_space<vmem>>, vector<16xf32>,
      %shift_right_logical3A_710 = arith.constant 63 : i32
      %shift_right_logical3A_711 = arith.constant 5 : i32
      %shift_right_logical3A_712 = arith.shrui %shift_right_logical3A_710, %shift_right_logical3A_711 : i32
      %shift_right_logical3A_713 = arith.constant 63 : i32
      %shift_right_logical3A_714 = arith.constant 3 : i32
      %shift_right_logical3A_715 = arith.shrui %shift_right_logical3A_713, %shift_right_logical3A_714 : i32
      %and3A_716 = arith.constant 3 : i32
      %and3A_717 = arith.andi %shift_right_logical3A_715, %and3A_716 : i32
      %swap3A_718 = arith.constant 0 : i32
      %swap3A_719 = arith.constant 2 : i32
      %swap3A_720 = arith.constant 4 : i32
      %swap3A_721 = arith.constant 0 : i32
      %swap3A_722 = arith.constant 0 : i32
      %swap3A_723 = arith.constant 0 : i32
      %swap3A_724 = arith.constant 0 : i32
      %swap3A_725 = arith.constant 0 : i32
      %swap3A_726 = tpu.memref_slice %arg7[%swap3A_718, %swap3A_721, %swap3A_722, %swap3A_723, %swap3A_724, %swap3A_725] : memref<2x2x4x4x8x128xf32, #tpu.memory_space<vmem>> -> memref<1x2x4x4x8x128xf32, #tpu.memory_space<vmem>>
      %swap3A_727 = tpu.memref_squeeze %swap3A_726 : memref<1x2x4x4x8x128xf32, #tpu.memory_space<vmem>> -> memref<2x4x4x8x128xf32, #tpu.memory_space<vmem>>
      %swap3A_728 = arith.index_cast %shift_right_logical3A_712 : i32 to index
      %swap3A_729 = arith.index_cast %swap3A_719 : i32 to index
      %swap3A_730 = arith.index_cast %and3A_717 : i32 to index
      %swap3A_731 = arith.index_cast %swap3A_720 : i32 to index
      %swap3A_732 = arith.constant 112 : index
      %swap3A_733 = tpu.vector_load %swap3A_727[%swap3A_728, %swap3A_729, %swap3A_730, %swap3A_731, %swap3A_732] {strides = array<i32>} : memref<2x4x4x8x128xf32, #tpu.memory_space<vmem>>, vector<16xf32>,
      tpu.vector_store %swap3A_727[%swap3A_728, %swap3A_729, %swap3A_730, %swap3A_731, %swap3A_732], %scan3A_612#4 {strides = array<i32>} : memref<2x4x4x8x128xf32, #tpu.memory_space<vmem>>, vector<16xf32>,
      %shift_right_logical3A_734 = arith.constant 63 : i32
      %shift_right_logical3A_735 = arith.constant 5 : i32
      %shift_right_logical3A_736 = arith.shrui %shift_right_logical3A_734, %shift_right_logical3A_735 : i32
      %shift_right_logical3A_737 = arith.constant 63 : i32
      %shift_right_logical3A_738 = arith.constant 3 : i32
      %shift_right_logical3A_739 = arith.shrui %shift_right_logical3A_737, %shift_right_logical3A_738 : i32
      %and3A_740 = arith.constant 3 : i32
      %and3A_741 = arith.andi %shift_right_logical3A_739, %and3A_740 : i32
      %swap3A_742 = arith.constant 0 : i32
      %swap3A_743 = arith.constant 2 : i32
      %swap3A_744 = arith.constant 5 : i32
      %swap3A_745 = arith.constant 0 : i32
      %swap3A_746 = arith.constant 0 : i32
      %swap3A_747 = arith.constant 0 : i32
      %swap3A_748 = arith.constant 0 : i32
      %swap3A_749 = arith.constant 0 : i32
      %swap3A_750 = tpu.memref_slice %arg7[%swap3A_742, %swap3A_745, %swap3A_746, %swap3A_747, %swap3A_748, %swap3A_749] : memref<2x2x4x4x8x128xf32, #tpu.memory_space<vmem>> -> memref<1x2x4x4x8x128xf32, #tpu.memory_space<vmem>>
      %swap3A_751 = tpu.memref_squeeze %swap3A_750 : memref<1x2x4x4x8x128xf32, #tpu.memory_space<vmem>> -> memref<2x4x4x8x128xf32, #tpu.memory_space<vmem>>
      %swap3A_752 = arith.index_cast %shift_right_logical3A_736 : i32 to index
      %swap3A_753 = arith.index_cast %swap3A_743 : i32 to index
      %swap3A_754 = arith.index_cast %and3A_741 : i32 to index
      %swap3A_755 = arith.index_cast %swap3A_744 : i32 to index
      %swap3A_756 = arith.constant 112 : index
      %swap3A_757 = tpu.vector_load %swap3A_751[%swap3A_752, %swap3A_753, %swap3A_754, %swap3A_755, %swap3A_756] {strides = array<i32>} : memref<2x4x4x8x128xf32, #tpu.memory_space<vmem>>, vector<16xf32>,
      tpu.vector_store %swap3A_751[%swap3A_752, %swap3A_753, %swap3A_754, %swap3A_755, %swap3A_756], %scan3A_612#5 {strides = array<i32>} : memref<2x4x4x8x128xf32, #tpu.memory_space<vmem>>, vector<16xf32>,
      %shift_right_logical3A_758 = arith.constant 63 : i32
      %shift_right_logical3A_759 = arith.constant 5 : i32
      %shift_right_logical3A_760 = arith.shrui %shift_right_logical3A_758, %shift_right_logical3A_759 : i32
      %shift_right_logical3A_761 = arith.constant 63 : i32
      %shift_right_logical3A_762 = arith.constant 3 : i32
      %shift_right_logical3A_763 = arith.shrui %shift_right_logical3A_761, %shift_right_logical3A_762 : i32
      %and3A_764 = arith.constant 3 : i32
      %and3A_765 = arith.andi %shift_right_logical3A_763, %and3A_764 : i32
      %swap3A_766 = arith.constant 0 : i32
      %swap3A_767 = arith.constant 2 : i32
      %swap3A_768 = arith.constant 6 : i32
      %swap3A_769 = arith.constant 0 : i32
      %swap3A_770 = arith.constant 0 : i32
      %swap3A_771 = arith.constant 0 : i32
      %swap3A_772 = arith.constant 0 : i32
      %swap3A_773 = arith.constant 0 : i32
      %swap3A_774 = tpu.memref_slice %arg7[%swap3A_766, %swap3A_769, %swap3A_770, %swap3A_771, %swap3A_772, %swap3A_773] : memref<2x2x4x4x8x128xf32, #tpu.memory_space<vmem>> -> memref<1x2x4x4x8x128xf32, #tpu.memory_space<vmem>>
      %swap3A_775 = tpu.memref_squeeze %swap3A_774 : memref<1x2x4x4x8x128xf32, #tpu.memory_space<vmem>> -> memref<2x4x4x8x128xf32, #tpu.memory_space<vmem>>
      %swap3A_776 = arith.index_cast %shift_right_logical3A_760 : i32 to index
      %swap3A_777 = arith.index_cast %swap3A_767 : i32 to index
      %swap3A_778 = arith.index_cast %and3A_765 : i32 to index
      %swap3A_779 = arith.index_cast %swap3A_768 : i32 to index
      %swap3A_780 = arith.constant 112 : index
      %swap3A_781 = tpu.vector_load %swap3A_775[%swap3A_776, %swap3A_777, %swap3A_778, %swap3A_779, %swap3A_780] {strides = array<i32>} : memref<2x4x4x8x128xf32, #tpu.memory_space<vmem>>, vector<16xf32>,
      tpu.vector_store %swap3A_775[%swap3A_776, %swap3A_777, %swap3A_778, %swap3A_779, %swap3A_780], %scan3A_612#6 {strides = array<i32>} : memref<2x4x4x8x128xf32, #tpu.memory_space<vmem>>, vector<16xf32>,
      %shift_right_logical3A_782 = arith.constant 63 : i32
      %shift_right_logical3A_783 = arith.constant 5 : i32
      %shift_right_logical3A_784 = arith.shrui %shift_right_logical3A_782, %shift_right_logical3A_783 : i32
      %shift_right_logical3A_785 = arith.constant 63 : i32
      %shift_right_logical3A_786 = arith.constant 3 : i32
      %shift_right_logical3A_787 = arith.shrui %shift_right_logical3A_785, %shift_right_logical3A_786 : i32
      %and3A_788 = arith.constant 3 : i32
      %and3A_789 = arith.andi %shift_right_logical3A_787, %and3A_788 : i32
      %swap3A_790 = arith.constant 0 : i32
      %swap3A_791 = arith.constant 2 : i32
      %swap3A_792 = arith.constant 7 : i32
      %swap3A_793 = arith.constant 0 : i32
      %swap3A_794 = arith.constant 0 : i32
      %swap3A_795 = arith.constant 0 : i32
      %swap3A_796 = arith.constant 0 : i32
      %swap3A_797 = arith.constant 0 : i32
      %swap3A_798 = tpu.memref_slice %arg7[%swap3A_790, %swap3A_793, %swap3A_794, %swap3A_795, %swap3A_796, %swap3A_797] : memref<2x2x4x4x8x128xf32, #tpu.memory_space<vmem>> -> memref<1x2x4x4x8x128xf32, #tpu.memory_space<vmem>>
      %swap3A_799 = tpu.memref_squeeze %swap3A_798 : memref<1x2x4x4x8x128xf32, #tpu.memory_space<vmem>> -> memref<2x4x4x8x128xf32, #tpu.memory_space<vmem>>
      %swap3A_800 = arith.index_cast %shift_right_logical3A_784 : i32 to index
      %swap3A_801 = arith.index_cast %swap3A_791 : i32 to index
      %swap3A_802 = arith.index_cast %and3A_789 : i32 to index
      %swap3A_803 = arith.index_cast %swap3A_792 : i32 to index
      %swap3A_804 = arith.constant 112 : index
      %swap3A_805 = tpu.vector_load %swap3A_799[%swap3A_800, %swap3A_801, %swap3A_802, %swap3A_803, %swap3A_804] {strides = array<i32>} : memref<2x4x4x8x128xf32, #tpu.memory_space<vmem>>, vector<16xf32>,
      tpu.vector_store %swap3A_799[%swap3A_800, %swap3A_801, %swap3A_802, %swap3A_803, %swap3A_804], %scan3A_612#7 {strides = array<i32>} : memref<2x4x4x8x128xf32, #tpu.memory_space<vmem>>, vector<16xf32>,
      %shift_right_logical3A_806 = arith.constant 63 : i32
      %shift_right_logical3A_807 = arith.constant 5 : i32
      %shift_right_logical3A_808 = arith.shrui %shift_right_logical3A_806, %shift_right_logical3A_807 : i32
      %shift_right_logical3A_809 = arith.constant 63 : i32
      %shift_right_logical3A_810 = arith.constant 3 : i32
      %shift_right_logical3A_811 = arith.shrui %shift_right_logical3A_809, %shift_right_logical3A_810 : i32
      %and3A_812 = arith.constant 3 : i32
      %and3A_813 = arith.andi %shift_right_logical3A_811, %and3A_812 : i32
      %swap3A_814 = arith.constant 0 : i32
      %swap3A_815 = arith.constant 3 : i32
      %swap3A_816 = arith.constant 0 : i32
      %swap3A_817 = arith.constant 0 : i32
      %swap3A_818 = arith.constant 0 : i32
      %swap3A_819 = arith.constant 0 : i32
      %swap3A_820 = arith.constant 0 : i32
      %swap3A_821 = arith.constant 0 : i32
      %swap3A_822 = tpu.memref_slice %arg7[%swap3A_814, %swap3A_817, %swap3A_818, %swap3A_819, %swap3A_820, %swap3A_821] : memref<2x2x4x4x8x128xf32, #tpu.memory_space<vmem>> -> memref<1x2x4x4x8x128xf32, #tpu.memory_space<vmem>>
      %swap3A_823 = tpu.memref_squeeze %swap3A_822 : memref<1x2x4x4x8x128xf32, #tpu.memory_space<vmem>> -> memref<2x4x4x8x128xf32, #tpu.memory_space<vmem>>
      %swap3A_824 = arith.index_cast %shift_right_logical3A_808 : i32 to index
      %swap3A_825 = arith.index_cast %swap3A_815 : i32 to index
      %swap3A_826 = arith.index_cast %and3A_813 : i32 to index
      %swap3A_827 = arith.index_cast %swap3A_816 : i32 to index
      %swap3A_828 = arith.constant 112 : index
      %swap3A_829 = tpu.vector_load %swap3A_823[%swap3A_824, %swap3A_825, %swap3A_826, %swap3A_827, %swap3A_828] {strides = array<i32>} : memref<2x4x4x8x128xf32, #tpu.memory_space<vmem>>, vector<16xf32>,
      tpu.vector_store %swap3A_823[%swap3A_824, %swap3A_825, %swap3A_826, %swap3A_827, %swap3A_828], %scan3A_612#8 {strides = array<i32>} : memref<2x4x4x8x128xf32, #tpu.memory_space<vmem>>, vector<16xf32>,
      %shift_right_logical3A_830 = arith.constant 63 : i32
      %shift_right_logical3A_831 = arith.constant 5 : i32
      %shift_right_logical3A_832 = arith.shrui %shift_right_logical3A_830, %shift_right_logical3A_831 : i32
      %shift_right_logical3A_833 = arith.constant 63 : i32
      %shift_right_logical3A_834 = arith.constant 3 : i32
      %shift_right_logical3A_835 = arith.shrui %shift_right_logical3A_833, %shift_right_logical3A_834 : i32
      %and3A_836 = arith.constant 3 : i32
      %and3A_837 = arith.andi %shift_right_logical3A_835, %and3A_836 : i32
      %swap3A_838 = arith.constant 0 : i32
      %swap3A_839 = arith.constant 3 : i32
      %swap3A_840 = arith.constant 1 : i32
      %swap3A_841 = arith.constant 0 : i32
      %swap3A_842 = arith.constant 0 : i32
      %swap3A_843 = arith.constant 0 : i32
      %swap3A_844 = arith.constant 0 : i32
      %swap3A_845 = arith.constant 0 : i32
      %swap3A_846 = tpu.memref_slice %arg7[%swap3A_838, %swap3A_841, %swap3A_842, %swap3A_843, %swap3A_844, %swap3A_845] : memref<2x2x4x4x8x128xf32, #tpu.memory_space<vmem>> -> memref<1x2x4x4x8x128xf32, #tpu.memory_space<vmem>>
      %swap3A_847 = tpu.memref_squeeze %swap3A_846 : memref<1x2x4x4x8x128xf32, #tpu.memory_space<vmem>> -> memref<2x4x4x8x128xf32, #tpu.memory_space<vmem>>
      %swap3A_848 = arith.index_cast %shift_right_logical3A_832 : i32 to index
      %swap3A_849 = arith.index_cast %swap3A_839 : i32 to index
      %swap3A_850 = arith.index_cast %and3A_837 : i32 to index
      %swap3A_851 = arith.index_cast %swap3A_840 : i32 to index
      %swap3A_852 = arith.constant 112 : index
      %swap3A_853 = tpu.vector_load %swap3A_847[%swap3A_848, %swap3A_849, %swap3A_850, %swap3A_851, %swap3A_852] {strides = array<i32>} : memref<2x4x4x8x128xf32, #tpu.memory_space<vmem>>, vector<16xf32>,
      tpu.vector_store %swap3A_847[%swap3A_848, %swap3A_849, %swap3A_850, %swap3A_851, %swap3A_852], %scan3A_612#9 {strides = array<i32>} : memref<2x4x4x8x128xf32, #tpu.memory_space<vmem>>, vector<16xf32>,
      %shift_right_logical3A_854 = arith.constant 63 : i32
      %shift_right_logical3A_855 = arith.constant 5 : i32
      %shift_right_logical3A_856 = arith.shrui %shift_right_logical3A_854, %shift_right_logical3A_855 : i32
      %shift_right_logical3A_857 = arith.constant 63 : i32
      %shift_right_logical3A_858 = arith.constant 3 : i32
      %shift_right_logical3A_859 = arith.shrui %shift_right_logical3A_857, %shift_right_logical3A_858 : i32
      %and3A_860 = arith.constant 3 : i32
      %and3A_861 = arith.andi %shift_right_logical3A_859, %and3A_860 : i32
      %swap3A_862 = arith.constant 0 : i32
      %swap3A_863 = arith.constant 3 : i32
      %swap3A_864 = arith.constant 2 : i32
      %swap3A_865 = arith.constant 0 : i32
      %swap3A_866 = arith.constant 0 : i32
      %swap3A_867 = arith.constant 0 : i32
      %swap3A_868 = arith.constant 0 : i32
      %swap3A_869 = arith.constant 0 : i32
      %swap3A_870 = tpu.memref_slice %arg7[%swap3A_862, %swap3A_865, %swap3A_866, %swap3A_867, %swap3A_868, %swap3A_869] : memref<2x2x4x4x8x128xf32, #tpu.memory_space<vmem>> -> memref<1x2x4x4x8x128xf32, #tpu.memory_space<vmem>>
      %swap3A_871 = tpu.memref_squeeze %swap3A_870 : memref<1x2x4x4x8x128xf32, #tpu.memory_space<vmem>> -> memref<2x4x4x8x128xf32, #tpu.memory_space<vmem>>
      %swap3A_872 = arith.index_cast %shift_right_logical3A_856 : i32 to index
      %swap3A_873 = arith.index_cast %swap3A_863 : i32 to index
      %swap3A_874 = arith.index_cast %and3A_861 : i32 to index
      %swap3A_875 = arith.index_cast %swap3A_864 : i32 to index
      %swap3A_876 = arith.constant 112 : index
      %swap3A_877 = tpu.vector_load %swap3A_871[%swap3A_872, %swap3A_873, %swap3A_874, %swap3A_875, %swap3A_876] {strides = array<i32>} : memref<2x4x4x8x128xf32, #tpu.memory_space<vmem>>, vector<16xf32>,
      tpu.vector_store %swap3A_871[%swap3A_872, %swap3A_873, %swap3A_874, %swap3A_875, %swap3A_876], %scan3A_612#10 {strides = array<i32>} : memref<2x4x4x8x128xf32, #tpu.memory_space<vmem>>, vector<16xf32>,
      %shift_right_logical3A_878 = arith.constant 63 : i32
      %shift_right_logical3A_879 = arith.constant 5 : i32
      %shift_right_logical3A_880 = arith.shrui %shift_right_logical3A_878, %shift_right_logical3A_879 : i32
      %shift_right_logical3A_881 = arith.constant 63 : i32
      %shift_right_logical3A_882 = arith.constant 3 : i32
      %shift_right_logical3A_883 = arith.shrui %shift_right_logical3A_881, %shift_right_logical3A_882 : i32
      %and3A_884 = arith.constant 3 : i32
      %and3A_885 = arith.andi %shift_right_logical3A_883, %and3A_884 : i32
      %swap3A_886 = arith.constant 0 : i32
      %swap3A_887 = arith.constant 3 : i32
      %swap3A_888 = arith.constant 3 : i32
      %swap3A_889 = arith.constant 0 : i32
      %swap3A_890 = arith.constant 0 : i32
      %swap3A_891 = arith.constant 0 : i32
      %swap3A_892 = arith.constant 0 : i32
      %swap3A_893 = arith.constant 0 : i32
      %swap3A_894 = tpu.memref_slice %arg7[%swap3A_886, %swap3A_889, %swap3A_890, %swap3A_891, %swap3A_892, %swap3A_893] : memref<2x2x4x4x8x128xf32, #tpu.memory_space<vmem>> -> memref<1x2x4x4x8x128xf32, #tpu.memory_space<vmem>>
      %swap3A_895 = tpu.memref_squeeze %swap3A_894 : memref<1x2x4x4x8x128xf32, #tpu.memory_space<vmem>> -> memref<2x4x4x8x128xf32, #tpu.memory_space<vmem>>
      %swap3A_896 = arith.index_cast %shift_right_logical3A_880 : i32 to index
      %swap3A_897 = arith.index_cast %swap3A_887 : i32 to index
      %swap3A_898 = arith.index_cast %and3A_885 : i32 to index
      %swap3A_899 = arith.index_cast %swap3A_888 : i32 to index
      %swap3A_900 = arith.constant 112 : index
      %swap3A_901 = tpu.vector_load %swap3A_895[%swap3A_896, %swap3A_897, %swap3A_898, %swap3A_899, %swap3A_900] {strides = array<i32>} : memref<2x4x4x8x128xf32, #tpu.memory_space<vmem>>, vector<16xf32>,
      tpu.vector_store %swap3A_895[%swap3A_896, %swap3A_897, %swap3A_898, %swap3A_899, %swap3A_900], %scan3A_612#11 {strides = array<i32>} : memref<2x4x4x8x128xf32, #tpu.memory_space<vmem>>, vector<16xf32>,
      %shift_right_logical3A_902 = arith.constant 63 : i32
      %shift_right_logical3A_903 = arith.constant 5 : i32
      %shift_right_logical3A_904 = arith.shrui %shift_right_logical3A_902, %shift_right_logical3A_903 : i32
      %shift_right_logical3A_905 = arith.constant 63 : i32
      %shift_right_logical3A_906 = arith.constant 3 : i32
      %shift_right_logical3A_907 = arith.shrui %shift_right_logical3A_905, %shift_right_logical3A_906 : i32
      %and3A_908 = arith.constant 3 : i32
      %and3A_909 = arith.andi %shift_right_logical3A_907, %and3A_908 : i32
      %swap3A_910 = arith.constant 0 : i32
      %swap3A_911 = arith.constant 3 : i32
      %swap3A_912 = arith.constant 4 : i32
      %swap3A_913 = arith.constant 0 : i32
      %swap3A_914 = arith.constant 0 : i32
      %swap3A_915 = arith.constant 0 : i32
      %swap3A_916 = arith.constant 0 : i32
      %swap3A_917 = arith.constant 0 : i32
      %swap3A_918 = tpu.memref_slice %arg7[%swap3A_910, %swap3A_913, %swap3A_914, %swap3A_915, %swap3A_916, %swap3A_917] : memref<2x2x4x4x8x128xf32, #tpu.memory_space<vmem>> -> memref<1x2x4x4x8x128xf32, #tpu.memory_space<vmem>>
      %swap3A_919 = tpu.memref_squeeze %swap3A_918 : memref<1x2x4x4x8x128xf32, #tpu.memory_space<vmem>> -> memref<2x4x4x8x128xf32, #tpu.memory_space<vmem>>
      %swap3A_920 = arith.index_cast %shift_right_logical3A_904 : i32 to index
      %swap3A_921 = arith.index_cast %swap3A_911 : i32 to index
      %swap3A_922 = arith.index_cast %and3A_909 : i32 to index
      %swap3A_923 = arith.index_cast %swap3A_912 : i32 to index
      %swap3A_924 = arith.constant 112 : index
      %swap3A_925 = tpu.vector_load %swap3A_919[%swap3A_920, %swap3A_921, %swap3A_922, %swap3A_923, %swap3A_924] {strides = array<i32>} : memref<2x4x4x8x128xf32, #tpu.memory_space<vmem>>, vector<16xf32>,
      tpu.vector_store %swap3A_919[%swap3A_920, %swap3A_921, %swap3A_922, %swap3A_923, %swap3A_924], %scan3A_612#12 {strides = array<i32>} : memref<2x4x4x8x128xf32, #tpu.memory_space<vmem>>, vector<16xf32>,
      %shift_right_logical3A_926 = arith.constant 63 : i32
      %shift_right_logical3A_927 = arith.constant 5 : i32
      %shift_right_logical3A_928 = arith.shrui %shift_right_logical3A_926, %shift_right_logical3A_927 : i32
      %shift_right_logical3A_929 = arith.constant 63 : i32
      %shift_right_logical3A_930 = arith.constant 3 : i32
      %shift_right_logical3A_931 = arith.shrui %shift_right_logical3A_929, %shift_right_logical3A_930 : i32
      %and3A_932 = arith.constant 3 : i32
      %and3A_933 = arith.andi %shift_right_logical3A_931, %and3A_932 : i32
      %swap3A_934 = arith.constant 0 : i32
      %swap3A_935 = arith.constant 3 : i32
      %swap3A_936 = arith.constant 5 : i32
      %swap3A_937 = arith.constant 0 : i32
      %swap3A_938 = arith.constant 0 : i32
      %swap3A_939 = arith.constant 0 : i32
      %swap3A_940 = arith.constant 0 : i32
      %swap3A_941 = arith.constant 0 : i32
      %swap3A_942 = tpu.memref_slice %arg7[%swap3A_934, %swap3A_937, %swap3A_938, %swap3A_939, %swap3A_940, %swap3A_941] : memref<2x2x4x4x8x128xf32, #tpu.memory_space<vmem>> -> memref<1x2x4x4x8x128xf32, #tpu.memory_space<vmem>>
      %swap3A_943 = tpu.memref_squeeze %swap3A_942 : memref<1x2x4x4x8x128xf32, #tpu.memory_space<vmem>> -> memref<2x4x4x8x128xf32, #tpu.memory_space<vmem>>
      %swap3A_944 = arith.index_cast %shift_right_logical3A_928 : i32 to index
      %swap3A_945 = arith.index_cast %swap3A_935 : i32 to index
      %swap3A_946 = arith.index_cast %and3A_933 : i32 to index
      %swap3A_947 = arith.index_cast %swap3A_936 : i32 to index
      %swap3A_948 = arith.constant 112 : index
      %swap3A_949 = tpu.vector_load %swap3A_943[%swap3A_944, %swap3A_945, %swap3A_946, %swap3A_947, %swap3A_948] {strides = array<i32>} : memref<2x4x4x8x128xf32, #tpu.memory_space<vmem>>, vector<16xf32>,
      tpu.vector_store %swap3A_943[%swap3A_944, %swap3A_945, %swap3A_946, %swap3A_947, %swap3A_948], %scan3A_612#13 {strides = array<i32>} : memref<2x4x4x8x128xf32, #tpu.memory_space<vmem>>, vector<16xf32>,
      %shift_right_logical3A_950 = arith.constant 63 : i32
      %shift_right_logical3A_951 = arith.constant 5 : i32
      %shift_right_logical3A_952 = arith.shrui %shift_right_logical3A_950, %shift_right_logical3A_951 : i32
      %shift_right_logical3A_953 = arith.constant 63 : i32
      %shift_right_logical3A_954 = arith.constant 3 : i32
      %shift_right_logical3A_955 = arith.shrui %shift_right_logical3A_953, %shift_right_logical3A_954 : i32
      %and3A_956 = arith.constant 3 : i32
      %and3A_957 = arith.andi %shift_right_logical3A_955, %and3A_956 : i32
      %swap3A_958 = arith.constant 0 : i32
      %swap3A_959 = arith.constant 3 : i32
      %swap3A_960 = arith.constant 6 : i32
      %swap3A_961 = arith.constant 0 : i32
      %swap3A_962 = arith.constant 0 : i32
      %swap3A_963 = arith.constant 0 : i32
      %swap3A_964 = arith.constant 0 : i32
      %swap3A_965 = arith.constant 0 : i32
      %swap3A_966 = tpu.memref_slice %arg7[%swap3A_958, %swap3A_961, %swap3A_962, %swap3A_963, %swap3A_964, %swap3A_965] : memref<2x2x4x4x8x128xf32, #tpu.memory_space<vmem>> -> memref<1x2x4x4x8x128xf32, #tpu.memory_space<vmem>>
      %swap3A_967 = tpu.memref_squeeze %swap3A_966 : memref<1x2x4x4x8x128xf32, #tpu.memory_space<vmem>> -> memref<2x4x4x8x128xf32, #tpu.memory_space<vmem>>
      %swap3A_968 = arith.index_cast %shift_right_logical3A_952 : i32 to index
      %swap3A_969 = arith.index_cast %swap3A_959 : i32 to index
      %swap3A_970 = arith.index_cast %and3A_957 : i32 to index
      %swap3A_971 = arith.index_cast %swap3A_960 : i32 to index
      %swap3A_972 = arith.constant 112 : index
      %swap3A_973 = tpu.vector_load %swap3A_967[%swap3A_968, %swap3A_969, %swap3A_970, %swap3A_971, %swap3A_972] {strides = array<i32>} : memref<2x4x4x8x128xf32, #tpu.memory_space<vmem>>, vector<16xf32>,
      tpu.vector_store %swap3A_967[%swap3A_968, %swap3A_969, %swap3A_970, %swap3A_971, %swap3A_972], %scan3A_612#14 {strides = array<i32>} : memref<2x4x4x8x128xf32, #tpu.memory_space<vmem>>, vector<16xf32>,
      %shift_right_logical3A_974 = arith.constant 63 : i32
      %shift_right_logical3A_975 = arith.constant 5 : i32
      %shift_right_logical3A_976 = arith.shrui %shift_right_logical3A_974, %shift_right_logical3A_975 : i32
      %shift_right_logical3A_977 = arith.constant 63 : i32
      %shift_right_logical3A_978 = arith.constant 3 : i32
      %shift_right_logical3A_979 = arith.shrui %shift_right_logical3A_977, %shift_right_logical3A_978 : i32
      %and3A_980 = arith.constant 3 : i32
      %and3A_981 = arith.andi %shift_right_logical3A_979, %and3A_980 : i32
      %swap3A_982 = arith.constant 0 : i32
      %swap3A_983 = arith.constant 3 : i32
      %swap3A_984 = arith.constant 7 : i32
      %swap3A_985 = arith.constant 0 : i32
      %swap3A_986 = arith.constant 0 : i32
      %swap3A_987 = arith.constant 0 : i32
      %swap3A_988 = arith.constant 0 : i32
      %swap3A_989 = arith.constant 0 : i32
      %swap3A_990 = tpu.memref_slice %arg7[%swap3A_982, %swap3A_985, %swap3A_986, %swap3A_987, %swap3A_988, %swap3A_989] : memref<2x2x4x4x8x128xf32, #tpu.memory_space<vmem>> -> memref<1x2x4x4x8x128xf32, #tpu.memory_space<vmem>>
      %swap3A_991 = tpu.memref_squeeze %swap3A_990 : memref<1x2x4x4x8x128xf32, #tpu.memory_space<vmem>> -> memref<2x4x4x8x128xf32, #tpu.memory_space<vmem>>
      %swap3A_992 = arith.index_cast %shift_right_logical3A_976 : i32 to index
      %swap3A_993 = arith.index_cast %swap3A_983 : i32 to index
      %swap3A_994 = arith.index_cast %and3A_981 : i32 to index
      %swap3A_995 = arith.index_cast %swap3A_984 : i32 to index
      %swap3A_996 = arith.constant 112 : index
      %swap3A_997 = tpu.vector_load %swap3A_991[%swap3A_992, %swap3A_993, %swap3A_994, %swap3A_995, %swap3A_996] {strides = array<i32>} : memref<2x4x4x8x128xf32, #tpu.memory_space<vmem>>, vector<16xf32>,
      tpu.vector_store %swap3A_991[%swap3A_992, %swap3A_993, %swap3A_994, %swap3A_995, %swap3A_996], %scan3A_612#15 {strides = array<i32>} : memref<2x4x4x8x128xf32, #tpu.memory_space<vmem>>, vector<16xf32>,
      %mul3A_998 = arith.constant 2 : i32
      %mul3A_999 = arith.muli %mul3A_80, %mul3A_998 : i32
      %dma_start3A_1000 = arith.constant 0 : i32
      %dma_start3A_1001 = arith.constant 0 : i32
      %dma_start3A_1002 = arith.constant 0 : i32
      %dma_start3A_1003 = arith.constant 0 : i32
      %dma_start3A_1004 = arith.constant 0 : i32
      %dma_start3A_1005 = arith.constant 0 : i32
      %dma_start3A_1006 = tpu.memref_slice %arg7[%dma_start3A_1000, %dma_start3A_1001, %dma_start3A_1002, %dma_start3A_1003, %dma_start3A_1004, %dma_start3A_1005] : memref<2x2x4x4x8x128xf32, #tpu.memory_space<vmem>> -> memref<1x2x4x4x8x128xf32, #tpu.memory_space<vmem>>
      %dma_start3A_1007 = tpu.memref_squeeze %dma_start3A_1006 : memref<1x2x4x4x8x128xf32, #tpu.memory_space<vmem>> -> memref<2x4x4x8x128xf32, #tpu.memory_space<vmem>>
      %dma_start3A_1008 = arith.constant 0 : i32
      %dma_start3A_1009 = arith.constant 0 : i32
      %dma_start3A_1010 = arith.constant 0 : i32
      %dma_start3A_1011 = tpu.memref_slice %arg4[%mul3A_999, %dma_start3A_1008, %mul3A_2, %dma_start3A_1009, %dma_start3A_1010] : memref<200x4x128x8x128xf32, #tpu.memory_space<hbm>> -> memref<2x4x4x8x128xf32, #tpu.memory_space<hbm>>
      %dma_start3A_1012 = arith.constant 0 : i32
      %dma_start3A_1013 = arith.constant 0 : i32
      %dma_start3A_1014 = arith.constant 0 : i32
      %dma_start3A_1015 = tpu.memref_slice %arg4[%mul3A_999, %dma_start3A_1012, %mul3A_2, %dma_start3A_1013, %dma_start3A_1014] : memref<200x4x128x8x128xf32, #tpu.memory_space<hbm>> -> memref<2x4x4x8x128xf32, #tpu.memory_space<hbm>>
      %dma_start3A_1016 = arith.constant 0 : i32
      %dma_start3A_1017 = arith.constant 0 : i32
      %dma_start3A_1018 = arith.constant 0 : i32
      %dma_start3A_1019 = arith.constant 0 : i32
      %dma_start3A_1020 = arith.constant 0 : i32
      %dma_start3A_1021 = tpu.memref_slice %arg7[%dma_start3A_1000, %dma_start3A_1016, %dma_start3A_1017, %dma_start3A_1018, %dma_start3A_1019, %dma_start3A_1020] : memref<2x2x4x4x8x128xf32, #tpu.memory_space<vmem>> -> memref<1x2x4x4x8x128xf32, #tpu.memory_space<vmem>>
      %dma_start3A_1022 = tpu.memref_squeeze %dma_start3A_1021 : memref<1x2x4x4x8x128xf32, #tpu.memory_space<vmem>> -> memref<2x4x4x8x128xf32, #tpu.memory_space<vmem>>
      tpu.enqueue_dma source(%dma_start3A_1022 : memref<2x4x4x8x128xf32, #tpu.memory_space<vmem>>) target(%dma_start3A_1015 : memref<2x4x4x8x128xf32, #tpu.memory_space<hbm>>) target_semaphore(%arg9 : memref<!tpu.dma_semaphore, #tpu.memory_space<semaphore_mem>>)
      %add3A_1023 = arith.constant 1 : i32
      %add3A_1024 = arith.addi %mul3A_80, %add3A_1023 : i32
      %mul3A_1025 = arith.constant 2 : i32
      %mul3A_1026 = arith.muli %add3A_1024, %mul3A_1025 : i32
      %mul3A_1027 = arith.constant 512 : i32
      %mul3A_1028 = arith.muli %mul3A_1026, %mul3A_1027 : i32
      %add3A_1029 = arith.addi %mul3A_6, %mul3A_1028 : i32
      %dma_wait3A_1030 = arith.constant 1 : i32
      %dma_wait3A_1031 = arith.constant 0 : i32
      %dma_wait3A_1032 = tpu.memref_slice %arg6[%dma_wait3A_1030, %dma_wait3A_1031] : memref<2x1024xi32, #tpu.memory_space<vmem>> -> memref<1x1024xi32, #tpu.memory_space<vmem>>
      %dma_wait3A_1033 = tpu.memref_squeeze %dma_wait3A_1032 : memref<1x1024xi32, #tpu.memory_space<vmem>> -> memref<1024xi32, #tpu.memory_space<vmem>>
      %dma_wait3A_1034 = tpu.memref_slice %arg3[%add3A_1029] : memref<3276800xi32, #tpu.memory_space<hbm>> -> memref<1024xi32, #tpu.memory_space<hbm>>
      %dma_wait3A_1035 = arith.constant 0 : i32
      %dma_wait3A_1036 = tpu.memref_slice %arg6[%dma_wait3A_1030, %dma_wait3A_1035] : memref<2x1024xi32, #tpu.memory_space<vmem>> -> memref<1x1024xi32, #tpu.memory_space<vmem>>
      %dma_wait3A_1037 = tpu.memref_squeeze %dma_wait3A_1036 : memref<1x1024xi32, #tpu.memory_space<vmem>> -> memref<1024xi32, #tpu.memory_space<vmem>>
      %dma_wait3A_1038 = tpu.memref_slice %arg3[%add3A_1029] : memref<3276800xi32, #tpu.memory_space<hbm>> -> memref<1024xi32, #tpu.memory_space<hbm>>
      tpu.wait_dma2 semaphore(%arg8 : memref<!tpu.dma_semaphore, #tpu.memory_space<semaphore_mem>>) src(%dma_wait3A_1038 : memref<1024xi32, #tpu.memory_space<hbm>>) dst(%dma_wait3A_1037 : memref<1024xi32, #tpu.memory_space<vmem>>)
      %add3A_1039 = arith.constant 1 : i32
      %add3A_1040 = arith.addi %mul3A_80, %add3A_1039 : i32
      %add3A_1041 = arith.constant 1 : i32
      %add3A_1042 = arith.addi %add3A_1040, %add3A_1041 : i32
      %lt3A_1043 = arith.constant 100 : i32
      %lt3A_1044 = arith.cmpi slt, %add3A_1042, %lt3A_1043 : i32
      %convert_element_type3A_1045 = arith.extui %lt3A_1044 : i1 to i32
      %cond3A_1046 = arith.constant 0 : i32
      %cond3A_1047 = arith.cmpi ne, %convert_element_type3A_1045, %cond3A_1046 : i32
      scf.if %cond3A_1047 {
        %add3A_1988 = arith.constant 1 : i32
        %add3A_1989 = arith.addi %add3A_1040, %add3A_1988 : i32
        %mul3A_1990 = arith.constant 2 : i32
        %mul3A_1991 = arith.muli %add3A_1989, %mul3A_1990 : i32
        %mul3A_1992 = arith.constant 512 : i32
        %mul3A_1993 = arith.muli %mul3A_1991, %mul3A_1992 : i32
        %add3A_1994 = arith.addi %mul3A_6, %mul3A_1993 : i32
        %dma_start3A_1995 = arith.constant 0 : i32
        %dma_start3A_1996 = arith.constant 0 : i32
        %dma_start3A_1997 = tpu.memref_slice %arg6[%dma_start3A_1995, %dma_start3A_1996] : memref<2x1024xi32, #tpu.memory_space<vmem>> -> memref<1x1024xi32, #tpu.memory_space<vmem>>
        %dma_start3A_1998 = tpu.memref_squeeze %dma_start3A_1997 : memref<1x1024xi32, #tpu.memory_space<vmem>> -> memref<1024xi32, #tpu.memory_space<vmem>>
        %dma_start3A_1999 = tpu.memref_slice %arg3[%add3A_1994] : memref<3276800xi32, #tpu.memory_space<hbm>> -> memref<1024xi32, #tpu.memory_space<hbm>>
        %dma_start3A_2000 = arith.constant 0 : i32
        %dma_start3A_2001 = tpu.memref_slice %arg6[%dma_start3A_1995, %dma_start3A_2000] : memref<2x1024xi32, #tpu.memory_space<vmem>> -> memref<1x1024xi32, #tpu.memory_space<vmem>>
        %dma_start3A_2002 = tpu.memref_squeeze %dma_start3A_2001 : memref<1x1024xi32, #tpu.memory_space<vmem>> -> memref<1024xi32, #tpu.memory_space<vmem>>
        %dma_start3A_2003 = tpu.memref_slice %arg3[%add3A_1994] : memref<3276800xi32, #tpu.memory_space<hbm>> -> memref<1024xi32, #tpu.memory_space<hbm>>
        tpu.enqueue_dma source(%dma_start3A_2003 : memref<1024xi32, #tpu.memory_space<hbm>>) target(%dma_start3A_2002 : memref<1024xi32, #tpu.memory_space<vmem>>) target_semaphore(%arg8 : memref<!tpu.dma_semaphore, #tpu.memory_space<semaphore_mem>>)
      } else {
      }
      %ge3A_1048 = arith.constant 2 : i32
      %ge3A_1049 = arith.cmpi sge, %add3A_1040, %ge3A_1048 : i32
      %convert_element_type3A_1050 = arith.extui %ge3A_1049 : i1 to i32
      %cond3A_1051 = arith.constant 0 : i32
      %cond3A_1052 = arith.cmpi ne, %convert_element_type3A_1050, %cond3A_1051 : i32
      scf.if %cond3A_1052 {
        %sub3A = arith.constant 2 : i32
        %sub3A_1988 = arith.subi %add3A_1040, %sub3A : i32
        %mul3A_1989 = arith.constant 2 : i32
        %mul3A_1990 = arith.muli %sub3A_1988, %mul3A_1989 : i32
        %dma_wait3A_1991 = arith.constant 1 : i32
        %dma_wait3A_1992 = arith.constant 0 : i32
        %dma_wait3A_1993 = arith.constant 0 : i32
        %dma_wait3A_1994 = arith.constant 0 : i32
        %dma_wait3A_1995 = arith.constant 0 : i32
        %dma_wait3A_1996 = arith.constant 0 : i32
        %dma_wait3A_1997 = tpu.memref_slice %arg7[%dma_wait3A_1991, %dma_wait3A_1992, %dma_wait3A_1993, %dma_wait3A_1994, %dma_wait3A_1995, %dma_wait3A_1996] : memref<2x2x4x4x8x128xf32, #tpu.memory_space<vmem>> -> memref<1x2x4x4x8x128xf32, #tpu.memory_space<vmem>>
        %dma_wait3A_1998 = tpu.memref_squeeze %dma_wait3A_1997 : memref<1x2x4x4x8x128xf32, #tpu.memory_space<vmem>> -> memref<2x4x4x8x128xf32, #tpu.memory_space<vmem>>
        %dma_wait3A_1999 = arith.constant 0 : i32
        %dma_wait3A_2000 = arith.constant 0 : i32
        %dma_wait3A_2001 = arith.constant 0 : i32
        %dma_wait3A_2002 = tpu.memref_slice %arg4[%mul3A_1990, %dma_wait3A_1999, %mul3A_2, %dma_wait3A_2000, %dma_wait3A_2001] : memref<200x4x128x8x128xf32, #tpu.memory_space<hbm>> -> memref<2x4x4x8x128xf32, #tpu.memory_space<hbm>>
        %dma_wait3A_2003 = arith.constant 0 : i32
        %dma_wait3A_2004 = arith.constant 0 : i32
        %dma_wait3A_2005 = arith.constant 0 : i32
        %dma_wait3A_2006 = tpu.memref_slice %arg4[%mul3A_1990, %dma_wait3A_2003, %mul3A_2, %dma_wait3A_2004, %dma_wait3A_2005] : memref<200x4x128x8x128xf32, #tpu.memory_space<hbm>> -> memref<2x4x4x8x128xf32, #tpu.memory_space<hbm>>
        %dma_wait3A_2007 = arith.constant 0 : i32
        %dma_wait3A_2008 = arith.constant 0 : i32
        %dma_wait3A_2009 = arith.constant 0 : i32
        %dma_wait3A_2010 = arith.constant 0 : i32
        %dma_wait3A_2011 = arith.constant 0 : i32
        %dma_wait3A_2012 = tpu.memref_slice %arg7[%dma_wait3A_1991, %dma_wait3A_2007, %dma_wait3A_2008, %dma_wait3A_2009, %dma_wait3A_2010, %dma_wait3A_2011] : memref<2x2x4x4x8x128xf32, #tpu.memory_space<vmem>> -> memref<1x2x4x4x8x128xf32, #tpu.memory_space<vmem>>
        %dma_wait3A_2013 = tpu.memref_squeeze %dma_wait3A_2012 : memref<1x2x4x4x8x128xf32, #tpu.memory_space<vmem>> -> memref<2x4x4x8x128xf32, #tpu.memory_space<vmem>>
        tpu.wait_dma2 semaphore(%arg9 : memref<!tpu.dma_semaphore, #tpu.memory_space<semaphore_mem>>) src(%dma_wait3A_2013 : memref<2x4x4x8x128xf32, #tpu.memory_space<vmem>>) dst(%dma_wait3A_2006 : memref<2x4x4x8x128xf32, #tpu.memory_space<hbm>>)
      } else {
      }
      %get3A_1053 = arith.constant 1 : i32
      %get3A_1054 = arith.constant 0 : i32
      %get3A_1055 = tpu.memref_slice %arg6[%get3A_1053, %get3A_1054] : memref<2x1024xi32, #tpu.memory_space<vmem>> -> memref<1x1024xi32, #tpu.memory_space<vmem>>
      %get3A_1056 = tpu.memref_squeeze %get3A_1055 : memref<1x1024xi32, #tpu.memory_space<vmem>> -> memref<1024xi32, #tpu.memory_space<vmem>>
      %get3A_1057 = arith.constant 0 : index
      %get3A_1058 = tpu.vector_load %get3A_1056[%get3A_1057] {strides = array<i32>} : memref<1024xi32, #tpu.memory_space<vmem>>, vector<16xi32>,
      %add3A_1059 = arith.constant 0 : i32
      %add3A_1060 = vector.broadcast %add3A_1059 : i32 to vector<16xi32>
      %add3A_1061 = arith.addi %get3A_1058, %add3A_1060 : vector<16xi32>
      %gather3A_1062 = tpu.vector_load_idx %arg5[%add3A_1061] : memref<3200xf32, #tpu.memory_space<vmem>>[vector<16xi32>], vector<16xf32>,
      %add3A_1063 = arith.constant 100 : i32
      %add3A_1064 = vector.broadcast %add3A_1063 : i32 to vector<16xi32>
      %add3A_1065 = arith.addi %get3A_1058, %add3A_1064 : vector<16xi32>
      %gather3A_1066 = tpu.vector_load_idx %arg5[%add3A_1065] : memref<3200xf32, #tpu.memory_space<vmem>>[vector<16xi32>], vector<16xf32>,
      %add3A_1067 = arith.constant 200 : i32
      %add3A_1068 = vector.broadcast %add3A_1067 : i32 to vector<16xi32>
      %add3A_1069 = arith.addi %get3A_1058, %add3A_1068 : vector<16xi32>
      %gather3A_1070 = tpu.vector_load_idx %arg5[%add3A_1069] : memref<3200xf32, #tpu.memory_space<vmem>>[vector<16xi32>], vector<16xf32>,
      %add3A_1071 = arith.constant 300 : i32
      %add3A_1072 = vector.broadcast %add3A_1071 : i32 to vector<16xi32>
      %add3A_1073 = arith.addi %get3A_1058, %add3A_1072 : vector<16xi32>
      %gather3A_1074 = tpu.vector_load_idx %arg5[%add3A_1073] : memref<3200xf32, #tpu.memory_space<vmem>>[vector<16xi32>], vector<16xf32>,
      %add3A_1075 = arith.constant 400 : i32
      %add3A_1076 = vector.broadcast %add3A_1075 : i32 to vector<16xi32>
      %add3A_1077 = arith.addi %get3A_1058, %add3A_1076 : vector<16xi32>
      %gather3A_1078 = tpu.vector_load_idx %arg5[%add3A_1077] : memref<3200xf32, #tpu.memory_space<vmem>>[vector<16xi32>], vector<16xf32>,
      %add3A_1079 = arith.constant 500 : i32
      %add3A_1080 = vector.broadcast %add3A_1079 : i32 to vector<16xi32>
      %add3A_1081 = arith.addi %get3A_1058, %add3A_1080 : vector<16xi32>
      %gather3A_1082 = tpu.vector_load_idx %arg5[%add3A_1081] : memref<3200xf32, #tpu.memory_space<vmem>>[vector<16xi32>], vector<16xf32>,
      %add3A_1083 = arith.constant 600 : i32
      %add3A_1084 = vector.broadcast %add3A_1083 : i32 to vector<16xi32>
      %add3A_1085 = arith.addi %get3A_1058, %add3A_1084 : vector<16xi32>
      %gather3A_1086 = tpu.vector_load_idx %arg5[%add3A_1085] : memref<3200xf32, #tpu.memory_space<vmem>>[vector<16xi32>], vector<16xf32>,
      %add3A_1087 = arith.constant 700 : i32
      %add3A_1088 = vector.broadcast %add3A_1087 : i32 to vector<16xi32>
      %add3A_1089 = arith.addi %get3A_1058, %add3A_1088 : vector<16xi32>
      %gather3A_1090 = tpu.vector_load_idx %arg5[%add3A_1089] : memref<3200xf32, #tpu.memory_space<vmem>>[vector<16xi32>], vector<16xf32>,
      %add3A_1091 = arith.constant 800 : i32
      %add3A_1092 = vector.broadcast %add3A_1091 : i32 to vector<16xi32>
      %add3A_1093 = arith.addi %get3A_1058, %add3A_1092 : vector<16xi32>
      %gather3A_1094 = tpu.vector_load_idx %arg5[%add3A_1093] : memref<3200xf32, #tpu.memory_space<vmem>>[vector<16xi32>], vector<16xf32>,
      %add3A_1095 = arith.constant 900 : i32
      %add3A_1096 = vector.broadcast %add3A_1095 : i32 to vector<16xi32>
      %add3A_1097 = arith.addi %get3A_1058, %add3A_1096 : vector<16xi32>
      %gather3A_1098 = tpu.vector_load_idx %arg5[%add3A_1097] : memref<3200xf32, #tpu.memory_space<vmem>>[vector<16xi32>], vector<16xf32>,
      %add3A_1099 = arith.constant 1000 : i32
      %add3A_1100 = vector.broadcast %add3A_1099 : i32 to vector<16xi32>
      %add3A_1101 = arith.addi %get3A_1058, %add3A_1100 : vector<16xi32>
      %gather3A_1102 = tpu.vector_load_idx %arg5[%add3A_1101] : memref<3200xf32, #tpu.memory_space<vmem>>[vector<16xi32>], vector<16xf32>,
      %add3A_1103 = arith.constant 1100 : i32
      %add3A_1104 = vector.broadcast %add3A_1103 : i32 to vector<16xi32>
      %add3A_1105 = arith.addi %get3A_1058, %add3A_1104 : vector<16xi32>
      %gather3A_1106 = tpu.vector_load_idx %arg5[%add3A_1105] : memref<3200xf32, #tpu.memory_space<vmem>>[vector<16xi32>], vector<16xf32>,
      %add3A_1107 = arith.constant 1200 : i32
      %add3A_1108 = vector.broadcast %add3A_1107 : i32 to vector<16xi32>
      %add3A_1109 = arith.addi %get3A_1058, %add3A_1108 : vector<16xi32>
      %gather3A_1110 = tpu.vector_load_idx %arg5[%add3A_1109] : memref<3200xf32, #tpu.memory_space<vmem>>[vector<16xi32>], vector<16xf32>,
      %add3A_1111 = arith.constant 1300 : i32
      %add3A_1112 = vector.broadcast %add3A_1111 : i32 to vector<16xi32>
      %add3A_1113 = arith.addi %get3A_1058, %add3A_1112 : vector<16xi32>
      %gather3A_1114 = tpu.vector_load_idx %arg5[%add3A_1113] : memref<3200xf32, #tpu.memory_space<vmem>>[vector<16xi32>], vector<16xf32>,
      %add3A_1115 = arith.constant 1400 : i32
      %add3A_1116 = vector.broadcast %add3A_1115 : i32 to vector<16xi32>
      %add3A_1117 = arith.addi %get3A_1058, %add3A_1116 : vector<16xi32>
      %gather3A_1118 = tpu.vector_load_idx %arg5[%add3A_1117] : memref<3200xf32, #tpu.memory_space<vmem>>[vector<16xi32>], vector<16xf32>,
      %add3A_1119 = arith.constant 1500 : i32
      %add3A_1120 = vector.broadcast %add3A_1119 : i32 to vector<16xi32>
      %add3A_1121 = arith.addi %get3A_1058, %add3A_1120 : vector<16xi32>
      %gather3A_1122 = tpu.vector_load_idx %arg5[%add3A_1121] : memref<3200xf32, #tpu.memory_space<vmem>>[vector<16xi32>], vector<16xf32>,
      %add3A_1123 = arith.constant 1600 : i32
      %add3A_1124 = vector.broadcast %add3A_1123 : i32 to vector<16xi32>
      %add3A_1125 = arith.addi %get3A_1058, %add3A_1124 : vector<16xi32>
      %gather3A_1126 = tpu.vector_load_idx %arg5[%add3A_1125] : memref<3200xf32, #tpu.memory_space<vmem>>[vector<16xi32>], vector<16xf32>,
      %shift_right_logical3A_1127 = arith.constant 0 : i32
      %shift_right_logical3A_1128 = arith.constant 5 : i32
      %shift_right_logical3A_1129 = arith.shrui %shift_right_logical3A_1127, %shift_right_logical3A_1128 : i32
      %shift_right_logical3A_1130 = arith.constant 0 : i32
      %shift_right_logical3A_1131 = arith.constant 3 : i32
      %shift_right_logical3A_1132 = arith.shrui %shift_right_logical3A_1130, %shift_right_logical3A_1131 : i32
      %and3A_1133 = arith.constant 3 : i32
      %and3A_1134 = arith.andi %shift_right_logical3A_1132, %and3A_1133 : i32
      %swap3A_1135 = arith.constant 1 : i32
      %swap3A_1136 = arith.constant 0 : i32
      %swap3A_1137 = arith.constant 0 : i32
      %swap3A_1138 = arith.constant 0 : i32
      %swap3A_1139 = arith.constant 0 : i32
      %swap3A_1140 = arith.constant 0 : i32
      %swap3A_1141 = arith.constant 0 : i32
      %swap3A_1142 = arith.constant 0 : i32
      %swap3A_1143 = tpu.memref_slice %arg7[%swap3A_1135, %swap3A_1138, %swap3A_1139, %swap3A_1140, %swap3A_1141, %swap3A_1142] : memref<2x2x4x4x8x128xf32, #tpu.memory_space<vmem>> -> memref<1x2x4x4x8x128xf32, #tpu.memory_space<vmem>>
      %swap3A_1144 = tpu.memref_squeeze %swap3A_1143 : memref<1x2x4x4x8x128xf32, #tpu.memory_space<vmem>> -> memref<2x4x4x8x128xf32, #tpu.memory_space<vmem>>
      %swap3A_1145 = arith.index_cast %shift_right_logical3A_1129 : i32 to index
      %swap3A_1146 = arith.index_cast %swap3A_1136 : i32 to index
      %swap3A_1147 = arith.index_cast %and3A_1134 : i32 to index
      %swap3A_1148 = arith.index_cast %swap3A_1137 : i32 to index
      %swap3A_1149 = arith.constant 0 : index
      %swap3A_1150 = tpu.vector_load %swap3A_1144[%swap3A_1145, %swap3A_1146, %swap3A_1147, %swap3A_1148, %swap3A_1149] {strides = array<i32>} : memref<2x4x4x8x128xf32, #tpu.memory_space<vmem>>, vector<16xf32>,
      tpu.vector_store %swap3A_1144[%swap3A_1145, %swap3A_1146, %swap3A_1147, %swap3A_1148, %swap3A_1149], %gather3A_1062 {strides = array<i32>} : memref<2x4x4x8x128xf32, #tpu.memory_space<vmem>>, vector<16xf32>,
      %add3A_1151 = arith.constant 1700 : i32
      %add3A_1152 = vector.broadcast %add3A_1151 : i32 to vector<16xi32>
      %add3A_1153 = arith.addi %get3A_1058, %add3A_1152 : vector<16xi32>
      %gather3A_1154 = tpu.vector_load_idx %arg5[%add3A_1153] : memref<3200xf32, #tpu.memory_space<vmem>>[vector<16xi32>], vector<16xf32>,
      %shift_right_logical3A_1155 = arith.constant 0 : i32
      %shift_right_logical3A_1156 = arith.constant 5 : i32
      %shift_right_logical3A_1157 = arith.shrui %shift_right_logical3A_1155, %shift_right_logical3A_1156 : i32
      %shift_right_logical3A_1158 = arith.constant 0 : i32
      %shift_right_logical3A_1159 = arith.constant 3 : i32
      %shift_right_logical3A_1160 = arith.shrui %shift_right_logical3A_1158, %shift_right_logical3A_1159 : i32
      %and3A_1161 = arith.constant 3 : i32
      %and3A_1162 = arith.andi %shift_right_logical3A_1160, %and3A_1161 : i32
      %swap3A_1163 = arith.constant 1 : i32
      %swap3A_1164 = arith.constant 0 : i32
      %swap3A_1165 = arith.constant 1 : i32
      %swap3A_1166 = arith.constant 0 : i32
      %swap3A_1167 = arith.constant 0 : i32
      %swap3A_1168 = arith.constant 0 : i32
      %swap3A_1169 = arith.constant 0 : i32
      %swap3A_1170 = arith.constant 0 : i32
      %swap3A_1171 = tpu.memref_slice %arg7[%swap3A_1163, %swap3A_1166, %swap3A_1167, %swap3A_1168, %swap3A_1169, %swap3A_1170] : memref<2x2x4x4x8x128xf32, #tpu.memory_space<vmem>> -> memref<1x2x4x4x8x128xf32, #tpu.memory_space<vmem>>
      %swap3A_1172 = tpu.memref_squeeze %swap3A_1171 : memref<1x2x4x4x8x128xf32, #tpu.memory_space<vmem>> -> memref<2x4x4x8x128xf32, #tpu.memory_space<vmem>>
      %swap3A_1173 = arith.index_cast %shift_right_logical3A_1157 : i32 to index
      %swap3A_1174 = arith.index_cast %swap3A_1164 : i32 to index
      %swap3A_1175 = arith.index_cast %and3A_1162 : i32 to index
      %swap3A_1176 = arith.index_cast %swap3A_1165 : i32 to index
      %swap3A_1177 = arith.constant 0 : index
      %swap3A_1178 = tpu.vector_load %swap3A_1172[%swap3A_1173, %swap3A_1174, %swap3A_1175, %swap3A_1176, %swap3A_1177] {strides = array<i32>} : memref<2x4x4x8x128xf32, #tpu.memory_space<vmem>>, vector<16xf32>,
      tpu.vector_store %swap3A_1172[%swap3A_1173, %swap3A_1174, %swap3A_1175, %swap3A_1176, %swap3A_1177], %gather3A_1066 {strides = array<i32>} : memref<2x4x4x8x128xf32, #tpu.memory_space<vmem>>, vector<16xf32>,
      %add3A_1179 = arith.constant 1800 : i32
      %add3A_1180 = vector.broadcast %add3A_1179 : i32 to vector<16xi32>
      %add3A_1181 = arith.addi %get3A_1058, %add3A_1180 : vector<16xi32>
      %gather3A_1182 = tpu.vector_load_idx %arg5[%add3A_1181] : memref<3200xf32, #tpu.memory_space<vmem>>[vector<16xi32>], vector<16xf32>,
      %shift_right_logical3A_1183 = arith.constant 0 : i32
      %shift_right_logical3A_1184 = arith.constant 5 : i32
      %shift_right_logical3A_1185 = arith.shrui %shift_right_logical3A_1183, %shift_right_logical3A_1184 : i32
      %shift_right_logical3A_1186 = arith.constant 0 : i32
      %shift_right_logical3A_1187 = arith.constant 3 : i32
      %shift_right_logical3A_1188 = arith.shrui %shift_right_logical3A_1186, %shift_right_logical3A_1187 : i32
      %and3A_1189 = arith.constant 3 : i32
      %and3A_1190 = arith.andi %shift_right_logical3A_1188, %and3A_1189 : i32
      %swap3A_1191 = arith.constant 1 : i32
      %swap3A_1192 = arith.constant 0 : i32
      %swap3A_1193 = arith.constant 2 : i32
      %swap3A_1194 = arith.constant 0 : i32
      %swap3A_1195 = arith.constant 0 : i32
      %swap3A_1196 = arith.constant 0 : i32
      %swap3A_1197 = arith.constant 0 : i32
      %swap3A_1198 = arith.constant 0 : i32
      %swap3A_1199 = tpu.memref_slice %arg7[%swap3A_1191, %swap3A_1194, %swap3A_1195, %swap3A_1196, %swap3A_1197, %swap3A_1198] : memref<2x2x4x4x8x128xf32, #tpu.memory_space<vmem>> -> memref<1x2x4x4x8x128xf32, #tpu.memory_space<vmem>>
      %swap3A_1200 = tpu.memref_squeeze %swap3A_1199 : memref<1x2x4x4x8x128xf32, #tpu.memory_space<vmem>> -> memref<2x4x4x8x128xf32, #tpu.memory_space<vmem>>
      %swap3A_1201 = arith.index_cast %shift_right_logical3A_1185 : i32 to index
      %swap3A_1202 = arith.index_cast %swap3A_1192 : i32 to index
      %swap3A_1203 = arith.index_cast %and3A_1190 : i32 to index
      %swap3A_1204 = arith.index_cast %swap3A_1193 : i32 to index
      %swap3A_1205 = arith.constant 0 : index
      %swap3A_1206 = tpu.vector_load %swap3A_1200[%swap3A_1201, %swap3A_1202, %swap3A_1203, %swap3A_1204, %swap3A_1205] {strides = array<i32>} : memref<2x4x4x8x128xf32, #tpu.memory_space<vmem>>, vector<16xf32>,
      tpu.vector_store %swap3A_1200[%swap3A_1201, %swap3A_1202, %swap3A_1203, %swap3A_1204, %swap3A_1205], %gather3A_1070 {strides = array<i32>} : memref<2x4x4x8x128xf32, #tpu.memory_space<vmem>>, vector<16xf32>,
      %add3A_1207 = arith.constant 1900 : i32
      %add3A_1208 = vector.broadcast %add3A_1207 : i32 to vector<16xi32>
      %add3A_1209 = arith.addi %get3A_1058, %add3A_1208 : vector<16xi32>
      %gather3A_1210 = tpu.vector_load_idx %arg5[%add3A_1209] : memref<3200xf32, #tpu.memory_space<vmem>>[vector<16xi32>], vector<16xf32>,
      %shift_right_logical3A_1211 = arith.constant 0 : i32
      %shift_right_logical3A_1212 = arith.constant 5 : i32
      %shift_right_logical3A_1213 = arith.shrui %shift_right_logical3A_1211, %shift_right_logical3A_1212 : i32
      %shift_right_logical3A_1214 = arith.constant 0 : i32
      %shift_right_logical3A_1215 = arith.constant 3 : i32
      %shift_right_logical3A_1216 = arith.shrui %shift_right_logical3A_1214, %shift_right_logical3A_1215 : i32
      %and3A_1217 = arith.constant 3 : i32
      %and3A_1218 = arith.andi %shift_right_logical3A_1216, %and3A_1217 : i32
      %swap3A_1219 = arith.constant 1 : i32
      %swap3A_1220 = arith.constant 0 : i32
      %swap3A_1221 = arith.constant 3 : i32
      %swap3A_1222 = arith.constant 0 : i32
      %swap3A_1223 = arith.constant 0 : i32
      %swap3A_1224 = arith.constant 0 : i32
      %swap3A_1225 = arith.constant 0 : i32
      %swap3A_1226 = arith.constant 0 : i32
      %swap3A_1227 = tpu.memref_slice %arg7[%swap3A_1219, %swap3A_1222, %swap3A_1223, %swap3A_1224, %swap3A_1225, %swap3A_1226] : memref<2x2x4x4x8x128xf32, #tpu.memory_space<vmem>> -> memref<1x2x4x4x8x128xf32, #tpu.memory_space<vmem>>
      %swap3A_1228 = tpu.memref_squeeze %swap3A_1227 : memref<1x2x4x4x8x128xf32, #tpu.memory_space<vmem>> -> memref<2x4x4x8x128xf32, #tpu.memory_space<vmem>>
      %swap3A_1229 = arith.index_cast %shift_right_logical3A_1213 : i32 to index
      %swap3A_1230 = arith.index_cast %swap3A_1220 : i32 to index
      %swap3A_1231 = arith.index_cast %and3A_1218 : i32 to index
      %swap3A_1232 = arith.index_cast %swap3A_1221 : i32 to index
      %swap3A_1233 = arith.constant 0 : index
      %swap3A_1234 = tpu.vector_load %swap3A_1228[%swap3A_1229, %swap3A_1230, %swap3A_1231, %swap3A_1232, %swap3A_1233] {strides = array<i32>} : memref<2x4x4x8x128xf32, #tpu.memory_space<vmem>>, vector<16xf32>,
      tpu.vector_store %swap3A_1228[%swap3A_1229, %swap3A_1230, %swap3A_1231, %swap3A_1232, %swap3A_1233], %gather3A_1074 {strides = array<i32>} : memref<2x4x4x8x128xf32, #tpu.memory_space<vmem>>, vector<16xf32>,
      %add3A_1235 = arith.constant 2000 : i32
      %add3A_1236 = vector.broadcast %add3A_1235 : i32 to vector<16xi32>
      %add3A_1237 = arith.addi %get3A_1058, %add3A_1236 : vector<16xi32>
      %gather3A_1238 = tpu.vector_load_idx %arg5[%add3A_1237] : memref<3200xf32, #tpu.memory_space<vmem>>[vector<16xi32>], vector<16xf32>,
      %shift_right_logical3A_1239 = arith.constant 0 : i32
      %shift_right_logical3A_1240 = arith.constant 5 : i32
      %shift_right_logical3A_1241 = arith.shrui %shift_right_logical3A_1239, %shift_right_logical3A_1240 : i32
      %shift_right_logical3A_1242 = arith.constant 0 : i32
      %shift_right_logical3A_1243 = arith.constant 3 : i32
      %shift_right_logical3A_1244 = arith.shrui %shift_right_logical3A_1242, %shift_right_logical3A_1243 : i32
      %and3A_1245 = arith.constant 3 : i32
      %and3A_1246 = arith.andi %shift_right_logical3A_1244, %and3A_1245 : i32
      %swap3A_1247 = arith.constant 1 : i32
      %swap3A_1248 = arith.constant 0 : i32
      %swap3A_1249 = arith.constant 4 : i32
      %swap3A_1250 = arith.constant 0 : i32
      %swap3A_1251 = arith.constant 0 : i32
      %swap3A_1252 = arith.constant 0 : i32
      %swap3A_1253 = arith.constant 0 : i32
      %swap3A_1254 = arith.constant 0 : i32
      %swap3A_1255 = tpu.memref_slice %arg7[%swap3A_1247, %swap3A_1250, %swap3A_1251, %swap3A_1252, %swap3A_1253, %swap3A_1254] : memref<2x2x4x4x8x128xf32, #tpu.memory_space<vmem>> -> memref<1x2x4x4x8x128xf32, #tpu.memory_space<vmem>>
      %swap3A_1256 = tpu.memref_squeeze %swap3A_1255 : memref<1x2x4x4x8x128xf32, #tpu.memory_space<vmem>> -> memref<2x4x4x8x128xf32, #tpu.memory_space<vmem>>
      %swap3A_1257 = arith.index_cast %shift_right_logical3A_1241 : i32 to index
      %swap3A_1258 = arith.index_cast %swap3A_1248 : i32 to index
      %swap3A_1259 = arith.index_cast %and3A_1246 : i32 to index
      %swap3A_1260 = arith.index_cast %swap3A_1249 : i32 to index
      %swap3A_1261 = arith.constant 0 : index
      %swap3A_1262 = tpu.vector_load %swap3A_1256[%swap3A_1257, %swap3A_1258, %swap3A_1259, %swap3A_1260, %swap3A_1261] {strides = array<i32>} : memref<2x4x4x8x128xf32, #tpu.memory_space<vmem>>, vector<16xf32>,
      tpu.vector_store %swap3A_1256[%swap3A_1257, %swap3A_1258, %swap3A_1259, %swap3A_1260, %swap3A_1261], %gather3A_1078 {strides = array<i32>} : memref<2x4x4x8x128xf32, #tpu.memory_space<vmem>>, vector<16xf32>,
      %add3A_1263 = arith.constant 2100 : i32
      %add3A_1264 = vector.broadcast %add3A_1263 : i32 to vector<16xi32>
      %add3A_1265 = arith.addi %get3A_1058, %add3A_1264 : vector<16xi32>
      %gather3A_1266 = tpu.vector_load_idx %arg5[%add3A_1265] : memref<3200xf32, #tpu.memory_space<vmem>>[vector<16xi32>], vector<16xf32>,
      %shift_right_logical3A_1267 = arith.constant 0 : i32
      %shift_right_logical3A_1268 = arith.constant 5 : i32
      %shift_right_logical3A_1269 = arith.shrui %shift_right_logical3A_1267, %shift_right_logical3A_1268 : i32
      %shift_right_logical3A_1270 = arith.constant 0 : i32
      %shift_right_logical3A_1271 = arith.constant 3 : i32
      %shift_right_logical3A_1272 = arith.shrui %shift_right_logical3A_1270, %shift_right_logical3A_1271 : i32
      %and3A_1273 = arith.constant 3 : i32
      %and3A_1274 = arith.andi %shift_right_logical3A_1272, %and3A_1273 : i32
      %swap3A_1275 = arith.constant 1 : i32
      %swap3A_1276 = arith.constant 0 : i32
      %swap3A_1277 = arith.constant 5 : i32
      %swap3A_1278 = arith.constant 0 : i32
      %swap3A_1279 = arith.constant 0 : i32
      %swap3A_1280 = arith.constant 0 : i32
      %swap3A_1281 = arith.constant 0 : i32
      %swap3A_1282 = arith.constant 0 : i32
      %swap3A_1283 = tpu.memref_slice %arg7[%swap3A_1275, %swap3A_1278, %swap3A_1279, %swap3A_1280, %swap3A_1281, %swap3A_1282] : memref<2x2x4x4x8x128xf32, #tpu.memory_space<vmem>> -> memref<1x2x4x4x8x128xf32, #tpu.memory_space<vmem>>
      %swap3A_1284 = tpu.memref_squeeze %swap3A_1283 : memref<1x2x4x4x8x128xf32, #tpu.memory_space<vmem>> -> memref<2x4x4x8x128xf32, #tpu.memory_space<vmem>>
      %swap3A_1285 = arith.index_cast %shift_right_logical3A_1269 : i32 to index
      %swap3A_1286 = arith.index_cast %swap3A_1276 : i32 to index
      %swap3A_1287 = arith.index_cast %and3A_1274 : i32 to index
      %swap3A_1288 = arith.index_cast %swap3A_1277 : i32 to index
      %swap3A_1289 = arith.constant 0 : index
      %swap3A_1290 = tpu.vector_load %swap3A_1284[%swap3A_1285, %swap3A_1286, %swap3A_1287, %swap3A_1288, %swap3A_1289] {strides = array<i32>} : memref<2x4x4x8x128xf32, #tpu.memory_space<vmem>>, vector<16xf32>,
      tpu.vector_store %swap3A_1284[%swap3A_1285, %swap3A_1286, %swap3A_1287, %swap3A_1288, %swap3A_1289], %gather3A_1082 {strides = array<i32>} : memref<2x4x4x8x128xf32, #tpu.memory_space<vmem>>, vector<16xf32>,
      %add3A_1291 = arith.constant 2200 : i32
      %add3A_1292 = vector.broadcast %add3A_1291 : i32 to vector<16xi32>
      %add3A_1293 = arith.addi %get3A_1058, %add3A_1292 : vector<16xi32>
      %gather3A_1294 = tpu.vector_load_idx %arg5[%add3A_1293] : memref<3200xf32, #tpu.memory_space<vmem>>[vector<16xi32>], vector<16xf32>,
      %shift_right_logical3A_1295 = arith.constant 0 : i32
      %shift_right_logical3A_1296 = arith.constant 5 : i32
      %shift_right_logical3A_1297 = arith.shrui %shift_right_logical3A_1295, %shift_right_logical3A_1296 : i32
      %shift_right_logical3A_1298 = arith.constant 0 : i32
      %shift_right_logical3A_1299 = arith.constant 3 : i32
      %shift_right_logical3A_1300 = arith.shrui %shift_right_logical3A_1298, %shift_right_logical3A_1299 : i32
      %and3A_1301 = arith.constant 3 : i32
      %and3A_1302 = arith.andi %shift_right_logical3A_1300, %and3A_1301 : i32
      %swap3A_1303 = arith.constant 1 : i32
      %swap3A_1304 = arith.constant 0 : i32
      %swap3A_1305 = arith.constant 6 : i32
      %swap3A_1306 = arith.constant 0 : i32
      %swap3A_1307 = arith.constant 0 : i32
      %swap3A_1308 = arith.constant 0 : i32
      %swap3A_1309 = arith.constant 0 : i32
      %swap3A_1310 = arith.constant 0 : i32
      %swap3A_1311 = tpu.memref_slice %arg7[%swap3A_1303, %swap3A_1306, %swap3A_1307, %swap3A_1308, %swap3A_1309, %swap3A_1310] : memref<2x2x4x4x8x128xf32, #tpu.memory_space<vmem>> -> memref<1x2x4x4x8x128xf32, #tpu.memory_space<vmem>>
      %swap3A_1312 = tpu.memref_squeeze %swap3A_1311 : memref<1x2x4x4x8x128xf32, #tpu.memory_space<vmem>> -> memref<2x4x4x8x128xf32, #tpu.memory_space<vmem>>
      %swap3A_1313 = arith.index_cast %shift_right_logical3A_1297 : i32 to index
      %swap3A_1314 = arith.index_cast %swap3A_1304 : i32 to index
      %swap3A_1315 = arith.index_cast %and3A_1302 : i32 to index
      %swap3A_1316 = arith.index_cast %swap3A_1305 : i32 to index
      %swap3A_1317 = arith.constant 0 : index
      %swap3A_1318 = tpu.vector_load %swap3A_1312[%swap3A_1313, %swap3A_1314, %swap3A_1315, %swap3A_1316, %swap3A_1317] {strides = array<i32>} : memref<2x4x4x8x128xf32, #tpu.memory_space<vmem>>, vector<16xf32>,
      tpu.vector_store %swap3A_1312[%swap3A_1313, %swap3A_1314, %swap3A_1315, %swap3A_1316, %swap3A_1317], %gather3A_1086 {strides = array<i32>} : memref<2x4x4x8x128xf32, #tpu.memory_space<vmem>>, vector<16xf32>,
      %add3A_1319 = arith.constant 2300 : i32
      %add3A_1320 = vector.broadcast %add3A_1319 : i32 to vector<16xi32>
      %add3A_1321 = arith.addi %get3A_1058, %add3A_1320 : vector<16xi32>
      %gather3A_1322 = tpu.vector_load_idx %arg5[%add3A_1321] : memref<3200xf32, #tpu.memory_space<vmem>>[vector<16xi32>], vector<16xf32>,
      %shift_right_logical3A_1323 = arith.constant 0 : i32
      %shift_right_logical3A_1324 = arith.constant 5 : i32
      %shift_right_logical3A_1325 = arith.shrui %shift_right_logical3A_1323, %shift_right_logical3A_1324 : i32
      %shift_right_logical3A_1326 = arith.constant 0 : i32
      %shift_right_logical3A_1327 = arith.constant 3 : i32
      %shift_right_logical3A_1328 = arith.shrui %shift_right_logical3A_1326, %shift_right_logical3A_1327 : i32
      %and3A_1329 = arith.constant 3 : i32
      %and3A_1330 = arith.andi %shift_right_logical3A_1328, %and3A_1329 : i32
      %swap3A_1331 = arith.constant 1 : i32
      %swap3A_1332 = arith.constant 0 : i32
      %swap3A_1333 = arith.constant 7 : i32
      %swap3A_1334 = arith.constant 0 : i32
      %swap3A_1335 = arith.constant 0 : i32
      %swap3A_1336 = arith.constant 0 : i32
      %swap3A_1337 = arith.constant 0 : i32
      %swap3A_1338 = arith.constant 0 : i32
      %swap3A_1339 = tpu.memref_slice %arg7[%swap3A_1331, %swap3A_1334, %swap3A_1335, %swap3A_1336, %swap3A_1337, %swap3A_1338] : memref<2x2x4x4x8x128xf32, #tpu.memory_space<vmem>> -> memref<1x2x4x4x8x128xf32, #tpu.memory_space<vmem>>
      %swap3A_1340 = tpu.memref_squeeze %swap3A_1339 : memref<1x2x4x4x8x128xf32, #tpu.memory_space<vmem>> -> memref<2x4x4x8x128xf32, #tpu.memory_space<vmem>>
      %swap3A_1341 = arith.index_cast %shift_right_logical3A_1325 : i32 to index
      %swap3A_1342 = arith.index_cast %swap3A_1332 : i32 to index
      %swap3A_1343 = arith.index_cast %and3A_1330 : i32 to index
      %swap3A_1344 = arith.index_cast %swap3A_1333 : i32 to index
      %swap3A_1345 = arith.constant 0 : index
      %swap3A_1346 = tpu.vector_load %swap3A_1340[%swap3A_1341, %swap3A_1342, %swap3A_1343, %swap3A_1344, %swap3A_1345] {strides = array<i32>} : memref<2x4x4x8x128xf32, #tpu.memory_space<vmem>>, vector<16xf32>,
      tpu.vector_store %swap3A_1340[%swap3A_1341, %swap3A_1342, %swap3A_1343, %swap3A_1344, %swap3A_1345], %gather3A_1090 {strides = array<i32>} : memref<2x4x4x8x128xf32, #tpu.memory_space<vmem>>, vector<16xf32>,
      %add3A_1347 = arith.constant 2400 : i32
      %add3A_1348 = vector.broadcast %add3A_1347 : i32 to vector<16xi32>
      %add3A_1349 = arith.addi %get3A_1058, %add3A_1348 : vector<16xi32>
      %gather3A_1350 = tpu.vector_load_idx %arg5[%add3A_1349] : memref<3200xf32, #tpu.memory_space<vmem>>[vector<16xi32>], vector<16xf32>,
      %shift_right_logical3A_1351 = arith.constant 0 : i32
      %shift_right_logical3A_1352 = arith.constant 5 : i32
      %shift_right_logical3A_1353 = arith.shrui %shift_right_logical3A_1351, %shift_right_logical3A_1352 : i32
      %shift_right_logical3A_1354 = arith.constant 0 : i32
      %shift_right_logical3A_1355 = arith.constant 3 : i32
      %shift_right_logical3A_1356 = arith.shrui %shift_right_logical3A_1354, %shift_right_logical3A_1355 : i32
      %and3A_1357 = arith.constant 3 : i32
      %and3A_1358 = arith.andi %shift_right_logical3A_1356, %and3A_1357 : i32
      %swap3A_1359 = arith.constant 1 : i32
      %swap3A_1360 = arith.constant 1 : i32
      %swap3A_1361 = arith.constant 0 : i32
      %swap3A_1362 = arith.constant 0 : i32
      %swap3A_1363 = arith.constant 0 : i32
      %swap3A_1364 = arith.constant 0 : i32
      %swap3A_1365 = arith.constant 0 : i32
      %swap3A_1366 = arith.constant 0 : i32
      %swap3A_1367 = tpu.memref_slice %arg7[%swap3A_1359, %swap3A_1362, %swap3A_1363, %swap3A_1364, %swap3A_1365, %swap3A_1366] : memref<2x2x4x4x8x128xf32, #tpu.memory_space<vmem>> -> memref<1x2x4x4x8x128xf32, #tpu.memory_space<vmem>>
      %swap3A_1368 = tpu.memref_squeeze %swap3A_1367 : memref<1x2x4x4x8x128xf32, #tpu.memory_space<vmem>> -> memref<2x4x4x8x128xf32, #tpu.memory_space<vmem>>
      %swap3A_1369 = arith.index_cast %shift_right_logical3A_1353 : i32 to index
      %swap3A_1370 = arith.index_cast %swap3A_1360 : i32 to index
      %swap3A_1371 = arith.index_cast %and3A_1358 : i32 to index
      %swap3A_1372 = arith.index_cast %swap3A_1361 : i32 to index
      %swap3A_1373 = arith.constant 0 : index
      %swap3A_1374 = tpu.vector_load %swap3A_1368[%swap3A_1369, %swap3A_1370, %swap3A_1371, %swap3A_1372, %swap3A_1373] {strides = array<i32>} : memref<2x4x4x8x128xf32, #tpu.memory_space<vmem>>, vector<16xf32>,
      tpu.vector_store %swap3A_1368[%swap3A_1369, %swap3A_1370, %swap3A_1371, %swap3A_1372, %swap3A_1373], %gather3A_1094 {strides = array<i32>} : memref<2x4x4x8x128xf32, #tpu.memory_space<vmem>>, vector<16xf32>,
      %add3A_1375 = arith.constant 2500 : i32
      %add3A_1376 = vector.broadcast %add3A_1375 : i32 to vector<16xi32>
      %add3A_1377 = arith.addi %get3A_1058, %add3A_1376 : vector<16xi32>
      %gather3A_1378 = tpu.vector_load_idx %arg5[%add3A_1377] : memref<3200xf32, #tpu.memory_space<vmem>>[vector<16xi32>], vector<16xf32>,
      %shift_right_logical3A_1379 = arith.constant 0 : i32
      %shift_right_logical3A_1380 = arith.constant 5 : i32
      %shift_right_logical3A_1381 = arith.shrui %shift_right_logical3A_1379, %shift_right_logical3A_1380 : i32
      %shift_right_logical3A_1382 = arith.constant 0 : i32
      %shift_right_logical3A_1383 = arith.constant 3 : i32
      %shift_right_logical3A_1384 = arith.shrui %shift_right_logical3A_1382, %shift_right_logical3A_1383 : i32
      %and3A_1385 = arith.constant 3 : i32
      %and3A_1386 = arith.andi %shift_right_logical3A_1384, %and3A_1385 : i32
      %swap3A_1387 = arith.constant 1 : i32
      %swap3A_1388 = arith.constant 1 : i32
      %swap3A_1389 = arith.constant 1 : i32
      %swap3A_1390 = arith.constant 0 : i32
      %swap3A_1391 = arith.constant 0 : i32
      %swap3A_1392 = arith.constant 0 : i32
      %swap3A_1393 = arith.constant 0 : i32
      %swap3A_1394 = arith.constant 0 : i32
      %swap3A_1395 = tpu.memref_slice %arg7[%swap3A_1387, %swap3A_1390, %swap3A_1391, %swap3A_1392, %swap3A_1393, %swap3A_1394] : memref<2x2x4x4x8x128xf32, #tpu.memory_space<vmem>> -> memref<1x2x4x4x8x128xf32, #tpu.memory_space<vmem>>
      %swap3A_1396 = tpu.memref_squeeze %swap3A_1395 : memref<1x2x4x4x8x128xf32, #tpu.memory_space<vmem>> -> memref<2x4x4x8x128xf32, #tpu.memory_space<vmem>>
      %swap3A_1397 = arith.index_cast %shift_right_logical3A_1381 : i32 to index
      %swap3A_1398 = arith.index_cast %swap3A_1388 : i32 to index
      %swap3A_1399 = arith.index_cast %and3A_1386 : i32 to index
      %swap3A_1400 = arith.index_cast %swap3A_1389 : i32 to index
      %swap3A_1401 = arith.constant 0 : index
      %swap3A_1402 = tpu.vector_load %swap3A_1396[%swap3A_1397, %swap3A_1398, %swap3A_1399, %swap3A_1400, %swap3A_1401] {strides = array<i32>} : memref<2x4x4x8x128xf32, #tpu.memory_space<vmem>>, vector<16xf32>,
      tpu.vector_store %swap3A_1396[%swap3A_1397, %swap3A_1398, %swap3A_1399, %swap3A_1400, %swap3A_1401], %gather3A_1098 {strides = array<i32>} : memref<2x4x4x8x128xf32, #tpu.memory_space<vmem>>, vector<16xf32>,
      %add3A_1403 = arith.constant 2600 : i32
      %add3A_1404 = vector.broadcast %add3A_1403 : i32 to vector<16xi32>
      %add3A_1405 = arith.addi %get3A_1058, %add3A_1404 : vector<16xi32>
      %gather3A_1406 = tpu.vector_load_idx %arg5[%add3A_1405] : memref<3200xf32, #tpu.memory_space<vmem>>[vector<16xi32>], vector<16xf32>,
      %shift_right_logical3A_1407 = arith.constant 0 : i32
      %shift_right_logical3A_1408 = arith.constant 5 : i32
      %shift_right_logical3A_1409 = arith.shrui %shift_right_logical3A_1407, %shift_right_logical3A_1408 : i32
      %shift_right_logical3A_1410 = arith.constant 0 : i32
      %shift_right_logical3A_1411 = arith.constant 3 : i32
      %shift_right_logical3A_1412 = arith.shrui %shift_right_logical3A_1410, %shift_right_logical3A_1411 : i32
      %and3A_1413 = arith.constant 3 : i32
      %and3A_1414 = arith.andi %shift_right_logical3A_1412, %and3A_1413 : i32
      %swap3A_1415 = arith.constant 1 : i32
      %swap3A_1416 = arith.constant 1 : i32
      %swap3A_1417 = arith.constant 2 : i32
      %swap3A_1418 = arith.constant 0 : i32
      %swap3A_1419 = arith.constant 0 : i32
      %swap3A_1420 = arith.constant 0 : i32
      %swap3A_1421 = arith.constant 0 : i32
      %swap3A_1422 = arith.constant 0 : i32
      %swap3A_1423 = tpu.memref_slice %arg7[%swap3A_1415, %swap3A_1418, %swap3A_1419, %swap3A_1420, %swap3A_1421, %swap3A_1422] : memref<2x2x4x4x8x128xf32, #tpu.memory_space<vmem>> -> memref<1x2x4x4x8x128xf32, #tpu.memory_space<vmem>>
      %swap3A_1424 = tpu.memref_squeeze %swap3A_1423 : memref<1x2x4x4x8x128xf32, #tpu.memory_space<vmem>> -> memref<2x4x4x8x128xf32, #tpu.memory_space<vmem>>
      %swap3A_1425 = arith.index_cast %shift_right_logical3A_1409 : i32 to index
      %swap3A_1426 = arith.index_cast %swap3A_1416 : i32 to index
      %swap3A_1427 = arith.index_cast %and3A_1414 : i32 to index
      %swap3A_1428 = arith.index_cast %swap3A_1417 : i32 to index
      %swap3A_1429 = arith.constant 0 : index
      %swap3A_1430 = tpu.vector_load %swap3A_1424[%swap3A_1425, %swap3A_1426, %swap3A_1427, %swap3A_1428, %swap3A_1429] {strides = array<i32>} : memref<2x4x4x8x128xf32, #tpu.memory_space<vmem>>, vector<16xf32>,
      tpu.vector_store %swap3A_1424[%swap3A_1425, %swap3A_1426, %swap3A_1427, %swap3A_1428, %swap3A_1429], %gather3A_1102 {strides = array<i32>} : memref<2x4x4x8x128xf32, #tpu.memory_space<vmem>>, vector<16xf32>,
      %add3A_1431 = arith.constant 2700 : i32
      %add3A_1432 = vector.broadcast %add3A_1431 : i32 to vector<16xi32>
      %add3A_1433 = arith.addi %get3A_1058, %add3A_1432 : vector<16xi32>
      %gather3A_1434 = tpu.vector_load_idx %arg5[%add3A_1433] : memref<3200xf32, #tpu.memory_space<vmem>>[vector<16xi32>], vector<16xf32>,
      %shift_right_logical3A_1435 = arith.constant 0 : i32
      %shift_right_logical3A_1436 = arith.constant 5 : i32
      %shift_right_logical3A_1437 = arith.shrui %shift_right_logical3A_1435, %shift_right_logical3A_1436 : i32
      %shift_right_logical3A_1438 = arith.constant 0 : i32
      %shift_right_logical3A_1439 = arith.constant 3 : i32
      %shift_right_logical3A_1440 = arith.shrui %shift_right_logical3A_1438, %shift_right_logical3A_1439 : i32
      %and3A_1441 = arith.constant 3 : i32
      %and3A_1442 = arith.andi %shift_right_logical3A_1440, %and3A_1441 : i32
      %swap3A_1443 = arith.constant 1 : i32
      %swap3A_1444 = arith.constant 1 : i32
      %swap3A_1445 = arith.constant 3 : i32
      %swap3A_1446 = arith.constant 0 : i32
      %swap3A_1447 = arith.constant 0 : i32
      %swap3A_1448 = arith.constant 0 : i32
      %swap3A_1449 = arith.constant 0 : i32
      %swap3A_1450 = arith.constant 0 : i32
      %swap3A_1451 = tpu.memref_slice %arg7[%swap3A_1443, %swap3A_1446, %swap3A_1447, %swap3A_1448, %swap3A_1449, %swap3A_1450] : memref<2x2x4x4x8x128xf32, #tpu.memory_space<vmem>> -> memref<1x2x4x4x8x128xf32, #tpu.memory_space<vmem>>
      %swap3A_1452 = tpu.memref_squeeze %swap3A_1451 : memref<1x2x4x4x8x128xf32, #tpu.memory_space<vmem>> -> memref<2x4x4x8x128xf32, #tpu.memory_space<vmem>>
      %swap3A_1453 = arith.index_cast %shift_right_logical3A_1437 : i32 to index
      %swap3A_1454 = arith.index_cast %swap3A_1444 : i32 to index
      %swap3A_1455 = arith.index_cast %and3A_1442 : i32 to index
      %swap3A_1456 = arith.index_cast %swap3A_1445 : i32 to index
      %swap3A_1457 = arith.constant 0 : index
      %swap3A_1458 = tpu.vector_load %swap3A_1452[%swap3A_1453, %swap3A_1454, %swap3A_1455, %swap3A_1456, %swap3A_1457] {strides = array<i32>} : memref<2x4x4x8x128xf32, #tpu.memory_space<vmem>>, vector<16xf32>,
      tpu.vector_store %swap3A_1452[%swap3A_1453, %swap3A_1454, %swap3A_1455, %swap3A_1456, %swap3A_1457], %gather3A_1106 {strides = array<i32>} : memref<2x4x4x8x128xf32, #tpu.memory_space<vmem>>, vector<16xf32>,
      %add3A_1459 = arith.constant 2800 : i32
      %add3A_1460 = vector.broadcast %add3A_1459 : i32 to vector<16xi32>
      %add3A_1461 = arith.addi %get3A_1058, %add3A_1460 : vector<16xi32>
      %gather3A_1462 = tpu.vector_load_idx %arg5[%add3A_1461] : memref<3200xf32, #tpu.memory_space<vmem>>[vector<16xi32>], vector<16xf32>,
      %shift_right_logical3A_1463 = arith.constant 0 : i32
      %shift_right_logical3A_1464 = arith.constant 5 : i32
      %shift_right_logical3A_1465 = arith.shrui %shift_right_logical3A_1463, %shift_right_logical3A_1464 : i32
      %shift_right_logical3A_1466 = arith.constant 0 : i32
      %shift_right_logical3A_1467 = arith.constant 3 : i32
      %shift_right_logical3A_1468 = arith.shrui %shift_right_logical3A_1466, %shift_right_logical3A_1467 : i32
      %and3A_1469 = arith.constant 3 : i32
      %and3A_1470 = arith.andi %shift_right_logical3A_1468, %and3A_1469 : i32
      %swap3A_1471 = arith.constant 1 : i32
      %swap3A_1472 = arith.constant 1 : i32
      %swap3A_1473 = arith.constant 4 : i32
      %swap3A_1474 = arith.constant 0 : i32
      %swap3A_1475 = arith.constant 0 : i32
      %swap3A_1476 = arith.constant 0 : i32
      %swap3A_1477 = arith.constant 0 : i32
      %swap3A_1478 = arith.constant 0 : i32
      %swap3A_1479 = tpu.memref_slice %arg7[%swap3A_1471, %swap3A_1474, %swap3A_1475, %swap3A_1476, %swap3A_1477, %swap3A_1478] : memref<2x2x4x4x8x128xf32, #tpu.memory_space<vmem>> -> memref<1x2x4x4x8x128xf32, #tpu.memory_space<vmem>>
      %swap3A_1480 = tpu.memref_squeeze %swap3A_1479 : memref<1x2x4x4x8x128xf32, #tpu.memory_space<vmem>> -> memref<2x4x4x8x128xf32, #tpu.memory_space<vmem>>
      %swap3A_1481 = arith.index_cast %shift_right_logical3A_1465 : i32 to index
      %swap3A_1482 = arith.index_cast %swap3A_1472 : i32 to index
      %swap3A_1483 = arith.index_cast %and3A_1470 : i32 to index
      %swap3A_1484 = arith.index_cast %swap3A_1473 : i32 to index
      %swap3A_1485 = arith.constant 0 : index
      %swap3A_1486 = tpu.vector_load %swap3A_1480[%swap3A_1481, %swap3A_1482, %swap3A_1483, %swap3A_1484, %swap3A_1485] {strides = array<i32>} : memref<2x4x4x8x128xf32, #tpu.memory_space<vmem>>, vector<16xf32>,
      tpu.vector_store %swap3A_1480[%swap3A_1481, %swap3A_1482, %swap3A_1483, %swap3A_1484, %swap3A_1485], %gather3A_1110 {strides = array<i32>} : memref<2x4x4x8x128xf32, #tpu.memory_space<vmem>>, vector<16xf32>,
      %add3A_1487 = arith.constant 2900 : i32
      %add3A_1488 = vector.broadcast %add3A_1487 : i32 to vector<16xi32>
      %add3A_1489 = arith.addi %get3A_1058, %add3A_1488 : vector<16xi32>
      %gather3A_1490 = tpu.vector_load_idx %arg5[%add3A_1489] : memref<3200xf32, #tpu.memory_space<vmem>>[vector<16xi32>], vector<16xf32>,
      %shift_right_logical3A_1491 = arith.constant 0 : i32
      %shift_right_logical3A_1492 = arith.constant 5 : i32
      %shift_right_logical3A_1493 = arith.shrui %shift_right_logical3A_1491, %shift_right_logical3A_1492 : i32
      %shift_right_logical3A_1494 = arith.constant 0 : i32
      %shift_right_logical3A_1495 = arith.constant 3 : i32
      %shift_right_logical3A_1496 = arith.shrui %shift_right_logical3A_1494, %shift_right_logical3A_1495 : i32
      %and3A_1497 = arith.constant 3 : i32
      %and3A_1498 = arith.andi %shift_right_logical3A_1496, %and3A_1497 : i32
      %swap3A_1499 = arith.constant 1 : i32
      %swap3A_1500 = arith.constant 1 : i32
      %swap3A_1501 = arith.constant 5 : i32
      %swap3A_1502 = arith.constant 0 : i32
      %swap3A_1503 = arith.constant 0 : i32
      %swap3A_1504 = arith.constant 0 : i32
      %swap3A_1505 = arith.constant 0 : i32
      %swap3A_1506 = arith.constant 0 : i32
      %swap3A_1507 = tpu.memref_slice %arg7[%swap3A_1499, %swap3A_1502, %swap3A_1503, %swap3A_1504, %swap3A_1505, %swap3A_1506] : memref<2x2x4x4x8x128xf32, #tpu.memory_space<vmem>> -> memref<1x2x4x4x8x128xf32, #tpu.memory_space<vmem>>
      %swap3A_1508 = tpu.memref_squeeze %swap3A_1507 : memref<1x2x4x4x8x128xf32, #tpu.memory_space<vmem>> -> memref<2x4x4x8x128xf32, #tpu.memory_space<vmem>>
      %swap3A_1509 = arith.index_cast %shift_right_logical3A_1493 : i32 to index
      %swap3A_1510 = arith.index_cast %swap3A_1500 : i32 to index
      %swap3A_1511 = arith.index_cast %and3A_1498 : i32 to index
      %swap3A_1512 = arith.index_cast %swap3A_1501 : i32 to index
      %swap3A_1513 = arith.constant 0 : index
      %swap3A_1514 = tpu.vector_load %swap3A_1508[%swap3A_1509, %swap3A_1510, %swap3A_1511, %swap3A_1512, %swap3A_1513] {strides = array<i32>} : memref<2x4x4x8x128xf32, #tpu.memory_space<vmem>>, vector<16xf32>,
      tpu.vector_store %swap3A_1508[%swap3A_1509, %swap3A_1510, %swap3A_1511, %swap3A_1512, %swap3A_1513], %gather3A_1114 {strides = array<i32>} : memref<2x4x4x8x128xf32, #tpu.memory_space<vmem>>, vector<16xf32>,
      %add3A_1515 = arith.constant 3000 : i32
      %add3A_1516 = vector.broadcast %add3A_1515 : i32 to vector<16xi32>
      %add3A_1517 = arith.addi %get3A_1058, %add3A_1516 : vector<16xi32>
      %gather3A_1518 = tpu.vector_load_idx %arg5[%add3A_1517] : memref<3200xf32, #tpu.memory_space<vmem>>[vector<16xi32>], vector<16xf32>,
      %shift_right_logical3A_1519 = arith.constant 0 : i32
      %shift_right_logical3A_1520 = arith.constant 5 : i32
      %shift_right_logical3A_1521 = arith.shrui %shift_right_logical3A_1519, %shift_right_logical3A_1520 : i32
      %shift_right_logical3A_1522 = arith.constant 0 : i32
      %shift_right_logical3A_1523 = arith.constant 3 : i32
      %shift_right_logical3A_1524 = arith.shrui %shift_right_logical3A_1522, %shift_right_logical3A_1523 : i32
      %and3A_1525 = arith.constant 3 : i32
      %and3A_1526 = arith.andi %shift_right_logical3A_1524, %and3A_1525 : i32
      %swap3A_1527 = arith.constant 1 : i32
      %swap3A_1528 = arith.constant 1 : i32
      %swap3A_1529 = arith.constant 6 : i32
      %swap3A_1530 = arith.constant 0 : i32
      %swap3A_1531 = arith.constant 0 : i32
      %swap3A_1532 = arith.constant 0 : i32
      %swap3A_1533 = arith.constant 0 : i32
      %swap3A_1534 = arith.constant 0 : i32
      %swap3A_1535 = tpu.memref_slice %arg7[%swap3A_1527, %swap3A_1530, %swap3A_1531, %swap3A_1532, %swap3A_1533, %swap3A_1534] : memref<2x2x4x4x8x128xf32, #tpu.memory_space<vmem>> -> memref<1x2x4x4x8x128xf32, #tpu.memory_space<vmem>>
      %swap3A_1536 = tpu.memref_squeeze %swap3A_1535 : memref<1x2x4x4x8x128xf32, #tpu.memory_space<vmem>> -> memref<2x4x4x8x128xf32, #tpu.memory_space<vmem>>
      %swap3A_1537 = arith.index_cast %shift_right_logical3A_1521 : i32 to index
      %swap3A_1538 = arith.index_cast %swap3A_1528 : i32 to index
      %swap3A_1539 = arith.index_cast %and3A_1526 : i32 to index
      %swap3A_1540 = arith.index_cast %swap3A_1529 : i32 to index
      %swap3A_1541 = arith.constant 0 : index
      %swap3A_1542 = tpu.vector_load %swap3A_1536[%swap3A_1537, %swap3A_1538, %swap3A_1539, %swap3A_1540, %swap3A_1541] {strides = array<i32>} : memref<2x4x4x8x128xf32, #tpu.memory_space<vmem>>, vector<16xf32>,
      tpu.vector_store %swap3A_1536[%swap3A_1537, %swap3A_1538, %swap3A_1539, %swap3A_1540, %swap3A_1541], %gather3A_1118 {strides = array<i32>} : memref<2x4x4x8x128xf32, #tpu.memory_space<vmem>>, vector<16xf32>,
      %add3A_1543 = arith.constant 3100 : i32
      %add3A_1544 = vector.broadcast %add3A_1543 : i32 to vector<16xi32>
      %add3A_1545 = arith.addi %get3A_1058, %add3A_1544 : vector<16xi32>
      %gather3A_1546 = tpu.vector_load_idx %arg5[%add3A_1545] : memref<3200xf32, #tpu.memory_space<vmem>>[vector<16xi32>], vector<16xf32>,
      %shift_right_logical3A_1547 = arith.constant 0 : i32
      %shift_right_logical3A_1548 = arith.constant 5 : i32
      %shift_right_logical3A_1549 = arith.shrui %shift_right_logical3A_1547, %shift_right_logical3A_1548 : i32
      %shift_right_logical3A_1550 = arith.constant 0 : i32
      %shift_right_logical3A_1551 = arith.constant 3 : i32
      %shift_right_logical3A_1552 = arith.shrui %shift_right_logical3A_1550, %shift_right_logical3A_1551 : i32
      %and3A_1553 = arith.constant 3 : i32
      %and3A_1554 = arith.andi %shift_right_logical3A_1552, %and3A_1553 : i32
      %swap3A_1555 = arith.constant 1 : i32
      %swap3A_1556 = arith.constant 1 : i32
      %swap3A_1557 = arith.constant 7 : i32
      %swap3A_1558 = arith.constant 0 : i32
      %swap3A_1559 = arith.constant 0 : i32
      %swap3A_1560 = arith.constant 0 : i32
      %swap3A_1561 = arith.constant 0 : i32
      %swap3A_1562 = arith.constant 0 : i32
      %swap3A_1563 = tpu.memref_slice %arg7[%swap3A_1555, %swap3A_1558, %swap3A_1559, %swap3A_1560, %swap3A_1561, %swap3A_1562] : memref<2x2x4x4x8x128xf32, #tpu.memory_space<vmem>> -> memref<1x2x4x4x8x128xf32, #tpu.memory_space<vmem>>
      %swap3A_1564 = tpu.memref_squeeze %swap3A_1563 : memref<1x2x4x4x8x128xf32, #tpu.memory_space<vmem>> -> memref<2x4x4x8x128xf32, #tpu.memory_space<vmem>>
      %swap3A_1565 = arith.index_cast %shift_right_logical3A_1549 : i32 to index
      %swap3A_1566 = arith.index_cast %swap3A_1556 : i32 to index
      %swap3A_1567 = arith.index_cast %and3A_1554 : i32 to index
      %swap3A_1568 = arith.index_cast %swap3A_1557 : i32 to index
      %swap3A_1569 = arith.constant 0 : index
      %swap3A_1570 = tpu.vector_load %swap3A_1564[%swap3A_1565, %swap3A_1566, %swap3A_1567, %swap3A_1568, %swap3A_1569] {strides = array<i32>} : memref<2x4x4x8x128xf32, #tpu.memory_space<vmem>>, vector<16xf32>,
      tpu.vector_store %swap3A_1564[%swap3A_1565, %swap3A_1566, %swap3A_1567, %swap3A_1568, %swap3A_1569], %gather3A_1122 {strides = array<i32>} : memref<2x4x4x8x128xf32, #tpu.memory_space<vmem>>, vector<16xf32>,
      %scan3A_1571 = arith.constant 1 : i32
      %scan3A_1572 = arith.constant 1 : i32
      %scan3A_1573 = arith.constant 1 : i32
      %scan3A_1574 = arith.constant 63 : i32
      %scan3A_1575 = arith.addi %scan3A_1573, %scan3A_1574 : i32
      %scan3A_1576 = arith.constant 1 : i32
      %scan3A_1577:16 = scf.for %scan3A_1988 = %scan3A_1573 to %scan3A_1575 step %scan3A_1576 iter_args(%scan3A_1989 = %gather3A_1126, %scan3A_1990 = %gather3A_1154, %scan3A_1991 = %gather3A_1182, %scan3A_1992 = %gather3A_1210, %scan3A_1993 = %gather3A_1238, %scan3A_1994 = %gather3A_1266, %scan3A_1995 = %gather3A_1294, %scan3A_1996 = %gather3A_1322, %scan3A_1997 = %gather3A_1350, %scan3A_1998 = %gather3A_1378, %scan3A_1999 = %gather3A_1406, %scan3A_2000 = %gather3A_1434, %scan3A_2001 = %gather3A_1462, %scan3A_2002 = %gather3A_1490, %scan3A_2003 = %gather3A_1518, %scan3A_2004 = %gather3A_1546) -> (vector<16xf32>, vector<16xf32>, vector<16xf32>, vector<16xf32>, vector<16xf32>, vector<16xf32>, vector<16xf32>, vector<16xf32>, vector<16xf32>, vector<16xf32>, vector<16xf32>, vector<16xf32>, vector<16xf32>, vector<16xf32>, vector<16xf32>, vector<16xf32>)  : i32 {
        %mul3A_2005 = arith.constant 16 : i32
        %mul3A_2006 = arith.muli %scan3A_1988, %mul3A_2005 : i32
        %get3A_2007 = arith.constant 0 : i32
        %get3A_2008 = tpu.memref_slice %arg6[%scan3A_1571, %get3A_2007] : memref<2x1024xi32, #tpu.memory_space<vmem>> -> memref<1x1024xi32, #tpu.memory_space<vmem>>
        %get3A_2009 = tpu.memref_squeeze %get3A_2008 : memref<1x1024xi32, #tpu.memory_space<vmem>> -> memref<1024xi32, #tpu.memory_space<vmem>>
        %get3A_2010 = arith.index_cast %mul3A_2006 : i32 to index
        %get3A_2011 = tpu.vector_load %get3A_2009[%get3A_2010] {strides = array<i32>} : memref<1024xi32, #tpu.memory_space<vmem>>, vector<16xi32>,
        %add3A_2012 = arith.constant 0 : i32
        %add3A_2013 = vector.broadcast %add3A_2012 : i32 to vector<16xi32>
        %add3A_2014 = arith.addi %get3A_2011, %add3A_2013 : vector<16xi32>
        %gather3A_2015 = tpu.vector_load_idx %arg5[%add3A_2014] : memref<3200xf32, #tpu.memory_space<vmem>>[vector<16xi32>], vector<16xf32>,
        %sub3A = arith.constant 1 : i32
        %sub3A_2016 = arith.subi %scan3A_1988, %sub3A : i32
        %shift_right_logical3A_2017 = arith.constant 5 : i32
        %shift_right_logical3A_2018 = arith.shrui %sub3A_2016, %shift_right_logical3A_2017 : i32
        %shift_right_logical3A_2019 = arith.constant 3 : i32
        %shift_right_logical3A_2020 = arith.shrui %sub3A_2016, %shift_right_logical3A_2019 : i32
        %and3A_2021 = arith.constant 3 : i32
        %and3A_2022 = arith.andi %shift_right_logical3A_2020, %and3A_2021 : i32
        %and3A_2023 = arith.constant 7 : i32
        %and3A_2024 = arith.andi %sub3A_2016, %and3A_2023 : i32
        %mul3A_2025 = arith.constant 16 : i32
        %mul3A_2026 = arith.muli %and3A_2024, %mul3A_2025 : i32
        %swap3A_2027 = arith.constant 2 : i32
        %swap3A_2028 = arith.constant 0 : i32
        %swap3A_2029 = arith.constant 0 : i32
        %swap3A_2030 = arith.constant 0 : i32
        %swap3A_2031 = arith.constant 0 : i32
        %swap3A_2032 = arith.constant 0 : i32
        %swap3A_2033 = arith.constant 0 : i32
        %swap3A_2034 = tpu.memref_slice %arg7[%scan3A_1572, %swap3A_2029, %swap3A_2030, %swap3A_2031, %swap3A_2032, %swap3A_2033] : memref<2x2x4x4x8x128xf32, #tpu.memory_space<vmem>> -> memref<1x2x4x4x8x128xf32, #tpu.memory_space<vmem>>
        %swap3A_2035 = tpu.memref_squeeze %swap3A_2034 : memref<1x2x4x4x8x128xf32, #tpu.memory_space<vmem>> -> memref<2x4x4x8x128xf32, #tpu.memory_space<vmem>>
        %swap3A_2036 = arith.index_cast %shift_right_logical3A_2018 : i32 to index
        %swap3A_2037 = arith.index_cast %swap3A_2027 : i32 to index
        %swap3A_2038 = arith.index_cast %and3A_2022 : i32 to index
        %swap3A_2039 = arith.index_cast %swap3A_2028 : i32 to index
        %swap3A_2040 = arith.index_cast %mul3A_2026 : i32 to index
        %swap3A_2041 = tpu.vector_load %swap3A_2035[%swap3A_2036, %swap3A_2037, %swap3A_2038, %swap3A_2039, %swap3A_2040] {strides = array<i32>} : memref<2x4x4x8x128xf32, #tpu.memory_space<vmem>>, vector<16xf32>,
        tpu.vector_store %swap3A_2035[%swap3A_2036, %swap3A_2037, %swap3A_2038, %swap3A_2039, %swap3A_2040], %scan3A_1989 {strides = array<i32>} : memref<2x4x4x8x128xf32, #tpu.memory_space<vmem>>, vector<16xf32>,
        %add3A_2042 = arith.constant 100 : i32
        %add3A_2043 = vector.broadcast %add3A_2042 : i32 to vector<16xi32>
        %add3A_2044 = arith.addi %get3A_2011, %add3A_2043 : vector<16xi32>
        %gather3A_2045 = tpu.vector_load_idx %arg5[%add3A_2044] : memref<3200xf32, #tpu.memory_space<vmem>>[vector<16xi32>], vector<16xf32>,
        %sub3A_2046 = arith.constant 1 : i32
        %sub3A_2047 = arith.subi %scan3A_1988, %sub3A_2046 : i32
        %shift_right_logical3A_2048 = arith.constant 5 : i32
        %shift_right_logical3A_2049 = arith.shrui %sub3A_2047, %shift_right_logical3A_2048 : i32
        %shift_right_logical3A_2050 = arith.constant 3 : i32
        %shift_right_logical3A_2051 = arith.shrui %sub3A_2047, %shift_right_logical3A_2050 : i32
        %and3A_2052 = arith.constant 3 : i32
        %and3A_2053 = arith.andi %shift_right_logical3A_2051, %and3A_2052 : i32
        %and3A_2054 = arith.constant 7 : i32
        %and3A_2055 = arith.andi %sub3A_2047, %and3A_2054 : i32
        %mul3A_2056 = arith.constant 16 : i32
        %mul3A_2057 = arith.muli %and3A_2055, %mul3A_2056 : i32
        %swap3A_2058 = arith.constant 2 : i32
        %swap3A_2059 = arith.constant 1 : i32
        %swap3A_2060 = arith.constant 0 : i32
        %swap3A_2061 = arith.constant 0 : i32
        %swap3A_2062 = arith.constant 0 : i32
        %swap3A_2063 = arith.constant 0 : i32
        %swap3A_2064 = arith.constant 0 : i32
        %swap3A_2065 = tpu.memref_slice %arg7[%scan3A_1572, %swap3A_2060, %swap3A_2061, %swap3A_2062, %swap3A_2063, %swap3A_2064] : memref<2x2x4x4x8x128xf32, #tpu.memory_space<vmem>> -> memref<1x2x4x4x8x128xf32, #tpu.memory_space<vmem>>
        %swap3A_2066 = tpu.memref_squeeze %swap3A_2065 : memref<1x2x4x4x8x128xf32, #tpu.memory_space<vmem>> -> memref<2x4x4x8x128xf32, #tpu.memory_space<vmem>>
        %swap3A_2067 = arith.index_cast %shift_right_logical3A_2049 : i32 to index
        %swap3A_2068 = arith.index_cast %swap3A_2058 : i32 to index
        %swap3A_2069 = arith.index_cast %and3A_2053 : i32 to index
        %swap3A_2070 = arith.index_cast %swap3A_2059 : i32 to index
        %swap3A_2071 = arith.index_cast %mul3A_2057 : i32 to index
        %swap3A_2072 = tpu.vector_load %swap3A_2066[%swap3A_2067, %swap3A_2068, %swap3A_2069, %swap3A_2070, %swap3A_2071] {strides = array<i32>} : memref<2x4x4x8x128xf32, #tpu.memory_space<vmem>>, vector<16xf32>,
        tpu.vector_store %swap3A_2066[%swap3A_2067, %swap3A_2068, %swap3A_2069, %swap3A_2070, %swap3A_2071], %scan3A_1990 {strides = array<i32>} : memref<2x4x4x8x128xf32, #tpu.memory_space<vmem>>, vector<16xf32>,
        %add3A_2073 = arith.constant 200 : i32
        %add3A_2074 = vector.broadcast %add3A_2073 : i32 to vector<16xi32>
        %add3A_2075 = arith.addi %get3A_2011, %add3A_2074 : vector<16xi32>
        %gather3A_2076 = tpu.vector_load_idx %arg5[%add3A_2075] : memref<3200xf32, #tpu.memory_space<vmem>>[vector<16xi32>], vector<16xf32>,
        %sub3A_2077 = arith.constant 1 : i32
        %sub3A_2078 = arith.subi %scan3A_1988, %sub3A_2077 : i32
        %shift_right_logical3A_2079 = arith.constant 5 : i32
        %shift_right_logical3A_2080 = arith.shrui %sub3A_2078, %shift_right_logical3A_2079 : i32
        %shift_right_logical3A_2081 = arith.constant 3 : i32
        %shift_right_logical3A_2082 = arith.shrui %sub3A_2078, %shift_right_logical3A_2081 : i32
        %and3A_2083 = arith.constant 3 : i32
        %and3A_2084 = arith.andi %shift_right_logical3A_2082, %and3A_2083 : i32
        %and3A_2085 = arith.constant 7 : i32
        %and3A_2086 = arith.andi %sub3A_2078, %and3A_2085 : i32
        %mul3A_2087 = arith.constant 16 : i32
        %mul3A_2088 = arith.muli %and3A_2086, %mul3A_2087 : i32
        %swap3A_2089 = arith.constant 2 : i32
        %swap3A_2090 = arith.constant 2 : i32
        %swap3A_2091 = arith.constant 0 : i32
        %swap3A_2092 = arith.constant 0 : i32
        %swap3A_2093 = arith.constant 0 : i32
        %swap3A_2094 = arith.constant 0 : i32
        %swap3A_2095 = arith.constant 0 : i32
        %swap3A_2096 = tpu.memref_slice %arg7[%scan3A_1572, %swap3A_2091, %swap3A_2092, %swap3A_2093, %swap3A_2094, %swap3A_2095] : memref<2x2x4x4x8x128xf32, #tpu.memory_space<vmem>> -> memref<1x2x4x4x8x128xf32, #tpu.memory_space<vmem>>
        %swap3A_2097 = tpu.memref_squeeze %swap3A_2096 : memref<1x2x4x4x8x128xf32, #tpu.memory_space<vmem>> -> memref<2x4x4x8x128xf32, #tpu.memory_space<vmem>>
        %swap3A_2098 = arith.index_cast %shift_right_logical3A_2080 : i32 to index
        %swap3A_2099 = arith.index_cast %swap3A_2089 : i32 to index
        %swap3A_2100 = arith.index_cast %and3A_2084 : i32 to index
        %swap3A_2101 = arith.index_cast %swap3A_2090 : i32 to index
        %swap3A_2102 = arith.index_cast %mul3A_2088 : i32 to index
        %swap3A_2103 = tpu.vector_load %swap3A_2097[%swap3A_2098, %swap3A_2099, %swap3A_2100, %swap3A_2101, %swap3A_2102] {strides = array<i32>} : memref<2x4x4x8x128xf32, #tpu.memory_space<vmem>>, vector<16xf32>,
        tpu.vector_store %swap3A_2097[%swap3A_2098, %swap3A_2099, %swap3A_2100, %swap3A_2101, %swap3A_2102], %scan3A_1991 {strides = array<i32>} : memref<2x4x4x8x128xf32, #tpu.memory_space<vmem>>, vector<16xf32>,
        %add3A_2104 = arith.constant 300 : i32
        %add3A_2105 = vector.broadcast %add3A_2104 : i32 to vector<16xi32>
        %add3A_2106 = arith.addi %get3A_2011, %add3A_2105 : vector<16xi32>
        %gather3A_2107 = tpu.vector_load_idx %arg5[%add3A_2106] : memref<3200xf32, #tpu.memory_space<vmem>>[vector<16xi32>], vector<16xf32>,
        %sub3A_2108 = arith.constant 1 : i32
        %sub3A_2109 = arith.subi %scan3A_1988, %sub3A_2108 : i32
        %shift_right_logical3A_2110 = arith.constant 5 : i32
        %shift_right_logical3A_2111 = arith.shrui %sub3A_2109, %shift_right_logical3A_2110 : i32
        %shift_right_logical3A_2112 = arith.constant 3 : i32
        %shift_right_logical3A_2113 = arith.shrui %sub3A_2109, %shift_right_logical3A_2112 : i32
        %and3A_2114 = arith.constant 3 : i32
        %and3A_2115 = arith.andi %shift_right_logical3A_2113, %and3A_2114 : i32
        %and3A_2116 = arith.constant 7 : i32
        %and3A_2117 = arith.andi %sub3A_2109, %and3A_2116 : i32
        %mul3A_2118 = arith.constant 16 : i32
        %mul3A_2119 = arith.muli %and3A_2117, %mul3A_2118 : i32
        %swap3A_2120 = arith.constant 2 : i32
        %swap3A_2121 = arith.constant 3 : i32
        %swap3A_2122 = arith.constant 0 : i32
        %swap3A_2123 = arith.constant 0 : i32
        %swap3A_2124 = arith.constant 0 : i32
        %swap3A_2125 = arith.constant 0 : i32
        %swap3A_2126 = arith.constant 0 : i32
        %swap3A_2127 = tpu.memref_slice %arg7[%scan3A_1572, %swap3A_2122, %swap3A_2123, %swap3A_2124, %swap3A_2125, %swap3A_2126] : memref<2x2x4x4x8x128xf32, #tpu.memory_space<vmem>> -> memref<1x2x4x4x8x128xf32, #tpu.memory_space<vmem>>
        %swap3A_2128 = tpu.memref_squeeze %swap3A_2127 : memref<1x2x4x4x8x128xf32, #tpu.memory_space<vmem>> -> memref<2x4x4x8x128xf32, #tpu.memory_space<vmem>>
        %swap3A_2129 = arith.index_cast %shift_right_logical3A_2111 : i32 to index
        %swap3A_2130 = arith.index_cast %swap3A_2120 : i32 to index
        %swap3A_2131 = arith.index_cast %and3A_2115 : i32 to index
        %swap3A_2132 = arith.index_cast %swap3A_2121 : i32 to index
        %swap3A_2133 = arith.index_cast %mul3A_2119 : i32 to index
        %swap3A_2134 = tpu.vector_load %swap3A_2128[%swap3A_2129, %swap3A_2130, %swap3A_2131, %swap3A_2132, %swap3A_2133] {strides = array<i32>} : memref<2x4x4x8x128xf32, #tpu.memory_space<vmem>>, vector<16xf32>,
        tpu.vector_store %swap3A_2128[%swap3A_2129, %swap3A_2130, %swap3A_2131, %swap3A_2132, %swap3A_2133], %scan3A_1992 {strides = array<i32>} : memref<2x4x4x8x128xf32, #tpu.memory_space<vmem>>, vector<16xf32>,
        %add3A_2135 = arith.constant 400 : i32
        %add3A_2136 = vector.broadcast %add3A_2135 : i32 to vector<16xi32>
        %add3A_2137 = arith.addi %get3A_2011, %add3A_2136 : vector<16xi32>
        %gather3A_2138 = tpu.vector_load_idx %arg5[%add3A_2137] : memref<3200xf32, #tpu.memory_space<vmem>>[vector<16xi32>], vector<16xf32>,
        %sub3A_2139 = arith.constant 1 : i32
        %sub3A_2140 = arith.subi %scan3A_1988, %sub3A_2139 : i32
        %shift_right_logical3A_2141 = arith.constant 5 : i32
        %shift_right_logical3A_2142 = arith.shrui %sub3A_2140, %shift_right_logical3A_2141 : i32
        %shift_right_logical3A_2143 = arith.constant 3 : i32
        %shift_right_logical3A_2144 = arith.shrui %sub3A_2140, %shift_right_logical3A_2143 : i32
        %and3A_2145 = arith.constant 3 : i32
        %and3A_2146 = arith.andi %shift_right_logical3A_2144, %and3A_2145 : i32
        %and3A_2147 = arith.constant 7 : i32
        %and3A_2148 = arith.andi %sub3A_2140, %and3A_2147 : i32
        %mul3A_2149 = arith.constant 16 : i32
        %mul3A_2150 = arith.muli %and3A_2148, %mul3A_2149 : i32
        %swap3A_2151 = arith.constant 2 : i32
        %swap3A_2152 = arith.constant 4 : i32
        %swap3A_2153 = arith.constant 0 : i32
        %swap3A_2154 = arith.constant 0 : i32
        %swap3A_2155 = arith.constant 0 : i32
        %swap3A_2156 = arith.constant 0 : i32
        %swap3A_2157 = arith.constant 0 : i32
        %swap3A_2158 = tpu.memref_slice %arg7[%scan3A_1572, %swap3A_2153, %swap3A_2154, %swap3A_2155, %swap3A_2156, %swap3A_2157] : memref<2x2x4x4x8x128xf32, #tpu.memory_space<vmem>> -> memref<1x2x4x4x8x128xf32, #tpu.memory_space<vmem>>
        %swap3A_2159 = tpu.memref_squeeze %swap3A_2158 : memref<1x2x4x4x8x128xf32, #tpu.memory_space<vmem>> -> memref<2x4x4x8x128xf32, #tpu.memory_space<vmem>>
        %swap3A_2160 = arith.index_cast %shift_right_logical3A_2142 : i32 to index
        %swap3A_2161 = arith.index_cast %swap3A_2151 : i32 to index
        %swap3A_2162 = arith.index_cast %and3A_2146 : i32 to index
        %swap3A_2163 = arith.index_cast %swap3A_2152 : i32 to index
        %swap3A_2164 = arith.index_cast %mul3A_2150 : i32 to index
        %swap3A_2165 = tpu.vector_load %swap3A_2159[%swap3A_2160, %swap3A_2161, %swap3A_2162, %swap3A_2163, %swap3A_2164] {strides = array<i32>} : memref<2x4x4x8x128xf32, #tpu.memory_space<vmem>>, vector<16xf32>,
        tpu.vector_store %swap3A_2159[%swap3A_2160, %swap3A_2161, %swap3A_2162, %swap3A_2163, %swap3A_2164], %scan3A_1993 {strides = array<i32>} : memref<2x4x4x8x128xf32, #tpu.memory_space<vmem>>, vector<16xf32>,
        %add3A_2166 = arith.constant 500 : i32
        %add3A_2167 = vector.broadcast %add3A_2166 : i32 to vector<16xi32>
        %add3A_2168 = arith.addi %get3A_2011, %add3A_2167 : vector<16xi32>
        %gather3A_2169 = tpu.vector_load_idx %arg5[%add3A_2168] : memref<3200xf32, #tpu.memory_space<vmem>>[vector<16xi32>], vector<16xf32>,
        %sub3A_2170 = arith.constant 1 : i32
        %sub3A_2171 = arith.subi %scan3A_1988, %sub3A_2170 : i32
        %shift_right_logical3A_2172 = arith.constant 5 : i32
        %shift_right_logical3A_2173 = arith.shrui %sub3A_2171, %shift_right_logical3A_2172 : i32
        %shift_right_logical3A_2174 = arith.constant 3 : i32
        %shift_right_logical3A_2175 = arith.shrui %sub3A_2171, %shift_right_logical3A_2174 : i32
        %and3A_2176 = arith.constant 3 : i32
        %and3A_2177 = arith.andi %shift_right_logical3A_2175, %and3A_2176 : i32
        %and3A_2178 = arith.constant 7 : i32
        %and3A_2179 = arith.andi %sub3A_2171, %and3A_2178 : i32
        %mul3A_2180 = arith.constant 16 : i32
        %mul3A_2181 = arith.muli %and3A_2179, %mul3A_2180 : i32
        %swap3A_2182 = arith.constant 2 : i32
        %swap3A_2183 = arith.constant 5 : i32
        %swap3A_2184 = arith.constant 0 : i32
        %swap3A_2185 = arith.constant 0 : i32
        %swap3A_2186 = arith.constant 0 : i32
        %swap3A_2187 = arith.constant 0 : i32
        %swap3A_2188 = arith.constant 0 : i32
        %swap3A_2189 = tpu.memref_slice %arg7[%scan3A_1572, %swap3A_2184, %swap3A_2185, %swap3A_2186, %swap3A_2187, %swap3A_2188] : memref<2x2x4x4x8x128xf32, #tpu.memory_space<vmem>> -> memref<1x2x4x4x8x128xf32, #tpu.memory_space<vmem>>
        %swap3A_2190 = tpu.memref_squeeze %swap3A_2189 : memref<1x2x4x4x8x128xf32, #tpu.memory_space<vmem>> -> memref<2x4x4x8x128xf32, #tpu.memory_space<vmem>>
        %swap3A_2191 = arith.index_cast %shift_right_logical3A_2173 : i32 to index
        %swap3A_2192 = arith.index_cast %swap3A_2182 : i32 to index
        %swap3A_2193 = arith.index_cast %and3A_2177 : i32 to index
        %swap3A_2194 = arith.index_cast %swap3A_2183 : i32 to index
        %swap3A_2195 = arith.index_cast %mul3A_2181 : i32 to index
        %swap3A_2196 = tpu.vector_load %swap3A_2190[%swap3A_2191, %swap3A_2192, %swap3A_2193, %swap3A_2194, %swap3A_2195] {strides = array<i32>} : memref<2x4x4x8x128xf32, #tpu.memory_space<vmem>>, vector<16xf32>,
        tpu.vector_store %swap3A_2190[%swap3A_2191, %swap3A_2192, %swap3A_2193, %swap3A_2194, %swap3A_2195], %scan3A_1994 {strides = array<i32>} : memref<2x4x4x8x128xf32, #tpu.memory_space<vmem>>, vector<16xf32>,
        %add3A_2197 = arith.constant 600 : i32
        %add3A_2198 = vector.broadcast %add3A_2197 : i32 to vector<16xi32>
        %add3A_2199 = arith.addi %get3A_2011, %add3A_2198 : vector<16xi32>
        %gather3A_2200 = tpu.vector_load_idx %arg5[%add3A_2199] : memref<3200xf32, #tpu.memory_space<vmem>>[vector<16xi32>], vector<16xf32>,
        %sub3A_2201 = arith.constant 1 : i32
        %sub3A_2202 = arith.subi %scan3A_1988, %sub3A_2201 : i32
        %shift_right_logical3A_2203 = arith.constant 5 : i32
        %shift_right_logical3A_2204 = arith.shrui %sub3A_2202, %shift_right_logical3A_2203 : i32
        %shift_right_logical3A_2205 = arith.constant 3 : i32
        %shift_right_logical3A_2206 = arith.shrui %sub3A_2202, %shift_right_logical3A_2205 : i32
        %and3A_2207 = arith.constant 3 : i32
        %and3A_2208 = arith.andi %shift_right_logical3A_2206, %and3A_2207 : i32
        %and3A_2209 = arith.constant 7 : i32
        %and3A_2210 = arith.andi %sub3A_2202, %and3A_2209 : i32
        %mul3A_2211 = arith.constant 16 : i32
        %mul3A_2212 = arith.muli %and3A_2210, %mul3A_2211 : i32
        %swap3A_2213 = arith.constant 2 : i32
        %swap3A_2214 = arith.constant 6 : i32
        %swap3A_2215 = arith.constant 0 : i32
        %swap3A_2216 = arith.constant 0 : i32
        %swap3A_2217 = arith.constant 0 : i32
        %swap3A_2218 = arith.constant 0 : i32
        %swap3A_2219 = arith.constant 0 : i32
        %swap3A_2220 = tpu.memref_slice %arg7[%scan3A_1572, %swap3A_2215, %swap3A_2216, %swap3A_2217, %swap3A_2218, %swap3A_2219] : memref<2x2x4x4x8x128xf32, #tpu.memory_space<vmem>> -> memref<1x2x4x4x8x128xf32, #tpu.memory_space<vmem>>
        %swap3A_2221 = tpu.memref_squeeze %swap3A_2220 : memref<1x2x4x4x8x128xf32, #tpu.memory_space<vmem>> -> memref<2x4x4x8x128xf32, #tpu.memory_space<vmem>>
        %swap3A_2222 = arith.index_cast %shift_right_logical3A_2204 : i32 to index
        %swap3A_2223 = arith.index_cast %swap3A_2213 : i32 to index
        %swap3A_2224 = arith.index_cast %and3A_2208 : i32 to index
        %swap3A_2225 = arith.index_cast %swap3A_2214 : i32 to index
        %swap3A_2226 = arith.index_cast %mul3A_2212 : i32 to index
        %swap3A_2227 = tpu.vector_load %swap3A_2221[%swap3A_2222, %swap3A_2223, %swap3A_2224, %swap3A_2225, %swap3A_2226] {strides = array<i32>} : memref<2x4x4x8x128xf32, #tpu.memory_space<vmem>>, vector<16xf32>,
        tpu.vector_store %swap3A_2221[%swap3A_2222, %swap3A_2223, %swap3A_2224, %swap3A_2225, %swap3A_2226], %scan3A_1995 {strides = array<i32>} : memref<2x4x4x8x128xf32, #tpu.memory_space<vmem>>, vector<16xf32>,
        %add3A_2228 = arith.constant 700 : i32
        %add3A_2229 = vector.broadcast %add3A_2228 : i32 to vector<16xi32>
        %add3A_2230 = arith.addi %get3A_2011, %add3A_2229 : vector<16xi32>
        %gather3A_2231 = tpu.vector_load_idx %arg5[%add3A_2230] : memref<3200xf32, #tpu.memory_space<vmem>>[vector<16xi32>], vector<16xf32>,
        %sub3A_2232 = arith.constant 1 : i32
        %sub3A_2233 = arith.subi %scan3A_1988, %sub3A_2232 : i32
        %shift_right_logical3A_2234 = arith.constant 5 : i32
        %shift_right_logical3A_2235 = arith.shrui %sub3A_2233, %shift_right_logical3A_2234 : i32
        %shift_right_logical3A_2236 = arith.constant 3 : i32
        %shift_right_logical3A_2237 = arith.shrui %sub3A_2233, %shift_right_logical3A_2236 : i32
        %and3A_2238 = arith.constant 3 : i32
        %and3A_2239 = arith.andi %shift_right_logical3A_2237, %and3A_2238 : i32
        %and3A_2240 = arith.constant 7 : i32
        %and3A_2241 = arith.andi %sub3A_2233, %and3A_2240 : i32
        %mul3A_2242 = arith.constant 16 : i32
        %mul3A_2243 = arith.muli %and3A_2241, %mul3A_2242 : i32
        %swap3A_2244 = arith.constant 2 : i32
        %swap3A_2245 = arith.constant 7 : i32
        %swap3A_2246 = arith.constant 0 : i32
        %swap3A_2247 = arith.constant 0 : i32
        %swap3A_2248 = arith.constant 0 : i32
        %swap3A_2249 = arith.constant 0 : i32
        %swap3A_2250 = arith.constant 0 : i32
        %swap3A_2251 = tpu.memref_slice %arg7[%scan3A_1572, %swap3A_2246, %swap3A_2247, %swap3A_2248, %swap3A_2249, %swap3A_2250] : memref<2x2x4x4x8x128xf32, #tpu.memory_space<vmem>> -> memref<1x2x4x4x8x128xf32, #tpu.memory_space<vmem>>
        %swap3A_2252 = tpu.memref_squeeze %swap3A_2251 : memref<1x2x4x4x8x128xf32, #tpu.memory_space<vmem>> -> memref<2x4x4x8x128xf32, #tpu.memory_space<vmem>>
        %swap3A_2253 = arith.index_cast %shift_right_logical3A_2235 : i32 to index
        %swap3A_2254 = arith.index_cast %swap3A_2244 : i32 to index
        %swap3A_2255 = arith.index_cast %and3A_2239 : i32 to index
        %swap3A_2256 = arith.index_cast %swap3A_2245 : i32 to index
        %swap3A_2257 = arith.index_cast %mul3A_2243 : i32 to index
        %swap3A_2258 = tpu.vector_load %swap3A_2252[%swap3A_2253, %swap3A_2254, %swap3A_2255, %swap3A_2256, %swap3A_2257] {strides = array<i32>} : memref<2x4x4x8x128xf32, #tpu.memory_space<vmem>>, vector<16xf32>,
        tpu.vector_store %swap3A_2252[%swap3A_2253, %swap3A_2254, %swap3A_2255, %swap3A_2256, %swap3A_2257], %scan3A_1996 {strides = array<i32>} : memref<2x4x4x8x128xf32, #tpu.memory_space<vmem>>, vector<16xf32>,
        %add3A_2259 = arith.constant 800 : i32
        %add3A_2260 = vector.broadcast %add3A_2259 : i32 to vector<16xi32>
        %add3A_2261 = arith.addi %get3A_2011, %add3A_2260 : vector<16xi32>
        %gather3A_2262 = tpu.vector_load_idx %arg5[%add3A_2261] : memref<3200xf32, #tpu.memory_space<vmem>>[vector<16xi32>], vector<16xf32>,
        %sub3A_2263 = arith.constant 1 : i32
        %sub3A_2264 = arith.subi %scan3A_1988, %sub3A_2263 : i32
        %shift_right_logical3A_2265 = arith.constant 5 : i32
        %shift_right_logical3A_2266 = arith.shrui %sub3A_2264, %shift_right_logical3A_2265 : i32
        %shift_right_logical3A_2267 = arith.constant 3 : i32
        %shift_right_logical3A_2268 = arith.shrui %sub3A_2264, %shift_right_logical3A_2267 : i32
        %and3A_2269 = arith.constant 3 : i32
        %and3A_2270 = arith.andi %shift_right_logical3A_2268, %and3A_2269 : i32
        %and3A_2271 = arith.constant 7 : i32
        %and3A_2272 = arith.andi %sub3A_2264, %and3A_2271 : i32
        %mul3A_2273 = arith.constant 16 : i32
        %mul3A_2274 = arith.muli %and3A_2272, %mul3A_2273 : i32
        %swap3A_2275 = arith.constant 3 : i32
        %swap3A_2276 = arith.constant 0 : i32
        %swap3A_2277 = arith.constant 0 : i32
        %swap3A_2278 = arith.constant 0 : i32
        %swap3A_2279 = arith.constant 0 : i32
        %swap3A_2280 = arith.constant 0 : i32
        %swap3A_2281 = arith.constant 0 : i32
        %swap3A_2282 = tpu.memref_slice %arg7[%scan3A_1572, %swap3A_2277, %swap3A_2278, %swap3A_2279, %swap3A_2280, %swap3A_2281] : memref<2x2x4x4x8x128xf32, #tpu.memory_space<vmem>> -> memref<1x2x4x4x8x128xf32, #tpu.memory_space<vmem>>
        %swap3A_2283 = tpu.memref_squeeze %swap3A_2282 : memref<1x2x4x4x8x128xf32, #tpu.memory_space<vmem>> -> memref<2x4x4x8x128xf32, #tpu.memory_space<vmem>>
        %swap3A_2284 = arith.index_cast %shift_right_logical3A_2266 : i32 to index
        %swap3A_2285 = arith.index_cast %swap3A_2275 : i32 to index
        %swap3A_2286 = arith.index_cast %and3A_2270 : i32 to index
        %swap3A_2287 = arith.index_cast %swap3A_2276 : i32 to index
        %swap3A_2288 = arith.index_cast %mul3A_2274 : i32 to index
        %swap3A_2289 = tpu.vector_load %swap3A_2283[%swap3A_2284, %swap3A_2285, %swap3A_2286, %swap3A_2287, %swap3A_2288] {strides = array<i32>} : memref<2x4x4x8x128xf32, #tpu.memory_space<vmem>>, vector<16xf32>,
        tpu.vector_store %swap3A_2283[%swap3A_2284, %swap3A_2285, %swap3A_2286, %swap3A_2287, %swap3A_2288], %scan3A_1997 {strides = array<i32>} : memref<2x4x4x8x128xf32, #tpu.memory_space<vmem>>, vector<16xf32>,
        %add3A_2290 = arith.constant 900 : i32
        %add3A_2291 = vector.broadcast %add3A_2290 : i32 to vector<16xi32>
        %add3A_2292 = arith.addi %get3A_2011, %add3A_2291 : vector<16xi32>
        %gather3A_2293 = tpu.vector_load_idx %arg5[%add3A_2292] : memref<3200xf32, #tpu.memory_space<vmem>>[vector<16xi32>], vector<16xf32>,
        %sub3A_2294 = arith.constant 1 : i32
        %sub3A_2295 = arith.subi %scan3A_1988, %sub3A_2294 : i32
        %shift_right_logical3A_2296 = arith.constant 5 : i32
        %shift_right_logical3A_2297 = arith.shrui %sub3A_2295, %shift_right_logical3A_2296 : i32
        %shift_right_logical3A_2298 = arith.constant 3 : i32
        %shift_right_logical3A_2299 = arith.shrui %sub3A_2295, %shift_right_logical3A_2298 : i32
        %and3A_2300 = arith.constant 3 : i32
        %and3A_2301 = arith.andi %shift_right_logical3A_2299, %and3A_2300 : i32
        %and3A_2302 = arith.constant 7 : i32
        %and3A_2303 = arith.andi %sub3A_2295, %and3A_2302 : i32
        %mul3A_2304 = arith.constant 16 : i32
        %mul3A_2305 = arith.muli %and3A_2303, %mul3A_2304 : i32
        %swap3A_2306 = arith.constant 3 : i32
        %swap3A_2307 = arith.constant 1 : i32
        %swap3A_2308 = arith.constant 0 : i32
        %swap3A_2309 = arith.constant 0 : i32
        %swap3A_2310 = arith.constant 0 : i32
        %swap3A_2311 = arith.constant 0 : i32
        %swap3A_2312 = arith.constant 0 : i32
        %swap3A_2313 = tpu.memref_slice %arg7[%scan3A_1572, %swap3A_2308, %swap3A_2309, %swap3A_2310, %swap3A_2311, %swap3A_2312] : memref<2x2x4x4x8x128xf32, #tpu.memory_space<vmem>> -> memref<1x2x4x4x8x128xf32, #tpu.memory_space<vmem>>
        %swap3A_2314 = tpu.memref_squeeze %swap3A_2313 : memref<1x2x4x4x8x128xf32, #tpu.memory_space<vmem>> -> memref<2x4x4x8x128xf32, #tpu.memory_space<vmem>>
        %swap3A_2315 = arith.index_cast %shift_right_logical3A_2297 : i32 to index
        %swap3A_2316 = arith.index_cast %swap3A_2306 : i32 to index
        %swap3A_2317 = arith.index_cast %and3A_2301 : i32 to index
        %swap3A_2318 = arith.index_cast %swap3A_2307 : i32 to index
        %swap3A_2319 = arith.index_cast %mul3A_2305 : i32 to index
        %swap3A_2320 = tpu.vector_load %swap3A_2314[%swap3A_2315, %swap3A_2316, %swap3A_2317, %swap3A_2318, %swap3A_2319] {strides = array<i32>} : memref<2x4x4x8x128xf32, #tpu.memory_space<vmem>>, vector<16xf32>,
        tpu.vector_store %swap3A_2314[%swap3A_2315, %swap3A_2316, %swap3A_2317, %swap3A_2318, %swap3A_2319], %scan3A_1998 {strides = array<i32>} : memref<2x4x4x8x128xf32, #tpu.memory_space<vmem>>, vector<16xf32>,
        %add3A_2321 = arith.constant 1000 : i32
        %add3A_2322 = vector.broadcast %add3A_2321 : i32 to vector<16xi32>
        %add3A_2323 = arith.addi %get3A_2011, %add3A_2322 : vector<16xi32>
        %gather3A_2324 = tpu.vector_load_idx %arg5[%add3A_2323] : memref<3200xf32, #tpu.memory_space<vmem>>[vector<16xi32>], vector<16xf32>,
        %sub3A_2325 = arith.constant 1 : i32
        %sub3A_2326 = arith.subi %scan3A_1988, %sub3A_2325 : i32
        %shift_right_logical3A_2327 = arith.constant 5 : i32
        %shift_right_logical3A_2328 = arith.shrui %sub3A_2326, %shift_right_logical3A_2327 : i32
        %shift_right_logical3A_2329 = arith.constant 3 : i32
        %shift_right_logical3A_2330 = arith.shrui %sub3A_2326, %shift_right_logical3A_2329 : i32
        %and3A_2331 = arith.constant 3 : i32
        %and3A_2332 = arith.andi %shift_right_logical3A_2330, %and3A_2331 : i32
        %and3A_2333 = arith.constant 7 : i32
        %and3A_2334 = arith.andi %sub3A_2326, %and3A_2333 : i32
        %mul3A_2335 = arith.constant 16 : i32
        %mul3A_2336 = arith.muli %and3A_2334, %mul3A_2335 : i32
        %swap3A_2337 = arith.constant 3 : i32
        %swap3A_2338 = arith.constant 2 : i32
        %swap3A_2339 = arith.constant 0 : i32
        %swap3A_2340 = arith.constant 0 : i32
        %swap3A_2341 = arith.constant 0 : i32
        %swap3A_2342 = arith.constant 0 : i32
        %swap3A_2343 = arith.constant 0 : i32
        %swap3A_2344 = tpu.memref_slice %arg7[%scan3A_1572, %swap3A_2339, %swap3A_2340, %swap3A_2341, %swap3A_2342, %swap3A_2343] : memref<2x2x4x4x8x128xf32, #tpu.memory_space<vmem>> -> memref<1x2x4x4x8x128xf32, #tpu.memory_space<vmem>>
        %swap3A_2345 = tpu.memref_squeeze %swap3A_2344 : memref<1x2x4x4x8x128xf32, #tpu.memory_space<vmem>> -> memref<2x4x4x8x128xf32, #tpu.memory_space<vmem>>
        %swap3A_2346 = arith.index_cast %shift_right_logical3A_2328 : i32 to index
        %swap3A_2347 = arith.index_cast %swap3A_2337 : i32 to index
        %swap3A_2348 = arith.index_cast %and3A_2332 : i32 to index
        %swap3A_2349 = arith.index_cast %swap3A_2338 : i32 to index
        %swap3A_2350 = arith.index_cast %mul3A_2336 : i32 to index
        %swap3A_2351 = tpu.vector_load %swap3A_2345[%swap3A_2346, %swap3A_2347, %swap3A_2348, %swap3A_2349, %swap3A_2350] {strides = array<i32>} : memref<2x4x4x8x128xf32, #tpu.memory_space<vmem>>, vector<16xf32>,
        tpu.vector_store %swap3A_2345[%swap3A_2346, %swap3A_2347, %swap3A_2348, %swap3A_2349, %swap3A_2350], %scan3A_1999 {strides = array<i32>} : memref<2x4x4x8x128xf32, #tpu.memory_space<vmem>>, vector<16xf32>,
        %add3A_2352 = arith.constant 1100 : i32
        %add3A_2353 = vector.broadcast %add3A_2352 : i32 to vector<16xi32>
        %add3A_2354 = arith.addi %get3A_2011, %add3A_2353 : vector<16xi32>
        %gather3A_2355 = tpu.vector_load_idx %arg5[%add3A_2354] : memref<3200xf32, #tpu.memory_space<vmem>>[vector<16xi32>], vector<16xf32>,
        %sub3A_2356 = arith.constant 1 : i32
        %sub3A_2357 = arith.subi %scan3A_1988, %sub3A_2356 : i32
        %shift_right_logical3A_2358 = arith.constant 5 : i32
        %shift_right_logical3A_2359 = arith.shrui %sub3A_2357, %shift_right_logical3A_2358 : i32
        %shift_right_logical3A_2360 = arith.constant 3 : i32
        %shift_right_logical3A_2361 = arith.shrui %sub3A_2357, %shift_right_logical3A_2360 : i32
        %and3A_2362 = arith.constant 3 : i32
        %and3A_2363 = arith.andi %shift_right_logical3A_2361, %and3A_2362 : i32
        %and3A_2364 = arith.constant 7 : i32
        %and3A_2365 = arith.andi %sub3A_2357, %and3A_2364 : i32
        %mul3A_2366 = arith.constant 16 : i32
        %mul3A_2367 = arith.muli %and3A_2365, %mul3A_2366 : i32
        %swap3A_2368 = arith.constant 3 : i32
        %swap3A_2369 = arith.constant 3 : i32
        %swap3A_2370 = arith.constant 0 : i32
        %swap3A_2371 = arith.constant 0 : i32
        %swap3A_2372 = arith.constant 0 : i32
        %swap3A_2373 = arith.constant 0 : i32
        %swap3A_2374 = arith.constant 0 : i32
        %swap3A_2375 = tpu.memref_slice %arg7[%scan3A_1572, %swap3A_2370, %swap3A_2371, %swap3A_2372, %swap3A_2373, %swap3A_2374] : memref<2x2x4x4x8x128xf32, #tpu.memory_space<vmem>> -> memref<1x2x4x4x8x128xf32, #tpu.memory_space<vmem>>
        %swap3A_2376 = tpu.memref_squeeze %swap3A_2375 : memref<1x2x4x4x8x128xf32, #tpu.memory_space<vmem>> -> memref<2x4x4x8x128xf32, #tpu.memory_space<vmem>>
        %swap3A_2377 = arith.index_cast %shift_right_logical3A_2359 : i32 to index
        %swap3A_2378 = arith.index_cast %swap3A_2368 : i32 to index
        %swap3A_2379 = arith.index_cast %and3A_2363 : i32 to index
        %swap3A_2380 = arith.index_cast %swap3A_2369 : i32 to index
        %swap3A_2381 = arith.index_cast %mul3A_2367 : i32 to index
        %swap3A_2382 = tpu.vector_load %swap3A_2376[%swap3A_2377, %swap3A_2378, %swap3A_2379, %swap3A_2380, %swap3A_2381] {strides = array<i32>} : memref<2x4x4x8x128xf32, #tpu.memory_space<vmem>>, vector<16xf32>,
        tpu.vector_store %swap3A_2376[%swap3A_2377, %swap3A_2378, %swap3A_2379, %swap3A_2380, %swap3A_2381], %scan3A_2000 {strides = array<i32>} : memref<2x4x4x8x128xf32, #tpu.memory_space<vmem>>, vector<16xf32>,
        %add3A_2383 = arith.constant 1200 : i32
        %add3A_2384 = vector.broadcast %add3A_2383 : i32 to vector<16xi32>
        %add3A_2385 = arith.addi %get3A_2011, %add3A_2384 : vector<16xi32>
        %gather3A_2386 = tpu.vector_load_idx %arg5[%add3A_2385] : memref<3200xf32, #tpu.memory_space<vmem>>[vector<16xi32>], vector<16xf32>,
        %sub3A_2387 = arith.constant 1 : i32
        %sub3A_2388 = arith.subi %scan3A_1988, %sub3A_2387 : i32
        %shift_right_logical3A_2389 = arith.constant 5 : i32
        %shift_right_logical3A_2390 = arith.shrui %sub3A_2388, %shift_right_logical3A_2389 : i32
        %shift_right_logical3A_2391 = arith.constant 3 : i32
        %shift_right_logical3A_2392 = arith.shrui %sub3A_2388, %shift_right_logical3A_2391 : i32
        %and3A_2393 = arith.constant 3 : i32
        %and3A_2394 = arith.andi %shift_right_logical3A_2392, %and3A_2393 : i32
        %and3A_2395 = arith.constant 7 : i32
        %and3A_2396 = arith.andi %sub3A_2388, %and3A_2395 : i32
        %mul3A_2397 = arith.constant 16 : i32
        %mul3A_2398 = arith.muli %and3A_2396, %mul3A_2397 : i32
        %swap3A_2399 = arith.constant 3 : i32
        %swap3A_2400 = arith.constant 4 : i32
        %swap3A_2401 = arith.constant 0 : i32
        %swap3A_2402 = arith.constant 0 : i32
        %swap3A_2403 = arith.constant 0 : i32
        %swap3A_2404 = arith.constant 0 : i32
        %swap3A_2405 = arith.constant 0 : i32
        %swap3A_2406 = tpu.memref_slice %arg7[%scan3A_1572, %swap3A_2401, %swap3A_2402, %swap3A_2403, %swap3A_2404, %swap3A_2405] : memref<2x2x4x4x8x128xf32, #tpu.memory_space<vmem>> -> memref<1x2x4x4x8x128xf32, #tpu.memory_space<vmem>>
        %swap3A_2407 = tpu.memref_squeeze %swap3A_2406 : memref<1x2x4x4x8x128xf32, #tpu.memory_space<vmem>> -> memref<2x4x4x8x128xf32, #tpu.memory_space<vmem>>
        %swap3A_2408 = arith.index_cast %shift_right_logical3A_2390 : i32 to index
        %swap3A_2409 = arith.index_cast %swap3A_2399 : i32 to index
        %swap3A_2410 = arith.index_cast %and3A_2394 : i32 to index
        %swap3A_2411 = arith.index_cast %swap3A_2400 : i32 to index
        %swap3A_2412 = arith.index_cast %mul3A_2398 : i32 to index
        %swap3A_2413 = tpu.vector_load %swap3A_2407[%swap3A_2408, %swap3A_2409, %swap3A_2410, %swap3A_2411, %swap3A_2412] {strides = array<i32>} : memref<2x4x4x8x128xf32, #tpu.memory_space<vmem>>, vector<16xf32>,
        tpu.vector_store %swap3A_2407[%swap3A_2408, %swap3A_2409, %swap3A_2410, %swap3A_2411, %swap3A_2412], %scan3A_2001 {strides = array<i32>} : memref<2x4x4x8x128xf32, #tpu.memory_space<vmem>>, vector<16xf32>,
        %add3A_2414 = arith.constant 1300 : i32
        %add3A_2415 = vector.broadcast %add3A_2414 : i32 to vector<16xi32>
        %add3A_2416 = arith.addi %get3A_2011, %add3A_2415 : vector<16xi32>
        %gather3A_2417 = tpu.vector_load_idx %arg5[%add3A_2416] : memref<3200xf32, #tpu.memory_space<vmem>>[vector<16xi32>], vector<16xf32>,
        %sub3A_2418 = arith.constant 1 : i32
        %sub3A_2419 = arith.subi %scan3A_1988, %sub3A_2418 : i32
        %shift_right_logical3A_2420 = arith.constant 5 : i32
        %shift_right_logical3A_2421 = arith.shrui %sub3A_2419, %shift_right_logical3A_2420 : i32
        %shift_right_logical3A_2422 = arith.constant 3 : i32
        %shift_right_logical3A_2423 = arith.shrui %sub3A_2419, %shift_right_logical3A_2422 : i32
        %and3A_2424 = arith.constant 3 : i32
        %and3A_2425 = arith.andi %shift_right_logical3A_2423, %and3A_2424 : i32
        %and3A_2426 = arith.constant 7 : i32
        %and3A_2427 = arith.andi %sub3A_2419, %and3A_2426 : i32
        %mul3A_2428 = arith.constant 16 : i32
        %mul3A_2429 = arith.muli %and3A_2427, %mul3A_2428 : i32
        %swap3A_2430 = arith.constant 3 : i32
        %swap3A_2431 = arith.constant 5 : i32
        %swap3A_2432 = arith.constant 0 : i32
        %swap3A_2433 = arith.constant 0 : i32
        %swap3A_2434 = arith.constant 0 : i32
        %swap3A_2435 = arith.constant 0 : i32
        %swap3A_2436 = arith.constant 0 : i32
        %swap3A_2437 = tpu.memref_slice %arg7[%scan3A_1572, %swap3A_2432, %swap3A_2433, %swap3A_2434, %swap3A_2435, %swap3A_2436] : memref<2x2x4x4x8x128xf32, #tpu.memory_space<vmem>> -> memref<1x2x4x4x8x128xf32, #tpu.memory_space<vmem>>
        %swap3A_2438 = tpu.memref_squeeze %swap3A_2437 : memref<1x2x4x4x8x128xf32, #tpu.memory_space<vmem>> -> memref<2x4x4x8x128xf32, #tpu.memory_space<vmem>>
        %swap3A_2439 = arith.index_cast %shift_right_logical3A_2421 : i32 to index
        %swap3A_2440 = arith.index_cast %swap3A_2430 : i32 to index
        %swap3A_2441 = arith.index_cast %and3A_2425 : i32 to index
        %swap3A_2442 = arith.index_cast %swap3A_2431 : i32 to index
        %swap3A_2443 = arith.index_cast %mul3A_2429 : i32 to index
        %swap3A_2444 = tpu.vector_load %swap3A_2438[%swap3A_2439, %swap3A_2440, %swap3A_2441, %swap3A_2442, %swap3A_2443] {strides = array<i32>} : memref<2x4x4x8x128xf32, #tpu.memory_space<vmem>>, vector<16xf32>,
        tpu.vector_store %swap3A_2438[%swap3A_2439, %swap3A_2440, %swap3A_2441, %swap3A_2442, %swap3A_2443], %scan3A_2002 {strides = array<i32>} : memref<2x4x4x8x128xf32, #tpu.memory_space<vmem>>, vector<16xf32>,
        %add3A_2445 = arith.constant 1400 : i32
        %add3A_2446 = vector.broadcast %add3A_2445 : i32 to vector<16xi32>
        %add3A_2447 = arith.addi %get3A_2011, %add3A_2446 : vector<16xi32>
        %gather3A_2448 = tpu.vector_load_idx %arg5[%add3A_2447] : memref<3200xf32, #tpu.memory_space<vmem>>[vector<16xi32>], vector<16xf32>,
        %sub3A_2449 = arith.constant 1 : i32
        %sub3A_2450 = arith.subi %scan3A_1988, %sub3A_2449 : i32
        %shift_right_logical3A_2451 = arith.constant 5 : i32
        %shift_right_logical3A_2452 = arith.shrui %sub3A_2450, %shift_right_logical3A_2451 : i32
        %shift_right_logical3A_2453 = arith.constant 3 : i32
        %shift_right_logical3A_2454 = arith.shrui %sub3A_2450, %shift_right_logical3A_2453 : i32
        %and3A_2455 = arith.constant 3 : i32
        %and3A_2456 = arith.andi %shift_right_logical3A_2454, %and3A_2455 : i32
        %and3A_2457 = arith.constant 7 : i32
        %and3A_2458 = arith.andi %sub3A_2450, %and3A_2457 : i32
        %mul3A_2459 = arith.constant 16 : i32
        %mul3A_2460 = arith.muli %and3A_2458, %mul3A_2459 : i32
        %swap3A_2461 = arith.constant 3 : i32
        %swap3A_2462 = arith.constant 6 : i32
        %swap3A_2463 = arith.constant 0 : i32
        %swap3A_2464 = arith.constant 0 : i32
        %swap3A_2465 = arith.constant 0 : i32
        %swap3A_2466 = arith.constant 0 : i32
        %swap3A_2467 = arith.constant 0 : i32
        %swap3A_2468 = tpu.memref_slice %arg7[%scan3A_1572, %swap3A_2463, %swap3A_2464, %swap3A_2465, %swap3A_2466, %swap3A_2467] : memref<2x2x4x4x8x128xf32, #tpu.memory_space<vmem>> -> memref<1x2x4x4x8x128xf32, #tpu.memory_space<vmem>>
        %swap3A_2469 = tpu.memref_squeeze %swap3A_2468 : memref<1x2x4x4x8x128xf32, #tpu.memory_space<vmem>> -> memref<2x4x4x8x128xf32, #tpu.memory_space<vmem>>
        %swap3A_2470 = arith.index_cast %shift_right_logical3A_2452 : i32 to index
        %swap3A_2471 = arith.index_cast %swap3A_2461 : i32 to index
        %swap3A_2472 = arith.index_cast %and3A_2456 : i32 to index
        %swap3A_2473 = arith.index_cast %swap3A_2462 : i32 to index
        %swap3A_2474 = arith.index_cast %mul3A_2460 : i32 to index
        %swap3A_2475 = tpu.vector_load %swap3A_2469[%swap3A_2470, %swap3A_2471, %swap3A_2472, %swap3A_2473, %swap3A_2474] {strides = array<i32>} : memref<2x4x4x8x128xf32, #tpu.memory_space<vmem>>, vector<16xf32>,
        tpu.vector_store %swap3A_2469[%swap3A_2470, %swap3A_2471, %swap3A_2472, %swap3A_2473, %swap3A_2474], %scan3A_2003 {strides = array<i32>} : memref<2x4x4x8x128xf32, #tpu.memory_space<vmem>>, vector<16xf32>,
        %add3A_2476 = arith.constant 1500 : i32
        %add3A_2477 = vector.broadcast %add3A_2476 : i32 to vector<16xi32>
        %add3A_2478 = arith.addi %get3A_2011, %add3A_2477 : vector<16xi32>
        %gather3A_2479 = tpu.vector_load_idx %arg5[%add3A_2478] : memref<3200xf32, #tpu.memory_space<vmem>>[vector<16xi32>], vector<16xf32>,
        %sub3A_2480 = arith.constant 1 : i32
        %sub3A_2481 = arith.subi %scan3A_1988, %sub3A_2480 : i32
        %shift_right_logical3A_2482 = arith.constant 5 : i32
        %shift_right_logical3A_2483 = arith.shrui %sub3A_2481, %shift_right_logical3A_2482 : i32
        %shift_right_logical3A_2484 = arith.constant 3 : i32
        %shift_right_logical3A_2485 = arith.shrui %sub3A_2481, %shift_right_logical3A_2484 : i32
        %and3A_2486 = arith.constant 3 : i32
        %and3A_2487 = arith.andi %shift_right_logical3A_2485, %and3A_2486 : i32
        %and3A_2488 = arith.constant 7 : i32
        %and3A_2489 = arith.andi %sub3A_2481, %and3A_2488 : i32
        %mul3A_2490 = arith.constant 16 : i32
        %mul3A_2491 = arith.muli %and3A_2489, %mul3A_2490 : i32
        %swap3A_2492 = arith.constant 3 : i32
        %swap3A_2493 = arith.constant 7 : i32
        %swap3A_2494 = arith.constant 0 : i32
        %swap3A_2495 = arith.constant 0 : i32
        %swap3A_2496 = arith.constant 0 : i32
        %swap3A_2497 = arith.constant 0 : i32
        %swap3A_2498 = arith.constant 0 : i32
        %swap3A_2499 = tpu.memref_slice %arg7[%scan3A_1572, %swap3A_2494, %swap3A_2495, %swap3A_2496, %swap3A_2497, %swap3A_2498] : memref<2x2x4x4x8x128xf32, #tpu.memory_space<vmem>> -> memref<1x2x4x4x8x128xf32, #tpu.memory_space<vmem>>
        %swap3A_2500 = tpu.memref_squeeze %swap3A_2499 : memref<1x2x4x4x8x128xf32, #tpu.memory_space<vmem>> -> memref<2x4x4x8x128xf32, #tpu.memory_space<vmem>>
        %swap3A_2501 = arith.index_cast %shift_right_logical3A_2483 : i32 to index
        %swap3A_2502 = arith.index_cast %swap3A_2492 : i32 to index
        %swap3A_2503 = arith.index_cast %and3A_2487 : i32 to index
        %swap3A_2504 = arith.index_cast %swap3A_2493 : i32 to index
        %swap3A_2505 = arith.index_cast %mul3A_2491 : i32 to index
        %swap3A_2506 = tpu.vector_load %swap3A_2500[%swap3A_2501, %swap3A_2502, %swap3A_2503, %swap3A_2504, %swap3A_2505] {strides = array<i32>} : memref<2x4x4x8x128xf32, #tpu.memory_space<vmem>>, vector<16xf32>,
        tpu.vector_store %swap3A_2500[%swap3A_2501, %swap3A_2502, %swap3A_2503, %swap3A_2504, %swap3A_2505], %scan3A_2004 {strides = array<i32>} : memref<2x4x4x8x128xf32, #tpu.memory_space<vmem>>, vector<16xf32>,
        %add3A_2507 = arith.constant 1600 : i32
        %add3A_2508 = vector.broadcast %add3A_2507 : i32 to vector<16xi32>
        %add3A_2509 = arith.addi %get3A_2011, %add3A_2508 : vector<16xi32>
        %gather3A_2510 = tpu.vector_load_idx %arg5[%add3A_2509] : memref<3200xf32, #tpu.memory_space<vmem>>[vector<16xi32>], vector<16xf32>,
        %shift_right_logical3A_2511 = arith.constant 5 : i32
        %shift_right_logical3A_2512 = arith.shrui %scan3A_1988, %shift_right_logical3A_2511 : i32
        %shift_right_logical3A_2513 = arith.constant 3 : i32
        %shift_right_logical3A_2514 = arith.shrui %scan3A_1988, %shift_right_logical3A_2513 : i32
        %and3A_2515 = arith.constant 3 : i32
        %and3A_2516 = arith.andi %shift_right_logical3A_2514, %and3A_2515 : i32
        %and3A_2517 = arith.constant 7 : i32
        %and3A_2518 = arith.andi %scan3A_1988, %and3A_2517 : i32
        %mul3A_2519 = arith.constant 16 : i32
        %mul3A_2520 = arith.muli %and3A_2518, %mul3A_2519 : i32
        %swap3A_2521 = arith.constant 0 : i32
        %swap3A_2522 = arith.constant 0 : i32
        %swap3A_2523 = arith.constant 0 : i32
        %swap3A_2524 = arith.constant 0 : i32
        %swap3A_2525 = arith.constant 0 : i32
        %swap3A_2526 = arith.constant 0 : i32
        %swap3A_2527 = arith.constant 0 : i32
        %swap3A_2528 = tpu.memref_slice %arg7[%scan3A_1572, %swap3A_2523, %swap3A_2524, %swap3A_2525, %swap3A_2526, %swap3A_2527] : memref<2x2x4x4x8x128xf32, #tpu.memory_space<vmem>> -> memref<1x2x4x4x8x128xf32, #tpu.memory_space<vmem>>
        %swap3A_2529 = tpu.memref_squeeze %swap3A_2528 : memref<1x2x4x4x8x128xf32, #tpu.memory_space<vmem>> -> memref<2x4x4x8x128xf32, #tpu.memory_space<vmem>>
        %swap3A_2530 = arith.index_cast %shift_right_logical3A_2512 : i32 to index
        %swap3A_2531 = arith.index_cast %swap3A_2521 : i32 to index
        %swap3A_2532 = arith.index_cast %and3A_2516 : i32 to index
        %swap3A_2533 = arith.index_cast %swap3A_2522 : i32 to index
        %swap3A_2534 = arith.index_cast %mul3A_2520 : i32 to index
        %swap3A_2535 = tpu.vector_load %swap3A_2529[%swap3A_2530, %swap3A_2531, %swap3A_2532, %swap3A_2533, %swap3A_2534] {strides = array<i32>} : memref<2x4x4x8x128xf32, #tpu.memory_space<vmem>>, vector<16xf32>,
        tpu.vector_store %swap3A_2529[%swap3A_2530, %swap3A_2531, %swap3A_2532, %swap3A_2533, %swap3A_2534], %gather3A_2015 {strides = array<i32>} : memref<2x4x4x8x128xf32, #tpu.memory_space<vmem>>, vector<16xf32>,
        %add3A_2536 = arith.constant 1700 : i32
        %add3A_2537 = vector.broadcast %add3A_2536 : i32 to vector<16xi32>
        %add3A_2538 = arith.addi %get3A_2011, %add3A_2537 : vector<16xi32>
        %gather3A_2539 = tpu.vector_load_idx %arg5[%add3A_2538] : memref<3200xf32, #tpu.memory_space<vmem>>[vector<16xi32>], vector<16xf32>,
        %shift_right_logical3A_2540 = arith.constant 5 : i32
        %shift_right_logical3A_2541 = arith.shrui %scan3A_1988, %shift_right_logical3A_2540 : i32
        %shift_right_logical3A_2542 = arith.constant 3 : i32
        %shift_right_logical3A_2543 = arith.shrui %scan3A_1988, %shift_right_logical3A_2542 : i32
        %and3A_2544 = arith.constant 3 : i32
        %and3A_2545 = arith.andi %shift_right_logical3A_2543, %and3A_2544 : i32
        %and3A_2546 = arith.constant 7 : i32
        %and3A_2547 = arith.andi %scan3A_1988, %and3A_2546 : i32
        %mul3A_2548 = arith.constant 16 : i32
        %mul3A_2549 = arith.muli %and3A_2547, %mul3A_2548 : i32
        %swap3A_2550 = arith.constant 0 : i32
        %swap3A_2551 = arith.constant 1 : i32
        %swap3A_2552 = arith.constant 0 : i32
        %swap3A_2553 = arith.constant 0 : i32
        %swap3A_2554 = arith.constant 0 : i32
        %swap3A_2555 = arith.constant 0 : i32
        %swap3A_2556 = arith.constant 0 : i32
        %swap3A_2557 = tpu.memref_slice %arg7[%scan3A_1572, %swap3A_2552, %swap3A_2553, %swap3A_2554, %swap3A_2555, %swap3A_2556] : memref<2x2x4x4x8x128xf32, #tpu.memory_space<vmem>> -> memref<1x2x4x4x8x128xf32, #tpu.memory_space<vmem>>
        %swap3A_2558 = tpu.memref_squeeze %swap3A_2557 : memref<1x2x4x4x8x128xf32, #tpu.memory_space<vmem>> -> memref<2x4x4x8x128xf32, #tpu.memory_space<vmem>>
        %swap3A_2559 = arith.index_cast %shift_right_logical3A_2541 : i32 to index
        %swap3A_2560 = arith.index_cast %swap3A_2550 : i32 to index
        %swap3A_2561 = arith.index_cast %and3A_2545 : i32 to index
        %swap3A_2562 = arith.index_cast %swap3A_2551 : i32 to index
        %swap3A_2563 = arith.index_cast %mul3A_2549 : i32 to index
        %swap3A_2564 = tpu.vector_load %swap3A_2558[%swap3A_2559, %swap3A_2560, %swap3A_2561, %swap3A_2562, %swap3A_2563] {strides = array<i32>} : memref<2x4x4x8x128xf32, #tpu.memory_space<vmem>>, vector<16xf32>,
        tpu.vector_store %swap3A_2558[%swap3A_2559, %swap3A_2560, %swap3A_2561, %swap3A_2562, %swap3A_2563], %gather3A_2045 {strides = array<i32>} : memref<2x4x4x8x128xf32, #tpu.memory_space<vmem>>, vector<16xf32>,
        %add3A_2565 = arith.constant 1800 : i32
        %add3A_2566 = vector.broadcast %add3A_2565 : i32 to vector<16xi32>
        %add3A_2567 = arith.addi %get3A_2011, %add3A_2566 : vector<16xi32>
        %gather3A_2568 = tpu.vector_load_idx %arg5[%add3A_2567] : memref<3200xf32, #tpu.memory_space<vmem>>[vector<16xi32>], vector<16xf32>,
        %shift_right_logical3A_2569 = arith.constant 5 : i32
        %shift_right_logical3A_2570 = arith.shrui %scan3A_1988, %shift_right_logical3A_2569 : i32
        %shift_right_logical3A_2571 = arith.constant 3 : i32
        %shift_right_logical3A_2572 = arith.shrui %scan3A_1988, %shift_right_logical3A_2571 : i32
        %and3A_2573 = arith.constant 3 : i32
        %and3A_2574 = arith.andi %shift_right_logical3A_2572, %and3A_2573 : i32
        %and3A_2575 = arith.constant 7 : i32
        %and3A_2576 = arith.andi %scan3A_1988, %and3A_2575 : i32
        %mul3A_2577 = arith.constant 16 : i32
        %mul3A_2578 = arith.muli %and3A_2576, %mul3A_2577 : i32
        %swap3A_2579 = arith.constant 0 : i32
        %swap3A_2580 = arith.constant 2 : i32
        %swap3A_2581 = arith.constant 0 : i32
        %swap3A_2582 = arith.constant 0 : i32
        %swap3A_2583 = arith.constant 0 : i32
        %swap3A_2584 = arith.constant 0 : i32
        %swap3A_2585 = arith.constant 0 : i32
        %swap3A_2586 = tpu.memref_slice %arg7[%scan3A_1572, %swap3A_2581, %swap3A_2582, %swap3A_2583, %swap3A_2584, %swap3A_2585] : memref<2x2x4x4x8x128xf32, #tpu.memory_space<vmem>> -> memref<1x2x4x4x8x128xf32, #tpu.memory_space<vmem>>
        %swap3A_2587 = tpu.memref_squeeze %swap3A_2586 : memref<1x2x4x4x8x128xf32, #tpu.memory_space<vmem>> -> memref<2x4x4x8x128xf32, #tpu.memory_space<vmem>>
        %swap3A_2588 = arith.index_cast %shift_right_logical3A_2570 : i32 to index
        %swap3A_2589 = arith.index_cast %swap3A_2579 : i32 to index
        %swap3A_2590 = arith.index_cast %and3A_2574 : i32 to index
        %swap3A_2591 = arith.index_cast %swap3A_2580 : i32 to index
        %swap3A_2592 = arith.index_cast %mul3A_2578 : i32 to index
        %swap3A_2593 = tpu.vector_load %swap3A_2587[%swap3A_2588, %swap3A_2589, %swap3A_2590, %swap3A_2591, %swap3A_2592] {strides = array<i32>} : memref<2x4x4x8x128xf32, #tpu.memory_space<vmem>>, vector<16xf32>,
        tpu.vector_store %swap3A_2587[%swap3A_2588, %swap3A_2589, %swap3A_2590, %swap3A_2591, %swap3A_2592], %gather3A_2076 {strides = array<i32>} : memref<2x4x4x8x128xf32, #tpu.memory_space<vmem>>, vector<16xf32>,
        %add3A_2594 = arith.constant 1900 : i32
        %add3A_2595 = vector.broadcast %add3A_2594 : i32 to vector<16xi32>
        %add3A_2596 = arith.addi %get3A_2011, %add3A_2595 : vector<16xi32>
        %gather3A_2597 = tpu.vector_load_idx %arg5[%add3A_2596] : memref<3200xf32, #tpu.memory_space<vmem>>[vector<16xi32>], vector<16xf32>,
        %shift_right_logical3A_2598 = arith.constant 5 : i32
        %shift_right_logical3A_2599 = arith.shrui %scan3A_1988, %shift_right_logical3A_2598 : i32
        %shift_right_logical3A_2600 = arith.constant 3 : i32
        %shift_right_logical3A_2601 = arith.shrui %scan3A_1988, %shift_right_logical3A_2600 : i32
        %and3A_2602 = arith.constant 3 : i32
        %and3A_2603 = arith.andi %shift_right_logical3A_2601, %and3A_2602 : i32
        %and3A_2604 = arith.constant 7 : i32
        %and3A_2605 = arith.andi %scan3A_1988, %and3A_2604 : i32
        %mul3A_2606 = arith.constant 16 : i32
        %mul3A_2607 = arith.muli %and3A_2605, %mul3A_2606 : i32
        %swap3A_2608 = arith.constant 0 : i32
        %swap3A_2609 = arith.constant 3 : i32
        %swap3A_2610 = arith.constant 0 : i32
        %swap3A_2611 = arith.constant 0 : i32
        %swap3A_2612 = arith.constant 0 : i32
        %swap3A_2613 = arith.constant 0 : i32
        %swap3A_2614 = arith.constant 0 : i32
        %swap3A_2615 = tpu.memref_slice %arg7[%scan3A_1572, %swap3A_2610, %swap3A_2611, %swap3A_2612, %swap3A_2613, %swap3A_2614] : memref<2x2x4x4x8x128xf32, #tpu.memory_space<vmem>> -> memref<1x2x4x4x8x128xf32, #tpu.memory_space<vmem>>
        %swap3A_2616 = tpu.memref_squeeze %swap3A_2615 : memref<1x2x4x4x8x128xf32, #tpu.memory_space<vmem>> -> memref<2x4x4x8x128xf32, #tpu.memory_space<vmem>>
        %swap3A_2617 = arith.index_cast %shift_right_logical3A_2599 : i32 to index
        %swap3A_2618 = arith.index_cast %swap3A_2608 : i32 to index
        %swap3A_2619 = arith.index_cast %and3A_2603 : i32 to index
        %swap3A_2620 = arith.index_cast %swap3A_2609 : i32 to index
        %swap3A_2621 = arith.index_cast %mul3A_2607 : i32 to index
        %swap3A_2622 = tpu.vector_load %swap3A_2616[%swap3A_2617, %swap3A_2618, %swap3A_2619, %swap3A_2620, %swap3A_2621] {strides = array<i32>} : memref<2x4x4x8x128xf32, #tpu.memory_space<vmem>>, vector<16xf32>,
        tpu.vector_store %swap3A_2616[%swap3A_2617, %swap3A_2618, %swap3A_2619, %swap3A_2620, %swap3A_2621], %gather3A_2107 {strides = array<i32>} : memref<2x4x4x8x128xf32, #tpu.memory_space<vmem>>, vector<16xf32>,
        %add3A_2623 = arith.constant 2000 : i32
        %add3A_2624 = vector.broadcast %add3A_2623 : i32 to vector<16xi32>
        %add3A_2625 = arith.addi %get3A_2011, %add3A_2624 : vector<16xi32>
        %gather3A_2626 = tpu.vector_load_idx %arg5[%add3A_2625] : memref<3200xf32, #tpu.memory_space<vmem>>[vector<16xi32>], vector<16xf32>,
        %shift_right_logical3A_2627 = arith.constant 5 : i32
        %shift_right_logical3A_2628 = arith.shrui %scan3A_1988, %shift_right_logical3A_2627 : i32
        %shift_right_logical3A_2629 = arith.constant 3 : i32
        %shift_right_logical3A_2630 = arith.shrui %scan3A_1988, %shift_right_logical3A_2629 : i32
        %and3A_2631 = arith.constant 3 : i32
        %and3A_2632 = arith.andi %shift_right_logical3A_2630, %and3A_2631 : i32
        %and3A_2633 = arith.constant 7 : i32
        %and3A_2634 = arith.andi %scan3A_1988, %and3A_2633 : i32
        %mul3A_2635 = arith.constant 16 : i32
        %mul3A_2636 = arith.muli %and3A_2634, %mul3A_2635 : i32
        %swap3A_2637 = arith.constant 0 : i32
        %swap3A_2638 = arith.constant 4 : i32
        %swap3A_2639 = arith.constant 0 : i32
        %swap3A_2640 = arith.constant 0 : i32
        %swap3A_2641 = arith.constant 0 : i32
        %swap3A_2642 = arith.constant 0 : i32
        %swap3A_2643 = arith.constant 0 : i32
        %swap3A_2644 = tpu.memref_slice %arg7[%scan3A_1572, %swap3A_2639, %swap3A_2640, %swap3A_2641, %swap3A_2642, %swap3A_2643] : memref<2x2x4x4x8x128xf32, #tpu.memory_space<vmem>> -> memref<1x2x4x4x8x128xf32, #tpu.memory_space<vmem>>
        %swap3A_2645 = tpu.memref_squeeze %swap3A_2644 : memref<1x2x4x4x8x128xf32, #tpu.memory_space<vmem>> -> memref<2x4x4x8x128xf32, #tpu.memory_space<vmem>>
        %swap3A_2646 = arith.index_cast %shift_right_logical3A_2628 : i32 to index
        %swap3A_2647 = arith.index_cast %swap3A_2637 : i32 to index
        %swap3A_2648 = arith.index_cast %and3A_2632 : i32 to index
        %swap3A_2649 = arith.index_cast %swap3A_2638 : i32 to index
        %swap3A_2650 = arith.index_cast %mul3A_2636 : i32 to index
        %swap3A_2651 = tpu.vector_load %swap3A_2645[%swap3A_2646, %swap3A_2647, %swap3A_2648, %swap3A_2649, %swap3A_2650] {strides = array<i32>} : memref<2x4x4x8x128xf32, #tpu.memory_space<vmem>>, vector<16xf32>,
        tpu.vector_store %swap3A_2645[%swap3A_2646, %swap3A_2647, %swap3A_2648, %swap3A_2649, %swap3A_2650], %gather3A_2138 {strides = array<i32>} : memref<2x4x4x8x128xf32, #tpu.memory_space<vmem>>, vector<16xf32>,
        %add3A_2652 = arith.constant 2100 : i32
        %add3A_2653 = vector.broadcast %add3A_2652 : i32 to vector<16xi32>
        %add3A_2654 = arith.addi %get3A_2011, %add3A_2653 : vector<16xi32>
        %gather3A_2655 = tpu.vector_load_idx %arg5[%add3A_2654] : memref<3200xf32, #tpu.memory_space<vmem>>[vector<16xi32>], vector<16xf32>,
        %shift_right_logical3A_2656 = arith.constant 5 : i32
        %shift_right_logical3A_2657 = arith.shrui %scan3A_1988, %shift_right_logical3A_2656 : i32
        %shift_right_logical3A_2658 = arith.constant 3 : i32
        %shift_right_logical3A_2659 = arith.shrui %scan3A_1988, %shift_right_logical3A_2658 : i32
        %and3A_2660 = arith.constant 3 : i32
        %and3A_2661 = arith.andi %shift_right_logical3A_2659, %and3A_2660 : i32
        %and3A_2662 = arith.constant 7 : i32
        %and3A_2663 = arith.andi %scan3A_1988, %and3A_2662 : i32
        %mul3A_2664 = arith.constant 16 : i32
        %mul3A_2665 = arith.muli %and3A_2663, %mul3A_2664 : i32
        %swap3A_2666 = arith.constant 0 : i32
        %swap3A_2667 = arith.constant 5 : i32
        %swap3A_2668 = arith.constant 0 : i32
        %swap3A_2669 = arith.constant 0 : i32
        %swap3A_2670 = arith.constant 0 : i32
        %swap3A_2671 = arith.constant 0 : i32
        %swap3A_2672 = arith.constant 0 : i32
        %swap3A_2673 = tpu.memref_slice %arg7[%scan3A_1572, %swap3A_2668, %swap3A_2669, %swap3A_2670, %swap3A_2671, %swap3A_2672] : memref<2x2x4x4x8x128xf32, #tpu.memory_space<vmem>> -> memref<1x2x4x4x8x128xf32, #tpu.memory_space<vmem>>
        %swap3A_2674 = tpu.memref_squeeze %swap3A_2673 : memref<1x2x4x4x8x128xf32, #tpu.memory_space<vmem>> -> memref<2x4x4x8x128xf32, #tpu.memory_space<vmem>>
        %swap3A_2675 = arith.index_cast %shift_right_logical3A_2657 : i32 to index
        %swap3A_2676 = arith.index_cast %swap3A_2666 : i32 to index
        %swap3A_2677 = arith.index_cast %and3A_2661 : i32 to index
        %swap3A_2678 = arith.index_cast %swap3A_2667 : i32 to index
        %swap3A_2679 = arith.index_cast %mul3A_2665 : i32 to index
        %swap3A_2680 = tpu.vector_load %swap3A_2674[%swap3A_2675, %swap3A_2676, %swap3A_2677, %swap3A_2678, %swap3A_2679] {strides = array<i32>} : memref<2x4x4x8x128xf32, #tpu.memory_space<vmem>>, vector<16xf32>,
        tpu.vector_store %swap3A_2674[%swap3A_2675, %swap3A_2676, %swap3A_2677, %swap3A_2678, %swap3A_2679], %gather3A_2169 {strides = array<i32>} : memref<2x4x4x8x128xf32, #tpu.memory_space<vmem>>, vector<16xf32>,
        %add3A_2681 = arith.constant 2200 : i32
        %add3A_2682 = vector.broadcast %add3A_2681 : i32 to vector<16xi32>
        %add3A_2683 = arith.addi %get3A_2011, %add3A_2682 : vector<16xi32>
        %gather3A_2684 = tpu.vector_load_idx %arg5[%add3A_2683] : memref<3200xf32, #tpu.memory_space<vmem>>[vector<16xi32>], vector<16xf32>,
        %shift_right_logical3A_2685 = arith.constant 5 : i32
        %shift_right_logical3A_2686 = arith.shrui %scan3A_1988, %shift_right_logical3A_2685 : i32
        %shift_right_logical3A_2687 = arith.constant 3 : i32
        %shift_right_logical3A_2688 = arith.shrui %scan3A_1988, %shift_right_logical3A_2687 : i32
        %and3A_2689 = arith.constant 3 : i32
        %and3A_2690 = arith.andi %shift_right_logical3A_2688, %and3A_2689 : i32
        %and3A_2691 = arith.constant 7 : i32
        %and3A_2692 = arith.andi %scan3A_1988, %and3A_2691 : i32
        %mul3A_2693 = arith.constant 16 : i32
        %mul3A_2694 = arith.muli %and3A_2692, %mul3A_2693 : i32
        %swap3A_2695 = arith.constant 0 : i32
        %swap3A_2696 = arith.constant 6 : i32
        %swap3A_2697 = arith.constant 0 : i32
        %swap3A_2698 = arith.constant 0 : i32
        %swap3A_2699 = arith.constant 0 : i32
        %swap3A_2700 = arith.constant 0 : i32
        %swap3A_2701 = arith.constant 0 : i32
        %swap3A_2702 = tpu.memref_slice %arg7[%scan3A_1572, %swap3A_2697, %swap3A_2698, %swap3A_2699, %swap3A_2700, %swap3A_2701] : memref<2x2x4x4x8x128xf32, #tpu.memory_space<vmem>> -> memref<1x2x4x4x8x128xf32, #tpu.memory_space<vmem>>
        %swap3A_2703 = tpu.memref_squeeze %swap3A_2702 : memref<1x2x4x4x8x128xf32, #tpu.memory_space<vmem>> -> memref<2x4x4x8x128xf32, #tpu.memory_space<vmem>>
        %swap3A_2704 = arith.index_cast %shift_right_logical3A_2686 : i32 to index
        %swap3A_2705 = arith.index_cast %swap3A_2695 : i32 to index
        %swap3A_2706 = arith.index_cast %and3A_2690 : i32 to index
        %swap3A_2707 = arith.index_cast %swap3A_2696 : i32 to index
        %swap3A_2708 = arith.index_cast %mul3A_2694 : i32 to index
        %swap3A_2709 = tpu.vector_load %swap3A_2703[%swap3A_2704, %swap3A_2705, %swap3A_2706, %swap3A_2707, %swap3A_2708] {strides = array<i32>} : memref<2x4x4x8x128xf32, #tpu.memory_space<vmem>>, vector<16xf32>,
        tpu.vector_store %swap3A_2703[%swap3A_2704, %swap3A_2705, %swap3A_2706, %swap3A_2707, %swap3A_2708], %gather3A_2200 {strides = array<i32>} : memref<2x4x4x8x128xf32, #tpu.memory_space<vmem>>, vector<16xf32>,
        %add3A_2710 = arith.constant 2300 : i32
        %add3A_2711 = vector.broadcast %add3A_2710 : i32 to vector<16xi32>
        %add3A_2712 = arith.addi %get3A_2011, %add3A_2711 : vector<16xi32>
        %gather3A_2713 = tpu.vector_load_idx %arg5[%add3A_2712] : memref<3200xf32, #tpu.memory_space<vmem>>[vector<16xi32>], vector<16xf32>,
        %shift_right_logical3A_2714 = arith.constant 5 : i32
        %shift_right_logical3A_2715 = arith.shrui %scan3A_1988, %shift_right_logical3A_2714 : i32
        %shift_right_logical3A_2716 = arith.constant 3 : i32
        %shift_right_logical3A_2717 = arith.shrui %scan3A_1988, %shift_right_logical3A_2716 : i32
        %and3A_2718 = arith.constant 3 : i32
        %and3A_2719 = arith.andi %shift_right_logical3A_2717, %and3A_2718 : i32
        %and3A_2720 = arith.constant 7 : i32
        %and3A_2721 = arith.andi %scan3A_1988, %and3A_2720 : i32
        %mul3A_2722 = arith.constant 16 : i32
        %mul3A_2723 = arith.muli %and3A_2721, %mul3A_2722 : i32
        %swap3A_2724 = arith.constant 0 : i32
        %swap3A_2725 = arith.constant 7 : i32
        %swap3A_2726 = arith.constant 0 : i32
        %swap3A_2727 = arith.constant 0 : i32
        %swap3A_2728 = arith.constant 0 : i32
        %swap3A_2729 = arith.constant 0 : i32
        %swap3A_2730 = arith.constant 0 : i32
        %swap3A_2731 = tpu.memref_slice %arg7[%scan3A_1572, %swap3A_2726, %swap3A_2727, %swap3A_2728, %swap3A_2729, %swap3A_2730] : memref<2x2x4x4x8x128xf32, #tpu.memory_space<vmem>> -> memref<1x2x4x4x8x128xf32, #tpu.memory_space<vmem>>
        %swap3A_2732 = tpu.memref_squeeze %swap3A_2731 : memref<1x2x4x4x8x128xf32, #tpu.memory_space<vmem>> -> memref<2x4x4x8x128xf32, #tpu.memory_space<vmem>>
        %swap3A_2733 = arith.index_cast %shift_right_logical3A_2715 : i32 to index
        %swap3A_2734 = arith.index_cast %swap3A_2724 : i32 to index
        %swap3A_2735 = arith.index_cast %and3A_2719 : i32 to index
        %swap3A_2736 = arith.index_cast %swap3A_2725 : i32 to index
        %swap3A_2737 = arith.index_cast %mul3A_2723 : i32 to index
        %swap3A_2738 = tpu.vector_load %swap3A_2732[%swap3A_2733, %swap3A_2734, %swap3A_2735, %swap3A_2736, %swap3A_2737] {strides = array<i32>} : memref<2x4x4x8x128xf32, #tpu.memory_space<vmem>>, vector<16xf32>,
        tpu.vector_store %swap3A_2732[%swap3A_2733, %swap3A_2734, %swap3A_2735, %swap3A_2736, %swap3A_2737], %gather3A_2231 {strides = array<i32>} : memref<2x4x4x8x128xf32, #tpu.memory_space<vmem>>, vector<16xf32>,
        %add3A_2739 = arith.constant 2400 : i32
        %add3A_2740 = vector.broadcast %add3A_2739 : i32 to vector<16xi32>
        %add3A_2741 = arith.addi %get3A_2011, %add3A_2740 : vector<16xi32>
        %gather3A_2742 = tpu.vector_load_idx %arg5[%add3A_2741] : memref<3200xf32, #tpu.memory_space<vmem>>[vector<16xi32>], vector<16xf32>,
        %shift_right_logical3A_2743 = arith.constant 5 : i32
        %shift_right_logical3A_2744 = arith.shrui %scan3A_1988, %shift_right_logical3A_2743 : i32
        %shift_right_logical3A_2745 = arith.constant 3 : i32
        %shift_right_logical3A_2746 = arith.shrui %scan3A_1988, %shift_right_logical3A_2745 : i32
        %and3A_2747 = arith.constant 3 : i32
        %and3A_2748 = arith.andi %shift_right_logical3A_2746, %and3A_2747 : i32
        %and3A_2749 = arith.constant 7 : i32
        %and3A_2750 = arith.andi %scan3A_1988, %and3A_2749 : i32
        %mul3A_2751 = arith.constant 16 : i32
        %mul3A_2752 = arith.muli %and3A_2750, %mul3A_2751 : i32
        %swap3A_2753 = arith.constant 1 : i32
        %swap3A_2754 = arith.constant 0 : i32
        %swap3A_2755 = arith.constant 0 : i32
        %swap3A_2756 = arith.constant 0 : i32
        %swap3A_2757 = arith.constant 0 : i32
        %swap3A_2758 = arith.constant 0 : i32
        %swap3A_2759 = arith.constant 0 : i32
        %swap3A_2760 = tpu.memref_slice %arg7[%scan3A_1572, %swap3A_2755, %swap3A_2756, %swap3A_2757, %swap3A_2758, %swap3A_2759] : memref<2x2x4x4x8x128xf32, #tpu.memory_space<vmem>> -> memref<1x2x4x4x8x128xf32, #tpu.memory_space<vmem>>
        %swap3A_2761 = tpu.memref_squeeze %swap3A_2760 : memref<1x2x4x4x8x128xf32, #tpu.memory_space<vmem>> -> memref<2x4x4x8x128xf32, #tpu.memory_space<vmem>>
        %swap3A_2762 = arith.index_cast %shift_right_logical3A_2744 : i32 to index
        %swap3A_2763 = arith.index_cast %swap3A_2753 : i32 to index
        %swap3A_2764 = arith.index_cast %and3A_2748 : i32 to index
        %swap3A_2765 = arith.index_cast %swap3A_2754 : i32 to index
        %swap3A_2766 = arith.index_cast %mul3A_2752 : i32 to index
        %swap3A_2767 = tpu.vector_load %swap3A_2761[%swap3A_2762, %swap3A_2763, %swap3A_2764, %swap3A_2765, %swap3A_2766] {strides = array<i32>} : memref<2x4x4x8x128xf32, #tpu.memory_space<vmem>>, vector<16xf32>,
        tpu.vector_store %swap3A_2761[%swap3A_2762, %swap3A_2763, %swap3A_2764, %swap3A_2765, %swap3A_2766], %gather3A_2262 {strides = array<i32>} : memref<2x4x4x8x128xf32, #tpu.memory_space<vmem>>, vector<16xf32>,
        %add3A_2768 = arith.constant 2500 : i32
        %add3A_2769 = vector.broadcast %add3A_2768 : i32 to vector<16xi32>
        %add3A_2770 = arith.addi %get3A_2011, %add3A_2769 : vector<16xi32>
        %gather3A_2771 = tpu.vector_load_idx %arg5[%add3A_2770] : memref<3200xf32, #tpu.memory_space<vmem>>[vector<16xi32>], vector<16xf32>,
        %shift_right_logical3A_2772 = arith.constant 5 : i32
        %shift_right_logical3A_2773 = arith.shrui %scan3A_1988, %shift_right_logical3A_2772 : i32
        %shift_right_logical3A_2774 = arith.constant 3 : i32
        %shift_right_logical3A_2775 = arith.shrui %scan3A_1988, %shift_right_logical3A_2774 : i32
        %and3A_2776 = arith.constant 3 : i32
        %and3A_2777 = arith.andi %shift_right_logical3A_2775, %and3A_2776 : i32
        %and3A_2778 = arith.constant 7 : i32
        %and3A_2779 = arith.andi %scan3A_1988, %and3A_2778 : i32
        %mul3A_2780 = arith.constant 16 : i32
        %mul3A_2781 = arith.muli %and3A_2779, %mul3A_2780 : i32
        %swap3A_2782 = arith.constant 1 : i32
        %swap3A_2783 = arith.constant 1 : i32
        %swap3A_2784 = arith.constant 0 : i32
        %swap3A_2785 = arith.constant 0 : i32
        %swap3A_2786 = arith.constant 0 : i32
        %swap3A_2787 = arith.constant 0 : i32
        %swap3A_2788 = arith.constant 0 : i32
        %swap3A_2789 = tpu.memref_slice %arg7[%scan3A_1572, %swap3A_2784, %swap3A_2785, %swap3A_2786, %swap3A_2787, %swap3A_2788] : memref<2x2x4x4x8x128xf32, #tpu.memory_space<vmem>> -> memref<1x2x4x4x8x128xf32, #tpu.memory_space<vmem>>
        %swap3A_2790 = tpu.memref_squeeze %swap3A_2789 : memref<1x2x4x4x8x128xf32, #tpu.memory_space<vmem>> -> memref<2x4x4x8x128xf32, #tpu.memory_space<vmem>>
        %swap3A_2791 = arith.index_cast %shift_right_logical3A_2773 : i32 to index
        %swap3A_2792 = arith.index_cast %swap3A_2782 : i32 to index
        %swap3A_2793 = arith.index_cast %and3A_2777 : i32 to index
        %swap3A_2794 = arith.index_cast %swap3A_2783 : i32 to index
        %swap3A_2795 = arith.index_cast %mul3A_2781 : i32 to index
        %swap3A_2796 = tpu.vector_load %swap3A_2790[%swap3A_2791, %swap3A_2792, %swap3A_2793, %swap3A_2794, %swap3A_2795] {strides = array<i32>} : memref<2x4x4x8x128xf32, #tpu.memory_space<vmem>>, vector<16xf32>,
        tpu.vector_store %swap3A_2790[%swap3A_2791, %swap3A_2792, %swap3A_2793, %swap3A_2794, %swap3A_2795], %gather3A_2293 {strides = array<i32>} : memref<2x4x4x8x128xf32, #tpu.memory_space<vmem>>, vector<16xf32>,
        %add3A_2797 = arith.constant 2600 : i32
        %add3A_2798 = vector.broadcast %add3A_2797 : i32 to vector<16xi32>
        %add3A_2799 = arith.addi %get3A_2011, %add3A_2798 : vector<16xi32>
        %gather3A_2800 = tpu.vector_load_idx %arg5[%add3A_2799] : memref<3200xf32, #tpu.memory_space<vmem>>[vector<16xi32>], vector<16xf32>,
        %shift_right_logical3A_2801 = arith.constant 5 : i32
        %shift_right_logical3A_2802 = arith.shrui %scan3A_1988, %shift_right_logical3A_2801 : i32
        %shift_right_logical3A_2803 = arith.constant 3 : i32
        %shift_right_logical3A_2804 = arith.shrui %scan3A_1988, %shift_right_logical3A_2803 : i32
        %and3A_2805 = arith.constant 3 : i32
        %and3A_2806 = arith.andi %shift_right_logical3A_2804, %and3A_2805 : i32
        %and3A_2807 = arith.constant 7 : i32
        %and3A_2808 = arith.andi %scan3A_1988, %and3A_2807 : i32
        %mul3A_2809 = arith.constant 16 : i32
        %mul3A_2810 = arith.muli %and3A_2808, %mul3A_2809 : i32
        %swap3A_2811 = arith.constant 1 : i32
        %swap3A_2812 = arith.constant 2 : i32
        %swap3A_2813 = arith.constant 0 : i32
        %swap3A_2814 = arith.constant 0 : i32
        %swap3A_2815 = arith.constant 0 : i32
        %swap3A_2816 = arith.constant 0 : i32
        %swap3A_2817 = arith.constant 0 : i32
        %swap3A_2818 = tpu.memref_slice %arg7[%scan3A_1572, %swap3A_2813, %swap3A_2814, %swap3A_2815, %swap3A_2816, %swap3A_2817] : memref<2x2x4x4x8x128xf32, #tpu.memory_space<vmem>> -> memref<1x2x4x4x8x128xf32, #tpu.memory_space<vmem>>
        %swap3A_2819 = tpu.memref_squeeze %swap3A_2818 : memref<1x2x4x4x8x128xf32, #tpu.memory_space<vmem>> -> memref<2x4x4x8x128xf32, #tpu.memory_space<vmem>>
        %swap3A_2820 = arith.index_cast %shift_right_logical3A_2802 : i32 to index
        %swap3A_2821 = arith.index_cast %swap3A_2811 : i32 to index
        %swap3A_2822 = arith.index_cast %and3A_2806 : i32 to index
        %swap3A_2823 = arith.index_cast %swap3A_2812 : i32 to index
        %swap3A_2824 = arith.index_cast %mul3A_2810 : i32 to index
        %swap3A_2825 = tpu.vector_load %swap3A_2819[%swap3A_2820, %swap3A_2821, %swap3A_2822, %swap3A_2823, %swap3A_2824] {strides = array<i32>} : memref<2x4x4x8x128xf32, #tpu.memory_space<vmem>>, vector<16xf32>,
        tpu.vector_store %swap3A_2819[%swap3A_2820, %swap3A_2821, %swap3A_2822, %swap3A_2823, %swap3A_2824], %gather3A_2324 {strides = array<i32>} : memref<2x4x4x8x128xf32, #tpu.memory_space<vmem>>, vector<16xf32>,
        %add3A_2826 = arith.constant 2700 : i32
        %add3A_2827 = vector.broadcast %add3A_2826 : i32 to vector<16xi32>
        %add3A_2828 = arith.addi %get3A_2011, %add3A_2827 : vector<16xi32>
        %gather3A_2829 = tpu.vector_load_idx %arg5[%add3A_2828] : memref<3200xf32, #tpu.memory_space<vmem>>[vector<16xi32>], vector<16xf32>,
        %shift_right_logical3A_2830 = arith.constant 5 : i32
        %shift_right_logical3A_2831 = arith.shrui %scan3A_1988, %shift_right_logical3A_2830 : i32
        %shift_right_logical3A_2832 = arith.constant 3 : i32
        %shift_right_logical3A_2833 = arith.shrui %scan3A_1988, %shift_right_logical3A_2832 : i32
        %and3A_2834 = arith.constant 3 : i32
        %and3A_2835 = arith.andi %shift_right_logical3A_2833, %and3A_2834 : i32
        %and3A_2836 = arith.constant 7 : i32
        %and3A_2837 = arith.andi %scan3A_1988, %and3A_2836 : i32
        %mul3A_2838 = arith.constant 16 : i32
        %mul3A_2839 = arith.muli %and3A_2837, %mul3A_2838 : i32
        %swap3A_2840 = arith.constant 1 : i32
        %swap3A_2841 = arith.constant 3 : i32
        %swap3A_2842 = arith.constant 0 : i32
        %swap3A_2843 = arith.constant 0 : i32
        %swap3A_2844 = arith.constant 0 : i32
        %swap3A_2845 = arith.constant 0 : i32
        %swap3A_2846 = arith.constant 0 : i32
        %swap3A_2847 = tpu.memref_slice %arg7[%scan3A_1572, %swap3A_2842, %swap3A_2843, %swap3A_2844, %swap3A_2845, %swap3A_2846] : memref<2x2x4x4x8x128xf32, #tpu.memory_space<vmem>> -> memref<1x2x4x4x8x128xf32, #tpu.memory_space<vmem>>
        %swap3A_2848 = tpu.memref_squeeze %swap3A_2847 : memref<1x2x4x4x8x128xf32, #tpu.memory_space<vmem>> -> memref<2x4x4x8x128xf32, #tpu.memory_space<vmem>>
        %swap3A_2849 = arith.index_cast %shift_right_logical3A_2831 : i32 to index
        %swap3A_2850 = arith.index_cast %swap3A_2840 : i32 to index
        %swap3A_2851 = arith.index_cast %and3A_2835 : i32 to index
        %swap3A_2852 = arith.index_cast %swap3A_2841 : i32 to index
        %swap3A_2853 = arith.index_cast %mul3A_2839 : i32 to index
        %swap3A_2854 = tpu.vector_load %swap3A_2848[%swap3A_2849, %swap3A_2850, %swap3A_2851, %swap3A_2852, %swap3A_2853] {strides = array<i32>} : memref<2x4x4x8x128xf32, #tpu.memory_space<vmem>>, vector<16xf32>,
        tpu.vector_store %swap3A_2848[%swap3A_2849, %swap3A_2850, %swap3A_2851, %swap3A_2852, %swap3A_2853], %gather3A_2355 {strides = array<i32>} : memref<2x4x4x8x128xf32, #tpu.memory_space<vmem>>, vector<16xf32>,
        %add3A_2855 = arith.constant 2800 : i32
        %add3A_2856 = vector.broadcast %add3A_2855 : i32 to vector<16xi32>
        %add3A_2857 = arith.addi %get3A_2011, %add3A_2856 : vector<16xi32>
        %gather3A_2858 = tpu.vector_load_idx %arg5[%add3A_2857] : memref<3200xf32, #tpu.memory_space<vmem>>[vector<16xi32>], vector<16xf32>,
        %shift_right_logical3A_2859 = arith.constant 5 : i32
        %shift_right_logical3A_2860 = arith.shrui %scan3A_1988, %shift_right_logical3A_2859 : i32
        %shift_right_logical3A_2861 = arith.constant 3 : i32
        %shift_right_logical3A_2862 = arith.shrui %scan3A_1988, %shift_right_logical3A_2861 : i32
        %and3A_2863 = arith.constant 3 : i32
        %and3A_2864 = arith.andi %shift_right_logical3A_2862, %and3A_2863 : i32
        %and3A_2865 = arith.constant 7 : i32
        %and3A_2866 = arith.andi %scan3A_1988, %and3A_2865 : i32
        %mul3A_2867 = arith.constant 16 : i32
        %mul3A_2868 = arith.muli %and3A_2866, %mul3A_2867 : i32
        %swap3A_2869 = arith.constant 1 : i32
        %swap3A_2870 = arith.constant 4 : i32
        %swap3A_2871 = arith.constant 0 : i32
        %swap3A_2872 = arith.constant 0 : i32
        %swap3A_2873 = arith.constant 0 : i32
        %swap3A_2874 = arith.constant 0 : i32
        %swap3A_2875 = arith.constant 0 : i32
        %swap3A_2876 = tpu.memref_slice %arg7[%scan3A_1572, %swap3A_2871, %swap3A_2872, %swap3A_2873, %swap3A_2874, %swap3A_2875] : memref<2x2x4x4x8x128xf32, #tpu.memory_space<vmem>> -> memref<1x2x4x4x8x128xf32, #tpu.memory_space<vmem>>
        %swap3A_2877 = tpu.memref_squeeze %swap3A_2876 : memref<1x2x4x4x8x128xf32, #tpu.memory_space<vmem>> -> memref<2x4x4x8x128xf32, #tpu.memory_space<vmem>>
        %swap3A_2878 = arith.index_cast %shift_right_logical3A_2860 : i32 to index
        %swap3A_2879 = arith.index_cast %swap3A_2869 : i32 to index
        %swap3A_2880 = arith.index_cast %and3A_2864 : i32 to index
        %swap3A_2881 = arith.index_cast %swap3A_2870 : i32 to index
        %swap3A_2882 = arith.index_cast %mul3A_2868 : i32 to index
        %swap3A_2883 = tpu.vector_load %swap3A_2877[%swap3A_2878, %swap3A_2879, %swap3A_2880, %swap3A_2881, %swap3A_2882] {strides = array<i32>} : memref<2x4x4x8x128xf32, #tpu.memory_space<vmem>>, vector<16xf32>,
        tpu.vector_store %swap3A_2877[%swap3A_2878, %swap3A_2879, %swap3A_2880, %swap3A_2881, %swap3A_2882], %gather3A_2386 {strides = array<i32>} : memref<2x4x4x8x128xf32, #tpu.memory_space<vmem>>, vector<16xf32>,
        %add3A_2884 = arith.constant 2900 : i32
        %add3A_2885 = vector.broadcast %add3A_2884 : i32 to vector<16xi32>
        %add3A_2886 = arith.addi %get3A_2011, %add3A_2885 : vector<16xi32>
        %gather3A_2887 = tpu.vector_load_idx %arg5[%add3A_2886] : memref<3200xf32, #tpu.memory_space<vmem>>[vector<16xi32>], vector<16xf32>,
        %shift_right_logical3A_2888 = arith.constant 5 : i32
        %shift_right_logical3A_2889 = arith.shrui %scan3A_1988, %shift_right_logical3A_2888 : i32
        %shift_right_logical3A_2890 = arith.constant 3 : i32
        %shift_right_logical3A_2891 = arith.shrui %scan3A_1988, %shift_right_logical3A_2890 : i32
        %and3A_2892 = arith.constant 3 : i32
        %and3A_2893 = arith.andi %shift_right_logical3A_2891, %and3A_2892 : i32
        %and3A_2894 = arith.constant 7 : i32
        %and3A_2895 = arith.andi %scan3A_1988, %and3A_2894 : i32
        %mul3A_2896 = arith.constant 16 : i32
        %mul3A_2897 = arith.muli %and3A_2895, %mul3A_2896 : i32
        %swap3A_2898 = arith.constant 1 : i32
        %swap3A_2899 = arith.constant 5 : i32
        %swap3A_2900 = arith.constant 0 : i32
        %swap3A_2901 = arith.constant 0 : i32
        %swap3A_2902 = arith.constant 0 : i32
        %swap3A_2903 = arith.constant 0 : i32
        %swap3A_2904 = arith.constant 0 : i32
        %swap3A_2905 = tpu.memref_slice %arg7[%scan3A_1572, %swap3A_2900, %swap3A_2901, %swap3A_2902, %swap3A_2903, %swap3A_2904] : memref<2x2x4x4x8x128xf32, #tpu.memory_space<vmem>> -> memref<1x2x4x4x8x128xf32, #tpu.memory_space<vmem>>
        %swap3A_2906 = tpu.memref_squeeze %swap3A_2905 : memref<1x2x4x4x8x128xf32, #tpu.memory_space<vmem>> -> memref<2x4x4x8x128xf32, #tpu.memory_space<vmem>>
        %swap3A_2907 = arith.index_cast %shift_right_logical3A_2889 : i32 to index
        %swap3A_2908 = arith.index_cast %swap3A_2898 : i32 to index
        %swap3A_2909 = arith.index_cast %and3A_2893 : i32 to index
        %swap3A_2910 = arith.index_cast %swap3A_2899 : i32 to index
        %swap3A_2911 = arith.index_cast %mul3A_2897 : i32 to index
        %swap3A_2912 = tpu.vector_load %swap3A_2906[%swap3A_2907, %swap3A_2908, %swap3A_2909, %swap3A_2910, %swap3A_2911] {strides = array<i32>} : memref<2x4x4x8x128xf32, #tpu.memory_space<vmem>>, vector<16xf32>,
        tpu.vector_store %swap3A_2906[%swap3A_2907, %swap3A_2908, %swap3A_2909, %swap3A_2910, %swap3A_2911], %gather3A_2417 {strides = array<i32>} : memref<2x4x4x8x128xf32, #tpu.memory_space<vmem>>, vector<16xf32>,
        %add3A_2913 = arith.constant 3000 : i32
        %add3A_2914 = vector.broadcast %add3A_2913 : i32 to vector<16xi32>
        %add3A_2915 = arith.addi %get3A_2011, %add3A_2914 : vector<16xi32>
        %gather3A_2916 = tpu.vector_load_idx %arg5[%add3A_2915] : memref<3200xf32, #tpu.memory_space<vmem>>[vector<16xi32>], vector<16xf32>,
        %shift_right_logical3A_2917 = arith.constant 5 : i32
        %shift_right_logical3A_2918 = arith.shrui %scan3A_1988, %shift_right_logical3A_2917 : i32
        %shift_right_logical3A_2919 = arith.constant 3 : i32
        %shift_right_logical3A_2920 = arith.shrui %scan3A_1988, %shift_right_logical3A_2919 : i32
        %and3A_2921 = arith.constant 3 : i32
        %and3A_2922 = arith.andi %shift_right_logical3A_2920, %and3A_2921 : i32
        %and3A_2923 = arith.constant 7 : i32
        %and3A_2924 = arith.andi %scan3A_1988, %and3A_2923 : i32
        %mul3A_2925 = arith.constant 16 : i32
        %mul3A_2926 = arith.muli %and3A_2924, %mul3A_2925 : i32
        %swap3A_2927 = arith.constant 1 : i32
        %swap3A_2928 = arith.constant 6 : i32
        %swap3A_2929 = arith.constant 0 : i32
        %swap3A_2930 = arith.constant 0 : i32
        %swap3A_2931 = arith.constant 0 : i32
        %swap3A_2932 = arith.constant 0 : i32
        %swap3A_2933 = arith.constant 0 : i32
        %swap3A_2934 = tpu.memref_slice %arg7[%scan3A_1572, %swap3A_2929, %swap3A_2930, %swap3A_2931, %swap3A_2932, %swap3A_2933] : memref<2x2x4x4x8x128xf32, #tpu.memory_space<vmem>> -> memref<1x2x4x4x8x128xf32, #tpu.memory_space<vmem>>
        %swap3A_2935 = tpu.memref_squeeze %swap3A_2934 : memref<1x2x4x4x8x128xf32, #tpu.memory_space<vmem>> -> memref<2x4x4x8x128xf32, #tpu.memory_space<vmem>>
        %swap3A_2936 = arith.index_cast %shift_right_logical3A_2918 : i32 to index
        %swap3A_2937 = arith.index_cast %swap3A_2927 : i32 to index
        %swap3A_2938 = arith.index_cast %and3A_2922 : i32 to index
        %swap3A_2939 = arith.index_cast %swap3A_2928 : i32 to index
        %swap3A_2940 = arith.index_cast %mul3A_2926 : i32 to index
        %swap3A_2941 = tpu.vector_load %swap3A_2935[%swap3A_2936, %swap3A_2937, %swap3A_2938, %swap3A_2939, %swap3A_2940] {strides = array<i32>} : memref<2x4x4x8x128xf32, #tpu.memory_space<vmem>>, vector<16xf32>,
        tpu.vector_store %swap3A_2935[%swap3A_2936, %swap3A_2937, %swap3A_2938, %swap3A_2939, %swap3A_2940], %gather3A_2448 {strides = array<i32>} : memref<2x4x4x8x128xf32, #tpu.memory_space<vmem>>, vector<16xf32>,
        %add3A_2942 = arith.constant 3100 : i32
        %add3A_2943 = vector.broadcast %add3A_2942 : i32 to vector<16xi32>
        %add3A_2944 = arith.addi %get3A_2011, %add3A_2943 : vector<16xi32>
        %gather3A_2945 = tpu.vector_load_idx %arg5[%add3A_2944] : memref<3200xf32, #tpu.memory_space<vmem>>[vector<16xi32>], vector<16xf32>,
        %shift_right_logical3A_2946 = arith.constant 5 : i32
        %shift_right_logical3A_2947 = arith.shrui %scan3A_1988, %shift_right_logical3A_2946 : i32
        %shift_right_logical3A_2948 = arith.constant 3 : i32
        %shift_right_logical3A_2949 = arith.shrui %scan3A_1988, %shift_right_logical3A_2948 : i32
        %and3A_2950 = arith.constant 3 : i32
        %and3A_2951 = arith.andi %shift_right_logical3A_2949, %and3A_2950 : i32
        %and3A_2952 = arith.constant 7 : i32
        %and3A_2953 = arith.andi %scan3A_1988, %and3A_2952 : i32
        %mul3A_2954 = arith.constant 16 : i32
        %mul3A_2955 = arith.muli %and3A_2953, %mul3A_2954 : i32
        %swap3A_2956 = arith.constant 1 : i32
        %swap3A_2957 = arith.constant 7 : i32
        %swap3A_2958 = arith.constant 0 : i32
        %swap3A_2959 = arith.constant 0 : i32
        %swap3A_2960 = arith.constant 0 : i32
        %swap3A_2961 = arith.constant 0 : i32
        %swap3A_2962 = arith.constant 0 : i32
        %swap3A_2963 = tpu.memref_slice %arg7[%scan3A_1572, %swap3A_2958, %swap3A_2959, %swap3A_2960, %swap3A_2961, %swap3A_2962] : memref<2x2x4x4x8x128xf32, #tpu.memory_space<vmem>> -> memref<1x2x4x4x8x128xf32, #tpu.memory_space<vmem>>
        %swap3A_2964 = tpu.memref_squeeze %swap3A_2963 : memref<1x2x4x4x8x128xf32, #tpu.memory_space<vmem>> -> memref<2x4x4x8x128xf32, #tpu.memory_space<vmem>>
        %swap3A_2965 = arith.index_cast %shift_right_logical3A_2947 : i32 to index
        %swap3A_2966 = arith.index_cast %swap3A_2956 : i32 to index
        %swap3A_2967 = arith.index_cast %and3A_2951 : i32 to index
        %swap3A_2968 = arith.index_cast %swap3A_2957 : i32 to index
        %swap3A_2969 = arith.index_cast %mul3A_2955 : i32 to index
        %swap3A_2970 = tpu.vector_load %swap3A_2964[%swap3A_2965, %swap3A_2966, %swap3A_2967, %swap3A_2968, %swap3A_2969] {strides = array<i32>} : memref<2x4x4x8x128xf32, #tpu.memory_space<vmem>>, vector<16xf32>,
        tpu.vector_store %swap3A_2964[%swap3A_2965, %swap3A_2966, %swap3A_2967, %swap3A_2968, %swap3A_2969], %gather3A_2479 {strides = array<i32>} : memref<2x4x4x8x128xf32, #tpu.memory_space<vmem>>, vector<16xf32>,
        scf.yield %gather3A_2510, %gather3A_2539, %gather3A_2568, %gather3A_2597, %gather3A_2626, %gather3A_2655, %gather3A_2684, %gather3A_2713, %gather3A_2742, %gather3A_2771, %gather3A_2800, %gather3A_2829, %gather3A_2858, %gather3A_2887, %gather3A_2916, %gather3A_2945 : vector<16xf32>, vector<16xf32>, vector<16xf32>, vector<16xf32>, vector<16xf32>, vector<16xf32>, vector<16xf32>, vector<16xf32>, vector<16xf32>, vector<16xf32>, vector<16xf32>, vector<16xf32>, vector<16xf32>, vector<16xf32>, vector<16xf32>, vector<16xf32>
      }
      %scan3A_1578 = arith.constant 63 : i32
      %shift_right_logical3A_1579 = arith.constant 63 : i32
      %shift_right_logical3A_1580 = arith.constant 5 : i32
      %shift_right_logical3A_1581 = arith.shrui %shift_right_logical3A_1579, %shift_right_logical3A_1580 : i32
      %shift_right_logical3A_1582 = arith.constant 63 : i32
      %shift_right_logical3A_1583 = arith.constant 3 : i32
      %shift_right_logical3A_1584 = arith.shrui %shift_right_logical3A_1582, %shift_right_logical3A_1583 : i32
      %and3A_1585 = arith.constant 3 : i32
      %and3A_1586 = arith.andi %shift_right_logical3A_1584, %and3A_1585 : i32
      %swap3A_1587 = arith.constant 1 : i32
      %swap3A_1588 = arith.constant 2 : i32
      %swap3A_1589 = arith.constant 0 : i32
      %swap3A_1590 = arith.constant 0 : i32
      %swap3A_1591 = arith.constant 0 : i32
      %swap3A_1592 = arith.constant 0 : i32
      %swap3A_1593 = arith.constant 0 : i32
      %swap3A_1594 = arith.constant 0 : i32
      %swap3A_1595 = tpu.memref_slice %arg7[%swap3A_1587, %swap3A_1590, %swap3A_1591, %swap3A_1592, %swap3A_1593, %swap3A_1594] : memref<2x2x4x4x8x128xf32, #tpu.memory_space<vmem>> -> memref<1x2x4x4x8x128xf32, #tpu.memory_space<vmem>>
      %swap3A_1596 = tpu.memref_squeeze %swap3A_1595 : memref<1x2x4x4x8x128xf32, #tpu.memory_space<vmem>> -> memref<2x4x4x8x128xf32, #tpu.memory_space<vmem>>
      %swap3A_1597 = arith.index_cast %shift_right_logical3A_1581 : i32 to index
      %swap3A_1598 = arith.index_cast %swap3A_1588 : i32 to index
      %swap3A_1599 = arith.index_cast %and3A_1586 : i32 to index
      %swap3A_1600 = arith.index_cast %swap3A_1589 : i32 to index
      %swap3A_1601 = arith.constant 112 : index
      %swap3A_1602 = tpu.vector_load %swap3A_1596[%swap3A_1597, %swap3A_1598, %swap3A_1599, %swap3A_1600, %swap3A_1601] {strides = array<i32>} : memref<2x4x4x8x128xf32, #tpu.memory_space<vmem>>, vector<16xf32>,
      tpu.vector_store %swap3A_1596[%swap3A_1597, %swap3A_1598, %swap3A_1599, %swap3A_1600, %swap3A_1601], %scan3A_1577#0 {strides = array<i32>} : memref<2x4x4x8x128xf32, #tpu.memory_space<vmem>>, vector<16xf32>,
      %shift_right_logical3A_1603 = arith.constant 63 : i32
      %shift_right_logical3A_1604 = arith.constant 5 : i32
      %shift_right_logical3A_1605 = arith.shrui %shift_right_logical3A_1603, %shift_right_logical3A_1604 : i32
      %shift_right_logical3A_1606 = arith.constant 63 : i32
      %shift_right_logical3A_1607 = arith.constant 3 : i32
      %shift_right_logical3A_1608 = arith.shrui %shift_right_logical3A_1606, %shift_right_logical3A_1607 : i32
      %and3A_1609 = arith.constant 3 : i32
      %and3A_1610 = arith.andi %shift_right_logical3A_1608, %and3A_1609 : i32
      %swap3A_1611 = arith.constant 1 : i32
      %swap3A_1612 = arith.constant 2 : i32
      %swap3A_1613 = arith.constant 1 : i32
      %swap3A_1614 = arith.constant 0 : i32
      %swap3A_1615 = arith.constant 0 : i32
      %swap3A_1616 = arith.constant 0 : i32
      %swap3A_1617 = arith.constant 0 : i32
      %swap3A_1618 = arith.constant 0 : i32
      %swap3A_1619 = tpu.memref_slice %arg7[%swap3A_1611, %swap3A_1614, %swap3A_1615, %swap3A_1616, %swap3A_1617, %swap3A_1618] : memref<2x2x4x4x8x128xf32, #tpu.memory_space<vmem>> -> memref<1x2x4x4x8x128xf32, #tpu.memory_space<vmem>>
      %swap3A_1620 = tpu.memref_squeeze %swap3A_1619 : memref<1x2x4x4x8x128xf32, #tpu.memory_space<vmem>> -> memref<2x4x4x8x128xf32, #tpu.memory_space<vmem>>
      %swap3A_1621 = arith.index_cast %shift_right_logical3A_1605 : i32 to index
      %swap3A_1622 = arith.index_cast %swap3A_1612 : i32 to index
      %swap3A_1623 = arith.index_cast %and3A_1610 : i32 to index
      %swap3A_1624 = arith.index_cast %swap3A_1613 : i32 to index
      %swap3A_1625 = arith.constant 112 : index
      %swap3A_1626 = tpu.vector_load %swap3A_1620[%swap3A_1621, %swap3A_1622, %swap3A_1623, %swap3A_1624, %swap3A_1625] {strides = array<i32>} : memref<2x4x4x8x128xf32, #tpu.memory_space<vmem>>, vector<16xf32>,
      tpu.vector_store %swap3A_1620[%swap3A_1621, %swap3A_1622, %swap3A_1623, %swap3A_1624, %swap3A_1625], %scan3A_1577#1 {strides = array<i32>} : memref<2x4x4x8x128xf32, #tpu.memory_space<vmem>>, vector<16xf32>,
      %shift_right_logical3A_1627 = arith.constant 63 : i32
      %shift_right_logical3A_1628 = arith.constant 5 : i32
      %shift_right_logical3A_1629 = arith.shrui %shift_right_logical3A_1627, %shift_right_logical3A_1628 : i32
      %shift_right_logical3A_1630 = arith.constant 63 : i32
      %shift_right_logical3A_1631 = arith.constant 3 : i32
      %shift_right_logical3A_1632 = arith.shrui %shift_right_logical3A_1630, %shift_right_logical3A_1631 : i32
      %and3A_1633 = arith.constant 3 : i32
      %and3A_1634 = arith.andi %shift_right_logical3A_1632, %and3A_1633 : i32
      %swap3A_1635 = arith.constant 1 : i32
      %swap3A_1636 = arith.constant 2 : i32
      %swap3A_1637 = arith.constant 2 : i32
      %swap3A_1638 = arith.constant 0 : i32
      %swap3A_1639 = arith.constant 0 : i32
      %swap3A_1640 = arith.constant 0 : i32
      %swap3A_1641 = arith.constant 0 : i32
      %swap3A_1642 = arith.constant 0 : i32
      %swap3A_1643 = tpu.memref_slice %arg7[%swap3A_1635, %swap3A_1638, %swap3A_1639, %swap3A_1640, %swap3A_1641, %swap3A_1642] : memref<2x2x4x4x8x128xf32, #tpu.memory_space<vmem>> -> memref<1x2x4x4x8x128xf32, #tpu.memory_space<vmem>>
      %swap3A_1644 = tpu.memref_squeeze %swap3A_1643 : memref<1x2x4x4x8x128xf32, #tpu.memory_space<vmem>> -> memref<2x4x4x8x128xf32, #tpu.memory_space<vmem>>
      %swap3A_1645 = arith.index_cast %shift_right_logical3A_1629 : i32 to index
      %swap3A_1646 = arith.index_cast %swap3A_1636 : i32 to index
      %swap3A_1647 = arith.index_cast %and3A_1634 : i32 to index
      %swap3A_1648 = arith.index_cast %swap3A_1637 : i32 to index
      %swap3A_1649 = arith.constant 112 : index
      %swap3A_1650 = tpu.vector_load %swap3A_1644[%swap3A_1645, %swap3A_1646, %swap3A_1647, %swap3A_1648, %swap3A_1649] {strides = array<i32>} : memref<2x4x4x8x128xf32, #tpu.memory_space<vmem>>, vector<16xf32>,
      tpu.vector_store %swap3A_1644[%swap3A_1645, %swap3A_1646, %swap3A_1647, %swap3A_1648, %swap3A_1649], %scan3A_1577#2 {strides = array<i32>} : memref<2x4x4x8x128xf32, #tpu.memory_space<vmem>>, vector<16xf32>,
      %shift_right_logical3A_1651 = arith.constant 63 : i32
      %shift_right_logical3A_1652 = arith.constant 5 : i32
      %shift_right_logical3A_1653 = arith.shrui %shift_right_logical3A_1651, %shift_right_logical3A_1652 : i32
      %shift_right_logical3A_1654 = arith.constant 63 : i32
      %shift_right_logical3A_1655 = arith.constant 3 : i32
      %shift_right_logical3A_1656 = arith.shrui %shift_right_logical3A_1654, %shift_right_logical3A_1655 : i32
      %and3A_1657 = arith.constant 3 : i32
      %and3A_1658 = arith.andi %shift_right_logical3A_1656, %and3A_1657 : i32
      %swap3A_1659 = arith.constant 1 : i32
      %swap3A_1660 = arith.constant 2 : i32
      %swap3A_1661 = arith.constant 3 : i32
      %swap3A_1662 = arith.constant 0 : i32
      %swap3A_1663 = arith.constant 0 : i32
      %swap3A_1664 = arith.constant 0 : i32
      %swap3A_1665 = arith.constant 0 : i32
      %swap3A_1666 = arith.constant 0 : i32
      %swap3A_1667 = tpu.memref_slice %arg7[%swap3A_1659, %swap3A_1662, %swap3A_1663, %swap3A_1664, %swap3A_1665, %swap3A_1666] : memref<2x2x4x4x8x128xf32, #tpu.memory_space<vmem>> -> memref<1x2x4x4x8x128xf32, #tpu.memory_space<vmem>>
      %swap3A_1668 = tpu.memref_squeeze %swap3A_1667 : memref<1x2x4x4x8x128xf32, #tpu.memory_space<vmem>> -> memref<2x4x4x8x128xf32, #tpu.memory_space<vmem>>
      %swap3A_1669 = arith.index_cast %shift_right_logical3A_1653 : i32 to index
      %swap3A_1670 = arith.index_cast %swap3A_1660 : i32 to index
      %swap3A_1671 = arith.index_cast %and3A_1658 : i32 to index
      %swap3A_1672 = arith.index_cast %swap3A_1661 : i32 to index
      %swap3A_1673 = arith.constant 112 : index
      %swap3A_1674 = tpu.vector_load %swap3A_1668[%swap3A_1669, %swap3A_1670, %swap3A_1671, %swap3A_1672, %swap3A_1673] {strides = array<i32>} : memref<2x4x4x8x128xf32, #tpu.memory_space<vmem>>, vector<16xf32>,
      tpu.vector_store %swap3A_1668[%swap3A_1669, %swap3A_1670, %swap3A_1671, %swap3A_1672, %swap3A_1673], %scan3A_1577#3 {strides = array<i32>} : memref<2x4x4x8x128xf32, #tpu.memory_space<vmem>>, vector<16xf32>,
      %shift_right_logical3A_1675 = arith.constant 63 : i32
      %shift_right_logical3A_1676 = arith.constant 5 : i32
      %shift_right_logical3A_1677 = arith.shrui %shift_right_logical3A_1675, %shift_right_logical3A_1676 : i32
      %shift_right_logical3A_1678 = arith.constant 63 : i32
      %shift_right_logical3A_1679 = arith.constant 3 : i32
      %shift_right_logical3A_1680 = arith.shrui %shift_right_logical3A_1678, %shift_right_logical3A_1679 : i32
      %and3A_1681 = arith.constant 3 : i32
      %and3A_1682 = arith.andi %shift_right_logical3A_1680, %and3A_1681 : i32
      %swap3A_1683 = arith.constant 1 : i32
      %swap3A_1684 = arith.constant 2 : i32
      %swap3A_1685 = arith.constant 4 : i32
      %swap3A_1686 = arith.constant 0 : i32
      %swap3A_1687 = arith.constant 0 : i32
      %swap3A_1688 = arith.constant 0 : i32
      %swap3A_1689 = arith.constant 0 : i32
      %swap3A_1690 = arith.constant 0 : i32
      %swap3A_1691 = tpu.memref_slice %arg7[%swap3A_1683, %swap3A_1686, %swap3A_1687, %swap3A_1688, %swap3A_1689, %swap3A_1690] : memref<2x2x4x4x8x128xf32, #tpu.memory_space<vmem>> -> memref<1x2x4x4x8x128xf32, #tpu.memory_space<vmem>>
      %swap3A_1692 = tpu.memref_squeeze %swap3A_1691 : memref<1x2x4x4x8x128xf32, #tpu.memory_space<vmem>> -> memref<2x4x4x8x128xf32, #tpu.memory_space<vmem>>
      %swap3A_1693 = arith.index_cast %shift_right_logical3A_1677 : i32 to index
      %swap3A_1694 = arith.index_cast %swap3A_1684 : i32 to index
      %swap3A_1695 = arith.index_cast %and3A_1682 : i32 to index
      %swap3A_1696 = arith.index_cast %swap3A_1685 : i32 to index
      %swap3A_1697 = arith.constant 112 : index
      %swap3A_1698 = tpu.vector_load %swap3A_1692[%swap3A_1693, %swap3A_1694, %swap3A_1695, %swap3A_1696, %swap3A_1697] {strides = array<i32>} : memref<2x4x4x8x128xf32, #tpu.memory_space<vmem>>, vector<16xf32>,
      tpu.vector_store %swap3A_1692[%swap3A_1693, %swap3A_1694, %swap3A_1695, %swap3A_1696, %swap3A_1697], %scan3A_1577#4 {strides = array<i32>} : memref<2x4x4x8x128xf32, #tpu.memory_space<vmem>>, vector<16xf32>,
      %shift_right_logical3A_1699 = arith.constant 63 : i32
      %shift_right_logical3A_1700 = arith.constant 5 : i32
      %shift_right_logical3A_1701 = arith.shrui %shift_right_logical3A_1699, %shift_right_logical3A_1700 : i32
      %shift_right_logical3A_1702 = arith.constant 63 : i32
      %shift_right_logical3A_1703 = arith.constant 3 : i32
      %shift_right_logical3A_1704 = arith.shrui %shift_right_logical3A_1702, %shift_right_logical3A_1703 : i32
      %and3A_1705 = arith.constant 3 : i32
      %and3A_1706 = arith.andi %shift_right_logical3A_1704, %and3A_1705 : i32
      %swap3A_1707 = arith.constant 1 : i32
      %swap3A_1708 = arith.constant 2 : i32
      %swap3A_1709 = arith.constant 5 : i32
      %swap3A_1710 = arith.constant 0 : i32
      %swap3A_1711 = arith.constant 0 : i32
      %swap3A_1712 = arith.constant 0 : i32
      %swap3A_1713 = arith.constant 0 : i32
      %swap3A_1714 = arith.constant 0 : i32
      %swap3A_1715 = tpu.memref_slice %arg7[%swap3A_1707, %swap3A_1710, %swap3A_1711, %swap3A_1712, %swap3A_1713, %swap3A_1714] : memref<2x2x4x4x8x128xf32, #tpu.memory_space<vmem>> -> memref<1x2x4x4x8x128xf32, #tpu.memory_space<vmem>>
      %swap3A_1716 = tpu.memref_squeeze %swap3A_1715 : memref<1x2x4x4x8x128xf32, #tpu.memory_space<vmem>> -> memref<2x4x4x8x128xf32, #tpu.memory_space<vmem>>
      %swap3A_1717 = arith.index_cast %shift_right_logical3A_1701 : i32 to index
      %swap3A_1718 = arith.index_cast %swap3A_1708 : i32 to index
      %swap3A_1719 = arith.index_cast %and3A_1706 : i32 to index
      %swap3A_1720 = arith.index_cast %swap3A_1709 : i32 to index
      %swap3A_1721 = arith.constant 112 : index
      %swap3A_1722 = tpu.vector_load %swap3A_1716[%swap3A_1717, %swap3A_1718, %swap3A_1719, %swap3A_1720, %swap3A_1721] {strides = array<i32>} : memref<2x4x4x8x128xf32, #tpu.memory_space<vmem>>, vector<16xf32>,
      tpu.vector_store %swap3A_1716[%swap3A_1717, %swap3A_1718, %swap3A_1719, %swap3A_1720, %swap3A_1721], %scan3A_1577#5 {strides = array<i32>} : memref<2x4x4x8x128xf32, #tpu.memory_space<vmem>>, vector<16xf32>,
      %shift_right_logical3A_1723 = arith.constant 63 : i32
      %shift_right_logical3A_1724 = arith.constant 5 : i32
      %shift_right_logical3A_1725 = arith.shrui %shift_right_logical3A_1723, %shift_right_logical3A_1724 : i32
      %shift_right_logical3A_1726 = arith.constant 63 : i32
      %shift_right_logical3A_1727 = arith.constant 3 : i32
      %shift_right_logical3A_1728 = arith.shrui %shift_right_logical3A_1726, %shift_right_logical3A_1727 : i32
      %and3A_1729 = arith.constant 3 : i32
      %and3A_1730 = arith.andi %shift_right_logical3A_1728, %and3A_1729 : i32
      %swap3A_1731 = arith.constant 1 : i32
      %swap3A_1732 = arith.constant 2 : i32
      %swap3A_1733 = arith.constant 6 : i32
      %swap3A_1734 = arith.constant 0 : i32
      %swap3A_1735 = arith.constant 0 : i32
      %swap3A_1736 = arith.constant 0 : i32
      %swap3A_1737 = arith.constant 0 : i32
      %swap3A_1738 = arith.constant 0 : i32
      %swap3A_1739 = tpu.memref_slice %arg7[%swap3A_1731, %swap3A_1734, %swap3A_1735, %swap3A_1736, %swap3A_1737, %swap3A_1738] : memref<2x2x4x4x8x128xf32, #tpu.memory_space<vmem>> -> memref<1x2x4x4x8x128xf32, #tpu.memory_space<vmem>>
      %swap3A_1740 = tpu.memref_squeeze %swap3A_1739 : memref<1x2x4x4x8x128xf32, #tpu.memory_space<vmem>> -> memref<2x4x4x8x128xf32, #tpu.memory_space<vmem>>
      %swap3A_1741 = arith.index_cast %shift_right_logical3A_1725 : i32 to index
      %swap3A_1742 = arith.index_cast %swap3A_1732 : i32 to index
      %swap3A_1743 = arith.index_cast %and3A_1730 : i32 to index
      %swap3A_1744 = arith.index_cast %swap3A_1733 : i32 to index
      %swap3A_1745 = arith.constant 112 : index
      %swap3A_1746 = tpu.vector_load %swap3A_1740[%swap3A_1741, %swap3A_1742, %swap3A_1743, %swap3A_1744, %swap3A_1745] {strides = array<i32>} : memref<2x4x4x8x128xf32, #tpu.memory_space<vmem>>, vector<16xf32>,
      tpu.vector_store %swap3A_1740[%swap3A_1741, %swap3A_1742, %swap3A_1743, %swap3A_1744, %swap3A_1745], %scan3A_1577#6 {strides = array<i32>} : memref<2x4x4x8x128xf32, #tpu.memory_space<vmem>>, vector<16xf32>,
      %shift_right_logical3A_1747 = arith.constant 63 : i32
      %shift_right_logical3A_1748 = arith.constant 5 : i32
      %shift_right_logical3A_1749 = arith.shrui %shift_right_logical3A_1747, %shift_right_logical3A_1748 : i32
      %shift_right_logical3A_1750 = arith.constant 63 : i32
      %shift_right_logical3A_1751 = arith.constant 3 : i32
      %shift_right_logical3A_1752 = arith.shrui %shift_right_logical3A_1750, %shift_right_logical3A_1751 : i32
      %and3A_1753 = arith.constant 3 : i32
      %and3A_1754 = arith.andi %shift_right_logical3A_1752, %and3A_1753 : i32
      %swap3A_1755 = arith.constant 1 : i32
      %swap3A_1756 = arith.constant 2 : i32
      %swap3A_1757 = arith.constant 7 : i32
      %swap3A_1758 = arith.constant 0 : i32
      %swap3A_1759 = arith.constant 0 : i32
      %swap3A_1760 = arith.constant 0 : i32
      %swap3A_1761 = arith.constant 0 : i32
      %swap3A_1762 = arith.constant 0 : i32
      %swap3A_1763 = tpu.memref_slice %arg7[%swap3A_1755, %swap3A_1758, %swap3A_1759, %swap3A_1760, %swap3A_1761, %swap3A_1762] : memref<2x2x4x4x8x128xf32, #tpu.memory_space<vmem>> -> memref<1x2x4x4x8x128xf32, #tpu.memory_space<vmem>>
      %swap3A_1764 = tpu.memref_squeeze %swap3A_1763 : memref<1x2x4x4x8x128xf32, #tpu.memory_space<vmem>> -> memref<2x4x4x8x128xf32, #tpu.memory_space<vmem>>
      %swap3A_1765 = arith.index_cast %shift_right_logical3A_1749 : i32 to index
      %swap3A_1766 = arith.index_cast %swap3A_1756 : i32 to index
      %swap3A_1767 = arith.index_cast %and3A_1754 : i32 to index
      %swap3A_1768 = arith.index_cast %swap3A_1757 : i32 to index
      %swap3A_1769 = arith.constant 112 : index
      %swap3A_1770 = tpu.vector_load %swap3A_1764[%swap3A_1765, %swap3A_1766, %swap3A_1767, %swap3A_1768, %swap3A_1769] {strides = array<i32>} : memref<2x4x4x8x128xf32, #tpu.memory_space<vmem>>, vector<16xf32>,
      tpu.vector_store %swap3A_1764[%swap3A_1765, %swap3A_1766, %swap3A_1767, %swap3A_1768, %swap3A_1769], %scan3A_1577#7 {strides = array<i32>} : memref<2x4x4x8x128xf32, #tpu.memory_space<vmem>>, vector<16xf32>,
      %shift_right_logical3A_1771 = arith.constant 63 : i32
      %shift_right_logical3A_1772 = arith.constant 5 : i32
      %shift_right_logical3A_1773 = arith.shrui %shift_right_logical3A_1771, %shift_right_logical3A_1772 : i32
      %shift_right_logical3A_1774 = arith.constant 63 : i32
      %shift_right_logical3A_1775 = arith.constant 3 : i32
      %shift_right_logical3A_1776 = arith.shrui %shift_right_logical3A_1774, %shift_right_logical3A_1775 : i32
      %and3A_1777 = arith.constant 3 : i32
      %and3A_1778 = arith.andi %shift_right_logical3A_1776, %and3A_1777 : i32
      %swap3A_1779 = arith.constant 1 : i32
      %swap3A_1780 = arith.constant 3 : i32
      %swap3A_1781 = arith.constant 0 : i32
      %swap3A_1782 = arith.constant 0 : i32
      %swap3A_1783 = arith.constant 0 : i32
      %swap3A_1784 = arith.constant 0 : i32
      %swap3A_1785 = arith.constant 0 : i32
      %swap3A_1786 = arith.constant 0 : i32
      %swap3A_1787 = tpu.memref_slice %arg7[%swap3A_1779, %swap3A_1782, %swap3A_1783, %swap3A_1784, %swap3A_1785, %swap3A_1786] : memref<2x2x4x4x8x128xf32, #tpu.memory_space<vmem>> -> memref<1x2x4x4x8x128xf32, #tpu.memory_space<vmem>>
      %swap3A_1788 = tpu.memref_squeeze %swap3A_1787 : memref<1x2x4x4x8x128xf32, #tpu.memory_space<vmem>> -> memref<2x4x4x8x128xf32, #tpu.memory_space<vmem>>
      %swap3A_1789 = arith.index_cast %shift_right_logical3A_1773 : i32 to index
      %swap3A_1790 = arith.index_cast %swap3A_1780 : i32 to index
      %swap3A_1791 = arith.index_cast %and3A_1778 : i32 to index
      %swap3A_1792 = arith.index_cast %swap3A_1781 : i32 to index
      %swap3A_1793 = arith.constant 112 : index
      %swap3A_1794 = tpu.vector_load %swap3A_1788[%swap3A_1789, %swap3A_1790, %swap3A_1791, %swap3A_1792, %swap3A_1793] {strides = array<i32>} : memref<2x4x4x8x128xf32, #tpu.memory_space<vmem>>, vector<16xf32>,
      tpu.vector_store %swap3A_1788[%swap3A_1789, %swap3A_1790, %swap3A_1791, %swap3A_1792, %swap3A_1793], %scan3A_1577#8 {strides = array<i32>} : memref<2x4x4x8x128xf32, #tpu.memory_space<vmem>>, vector<16xf32>,
      %shift_right_logical3A_1795 = arith.constant 63 : i32
      %shift_right_logical3A_1796 = arith.constant 5 : i32
      %shift_right_logical3A_1797 = arith.shrui %shift_right_logical3A_1795, %shift_right_logical3A_1796 : i32
      %shift_right_logical3A_1798 = arith.constant 63 : i32
      %shift_right_logical3A_1799 = arith.constant 3 : i32
      %shift_right_logical3A_1800 = arith.shrui %shift_right_logical3A_1798, %shift_right_logical3A_1799 : i32
      %and3A_1801 = arith.constant 3 : i32
      %and3A_1802 = arith.andi %shift_right_logical3A_1800, %and3A_1801 : i32
      %swap3A_1803 = arith.constant 1 : i32
      %swap3A_1804 = arith.constant 3 : i32
      %swap3A_1805 = arith.constant 1 : i32
      %swap3A_1806 = arith.constant 0 : i32
      %swap3A_1807 = arith.constant 0 : i32
      %swap3A_1808 = arith.constant 0 : i32
      %swap3A_1809 = arith.constant 0 : i32
      %swap3A_1810 = arith.constant 0 : i32
      %swap3A_1811 = tpu.memref_slice %arg7[%swap3A_1803, %swap3A_1806, %swap3A_1807, %swap3A_1808, %swap3A_1809, %swap3A_1810] : memref<2x2x4x4x8x128xf32, #tpu.memory_space<vmem>> -> memref<1x2x4x4x8x128xf32, #tpu.memory_space<vmem>>
      %swap3A_1812 = tpu.memref_squeeze %swap3A_1811 : memref<1x2x4x4x8x128xf32, #tpu.memory_space<vmem>> -> memref<2x4x4x8x128xf32, #tpu.memory_space<vmem>>
      %swap3A_1813 = arith.index_cast %shift_right_logical3A_1797 : i32 to index
      %swap3A_1814 = arith.index_cast %swap3A_1804 : i32 to index
      %swap3A_1815 = arith.index_cast %and3A_1802 : i32 to index
      %swap3A_1816 = arith.index_cast %swap3A_1805 : i32 to index
      %swap3A_1817 = arith.constant 112 : index
      %swap3A_1818 = tpu.vector_load %swap3A_1812[%swap3A_1813, %swap3A_1814, %swap3A_1815, %swap3A_1816, %swap3A_1817] {strides = array<i32>} : memref<2x4x4x8x128xf32, #tpu.memory_space<vmem>>, vector<16xf32>,
      tpu.vector_store %swap3A_1812[%swap3A_1813, %swap3A_1814, %swap3A_1815, %swap3A_1816, %swap3A_1817], %scan3A_1577#9 {strides = array<i32>} : memref<2x4x4x8x128xf32, #tpu.memory_space<vmem>>, vector<16xf32>,
      %shift_right_logical3A_1819 = arith.constant 63 : i32
      %shift_right_logical3A_1820 = arith.constant 5 : i32
      %shift_right_logical3A_1821 = arith.shrui %shift_right_logical3A_1819, %shift_right_logical3A_1820 : i32
      %shift_right_logical3A_1822 = arith.constant 63 : i32
      %shift_right_logical3A_1823 = arith.constant 3 : i32
      %shift_right_logical3A_1824 = arith.shrui %shift_right_logical3A_1822, %shift_right_logical3A_1823 : i32
      %and3A_1825 = arith.constant 3 : i32
      %and3A_1826 = arith.andi %shift_right_logical3A_1824, %and3A_1825 : i32
      %swap3A_1827 = arith.constant 1 : i32
      %swap3A_1828 = arith.constant 3 : i32
      %swap3A_1829 = arith.constant 2 : i32
      %swap3A_1830 = arith.constant 0 : i32
      %swap3A_1831 = arith.constant 0 : i32
      %swap3A_1832 = arith.constant 0 : i32
      %swap3A_1833 = arith.constant 0 : i32
      %swap3A_1834 = arith.constant 0 : i32
      %swap3A_1835 = tpu.memref_slice %arg7[%swap3A_1827, %swap3A_1830, %swap3A_1831, %swap3A_1832, %swap3A_1833, %swap3A_1834] : memref<2x2x4x4x8x128xf32, #tpu.memory_space<vmem>> -> memref<1x2x4x4x8x128xf32, #tpu.memory_space<vmem>>
      %swap3A_1836 = tpu.memref_squeeze %swap3A_1835 : memref<1x2x4x4x8x128xf32, #tpu.memory_space<vmem>> -> memref<2x4x4x8x128xf32, #tpu.memory_space<vmem>>
      %swap3A_1837 = arith.index_cast %shift_right_logical3A_1821 : i32 to index
      %swap3A_1838 = arith.index_cast %swap3A_1828 : i32 to index
      %swap3A_1839 = arith.index_cast %and3A_1826 : i32 to index
      %swap3A_1840 = arith.index_cast %swap3A_1829 : i32 to index
      %swap3A_1841 = arith.constant 112 : index
      %swap3A_1842 = tpu.vector_load %swap3A_1836[%swap3A_1837, %swap3A_1838, %swap3A_1839, %swap3A_1840, %swap3A_1841] {strides = array<i32>} : memref<2x4x4x8x128xf32, #tpu.memory_space<vmem>>, vector<16xf32>,
      tpu.vector_store %swap3A_1836[%swap3A_1837, %swap3A_1838, %swap3A_1839, %swap3A_1840, %swap3A_1841], %scan3A_1577#10 {strides = array<i32>} : memref<2x4x4x8x128xf32, #tpu.memory_space<vmem>>, vector<16xf32>,
      %shift_right_logical3A_1843 = arith.constant 63 : i32
      %shift_right_logical3A_1844 = arith.constant 5 : i32
      %shift_right_logical3A_1845 = arith.shrui %shift_right_logical3A_1843, %shift_right_logical3A_1844 : i32
      %shift_right_logical3A_1846 = arith.constant 63 : i32
      %shift_right_logical3A_1847 = arith.constant 3 : i32
      %shift_right_logical3A_1848 = arith.shrui %shift_right_logical3A_1846, %shift_right_logical3A_1847 : i32
      %and3A_1849 = arith.constant 3 : i32
      %and3A_1850 = arith.andi %shift_right_logical3A_1848, %and3A_1849 : i32
      %swap3A_1851 = arith.constant 1 : i32
      %swap3A_1852 = arith.constant 3 : i32
      %swap3A_1853 = arith.constant 3 : i32
      %swap3A_1854 = arith.constant 0 : i32
      %swap3A_1855 = arith.constant 0 : i32
      %swap3A_1856 = arith.constant 0 : i32
      %swap3A_1857 = arith.constant 0 : i32
      %swap3A_1858 = arith.constant 0 : i32
      %swap3A_1859 = tpu.memref_slice %arg7[%swap3A_1851, %swap3A_1854, %swap3A_1855, %swap3A_1856, %swap3A_1857, %swap3A_1858] : memref<2x2x4x4x8x128xf32, #tpu.memory_space<vmem>> -> memref<1x2x4x4x8x128xf32, #tpu.memory_space<vmem>>
      %swap3A_1860 = tpu.memref_squeeze %swap3A_1859 : memref<1x2x4x4x8x128xf32, #tpu.memory_space<vmem>> -> memref<2x4x4x8x128xf32, #tpu.memory_space<vmem>>
      %swap3A_1861 = arith.index_cast %shift_right_logical3A_1845 : i32 to index
      %swap3A_1862 = arith.index_cast %swap3A_1852 : i32 to index
      %swap3A_1863 = arith.index_cast %and3A_1850 : i32 to index
      %swap3A_1864 = arith.index_cast %swap3A_1853 : i32 to index
      %swap3A_1865 = arith.constant 112 : index
      %swap3A_1866 = tpu.vector_load %swap3A_1860[%swap3A_1861, %swap3A_1862, %swap3A_1863, %swap3A_1864, %swap3A_1865] {strides = array<i32>} : memref<2x4x4x8x128xf32, #tpu.memory_space<vmem>>, vector<16xf32>,
      tpu.vector_store %swap3A_1860[%swap3A_1861, %swap3A_1862, %swap3A_1863, %swap3A_1864, %swap3A_1865], %scan3A_1577#11 {strides = array<i32>} : memref<2x4x4x8x128xf32, #tpu.memory_space<vmem>>, vector<16xf32>,
      %shift_right_logical3A_1867 = arith.constant 63 : i32
      %shift_right_logical3A_1868 = arith.constant 5 : i32
      %shift_right_logical3A_1869 = arith.shrui %shift_right_logical3A_1867, %shift_right_logical3A_1868 : i32
      %shift_right_logical3A_1870 = arith.constant 63 : i32
      %shift_right_logical3A_1871 = arith.constant 3 : i32
      %shift_right_logical3A_1872 = arith.shrui %shift_right_logical3A_1870, %shift_right_logical3A_1871 : i32
      %and3A_1873 = arith.constant 3 : i32
      %and3A_1874 = arith.andi %shift_right_logical3A_1872, %and3A_1873 : i32
      %swap3A_1875 = arith.constant 1 : i32
      %swap3A_1876 = arith.constant 3 : i32
      %swap3A_1877 = arith.constant 4 : i32
      %swap3A_1878 = arith.constant 0 : i32
      %swap3A_1879 = arith.constant 0 : i32
      %swap3A_1880 = arith.constant 0 : i32
      %swap3A_1881 = arith.constant 0 : i32
      %swap3A_1882 = arith.constant 0 : i32
      %swap3A_1883 = tpu.memref_slice %arg7[%swap3A_1875, %swap3A_1878, %swap3A_1879, %swap3A_1880, %swap3A_1881, %swap3A_1882] : memref<2x2x4x4x8x128xf32, #tpu.memory_space<vmem>> -> memref<1x2x4x4x8x128xf32, #tpu.memory_space<vmem>>
      %swap3A_1884 = tpu.memref_squeeze %swap3A_1883 : memref<1x2x4x4x8x128xf32, #tpu.memory_space<vmem>> -> memref<2x4x4x8x128xf32, #tpu.memory_space<vmem>>
      %swap3A_1885 = arith.index_cast %shift_right_logical3A_1869 : i32 to index
      %swap3A_1886 = arith.index_cast %swap3A_1876 : i32 to index
      %swap3A_1887 = arith.index_cast %and3A_1874 : i32 to index
      %swap3A_1888 = arith.index_cast %swap3A_1877 : i32 to index
      %swap3A_1889 = arith.constant 112 : index
      %swap3A_1890 = tpu.vector_load %swap3A_1884[%swap3A_1885, %swap3A_1886, %swap3A_1887, %swap3A_1888, %swap3A_1889] {strides = array<i32>} : memref<2x4x4x8x128xf32, #tpu.memory_space<vmem>>, vector<16xf32>,
      tpu.vector_store %swap3A_1884[%swap3A_1885, %swap3A_1886, %swap3A_1887, %swap3A_1888, %swap3A_1889], %scan3A_1577#12 {strides = array<i32>} : memref<2x4x4x8x128xf32, #tpu.memory_space<vmem>>, vector<16xf32>,
      %shift_right_logical3A_1891 = arith.constant 63 : i32
      %shift_right_logical3A_1892 = arith.constant 5 : i32
      %shift_right_logical3A_1893 = arith.shrui %shift_right_logical3A_1891, %shift_right_logical3A_1892 : i32
      %shift_right_logical3A_1894 = arith.constant 63 : i32
      %shift_right_logical3A_1895 = arith.constant 3 : i32
      %shift_right_logical3A_1896 = arith.shrui %shift_right_logical3A_1894, %shift_right_logical3A_1895 : i32
      %and3A_1897 = arith.constant 3 : i32
      %and3A_1898 = arith.andi %shift_right_logical3A_1896, %and3A_1897 : i32
      %swap3A_1899 = arith.constant 1 : i32
      %swap3A_1900 = arith.constant 3 : i32
      %swap3A_1901 = arith.constant 5 : i32
      %swap3A_1902 = arith.constant 0 : i32
      %swap3A_1903 = arith.constant 0 : i32
      %swap3A_1904 = arith.constant 0 : i32
      %swap3A_1905 = arith.constant 0 : i32
      %swap3A_1906 = arith.constant 0 : i32
      %swap3A_1907 = tpu.memref_slice %arg7[%swap3A_1899, %swap3A_1902, %swap3A_1903, %swap3A_1904, %swap3A_1905, %swap3A_1906] : memref<2x2x4x4x8x128xf32, #tpu.memory_space<vmem>> -> memref<1x2x4x4x8x128xf32, #tpu.memory_space<vmem>>
      %swap3A_1908 = tpu.memref_squeeze %swap3A_1907 : memref<1x2x4x4x8x128xf32, #tpu.memory_space<vmem>> -> memref<2x4x4x8x128xf32, #tpu.memory_space<vmem>>
      %swap3A_1909 = arith.index_cast %shift_right_logical3A_1893 : i32 to index
      %swap3A_1910 = arith.index_cast %swap3A_1900 : i32 to index
      %swap3A_1911 = arith.index_cast %and3A_1898 : i32 to index
      %swap3A_1912 = arith.index_cast %swap3A_1901 : i32 to index
      %swap3A_1913 = arith.constant 112 : index
      %swap3A_1914 = tpu.vector_load %swap3A_1908[%swap3A_1909, %swap3A_1910, %swap3A_1911, %swap3A_1912, %swap3A_1913] {strides = array<i32>} : memref<2x4x4x8x128xf32, #tpu.memory_space<vmem>>, vector<16xf32>,
      tpu.vector_store %swap3A_1908[%swap3A_1909, %swap3A_1910, %swap3A_1911, %swap3A_1912, %swap3A_1913], %scan3A_1577#13 {strides = array<i32>} : memref<2x4x4x8x128xf32, #tpu.memory_space<vmem>>, vector<16xf32>,
      %shift_right_logical3A_1915 = arith.constant 63 : i32
      %shift_right_logical3A_1916 = arith.constant 5 : i32
      %shift_right_logical3A_1917 = arith.shrui %shift_right_logical3A_1915, %shift_right_logical3A_1916 : i32
      %shift_right_logical3A_1918 = arith.constant 63 : i32
      %shift_right_logical3A_1919 = arith.constant 3 : i32
      %shift_right_logical3A_1920 = arith.shrui %shift_right_logical3A_1918, %shift_right_logical3A_1919 : i32
      %and3A_1921 = arith.constant 3 : i32
      %and3A_1922 = arith.andi %shift_right_logical3A_1920, %and3A_1921 : i32
      %swap3A_1923 = arith.constant 1 : i32
      %swap3A_1924 = arith.constant 3 : i32
      %swap3A_1925 = arith.constant 6 : i32
      %swap3A_1926 = arith.constant 0 : i32
      %swap3A_1927 = arith.constant 0 : i32
      %swap3A_1928 = arith.constant 0 : i32
      %swap3A_1929 = arith.constant 0 : i32
      %swap3A_1930 = arith.constant 0 : i32
      %swap3A_1931 = tpu.memref_slice %arg7[%swap3A_1923, %swap3A_1926, %swap3A_1927, %swap3A_1928, %swap3A_1929, %swap3A_1930] : memref<2x2x4x4x8x128xf32, #tpu.memory_space<vmem>> -> memref<1x2x4x4x8x128xf32, #tpu.memory_space<vmem>>
      %swap3A_1932 = tpu.memref_squeeze %swap3A_1931 : memref<1x2x4x4x8x128xf32, #tpu.memory_space<vmem>> -> memref<2x4x4x8x128xf32, #tpu.memory_space<vmem>>
      %swap3A_1933 = arith.index_cast %shift_right_logical3A_1917 : i32 to index
      %swap3A_1934 = arith.index_cast %swap3A_1924 : i32 to index
      %swap3A_1935 = arith.index_cast %and3A_1922 : i32 to index
      %swap3A_1936 = arith.index_cast %swap3A_1925 : i32 to index
      %swap3A_1937 = arith.constant 112 : index
      %swap3A_1938 = tpu.vector_load %swap3A_1932[%swap3A_1933, %swap3A_1934, %swap3A_1935, %swap3A_1936, %swap3A_1937] {strides = array<i32>} : memref<2x4x4x8x128xf32, #tpu.memory_space<vmem>>, vector<16xf32>,
      tpu.vector_store %swap3A_1932[%swap3A_1933, %swap3A_1934, %swap3A_1935, %swap3A_1936, %swap3A_1937], %scan3A_1577#14 {strides = array<i32>} : memref<2x4x4x8x128xf32, #tpu.memory_space<vmem>>, vector<16xf32>,
      %shift_right_logical3A_1939 = arith.constant 63 : i32
      %shift_right_logical3A_1940 = arith.constant 5 : i32
      %shift_right_logical3A_1941 = arith.shrui %shift_right_logical3A_1939, %shift_right_logical3A_1940 : i32
      %shift_right_logical3A_1942 = arith.constant 63 : i32
      %shift_right_logical3A_1943 = arith.constant 3 : i32
      %shift_right_logical3A_1944 = arith.shrui %shift_right_logical3A_1942, %shift_right_logical3A_1943 : i32
      %and3A_1945 = arith.constant 3 : i32
      %and3A_1946 = arith.andi %shift_right_logical3A_1944, %and3A_1945 : i32
      %swap3A_1947 = arith.constant 1 : i32
      %swap3A_1948 = arith.constant 3 : i32
      %swap3A_1949 = arith.constant 7 : i32
      %swap3A_1950 = arith.constant 0 : i32
      %swap3A_1951 = arith.constant 0 : i32
      %swap3A_1952 = arith.constant 0 : i32
      %swap3A_1953 = arith.constant 0 : i32
      %swap3A_1954 = arith.constant 0 : i32
      %swap3A_1955 = tpu.memref_slice %arg7[%swap3A_1947, %swap3A_1950, %swap3A_1951, %swap3A_1952, %swap3A_1953, %swap3A_1954] : memref<2x2x4x4x8x128xf32, #tpu.memory_space<vmem>> -> memref<1x2x4x4x8x128xf32, #tpu.memory_space<vmem>>
      %swap3A_1956 = tpu.memref_squeeze %swap3A_1955 : memref<1x2x4x4x8x128xf32, #tpu.memory_space<vmem>> -> memref<2x4x4x8x128xf32, #tpu.memory_space<vmem>>
      %swap3A_1957 = arith.index_cast %shift_right_logical3A_1941 : i32 to index
      %swap3A_1958 = arith.index_cast %swap3A_1948 : i32 to index
      %swap3A_1959 = arith.index_cast %and3A_1946 : i32 to index
      %swap3A_1960 = arith.index_cast %swap3A_1949 : i32 to index
      %swap3A_1961 = arith.constant 112 : index
      %swap3A_1962 = tpu.vector_load %swap3A_1956[%swap3A_1957, %swap3A_1958, %swap3A_1959, %swap3A_1960, %swap3A_1961] {strides = array<i32>} : memref<2x4x4x8x128xf32, #tpu.memory_space<vmem>>, vector<16xf32>,
      tpu.vector_store %swap3A_1956[%swap3A_1957, %swap3A_1958, %swap3A_1959, %swap3A_1960, %swap3A_1961], %scan3A_1577#15 {strides = array<i32>} : memref<2x4x4x8x128xf32, #tpu.memory_space<vmem>>, vector<16xf32>,
      %mul3A_1963 = arith.constant 2 : i32
      %mul3A_1964 = arith.muli %add3A_1040, %mul3A_1963 : i32
      %dma_start3A_1965 = arith.constant 1 : i32
      %dma_start3A_1966 = arith.constant 0 : i32
      %dma_start3A_1967 = arith.constant 0 : i32
      %dma_start3A_1968 = arith.constant 0 : i32
      %dma_start3A_1969 = arith.constant 0 : i32
      %dma_start3A_1970 = arith.constant 0 : i32
      %dma_start3A_1971 = tpu.memref_slice %arg7[%dma_start3A_1965, %dma_start3A_1966, %dma_start3A_1967, %dma_start3A_1968, %dma_start3A_1969, %dma_start3A_1970] : memref<2x2x4x4x8x128xf32, #tpu.memory_space<vmem>> -> memref<1x2x4x4x8x128xf32, #tpu.memory_space<vmem>>
      %dma_start3A_1972 = tpu.memref_squeeze %dma_start3A_1971 : memref<1x2x4x4x8x128xf32, #tpu.memory_space<vmem>> -> memref<2x4x4x8x128xf32, #tpu.memory_space<vmem>>
      %dma_start3A_1973 = arith.constant 0 : i32
      %dma_start3A_1974 = arith.constant 0 : i32
      %dma_start3A_1975 = arith.constant 0 : i32
      %dma_start3A_1976 = tpu.memref_slice %arg4[%mul3A_1964, %dma_start3A_1973, %mul3A_2, %dma_start3A_1974, %dma_start3A_1975] : memref<200x4x128x8x128xf32, #tpu.memory_space<hbm>> -> memref<2x4x4x8x128xf32, #tpu.memory_space<hbm>>
      %dma_start3A_1977 = arith.constant 0 : i32
      %dma_start3A_1978 = arith.constant 0 : i32
      %dma_start3A_1979 = arith.constant 0 : i32
      %dma_start3A_1980 = tpu.memref_slice %arg4[%mul3A_1964, %dma_start3A_1977, %mul3A_2, %dma_start3A_1978, %dma_start3A_1979] : memref<200x4x128x8x128xf32, #tpu.memory_space<hbm>> -> memref<2x4x4x8x128xf32, #tpu.memory_space<hbm>>
      %dma_start3A_1981 = arith.constant 0 : i32
      %dma_start3A_1982 = arith.constant 0 : i32
      %dma_start3A_1983 = arith.constant 0 : i32
      %dma_start3A_1984 = arith.constant 0 : i32
      %dma_start3A_1985 = arith.constant 0 : i32
      %dma_start3A_1986 = tpu.memref_slice %arg7[%dma_start3A_1965, %dma_start3A_1981, %dma_start3A_1982, %dma_start3A_1983, %dma_start3A_1984, %dma_start3A_1985] : memref<2x2x4x4x8x128xf32, #tpu.memory_space<vmem>> -> memref<1x2x4x4x8x128xf32, #tpu.memory_space<vmem>>
      %dma_start3A_1987 = tpu.memref_squeeze %dma_start3A_1986 : memref<1x2x4x4x8x128xf32, #tpu.memory_space<vmem>> -> memref<2x4x4x8x128xf32, #tpu.memory_space<vmem>>
      tpu.enqueue_dma source(%dma_start3A_1987 : memref<2x4x4x8x128xf32, #tpu.memory_space<vmem>>) target(%dma_start3A_1980 : memref<2x4x4x8x128xf32, #tpu.memory_space<hbm>>) target_semaphore(%arg9 : memref<!tpu.dma_semaphore, #tpu.memory_space<semaphore_mem>>)
    }
    %scan3A_27 = arith.constant 50 : i32
    %dma_wait3A_28 = arith.constant 0 : i32
    %dma_wait3A_29 = arith.constant 0 : i32
    %dma_wait3A_30 = arith.constant 0 : i32
    %dma_wait3A_31 = arith.constant 0 : i32
    %dma_wait3A_32 = arith.constant 0 : i32
    %dma_wait3A_33 = arith.constant 0 : i32
    %dma_wait3A_34 = tpu.memref_slice %arg7[%dma_wait3A_28, %dma_wait3A_29, %dma_wait3A_30, %dma_wait3A_31, %dma_wait3A_32, %dma_wait3A_33] : memref<2x2x4x4x8x128xf32, #tpu.memory_space<vmem>> -> memref<1x2x4x4x8x128xf32, #tpu.memory_space<vmem>>
    %dma_wait3A_35 = tpu.memref_squeeze %dma_wait3A_34 : memref<1x2x4x4x8x128xf32, #tpu.memory_space<vmem>> -> memref<2x4x4x8x128xf32, #tpu.memory_space<vmem>>
    %dma_wait3A_36 = arith.constant 196 : i32
    %dma_wait3A_37 = arith.constant 0 : i32
    %dma_wait3A_38 = arith.constant 0 : i32
    %dma_wait3A_39 = arith.constant 0 : i32
    %dma_wait3A_40 = tpu.memref_slice %arg4[%dma_wait3A_36, %dma_wait3A_37, %mul3A_2, %dma_wait3A_38, %dma_wait3A_39] : memref<200x4x128x8x128xf32, #tpu.memory_space<hbm>> -> memref<2x4x4x8x128xf32, #tpu.memory_space<hbm>>
    %dma_wait3A_41 = arith.constant 196 : i32
    %dma_wait3A_42 = arith.constant 0 : i32
    %dma_wait3A_43 = arith.constant 0 : i32
    %dma_wait3A_44 = arith.constant 0 : i32
    %dma_wait3A_45 = tpu.memref_slice %arg4[%dma_wait3A_41, %dma_wait3A_42, %mul3A_2, %dma_wait3A_43, %dma_wait3A_44] : memref<200x4x128x8x128xf32, #tpu.memory_space<hbm>> -> memref<2x4x4x8x128xf32, #tpu.memory_space<hbm>>
    %dma_wait3A_46 = arith.constant 0 : i32
    %dma_wait3A_47 = arith.constant 0 : i32
    %dma_wait3A_48 = arith.constant 0 : i32
    %dma_wait3A_49 = arith.constant 0 : i32
    %dma_wait3A_50 = arith.constant 0 : i32
    %dma_wait3A_51 = tpu.memref_slice %arg7[%dma_wait3A_28, %dma_wait3A_46, %dma_wait3A_47, %dma_wait3A_48, %dma_wait3A_49, %dma_wait3A_50] : memref<2x2x4x4x8x128xf32, #tpu.memory_space<vmem>> -> memref<1x2x4x4x8x128xf32, #tpu.memory_space<vmem>>
    %dma_wait3A_52 = tpu.memref_squeeze %dma_wait3A_51 : memref<1x2x4x4x8x128xf32, #tpu.memory_space<vmem>> -> memref<2x4x4x8x128xf32, #tpu.memory_space<vmem>>
    tpu.wait_dma2 semaphore(%arg9 : memref<!tpu.dma_semaphore, #tpu.memory_space<semaphore_mem>>) src(%dma_wait3A_52 : memref<2x4x4x8x128xf32, #tpu.memory_space<vmem>>) dst(%dma_wait3A_45 : memref<2x4x4x8x128xf32, #tpu.memory_space<hbm>>)
    %dma_wait3A_53 = arith.constant 1 : i32
    %dma_wait3A_54 = arith.constant 0 : i32
    %dma_wait3A_55 = arith.constant 0 : i32
    %dma_wait3A_56 = arith.constant 0 : i32
    %dma_wait3A_57 = arith.constant 0 : i32
    %dma_wait3A_58 = arith.constant 0 : i32
    %dma_wait3A_59 = tpu.memref_slice %arg7[%dma_wait3A_53, %dma_wait3A_54, %dma_wait3A_55, %dma_wait3A_56, %dma_wait3A_57, %dma_wait3A_58] : memref<2x2x4x4x8x128xf32, #tpu.memory_space<vmem>> -> memref<1x2x4x4x8x128xf32, #tpu.memory_space<vmem>>
    %dma_wait3A_60 = tpu.memref_squeeze %dma_wait3A_59 : memref<1x2x4x4x8x128xf32, #tpu.memory_space<vmem>> -> memref<2x4x4x8x128xf32, #tpu.memory_space<vmem>>
    %dma_wait3A_61 = arith.constant 198 : i32
    %dma_wait3A_62 = arith.constant 0 : i32
    %dma_wait3A_63 = arith.constant 0 : i32
    %dma_wait3A_64 = arith.constant 0 : i32
    %dma_wait3A_65 = tpu.memref_slice %arg4[%dma_wait3A_61, %dma_wait3A_62, %mul3A_2, %dma_wait3A_63, %dma_wait3A_64] : memref<200x4x128x8x128xf32, #tpu.memory_space<hbm>> -> memref<2x4x4x8x128xf32, #tpu.memory_space<hbm>>
    %dma_wait3A_66 = arith.constant 198 : i32
    %dma_wait3A_67 = arith.constant 0 : i32
    %dma_wait3A_68 = arith.constant 0 : i32
    %dma_wait3A_69 = arith.constant 0 : i32
    %dma_wait3A_70 = tpu.memref_slice %arg4[%dma_wait3A_66, %dma_wait3A_67, %mul3A_2, %dma_wait3A_68, %dma_wait3A_69] : memref<200x4x128x8x128xf32, #tpu.memory_space<hbm>> -> memref<2x4x4x8x128xf32, #tpu.memory_space<hbm>>
    %dma_wait3A_71 = arith.constant 0 : i32
    %dma_wait3A_72 = arith.constant 0 : i32
    %dma_wait3A_73 = arith.constant 0 : i32
    %dma_wait3A_74 = arith.constant 0 : i32
    %dma_wait3A_75 = arith.constant 0 : i32
    %dma_wait3A_76 = tpu.memref_slice %arg7[%dma_wait3A_53, %dma_wait3A_71, %dma_wait3A_72, %dma_wait3A_73, %dma_wait3A_74, %dma_wait3A_75] : memref<2x2x4x4x8x128xf32, #tpu.memory_space<vmem>> -> memref<1x2x4x4x8x128xf32, #tpu.memory_space<vmem>>
    %dma_wait3A_77 = tpu.memref_squeeze %dma_wait3A_76 : memref<1x2x4x4x8x128xf32, #tpu.memory_space<vmem>> -> memref<2x4x4x8x128xf32, #tpu.memory_space<vmem>>
    tpu.wait_dma2 semaphore(%arg9 : memref<!tpu.dma_semaphore, #tpu.memory_space<semaphore_mem>>) src(%dma_wait3A_77 : memref<2x4x4x8x128xf32, #tpu.memory_space<vmem>>) dst(%dma_wait3A_70 : memref<2x4x4x8x128xf32, #tpu.memory_space<hbm>>)
    return
  }
}

module attributes {stable_mosaic.version = 14 : i64} {
  func.func @body(%arg0: memref<100x32xf32, #tpu.memory_space<vmem>>, %arg1: memref<32x32xf32, #tpu.memory_space<vmem>>, %arg2: memref<32x1xf32, #tpu.memory_space<vmem>>, %arg3: memref<32x100xf32, #tpu.memory_space<vmem>>) attributes {dimension_semantics = [], scalar_prefetch = 0 : i64, scratch_operands = 0 : i64, tpu.core_type = #tpu.core_type<tc>} {
    %get3A = arith.constant 0 : index
    %get3A_0 = arith.constant 0 : index
    %get3A_1 = vector.load %arg1[%get3A, %get3A_0] : memref<32x32xf32, #tpu.memory_space<vmem>>, vector<32x32xf32>
    %get3A_2 = arith.constant 0 : index
    %get3A_3 = arith.constant 0 : index
    %get3A_4 = vector.load %arg0[%get3A_2, %get3A_3] : memref<100x32xf32, #tpu.memory_space<vmem>>, vector<100x32xf32>
    %dot_general3A = arith.constant dense<0.000000e+00> : vector<32x100xf32>
    %dot_general3A_5 = tpu.matmul %get3A_1, %get3A_4, %dot_general3A {dimension_numbers = #tpu.dot_dimension_numbers<[1], [1], [0], [0], [0, 0, 1, 0], [], []>, transpose_lhs_hint = false} : vector<32x32xf32>, vector<100x32xf32>, vector<32x100xf32> -> vector<32x100xf32>
    %get3A_6 = arith.constant 0 : index
    %get3A_7 = arith.constant 0 : index
    %get3A_8 = vector.load %arg2[%get3A_6, %get3A_7] : memref<32x1xf32, #tpu.memory_space<vmem>>, vector<32x1xf32>
    %add3A = vector.broadcast %get3A_8 : vector<32x1xf32> to vector<32x100xf32>
    %add3A_9 = arith.addf %dot_general3A_5, %add3A : vector<32x100xf32>
    %swap3A = arith.constant 0 : index
    %swap3A_10 = arith.constant 0 : index
    %swap3A_11 = vector.load %arg3[%swap3A, %swap3A_10] : memref<32x100xf32, #tpu.memory_space<vmem>>, vector<32x100xf32>
    tpu.vector_store %arg3[%swap3A, %swap3A_10], %add3A_9 {strides = array<i32>} : memref<32x100xf32, #tpu.memory_space<vmem>>, vector<32x100xf32>,
    return
  }
}

</mosaic_0001>

<sc_bundles>
// kernel: kernel.4.cloned.1.call-start
scs
__scs_entry_jumppad:
0x0: {  	(pc) =	sbr.rel $0x88, $3  }
0x1: {  	(tag) =	ssettag $0x0;
	lr =	simm.s32 $0x1  }
0x2: {  	[smem:$0x3F9D] =	sst lr;
	_ =	strace $0xD0000000  }
0x3: {  	_ = 	snop  }
0x4: {  	_ = 	snop  }
0x5: {  	_ = 	snop  }
0x6: {  	_ = 	snop  }
0x7: {  	_ = 	snop  }
__scs_overlays_trampoline_lowered:
0x8: {  	[smem:$0x3FAC] =	sst s0  }
0x9: {  	[smem:$0x3FAD] =	sst s1  }
0xa: {  	[smem:$0x3FAE] =	sst s2  }
0xb: {  	[smem:$0x3FAF] =	sst s3  }
0xc: {  	[smem:$0x3FB0] =	sst s4  }
0xd: {  	[smem:$0x3FB1] =	sst s5  }
0xe: {  	[smem:$0x3FB2] =	sst s6  }
0xf: {  	[smem:$0x3FB3] =	sst s7  }
0x10: {  	[smem:$0x3FB4] =	sst s8  }
0x11: {  	[smem:$0x3FB5] =	sst s9;
	s0 =	simm.s32 @!p0 $0x0  }
0x12: {  	s1 =	sld [smem:$0x3F9B];
	s0 =	simm.s32 @p0 $0x1  }
0x13: {  	[smem:$0x3FB6] =	sst s0;
	s0 =	simm.s32 @!p1 $0x0  }
0x14: {  	s2 =	sld [smem:$0x3F9A];
	s0 =	simm.s32 @p1 $0x1  }
0x15: {  	[smem:$0x3FB7] =	sst s0;
	s0 =	simm.s32 @!p2 $0x0  }
0x16: {  	s3 =	sld [smem:$0x3FDB];
	s0 =	simm.s32 @p2 $0x1  }
0x17: {  	s4 =	simm.s32 $0x1BF5;
	[smem:$0x3FB9] =	sst s0  }
0x18: {  	s0 =	sld [smem:$0x3F9C];
	_ =	swait.ge [sflag:s4], $0x0  }
0x19: {  	s7 =	sld [smem:$0x3F9D]  }
0x1a: {  	s8 =	sadd.s32 $0xFFFFE003, lr  }
0x1b: {  	s9 =	sadd.s32 $0xFFFFFEF7, lr;
	s5 =	simm.s32 $0xFFFFFFFF;
	p2 =	slt.u32 s8, $0xFFFFF086  }
0x1c: {  	p1 =	slt.u32 s9, $0xF7A;
	s5 =	simm.s32 @!p2 $0x0  }
0x1d: {  	s5 =	simm.s32 @p1 $0x1;
	p0 =	seq.s32 s7, s2  }
0x1e: {  	s7 =	smul.u32 @!p0 $0xF7A, s2;
	p2 =	seq.s32 @!p0 s5, $0x0  }
0x1f: {  	s9 =	smul.u32 $0xF7A, s1;
	s8 =	simm.s32 @!p0 $0x1BF5;
	p2 =	por !p2, p0  }
0x20: {  	[sflag:s8] =	ssyncset.s32 @!p0 $0xFFFFF086;
	s6 =	sadd.s32 @!p0 s3, s7;
	s7 =	simm.s32 @!p0 $0x108  }
0x21: {  	s3 =	sadd.s32 s3, s9;
	s6 =	sadd.s32 @!p0 $0x88, s6;
	s7 =	simm.s32 @p2 $0x1082  }
0x22: {  	[simem:s7], [sflag:s8] =	dma.local @!p0 [hbm:s6], $0xF7A  }
0x23: {  	s9 =	sor.u32 $0xD0000000, s2;
	s6 =	simm.s32 $0x108;
	_ =	swait.ge @!p0 [sflag:s8], $0x0  }
0x24: {  	s3 =	sadd.s32 $0x88, s3;
	s6 =	simm.s32 @!p1 $0x1082;
	[sflag:s4] =	ssyncset.s32 $0xFFFFF086  }
0x25: {  	[simem:s6], [sflag:s4] =	dma.local [hbm:s3], $0xF7A  }
0x26: {  	[smem:$0x3F9D] =	sst s1;
	(tag) =	ssettag s2;
	_ =	strace s9  }
0x27: {  	s1 =	sld [smem:$0x3FAD]  }
0x28: {  	s2 =	sld [smem:$0x3FAE]  }
0x29: {  	s4 =	sld [smem:$0x3FB0]  }
0x2a: {  	p0 =	seq.s32 s5, $0x0;
	s5 =	sld [smem:$0x3FB1]  }
0x2b: {  	s6 =	sld [smem:$0x3FB2]  }
0x2c: {  	s7 =	sld [smem:$0x3FB3]  }
0x2d: {  	s3 =	simm.s32 $0x108;
	s8 =	sld [smem:$0x3FB4]  }
0x2e: {  	s3 =	simm.s32 @!p0 $0x1082;
	s9 =	sld [smem:$0x3FB5]  }
0x2f: {  	lr =	sadd.s32 s0, s3;
	s0 =	sld [smem:$0x3FAC]  }
0x30: {  	s3 =	sld [smem:$0x3FAF]  }
0x31: {  	[smem:$0x3FB8] =	sst s10  }
0x32: {  	s10 =	sld [smem:$0x3FB6];
	_ =	sdelay $0x3  }
0x33: {  	p0 =	seq.s32 s10, $0x1;
	s10 =	sld [smem:$0x3FB8];
	_ =	sdelay $0x3  }
0x34: {  	[smem:$0x3FB8] =	sst s10  }
0x35: {  	s10 =	sld [smem:$0x3FB7];
	_ =	sdelay $0x3  }
0x36: {  	p1 =	seq.s32 s10, $0x1;
	s10 =	sld [smem:$0x3FB8];
	_ =	sdelay $0x3  }
0x37: {  	[smem:$0x3FB8] =	sst s10  }
0x38: {  	s10 =	sld [smem:$0x3FB9]  }
0x39: {  	_ = 	snop;
	(pc) =	sbr.ind lr, $3  }
0x3a: {  	_ = 	snop  }
0x3b: {  	_ = 	snop  }
0x3c: {  	p2 =	seq.s32 s10, $0x1;
	s10 =	sld [smem:$0x3FB8]  }
0x3d: {  	_ =	shalt  }
0x3e: {  	_ =	shalt  }
0x3f: {  	_ =	shalt  }
0x40: {  	_ =	shalt  }
0x41: {  	_ =	shalt  }
0x42: {  	_ =	shalt  }
0x43: {  	_ =	shalt  }
0x44: {  	_ =	shalt  }
0x45: {  	_ =	shalt  }
0x46: {  	_ =	shalt  }
0x47: {  	_ =	shalt  }
0x48: {  	_ =	shalt  }
0x49: {  	_ =	shalt  }
0x4a: {  	_ =	shalt  }
0x4b: {  	_ =	shalt  }
0x4c: {  	_ =	shalt  }
0x4d: {  	_ =	shalt  }
0x4e: {  	_ =	shalt  }
0x4f: {  	_ =	shalt  }
0x50: {  	_ =	shalt  }
0x51: {  	_ =	shalt  }
0x52: {  	_ =	shalt  }
0x53: {  	_ =	shalt  }
0x54: {  	_ =	shalt  }
0x55: {  	_ =	shalt  }
0x56: {  	_ =	shalt  }
0x57: {  	_ =	shalt  }
0x58: {  	_ =	shalt  }
0x59: {  	_ =	shalt  }
0x5a: {  	_ =	shalt  }
0x5b: {  	_ =	shalt  }
0x5c: {  	_ =	shalt  }
0x5d: {  	_ =	shalt  }
0x5e: {  	_ =	shalt  }
0x5f: {  	_ =	shalt  }
0x60: {  	_ =	shalt  }
0x61: {  	_ =	shalt  }
0x62: {  	_ =	shalt  }
0x63: {  	_ =	shalt  }
0x64: {  	_ =	shalt  }
0x65: {  	_ =	shalt  }
0x66: {  	_ =	shalt  }
0x67: {  	_ =	shalt  }
0x68: {  	_ =	shalt  }
0x69: {  	_ =	shalt  }
0x6a: {  	_ =	shalt  }
0x6b: {  	_ =	shalt  }
0x6c: {  	_ =	shalt  }
0x6d: {  	_ =	shalt  }
0x6e: {  	_ =	shalt  }
0x6f: {  	_ =	shalt  }
0x70: {  	_ =	shalt  }
0x71: {  	_ =	shalt  }
0x72: {  	_ =	shalt  }
0x73: {  	_ =	shalt  }
0x74: {  	_ =	shalt  }
0x75: {  	_ =	shalt  }
0x76: {  	_ =	shalt  }
0x77: {  	_ =	shalt  }
0x78: {  	_ =	shalt  }
0x79: {  	_ =	shalt  }
0x7a: {  	_ =	shalt  }
0x7b: {  	_ =	shalt  }
0x7c: {  	_ =	shalt  }
0x7d: {  	_ =	shalt  }
0x7e: {  	_ =	shalt  }
0x7f: {  	_ =	shalt  }
0x80: {  	_ =	shalt  }
0x81: {  	_ =	shalt  }
0x82: {  	_ =	shalt  }
0x83: {  	_ =	shalt  }
0x84: {  	_ =	shalt  }
0x85: {  	_ =	shalt  }
0x86: {  	_ =	shalt  }
0x87: {  	_ =	shalt  }
.Lfunc_end0:
.L_simem_size_0:
called_computation_lowered:
.L_overlay_start_0:
0x88: {  	s2 =	sld [smem:$0x3FD9]  }
0x89: {  	s3 =	sld [smem:$0x3FFE];
	_ =	sdelay $0x1  }
0x8a: {  	s1 =	srdreg.scid  }
0x8b: {  	s0 =	sand.u32 $0x1, s1  }
0x8c: {  	s17 =	sshll.u32 s0, $0xA;
	s2 =	sadd.s32 s3, s2  }
0x8d: {  	s2 =	sadd.s32 s2, s17  }
0x8e: {  	[smem:$0x3FC4] =	sst s2  }
0x8f: {  	_ = 	snop  }
0x90: {  	s2 =	sld [smem:$0x3FD0];
	(tm) =	ssettm $0x1  }
0x91: {  	s18 =	sld [smem:$0x3FFB];
	_ =	sdelay $0x3  }
0x92: {  	_ =	strace s18  }
0x93: {  	s3 =	sld [smem:$0x3FFC];
	_ =	sdelay $0x3  }
0x94: {  	_ =	strace s3  }
0x95: {  	s3 =	sld [smem:$0x3FFD];
	_ =	sdelay $0x3  }
0x96: {  	_ =	strace s3  }
0x97: {  	_ =	strace $0x8FFFFFFF  }
0x98: {  	s19 =	sld [smem:$0x3FDB];
	_ =	sdelay $0x1  }
0x99: {  	s4 =	simm.s32 $_scs_section_size  }
0x9a: {  	s5 =	simm.s32 $_size__tile_overlayer_lowered;
	s6 =	simm.s32 $_tile_overlayer_lowered  }
0x9b: {  	s22 =	simm.s32 $0x1BFF;
	s21 =	sshll.u32 s6, $0x1;
	s3 =	sadd.s32 s4, s19  }
0x9c: {  	s7 =	simm.s32 $0x0;
	s20 =	sshll.u32 s5, $0x1;
	s5 =	sadd.s32 s21, s3  }
0x9d: {  	[timem:s7], [sflag:s22] =	dma.local [hbm:s5], s20  }
0x9e: {  	_ =	swait.ge [sflag:s22], s20  }
0x9f: {  	s4 =	ssub.s32 $0x0, s20;
	[sflag:s22] =	ssyncset.done $0x0  }
0xa0: {  	[sflag:s22] =	ssyncadd.s32 s4;
	_ =	sdelay $0x1  }
0xa1: {  	s23 =	simm.s32 $0x1B8B  }
0xa2: {  	_ =	swait.ge [sflag:s23], $0x1  }
0xa3: {  	[sflag:s23] =	ssyncset.done $0x0  }
0xa4: {  	s25 =	simm.s32 $0x1B8E;
	s24 =	sld [smem:$0x3FFE];
	[sflag:s23] =	ssyncadd.s32 $0xFFFFFFFF  }
0xa5: {  	s26 =	simm.s32 $execute0_lowered;
	[smem:$0x3FD2] =	sst s25  }
0xa6: {  	s5 =	sshll.u32 s26, $0x1;
	_ =	strace $0x80000046;
	[dreg:$0x1] =	wrdreg $0xFFFFFFFF  }
0xa7: {  	s28 =	simm.s32 $_size_execute0_lowered;
	s3 =	sadd.s32 s3, s5;
	[dreg:$0x0] =	wrdreg $0x0  }
0xa8: {  	s5 =	sshll.u32 s28, $0x1;
	[dreg:$0x2] =	wrdreg s3  }
0xa9: {  	[dreg:$0x3] =	wrdreg s5  }
0xaa: {  	[dreg:$0x4] =	wrdreg $0xC0  }
0xab: {  	_ =	task [dreg:s7], $0x5FFFF  }
0xac: {  	[dreg:$0x1] =	wrdreg $0xFFFFFFFF  }
0xad: {  	[dreg:$0x0] =	wrdreg $0x60  }
0xae: {  	[dreg:$0x2] =	wrdreg s24  }
0xaf: {  	[dreg:$0x3] =	wrdreg s2  }
0xb0: {  	[dreg:$0x4] =	wrdreg $0x9  }
0xb1: {  	_ =	task.clear_ibuf [dreg:s7], $0x5FFFF;
	_ =	strace $0x90000046  }
0xb2: {  	s29 =	simm.s32 $0x9;
	_ =	strace $0x80000048  }
0xb3: {  	_ =	swait.ge [sflag:s29], $0x1  }
0xb4: {  	[sflag:s29] =	ssyncadd.s32 $0xFFFFFFFF  }
0xb5: {  	_ =	strace $0x90000048  }
0xb6: {  	_ =	sfence  }
0xb7: {  	s30 =	sld [smem:$0x0];
	_ =	sdelay $0x2  }
0xb8: {  	s31 =	sshll.u32 s1, $0xD;
	s1 =	sshrl.u32 s1, $0x2  }
0xb9: {  	s3 =	sand.u32 $0x4000, s31;
	s1 =	sadd.s32 s1, s30  }
0xba: {  	s0 =	sor.u32 s3, s0;
	s1 =	sshll.u32 s1, $0x11  }
0xbb: {  	s0 =	sor.u32 s1, s0  }
0xbc: {  	s0 =	sadd.s32 $0x8F2B, s0  }
0xbd: {  	[sflag:s0] =	ssyncadd.remote.s32 $0x1  }
0xbe: {  	_ =	sfence.sel $0xFFFF  }
0xbf: {  	[dreg:$0x0] =	wrdreg $0xFFFFFFFF;
	(pc) =	sbr.abs _section_cstart, $3  }
0xc0: {  	[dreg:$0x1] =	wrdreg $0xFFFFFFFF  }
0xc1: {  	_ =	task.clear_ibuf [dreg:s7], $0x2FFFF;
	_ =	strace $0x9FFFFFFF  }
0xc2: {  	(tm) =	ssettm $0x7FFFFFFF  }
0xc3: {  	_ =	shalt  }
tec
execute0_lowered:
.L_overlay_start_1:
0x0: {  	(tag) =	ssettag $0x1  }
0x1: {  	s6 =	rddreg [dreg:$0x0];
	s1 =	srdreg.scid  }
0x2: {  	s0 =	stileid.u32;
	s2 =	rddreg [dreg:$0x1]  }
0x3: {  	s3 =	simm.s32 $0x0;
	s12 =	simm.s32 $0xC80;
	s13 =	simm.s32 $0x1  }
0x4: {  	s14 =	simm.s32 $0x1080;
	s15 =	simm.s32 $0x1000;
	s16 =	simm.s32 $0x20000  }
0x5: {  	s17 =	simm.s32 $0x1480;
	s18 =	simm.s32 $0x9480;
	s19 =	simm.s32 $0x2  }
0x6: {  	s20 =	simm.s32 $0x0;
	s7 =	sand.u32 $0x1, s1;
	s4 =	sshll.u32 s0, $0x1  }
0x7: {  	[smem:$0x7FF] =	sst s3;
	s5 =	sadd.s32 $0x600, s6;
	s8 =	sor.u32 s7, s4  }
0x8: {  	s6 =	sadd.s32 $0x800, s6;
	s7 =	ssub.s32 $0x2, s7;
	s4 =	smul.u32 $0x19000, s8  }
0x9: {  	_ =	strace $0x80000047;
	s9 =	sshrl.u32 s7, $0x1;
	s8 =	sshll.u32 s8, $0xC  }
0xa: {  	s11 =	ssub.s32 s7, s9;
	s10 =	sshrl.u32 s4, $0x3;
	s9 =	sor.u32 $0x800, s4  }
0xb: {  	s7 =	sadd.s32 s6, s10;
	s10 =	smax.u32 s11, $0x1;
	s11 =	simm.s32 $0x3  }
.LBB2_1:
0xc: {  	[tilespmem:s3], [sflag:$0x3] =	stream.linear.gather [hbm4b:s5+s3], $0xC80, $0x38;
	[tilespmem:$0x11480] =	vst v63  }
0xd: {  	_ =	swait.ge [sflag:s11], $0xC80  }
0xe: {  	[sflag:s11] =	ssyncset.done $0x0  }
0xf: {  	[sflag:s11] =	ssyncadd.s32 $0xFFFFF380  }
0x10: {  	[tilespmem:s12], [sflag:$0x1] =	stream.linear.gather [hbm4b:s7+s3], $0x400, $0x38;
	[tilespmem:$0x11480] =	vst v63  }
0x11: {  	_ =	swait.ge [sflag:s13], $0x400  }
0x12: {  	[sflag:s13] =	ssyncset.done $0x0  }
0x13: {  	s21 =	simm.s32 $0x0;
	[sflag:s13] =	ssyncadd.s32 $0xFFFFFC00  }
.LBB2_2:
0x14: {  	s22 =	sshll.u32 s21, $0x1  }
0x15: {  	p0 =	seq.s32 s21, $0x0;
	s22 =	sor.u32 $0x1, s22  }
0x16: {  	s23 =	simm.s32 @!p0 $0x1;
	s24 =	sshll.u32 s22, $0xA  }
0x17: {  	_ =	swait.ge @!p0 [sflag:s23], $0x400;
	s24 =	sadd.s32 s4, s24  }
0x18: {  	[sflag:s23] =	ssyncset.done @!p0 $0x0;
	s24 =	sshrl.u32 s24, $0x3  }
0x19: {  	[sflag:s23] =	ssyncadd.s32 @!p0 $0xFFFFFC00;
	s23 =	simm.s32 @!p0 $0x2;
	s25 =	sadd.s32 s6, s24  }
0x1a: {  	[tilespmem:s14], [sflag:$0x1] =	stream.linear.gather [hbm4b:s25+s3], $0x400, $0x38;
	[tilespmem:$0x11480] =	vst v63  }
0x1b: {  	_ =	swait.ge @!p0 [sflag:s23], $0x8000  }
0x1c: {  	[sflag:s23] =	ssyncset.done @!p0 $0x0  }
0x1d: {  	[sflag:s23] =	ssyncadd.s32 @!p0 $0xFFFF8000  }
0x1e: {  	v0 =	vld [tilespmem:$0xC80];
	_ =	sdelay $0x4  }
0x1f: {  	v1 =	vadd.s32 $0x64, v0  }
0x20: {  	v2 =	vadd.s32 $0xC8, v0  }
0x21: {  	v3 =	vadd.s32 $0x12C, v0  }
0x22: {  	v4 =	vadd.s32 $0x190, v0  }
0x23: {  	v6 =	vadd.s32 $0x1F4, v0;
	v5 =	vld.idx.msk [tilespmem:v0+s3+$0x0], $0xffff  }
0x24: {  	v7 =	vadd.s32 $0x258, v0;
	v1 =	vld.idx.msk [tilespmem:v1+s3+$0x0], $0xffff  }
0x25: {  	v8 =	vadd.s32 $0x2BC, v0;
	v2 =	vld.idx.msk [tilespmem:v2+s3+$0x0], $0xffff  }
0x26: {  	v9 =	vadd.s32 $0x320, v0;
	v3 =	vld.idx.msk [tilespmem:v3+s3+$0x0], $0xffff  }
0x27: {  	v10 =	vadd.s32 $0x384, v0;
	v4 =	vld.idx.msk [tilespmem:v4+s3+$0x0], $0xffff  }
0x28: {  	v11 =	vadd.s32 $0x3E8, v0;
	v6 =	vld.idx.msk [tilespmem:v6+s3+$0x0], $0xffff  }
0x29: {  	v12 =	vadd.s32 $0x44C, v0;
	v7 =	vld.idx.msk [tilespmem:v7+s3+$0x0], $0xffff  }
0x2a: {  	v13 =	vadd.s32 $0x4B0, v0;
	v8 =	vld.idx.msk [tilespmem:v8+s3+$0x0], $0xffff  }
0x2b: {  	v14 =	vadd.s32 $0x514, v0;
	v9 =	vld.idx.msk [tilespmem:v9+s3+$0x0], $0xffff  }
0x2c: {  	v15 =	vadd.s32 $0x578, v0;
	v10 =	vld.idx.msk [tilespmem:v10+s3+$0x0], $0xffff  }
0x2d: {  	v16 =	vadd.s32 $0x5DC, v0;
	v11 =	vld.idx.msk [tilespmem:v11+s3+$0x0], $0xffff  }
0x2e: {  	v17 =	vadd.s32 $0x640, v0;
	v12 =	vld.idx.msk [tilespmem:v12+s3+$0x0], $0xffff  }
0x2f: {  	v18 =	vadd.s32 $0x6A4, v0;
	v13 =	vld.idx.msk [tilespmem:v13+s3+$0x0], $0xffff  }
0x30: {  	v19 =	vadd.s32 $0x708, v0;
	v14 =	vld.idx.msk [tilespmem:v14+s3+$0x0], $0xffff  }
0x31: {  	v15 =	vld.idx.msk [tilespmem:v15+s3+$0x0], $0xffff  }
0x32: {  	v16 =	vld.idx.msk [tilespmem:v16+s3+$0x0], $0xffff  }
0x33: {  	v17 =	vld.idx.msk [tilespmem:v17+s3+$0x0], $0xffff;
	[tilespmem:$0x1480] =	vst v5;
	v5 =	vadd.s32 $0x76C, v0  }
0x34: {  	v18 =	vld.idx.msk [tilespmem:v18+s3+$0x0], $0xffff;
	[tilespmem:$0x1500] =	vst v1;
	v1 =	vadd.s32 $0x7D0, v0  }
0x35: {  	v19 =	vld.idx.msk [tilespmem:v19+s3+$0x0], $0xffff;
	[tilespmem:$0x1580] =	vst v2;
	v2 =	vadd.s32 $0x834, v0;
	_ =	sdelay $0x2  }
0x36: {  	v5 =	vld.idx.msk [tilespmem:v5+s3+$0x0], $0xffff;
	[tilespmem:$0x1600] =	vst v3;
	v3 =	vadd.s32 $0x898, v0  }
0x37: {  	v1 =	vld.idx.msk [tilespmem:v1+s3+$0x0], $0xffff;
	[tilespmem:$0x1680] =	vst v4;
	v4 =	vadd.s32 $0x8FC, v0  }
0x38: {  	v2 =	vld.idx.msk [tilespmem:v2+s3+$0x0], $0xffff;
	[tilespmem:$0x1700] =	vst v6;
	v6 =	vadd.s32 $0x960, v0;
	_ =	sdelay $0x2  }
0x39: {  	v3 =	vld.idx.msk [tilespmem:v3+s3+$0x0], $0xffff;
	[tilespmem:$0x1780] =	vst v7;
	v7 =	vadd.s32 $0x9C4, v0  }
0x3a: {  	v4 =	vld.idx.msk [tilespmem:v4+s3+$0x0], $0xffff;
	[tilespmem:$0x1800] =	vst v8;
	v8 =	vadd.s32 $0xA28, v0  }
0x3b: {  	v6 =	vld.idx.msk [tilespmem:v6+s3+$0x0], $0xffff;
	[tilespmem:$0x2480] =	vst v9;
	v9 =	vadd.s32 $0xA8C, v0;
	_ =	sdelay $0x2  }
0x3c: {  	v7 =	vld.idx.msk [tilespmem:v7+s3+$0x0], $0xffff;
	[tilespmem:$0x2500] =	vst v10;
	v10 =	vadd.s32 $0xAF0, v0  }
0x3d: {  	v8 =	vld.idx.msk [tilespmem:v8+s3+$0x0], $0xffff;
	[tilespmem:$0x2580] =	vst v11;
	v11 =	vadd.s32 $0xB54, v0  }
0x3e: {  	v9 =	vld.idx.msk [tilespmem:v9+s3+$0x0], $0xffff;
	[tilespmem:$0x2600] =	vst v12;
	v12 =	vadd.s32 $0xBB8, v0  }
0x3f: {  	v0 =	vadd.s32 $0xC1C, v0;
	_ =	sdelay $0x1  }
0x40: {  	v10 =	vld.idx.msk [tilespmem:v10+s3+$0x0], $0xffff;
	[tilespmem:$0x2680] =	vst v13  }
0x41: {  	v11 =	vld.idx.msk [tilespmem:v11+s3+$0x0], $0xffff;
	[tilespmem:$0x2700] =	vst v14  }
0x42: {  	v12 =	vld.idx.msk [tilespmem:v12+s3+$0x0], $0xffff;
	[tilespmem:$0x2780] =	vst v15  }
0x43: {  	s26 =	simm.s32 $0xC90;
	v0 =	vld.idx.msk [tilespmem:v0+s3+$0x0], $0xffff;
	[tilespmem:$0x2800] =	vst v16  }
0x44: {  	v20 =	vld [tilespmem:s26+$0x0];
	_ =	sdelay $0x4  }
0x45: {  	s29 =	simm.s32 $0x0;
	s30 =	simm.s32 $0x0;
	v13 =	vadd.s32 $0x64, v20  }
0x46: {  	s24 =	sand.u32 $0xC00, s30;
	s25 =	simm.s32 $0x0;
	s23 =	sand.u32 $0xFFFFC000, s29;
	v14 =	vadd.s32 $0xC8, v20  }
0x47: {  	s25 =	sand.u32 $0x70, s25;
	s23 =	sor.u32 s24, s23  }
0x48: {  	s23 =	sor.u32 s25, s23;
	v16 =	vadd.s32 $0x12C, v20  }
0x49: {  	v15 =	vld.idx.msk [tilespmem:v20+s3+$0x0], $0xffff;
	[tilespmem:s23+$0x3480] =	vst v17  }
0x4a: {  	v17 =	vadd.s32 $0x190, v20;
	v13 =	vld.idx.msk [tilespmem:v13+s3+$0x0], $0xffff;
	[tilespmem:s23+$0x3500] =	vst v18  }
0x4b: {  	v18 =	vld.idx.msk [tilespmem:v14+s3+$0x0], $0xffff;
	v14 =	vadd.s32 $0x1F4, v20  }
0x4c: {  	[tilespmem:s23+$0x3580] =	vst v19  }
0x4d: {  	v19 =	vld.idx.msk [tilespmem:v16+s3+$0x0], $0xffff;
	v16 =	vadd.s32 $0x258, v20  }
0x4e: {  	[tilespmem:s23+$0x3600] =	vst v5  }
0x4f: {  	v5 =	vld.idx.msk [tilespmem:v17+s3+$0x0], $0xffff;
	v17 =	vadd.s32 $0x2BC, v20;
	[tilespmem:s23+$0x3680] =	vst v1  }
0x50: {  	v1 =	vld.idx.msk [tilespmem:v14+s3+$0x0], $0xffff;
	v14 =	vadd.s32 $0x320, v20  }
0x51: {  	[tilespmem:s23+$0x3700] =	vst v2  }
0x52: {  	v2 =	vld.idx.msk [tilespmem:v16+s3+$0x0], $0xffff;
	v16 =	vadd.s32 $0x384, v20  }
0x53: {  	[tilespmem:s23+$0x3780] =	vst v3  }
0x54: {  	v3 =	vld.idx.msk [tilespmem:v17+s3+$0x0], $0xffff;
	v17 =	vadd.s32 $0x3E8, v20;
	[tilespmem:s23+$0x3800] =	vst v4  }
0x55: {  	v4 =	vld.idx.msk [tilespmem:v14+s3+$0x0], $0xffff;
	v14 =	vadd.s32 $0x44C, v20  }
0x56: {  	[tilespmem:s23+$0x4480] =	vst v6  }
0x57: {  	v6 =	vld.idx.msk [tilespmem:v16+s3+$0x0], $0xffff;
	v16 =	vadd.s32 $0x4B0, v20  }
0x58: {  	[tilespmem:s23+$0x4500] =	vst v7;
	v7 =	vadd.s32 $0x514, v20  }
0x59: {  	v17 =	vld.idx.msk [tilespmem:v17+s3+$0x0], $0xffff;
	[tilespmem:s23+$0x4580] =	vst v8;
	v8 =	vadd.s32 $0x578, v20  }
0x5a: {  	v21 =	vld.idx.msk [tilespmem:v14+s3+$0x0], $0xffff;
	[tilespmem:s23+$0x4600] =	vst v9;
	v9 =	vadd.s32 $0x5DC, v20;
	_ =	sdelay $0x1  }
0x5b: {  	v22 =	vld.idx.msk [tilespmem:v16+s3+$0x0], $0xffff;
	[tilespmem:s23+$0x4680] =	vst v10  }
0x5c: {  	v23 =	vld.idx.msk [tilespmem:v7+s3+$0x0], $0xffff;
	v7 =	vadd.s32 $0x640, v20;
	[tilespmem:s23+$0x4700] =	vst v11  }
0x5d: {  	s24 =	simm.s32 $0x80;
	s25 =	simm.s32 $0x200;
	v24 =	vld.idx.msk [tilespmem:v8+s3+$0x0], $0xffff;
	v8 =	vadd.s32 $0x6A4, v20;
	[tilespmem:s23+$0x4780] =	vst v12  }
0x5e: {  	s29 =	sand.u32 $0xC00, s24;
	s28 =	sand.u32 $0x4000, s25;
	s26 =	simm.s32 $0x10;
	v25 =	vld.idx.msk [tilespmem:v9+s3+$0x0], $0xffff;
	v9 =	vadd.s32 $0x708, v20  }
0x5f: {  	s28 =	sor.u32 s29, s28;
	s26 =	sand.u32 $0x70, s26;
	[tilespmem:s23+$0x4800] =	vst v0;
	v0 =	vadd.s32 $0x76C, v20  }
0x60: {  	s31 =	sor.u32 s26, s28  }
0x61: {  	v16 =	vld.idx.msk [tilespmem:v7+s3+$0x0], $0xffff;
	[tilespmem:s31+$0x1480] =	vst v15  }
0x62: {  	v7 =	vadd.s32 $0x7D0, v20;
	v15 =	vld.idx.msk [tilespmem:v8+s3+$0x0], $0xffff;
	[tilespmem:s31+$0x1500] =	vst v13  }
0x63: {  	v8 =	vadd.s32 $0x834, v20;
	v14 =	vld.idx.msk [tilespmem:v9+s3+$0x0], $0xffff;
	[tilespmem:s31+$0x1580] =	vst v18  }
0x64: {  	v13 =	vld.idx.msk [tilespmem:v0+s3+$0x0], $0xffff;
	v0 =	vadd.s32 $0x898, v20;
	_ =	sdelay $0x1  }
0x65: {  	[tilespmem:s31+$0x1600] =	vst v19  }
0x66: {  	v12 =	vld.idx.msk [tilespmem:v7+s3+$0x0], $0xffff;
	v7 =	vadd.s32 $0x8FC, v20;
	[tilespmem:s31+$0x1680] =	vst v5  }
0x67: {  	v5 =	vadd.s32 $0x960, v20;
	v11 =	vld.idx.msk [tilespmem:v8+s3+$0x0], $0xffff;
	[tilespmem:s31+$0x1700] =	vst v1  }
0x68: {  	v10 =	vld.idx.msk [tilespmem:v0+s3+$0x0], $0xffff;
	v0 =	vadd.s32 $0x9C4, v20;
	_ =	sdelay $0x1  }
0x69: {  	[tilespmem:s31+$0x1780] =	vst v2  }
0x6a: {  	v1 =	vadd.s32 $0xA28, v20;
	v9 =	vld.idx.msk [tilespmem:v7+s3+$0x0], $0xffff;
	[tilespmem:s31+$0x1800] =	vst v3  }
0x6b: {  	v2 =	vadd.s32 $0xA8C, v20;
	v8 =	vld.idx.msk [tilespmem:v5+s3+$0x0], $0xffff;
	[tilespmem:s31+$0x2480] =	vst v4  }
0x6c: {  	v7 =	vld.idx.msk [tilespmem:v0+s3+$0x0], $0xffff;
	v0 =	vadd.s32 $0xAF0, v20;
	_ =	sdelay $0x1  }
0x6d: {  	[tilespmem:s31+$0x2500] =	vst v6  }
0x6e: {  	v6 =	vld.idx.msk [tilespmem:v1+s3+$0x0], $0xffff;
	v1 =	vadd.s32 $0xB54, v20;
	[tilespmem:s31+$0x2580] =	vst v17  }
0x6f: {  	v5 =	vld.idx.msk [tilespmem:v2+s3+$0x0], $0xffff;
	v2 =	vadd.s32 $0xBB8, v20;
	[tilespmem:s31+$0x2600] =	vst v21  }
0x70: {  	v3 =	vld.idx.msk [tilespmem:v0+s3+$0x0], $0xffff;
	v0 =	vadd.s32 $0xC1C, v20;
	_ =	sdelay $0x1  }
0x71: {  	[tilespmem:s31+$0x2680] =	vst v22  }
0x72: {  	v4 =	vld.idx.msk [tilespmem:v1+s3+$0x0], $0xffff;
	[tilespmem:s31+$0x2700] =	vst v23  }
0x73: {  	v2 =	vld.idx.msk [tilespmem:v2+s3+$0x0], $0xffff;
	[tilespmem:s31+$0x2780] =	vst v24  }
0x74: {  	s26 =	simm.s32 $0xCA0;
	v1 =	vld.idx.msk [tilespmem:v0+s3+$0x0], $0xffff;
	[tilespmem:s31+$0x2800] =	vst v25  }
0x75: {  	s28 =	simm.s32 $0x30;
	s23 =	simm.s32 $0x20;
	v0 =	vld [tilespmem:s26+$0x0]  }
.LBB2_3:
0x76: {  	p0 =	sne.s32 s28, $0x3F0;
	_ =	sdelay $0x2  }
0x77: {  	s24 =	sadd.s32 $0x80, s24;
	s25 =	sadd.s32 $0x200, s25  }
0x78: {  	s29 =	sadd.s32 $0xFFFFFE00, s25;
	s30 =	sadd.s32 $0xFFFFFF80, s24;
	v17 =	vadd.s32 $0x64, v0;
	v18 =	vadd.s32 $0x6A4, v0;
	v19 =	vadd.s32 $0x708, v0  }
0x79: {  	s31 =	sadd.s32 $0xFFFFFFF0, s23;
	s29 =	sand.u32 $0xFFFFC000, s29;
	s30 =	sand.u32 $0xC00, s30;
	v20 =	vadd.s32 $0xC8, v0;
	v21 =	vadd.s32 $0x76C, v0;
	v22 =	vadd.s32 $0x7D0, v0  }
0x7a: {  	s31 =	sand.u32 $0x70, s31;
	s29 =	sor.u32 s30, s29;
	v23 =	vadd.s32 $0x12C, v0;
	v24 =	vadd.s32 $0x834, v0;
	v25 =	vadd.s32 $0x898, v0  }
0x7b: {  	s29 =	sor.u32 s31, s29;
	v26 =	vadd.s32 $0x190, v0;
	v27 =	vadd.s32 $0x8FC, v0;
	v28 =	vadd.s32 $0x960, v0  }
0x7c: {  	v30 =	vadd.s32 $0x9C4, v0;
	v31 =	vadd.s32 $0xA28, v0;
	v29 =	vld.idx.msk [tilespmem:v0+s3+$0x0], $0xffff;
	[tilespmem:s29+$0x3480] =	vst v16;
	v16 =	vadd.s32 $0x1F4, v0  }
0x7d: {  	v32 =	vadd.s32 $0xA8C, v0;
	v33 =	vadd.s32 $0xAF0, v0;
	v17 =	vld.idx.msk [tilespmem:v17+s3+$0x0], $0xffff;
	[tilespmem:s29+$0x3500] =	vst v15;
	v15 =	vadd.s32 $0x258, v0  }
0x7e: {  	v34 =	vadd.s32 $0xB54, v0;
	v35 =	vadd.s32 $0xBB8, v0;
	v20 =	vld.idx.msk [tilespmem:v20+s3+$0x0], $0xffff;
	[tilespmem:s29+$0x3580] =	vst v14;
	v14 =	vadd.s32 $0x2BC, v0  }
0x7f: {  	v36 =	vadd.s32 $0xC1C, v0;
	v23 =	vld.idx.msk [tilespmem:v23+s3+$0x0], $0xffff;
	[tilespmem:s29+$0x3600] =	vst v13;
	v13 =	vadd.s32 $0x320, v0  }
0x80: {  	v26 =	vld.idx.msk [tilespmem:v26+s3+$0x0], $0xffff;
	[tilespmem:s29+$0x3680] =	vst v12;
	v12 =	vadd.s32 $0x384, v0  }
0x81: {  	v37 =	vld.idx.msk [tilespmem:v16+s3+$0x0], $0xffff;
	[tilespmem:s29+$0x3700] =	vst v11;
	v11 =	vadd.s32 $0x3E8, v0  }
0x82: {  	v38 =	vld.idx.msk [tilespmem:v15+s3+$0x0], $0xffff;
	[tilespmem:s29+$0x3780] =	vst v10;
	v10 =	vadd.s32 $0x44C, v0  }
0x83: {  	v39 =	vld.idx.msk [tilespmem:v14+s3+$0x0], $0xffff;
	[tilespmem:s29+$0x3800] =	vst v9;
	v9 =	vadd.s32 $0x4B0, v0  }
0x84: {  	v40 =	vld.idx.msk [tilespmem:v13+s3+$0x0], $0xffff;
	[tilespmem:s29+$0x4480] =	vst v8;
	v8 =	vadd.s32 $0x514, v0  }
0x85: {  	v41 =	vld.idx.msk [tilespmem:v12+s3+$0x0], $0xffff;
	[tilespmem:s29+$0x4500] =	vst v7;
	v7 =	vadd.s32 $0x578, v0  }
0x86: {  	v42 =	vld.idx.msk [tilespmem:v11+s3+$0x0], $0xffff;
	[tilespmem:s29+$0x4580] =	vst v6;
	v6 =	vadd.s32 $0x5DC, v0  }
0x87: {  	v0 =	vadd.s32 $0x640, v0;
	v43 =	vld.idx.msk [tilespmem:v10+s3+$0x0], $0xffff;
	[tilespmem:s29+$0x4600] =	vst v5  }
0x88: {  	v44 =	vld.idx.msk [tilespmem:v9+s3+$0x0], $0xffff;
	[tilespmem:s29+$0x4680] =	vst v3  }
0x89: {  	s30 =	sand.u32 $0x4000, s25;
	s31 =	sand.u32 $0xC00, s24;
	v45 =	vld.idx.msk [tilespmem:v8+s3+$0x0], $0xffff;
	[tilespmem:s29+$0x4700] =	vst v4  }
0x8a: {  	s1 =	sand.u32 $0x70, s23;
	s23 =	smov.u32 s28;
	s30 =	sor.u32 s31, s30;
	v46 =	vld.idx.msk [tilespmem:v7+s3+$0x0], $0xffff;
	[tilespmem:s29+$0x4780] =	vst v2  }
0x8b: {  	s1 =	sor.u32 s1, s30;
	v47 =	vld.idx.msk [tilespmem:v6+s3+$0x0], $0xffff;
	[tilespmem:s29+$0x4800] =	vst v1  }
0x8c: {  	v16 =	vld.idx.msk [tilespmem:v0+s3+$0x0], $0xffff;
	[tilespmem:s1+$0x1480] =	vst v29  }
0x8d: {  	v15 =	vld.idx.msk [tilespmem:v18+s3+$0x0], $0xffff;
	[tilespmem:s1+$0x1500] =	vst v17  }
0x8e: {  	v14 =	vld.idx.msk [tilespmem:v19+s3+$0x0], $0xffff;
	[tilespmem:s1+$0x1580] =	vst v20  }
0x8f: {  	v13 =	vld.idx.msk [tilespmem:v21+s3+$0x0], $0xffff;
	[tilespmem:s1+$0x1600] =	vst v23  }
0x90: {  	v12 =	vld.idx.msk [tilespmem:v22+s3+$0x0], $0xffff;
	[tilespmem:s1+$0x1680] =	vst v26  }
0x91: {  	v11 =	vld.idx.msk [tilespmem:v24+s3+$0x0], $0xffff;
	[tilespmem:s1+$0x1700] =	vst v37  }
0x92: {  	v10 =	vld.idx.msk [tilespmem:v25+s3+$0x0], $0xffff;
	[tilespmem:s1+$0x1780] =	vst v38  }
0x93: {  	v9 =	vld.idx.msk [tilespmem:v27+s3+$0x0], $0xffff;
	[tilespmem:s1+$0x1800] =	vst v39  }
0x94: {  	v8 =	vld.idx.msk [tilespmem:v28+s3+$0x0], $0xffff;
	[tilespmem:s1+$0x2480] =	vst v40  }
0x95: {  	v7 =	vld.idx.msk [tilespmem:v30+s3+$0x0], $0xffff;
	[tilespmem:s1+$0x2500] =	vst v41  }
0x96: {  	v6 =	vld.idx.msk [tilespmem:v31+s3+$0x0], $0xffff;
	[tilespmem:s1+$0x2580] =	vst v42  }
0x97: {  	v5 =	vld.idx.msk [tilespmem:v32+s3+$0x0], $0xffff;
	[tilespmem:s1+$0x2600] =	vst v43  }
.Ltmp0:
0x98: {  	v3 =	vld.idx.msk [tilespmem:v33+s3+$0x0], $0xffff;
	[tilespmem:s1+$0x2680] =	vst v44;
	(pc) =	sbr.rel @p0 .LBB2_3-.Ltmp0, $4  }
0x99: {  	v4 =	vld.idx.msk [tilespmem:v34+s3+$0x0], $0xffff;
	[tilespmem:s1+$0x2700] =	vst v45  }
0x9a: {  	v2 =	vld.idx.msk [tilespmem:v35+s3+$0x0], $0xffff;
	[tilespmem:s1+$0x2780] =	vst v46  }
0x9b: {  	s26 =	sadd.s32 $0x10, s26;
	v1 =	vld.idx.msk [tilespmem:v36+s3+$0x0], $0xffff;
	[tilespmem:s1+$0x2800] =	vst v47  }
0x9c: {  	s28 =	sadd.s32 $0x10, s28;
	v0 =	vld [tilespmem:s26+$0x0]  }
0x9d: {  	_ =	sdelay $0x2  }
0x9e: {  	s1 =	sadd.s32 $0x80, s24;
	s29 =	sadd.s32 $0x200, s25  }
0x9f: {  	s25 =	sadd.s32 $0xFFFFFE00, s29;
	s26 =	sadd.s32 $0xFFFFFF80, s1;
	v17 =	vadd.s32 $0x64, v0  }
0xa0: {  	s28 =	sadd.s32 $0xFFFFFFF0, s23;
	s25 =	sand.u32 $0xFFFFC000, s25;
	s26 =	sand.u32 $0xC00, s26  }
0xa1: {  	s28 =	sand.u32 $0x70, s28;
	s25 =	sor.u32 s26, s25  }
0xa2: {  	v18 =	vadd.s32 $0xC8, v0;
	s25 =	sor.u32 s28, s25  }
0xa3: {  	v19 =	vld.idx.msk [tilespmem:v0+s3+$0x0], $0xffff;
	v20 =	vadd.s32 $0x12C, v0;
	[tilespmem:s25+$0x3480] =	vst v16  }
0xa4: {  	v16 =	vld.idx.msk [tilespmem:v17+s3+$0x0], $0xffff;
	v17 =	vadd.s32 $0x190, v0;
	_ =	sdelay $0x1  }
0xa5: {  	[tilespmem:s25+$0x3500] =	vst v15  }
0xa6: {  	v15 =	vld.idx.msk [tilespmem:v18+s3+$0x0], $0xffff;
	v18 =	vadd.s32 $0x1F4, v0;
	[tilespmem:s25+$0x3580] =	vst v14  }
0xa7: {  	v54 =	vadd.s32 $0x258, v0;
	v14 =	vld.idx.msk [tilespmem:v20+s3+$0x0], $0xffff;
	[tilespmem:s25+$0x3600] =	vst v13  }
0xa8: {  	v13 =	vld.idx.msk [tilespmem:v17+s3+$0x0], $0xffff;
	v17 =	vadd.s32 $0x2BC, v0;
	_ =	sdelay $0x1  }
0xa9: {  	[tilespmem:s25+$0x3680] =	vst v12  }
0xaa: {  	v12 =	vld.idx.msk [tilespmem:v18+s3+$0x0], $0xffff;
	v18 =	vadd.s32 $0x320, v0;
	[tilespmem:s25+$0x3700] =	vst v11  }
0xab: {  	v55 =	vadd.s32 $0x384, v0;
	v11 =	vld.idx.msk [tilespmem:v54+s3+$0x0], $0xffff;
	[tilespmem:s25+$0x3780] =	vst v10  }
0xac: {  	v10 =	vld.idx.msk [tilespmem:v17+s3+$0x0], $0xffff;
	v17 =	vadd.s32 $0x3E8, v0;
	_ =	sdelay $0x1  }
0xad: {  	[tilespmem:s25+$0x3800] =	vst v9  }
0xae: {  	v9 =	vld.idx.msk [tilespmem:v18+s3+$0x0], $0xffff;
	v18 =	vadd.s32 $0x44C, v0;
	[tilespmem:s25+$0x4480] =	vst v8  }
0xaf: {  	v56 =	vadd.s32 $0x4B0, v0;
	v8 =	vld.idx.msk [tilespmem:v55+s3+$0x0], $0xffff;
	[tilespmem:s25+$0x4500] =	vst v7  }
0xb0: {  	v7 =	vld.idx.msk [tilespmem:v17+s3+$0x0], $0xffff;
	v17 =	vadd.s32 $0x514, v0;
	_ =	sdelay $0x1  }
0xb1: {  	[tilespmem:s25+$0x4580] =	vst v6  }
0xb2: {  	v6 =	vld.idx.msk [tilespmem:v18+s3+$0x0], $0xffff;
	v18 =	vadd.s32 $0x578, v0;
	[tilespmem:s25+$0x4600] =	vst v5  }
0xb3: {  	v57 =	vadd.s32 $0x5DC, v0;
	v5 =	vld.idx.msk [tilespmem:v56+s3+$0x0], $0xffff;
	[tilespmem:s25+$0x4680] =	vst v3  }
0xb4: {  	v3 =	vld.idx.msk [tilespmem:v17+s3+$0x0], $0xffff;
	v17 =	vadd.s32 $0x640, v0;
	_ =	sdelay $0x1  }
0xb5: {  	[tilespmem:s25+$0x4700] =	vst v4  }
0xb6: {  	s24 =	sand.u32 $0x4000, s29;
	s1 =	sand.u32 $0xC00, s1;
	v4 =	vld.idx.msk [tilespmem:v18+s3+$0x0], $0xffff;
	v18 =	vadd.s32 $0x6A4, v0;
	[tilespmem:s25+$0x4780] =	vst v2  }
0xb7: {  	s30 =	sand.u32 $0x70, s23;
	s1 =	sor.u32 s1, s24;
	v58 =	vadd.s32 $0x708, v0;
	v2 =	vld.idx.msk [tilespmem:v57+s3+$0x0], $0xffff;
	[tilespmem:s25+$0x4800] =	vst v1  }
0xb8: {  	s1 =	sor.u32 s30, s1;
	v1 =	vld.idx.msk [tilespmem:v17+s3+$0x0], $0xffff;
	v17 =	vadd.s32 $0x76C, v0  }
0xb9: {  	[tilespmem:s1+$0x1480] =	vst v19;
	v19 =	vadd.s32 $0x7D0, v0;
	_ =	sdelay $0x1  }
0xba: {  	v18 =	vld.idx.msk [tilespmem:v18+s3+$0x0], $0xffff;
	[tilespmem:s1+$0x1500] =	vst v16  }
0xbb: {  	v59 =	vadd.s32 $0x834, v0;
	v16 =	vld.idx.msk [tilespmem:v58+s3+$0x0], $0xffff;
	[tilespmem:s1+$0x1580] =	vst v15  }
0xbc: {  	v15 =	vld.idx.msk [tilespmem:v17+s3+$0x0], $0xffff;
	v17 =	vadd.s32 $0x898, v0;
	[tilespmem:s1+$0x1600] =	vst v14  }
0xbd: {  	v14 =	vld.idx.msk [tilespmem:v19+s3+$0x0], $0xffff;
	v19 =	vadd.s32 $0x8FC, v0;
	_ =	sdelay $0x1  }
0xbe: {  	[tilespmem:s1+$0x1680] =	vst v13  }
0xbf: {  	v60 =	vadd.s32 $0x960, v0;
	v13 =	vld.idx.msk [tilespmem:v59+s3+$0x0], $0xffff;
	[tilespmem:s1+$0x1700] =	vst v12  }
0xc0: {  	v12 =	vld.idx.msk [tilespmem:v17+s3+$0x0], $0xffff;
	v17 =	vadd.s32 $0x9C4, v0;
	[tilespmem:s1+$0x1780] =	vst v11  }
0xc1: {  	v11 =	vld.idx.msk [tilespmem:v19+s3+$0x0], $0xffff;
	v19 =	vadd.s32 $0xA28, v0;
	_ =	sdelay $0x1  }
0xc2: {  	[tilespmem:s1+$0x1800] =	vst v10  }
0xc3: {  	v61 =	vadd.s32 $0xA8C, v0;
	v10 =	vld.idx.msk [tilespmem:v60+s3+$0x0], $0xffff;
	[tilespmem:s1+$0x2480] =	vst v9  }
0xc4: {  	v9 =	vld.idx.msk [tilespmem:v17+s3+$0x0], $0xffff;
	v17 =	vadd.s32 $0xAF0, v0;
	[tilespmem:s1+$0x2500] =	vst v8  }
0xc5: {  	v8 =	vld.idx.msk [tilespmem:v19+s3+$0x0], $0xffff;
	v19 =	vadd.s32 $0xB54, v0  }
0xc6: {  	v62 =	vadd.s32 $0xBB8, v0  }
0xc7: {  	[tilespmem:s1+$0x2580] =	vst v7;
	v0 =	vadd.s32 $0xC1C, v0  }
0xc8: {  	v7 =	vld.idx.msk [tilespmem:v61+s3+$0x0], $0xffff;
	[tilespmem:s1+$0x2600] =	vst v6  }
0xc9: {  	v6 =	vld.idx.msk [tilespmem:v17+s3+$0x0], $0xffff;
	[tilespmem:s1+$0x2680] =	vst v5  }
0xca: {  	v5 =	vld.idx.msk [tilespmem:v19+s3+$0x0], $0xffff;
	[tilespmem:s1+$0x2700] =	vst v3  }
0xcb: {  	v3 =	vld.idx.msk [tilespmem:v62+s3+$0x0], $0xffff;
	[tilespmem:s1+$0x2780] =	vst v4  }
0xcc: {  	v0 =	vld.idx.msk [tilespmem:v0+s3+$0x0], $0xffff;
	[tilespmem:s1+$0x2800] =	vst v2  }
0xcd: {  	[tilespmem:$0x80F0] =	vst v1  }
0xce: {  	[tilespmem:$0x8170] =	vst v18  }
0xcf: {  	[tilespmem:$0x81F0] =	vst v16  }
0xd0: {  	[tilespmem:$0x8270] =	vst v15  }
0xd1: {  	[tilespmem:$0x82F0] =	vst v14  }
0xd2: {  	[tilespmem:$0x8370] =	vst v13  }
0xd3: {  	[tilespmem:$0x83F0] =	vst v12  }
0xd4: {  	[tilespmem:$0x8470] =	vst v11  }
0xd5: {  	[tilespmem:$0x90F0] =	vst v10  }
0xd6: {  	[tilespmem:$0x9170] =	vst v9  }
0xd7: {  	[tilespmem:$0x91F0] =	vst v8  }
0xd8: {  	[tilespmem:$0x9270] =	vst v7  }
0xd9: {  	s31 =	sshll.u32 s21, $0x15;
	[tilespmem:$0x92F0] =	vst v6  }
0xda: {  	s1 =	sor.u32 s8, s31;
	[tilespmem:$0x9370] =	vst v5  }
0xdb: {  	s1 =	sshrl.u32 s1, $0x3;
	[tilespmem:$0x93F0] =	vst v3  }
0xdc: {  	p0 =	seq.s32 s21, $0x31;
	s1 =	sadd.s32 s2, s1;
	[tilespmem:$0x9470] =	vst v0  }
0xdd: {  	[hbm4b:s1+s15] =	stream.strided.scatter [tilespmem:s17], [sflag:$0x2], $0x8000, s16, s15, $0x38;
	[tilespmem:$0x11480] =	vst v63  }
0xde: {  	s1 =	sshll.u32 @!p0 s21, $0xB  }
0xdf: {  	p1 =	seq.s32 @!p0 s21, $0x0;
	_ =	swait.ge [sflag:s13], $0x400;
	s1 =	sadd.s32 @!p0 s1, s9  }
0xe0: {  	s23 =	simm.s32 @!p0 $0x0;
	[sflag:s13] =	ssyncset.done $0x0;
	s1 =	sshrl.u32 @!p0 s1, $0x3  }
0xe1: {  	s24 =	simm.s32 @!p0 $0xC80;
	[sflag:s13] =	ssyncadd.s32 $0xFFFFFC00;
	s1 =	sadd.s32 @!p0 s6, s1  }
0xe2: {  	[tilespmem:s24], [sflag:$0x1] =	stream.linear.gather @!p0 [hbm4b:s1+s23], $0x400, $0x38;
	[tilespmem:$0x11480] =	vst v63  }
0xe3: {  	p0 =	por p0, !p1  }
0xe4: {  	_ =	swait.ge @p0 [sflag:s19], $0x8000  }
0xe5: {  	[sflag:s19] =	ssyncset.done @p0 $0x0  }
0xe6: {  	[sflag:s19] =	ssyncadd.s32 @p0 $0xFFFF8000  }
0xe7: {  	v0 =	vld [tilespmem:$0x1080];
	_ =	sdelay $0x4  }
0xe8: {  	v1 =	vadd.s32 $0x64, v0  }
0xe9: {  	v2 =	vadd.s32 $0xC8, v0  }
0xea: {  	v3 =	vadd.s32 $0x12C, v0  }
0xeb: {  	v4 =	vadd.s32 $0x190, v0  }
0xec: {  	v6 =	vadd.s32 $0x1F4, v0;
	v5 =	vld.idx.msk [tilespmem:v0+s3+$0x0], $0xffff  }
0xed: {  	v7 =	vadd.s32 $0x258, v0;
	v1 =	vld.idx.msk [tilespmem:v1+s3+$0x0], $0xffff  }
0xee: {  	v8 =	vadd.s32 $0x2BC, v0;
	v2 =	vld.idx.msk [tilespmem:v2+s3+$0x0], $0xffff  }
0xef: {  	v9 =	vadd.s32 $0x320, v0;
	v3 =	vld.idx.msk [tilespmem:v3+s3+$0x0], $0xffff  }
0xf0: {  	v10 =	vadd.s32 $0x384, v0;
	v4 =	vld.idx.msk [tilespmem:v4+s3+$0x0], $0xffff  }
0xf1: {  	v11 =	vadd.s32 $0x3E8, v0;
	v6 =	vld.idx.msk [tilespmem:v6+s3+$0x0], $0xffff  }
0xf2: {  	v12 =	vadd.s32 $0x44C, v0;
	v7 =	vld.idx.msk [tilespmem:v7+s3+$0x0], $0xffff  }
0xf3: {  	v13 =	vadd.s32 $0x4B0, v0;
	v8 =	vld.idx.msk [tilespmem:v8+s3+$0x0], $0xffff  }
0xf4: {  	v14 =	vadd.s32 $0x514, v0;
	v9 =	vld.idx.msk [tilespmem:v9+s3+$0x0], $0xffff  }
0xf5: {  	v15 =	vadd.s32 $0x578, v0;
	v10 =	vld.idx.msk [tilespmem:v10+s3+$0x0], $0xffff  }
0xf6: {  	v16 =	vadd.s32 $0x5DC, v0;
	v11 =	vld.idx.msk [tilespmem:v11+s3+$0x0], $0xffff  }
0xf7: {  	v17 =	vadd.s32 $0x640, v0;
	v12 =	vld.idx.msk [tilespmem:v12+s3+$0x0], $0xffff  }
0xf8: {  	v18 =	vadd.s32 $0x6A4, v0;
	v13 =	vld.idx.msk [tilespmem:v13+s3+$0x0], $0xffff  }
0xf9: {  	v19 =	vadd.s32 $0x708, v0;
	v14 =	vld.idx.msk [tilespmem:v14+s3+$0x0], $0xffff  }
0xfa: {  	v15 =	vld.idx.msk [tilespmem:v15+s3+$0x0], $0xffff  }
0xfb: {  	v16 =	vld.idx.msk [tilespmem:v16+s3+$0x0], $0xffff  }
0xfc: {  	v17 =	vld.idx.msk [tilespmem:v17+s3+$0x0], $0xffff;
	[tilespmem:$0x9480] =	vst v5;
	v5 =	vadd.s32 $0x76C, v0  }
0xfd: {  	v18 =	vld.idx.msk [tilespmem:v18+s3+$0x0], $0xffff;
	[tilespmem:$0x9500] =	vst v1;
	v1 =	vadd.s32 $0x7D0, v0  }
0xfe: {  	v19 =	vld.idx.msk [tilespmem:v19+s3+$0x0], $0xffff;
	[tilespmem:$0x9580] =	vst v2;
	v2 =	vadd.s32 $0x834, v0;
	_ =	sdelay $0x2  }
0xff: {  	v5 =	vld.idx.msk [tilespmem:v5+s3+$0x0], $0xffff;
	[tilespmem:$0x9600] =	vst v3;
	v3 =	vadd.s32 $0x898, v0  }
0x100: {  	v1 =	vld.idx.msk [tilespmem:v1+s3+$0x0], $0xffff;
	[tilespmem:$0x9680] =	vst v4;
	v4 =	vadd.s32 $0x8FC, v0  }
0x101: {  	v2 =	vld.idx.msk [tilespmem:v2+s3+$0x0], $0xffff;
	[tilespmem:$0x9700] =	vst v6;
	v6 =	vadd.s32 $0x960, v0;
	_ =	sdelay $0x2  }
0x102: {  	v3 =	vld.idx.msk [tilespmem:v3+s3+$0x0], $0xffff;
	[tilespmem:$0x9780] =	vst v7;
	v7 =	vadd.s32 $0x9C4, v0  }
0x103: {  	v4 =	vld.idx.msk [tilespmem:v4+s3+$0x0], $0xffff;
	[tilespmem:$0x9800] =	vst v8;
	v8 =	vadd.s32 $0xA28, v0  }
0x104: {  	v6 =	vld.idx.msk [tilespmem:v6+s3+$0x0], $0xffff;
	[tilespmem:$0xA480] =	vst v9;
	v9 =	vadd.s32 $0xA8C, v0;
	_ =	sdelay $0x2  }
0x105: {  	v7 =	vld.idx.msk [tilespmem:v7+s3+$0x0], $0xffff;
	[tilespmem:$0xA500] =	vst v10;
	v10 =	vadd.s32 $0xAF0, v0  }
0x106: {  	v8 =	vld.idx.msk [tilespmem:v8+s3+$0x0], $0xffff;
	[tilespmem:$0xA580] =	vst v11;
	v11 =	vadd.s32 $0xB54, v0  }
0x107: {  	v9 =	vld.idx.msk [tilespmem:v9+s3+$0x0], $0xffff;
	[tilespmem:$0xA600] =	vst v12;
	v12 =	vadd.s32 $0xBB8, v0  }
0x108: {  	v0 =	vadd.s32 $0xC1C, v0;
	_ =	sdelay $0x1  }
0x109: {  	v10 =	vld.idx.msk [tilespmem:v10+s3+$0x0], $0xffff;
	[tilespmem:$0xA680] =	vst v13  }
0x10a: {  	v11 =	vld.idx.msk [tilespmem:v11+s3+$0x0], $0xffff;
	[tilespmem:$0xA700] =	vst v14  }
0x10b: {  	v12 =	vld.idx.msk [tilespmem:v12+s3+$0x0], $0xffff;
	[tilespmem:$0xA780] =	vst v15  }
0x10c: {  	s23 =	simm.s32 $0x1090;
	v0 =	vld.idx.msk [tilespmem:v0+s3+$0x0], $0xffff;
	[tilespmem:$0xA800] =	vst v16  }
0x10d: {  	v63 =	vld [tilespmem:s23+$0x0];
	_ =	sdelay $0x4  }
0x10e: {  	s25 =	simm.s32 $0x0;
	s24 =	simm.s32 $0x0;
	v13 =	vadd.s32 $0x64, v63  }
0x10f: {  	s26 =	simm.s32 $0x0;
	s1 =	sand.u32 $0xFFFFC000, s24;
	s23 =	sand.u32 $0xC00, s25;
	v14 =	vadd.s32 $0xC8, v63  }
0x110: {  	s24 =	sand.u32 $0x70, s26;
	s1 =	sor.u32 s23, s1  }
0x111: {  	s1 =	sor.u32 s24, s1;
	v16 =	vadd.s32 $0x12C, v63  }
0x112: {  	v15 =	vld.idx.msk [tilespmem:v63+s3+$0x0], $0xffff;
	[tilespmem:s1+$0xB480] =	vst v17  }
0x113: {  	v17 =	vadd.s32 $0x190, v63;
	v13 =	vld.idx.msk [tilespmem:v13+s3+$0x0], $0xffff;
	[tilespmem:s1+$0xB500] =	vst v18  }
0x114: {  	v18 =	vld.idx.msk [tilespmem:v14+s3+$0x0], $0xffff;
	v14 =	vadd.s32 $0x1F4, v63  }
0x115: {  	[tilespmem:s1+$0xB580] =	vst v19  }
0x116: {  	v19 =	vld.idx.msk [tilespmem:v16+s3+$0x0], $0xffff;
	v16 =	vadd.s32 $0x258, v63  }
0x117: {  	[tilespmem:s1+$0xB600] =	vst v5  }
0x118: {  	v5 =	vld.idx.msk [tilespmem:v17+s3+$0x0], $0xffff;
	v17 =	vadd.s32 $0x2BC, v63;
	[tilespmem:s1+$0xB680] =	vst v1  }
0x119: {  	v1 =	vld.idx.msk [tilespmem:v14+s3+$0x0], $0xffff;
	v14 =	vadd.s32 $0x320, v63  }
0x11a: {  	[tilespmem:s1+$0xB700] =	vst v2  }
0x11b: {  	v2 =	vld.idx.msk [tilespmem:v16+s3+$0x0], $0xffff;
	v16 =	vadd.s32 $0x384, v63  }
0x11c: {  	[tilespmem:s1+$0xB780] =	vst v3  }
0x11d: {  	v3 =	vld.idx.msk [tilespmem:v17+s3+$0x0], $0xffff;
	v17 =	vadd.s32 $0x3E8, v63;
	[tilespmem:s1+$0xB800] =	vst v4  }
0x11e: {  	v4 =	vld.idx.msk [tilespmem:v14+s3+$0x0], $0xffff;
	v14 =	vadd.s32 $0x44C, v63  }
0x11f: {  	[tilespmem:s1+$0xC480] =	vst v6  }
0x120: {  	v6 =	vld.idx.msk [tilespmem:v16+s3+$0x0], $0xffff;
	v16 =	vadd.s32 $0x4B0, v63  }
0x121: {  	[tilespmem:s1+$0xC500] =	vst v7;
	v7 =	vadd.s32 $0x514, v63  }
0x122: {  	v17 =	vld.idx.msk [tilespmem:v17+s3+$0x0], $0xffff;
	[tilespmem:s1+$0xC580] =	vst v8;
	v8 =	vadd.s32 $0x578, v63  }
0x123: {  	v21 =	vld.idx.msk [tilespmem:v14+s3+$0x0], $0xffff;
	[tilespmem:s1+$0xC600] =	vst v9;
	v9 =	vadd.s32 $0x5DC, v63;
	_ =	sdelay $0x1  }
0x124: {  	v22 =	vld.idx.msk [tilespmem:v16+s3+$0x0], $0xffff;
	[tilespmem:s1+$0xC680] =	vst v10  }
0x125: {  	v23 =	vld.idx.msk [tilespmem:v7+s3+$0x0], $0xffff;
	v7 =	vadd.s32 $0x640, v63;
	[tilespmem:s1+$0xC700] =	vst v11  }
0x126: {  	s25 =	simm.s32 $0x200;
	s24 =	simm.s32 $0x80;
	v24 =	vld.idx.msk [tilespmem:v8+s3+$0x0], $0xffff;
	v8 =	vadd.s32 $0x6A4, v63;
	[tilespmem:s1+$0xC780] =	vst v12  }
0x127: {  	s29 =	simm.s32 $0x10;
	s30 =	sand.u32 $0x4000, s25;
	s28 =	sand.u32 $0xC00, s24;
	v25 =	vld.idx.msk [tilespmem:v9+s3+$0x0], $0xffff;
	v9 =	vadd.s32 $0x708, v63  }
0x128: {  	s23 =	sand.u32 $0x70, s29;
	s26 =	sor.u32 s28, s30;
	[tilespmem:s1+$0xC800] =	vst v0;
	v0 =	vadd.s32 $0x76C, v63  }
0x129: {  	s31 =	sor.u32 s23, s26  }
0x12a: {  	v16 =	vld.idx.msk [tilespmem:v7+s3+$0x0], $0xffff;
	[tilespmem:s31+$0x9480] =	vst v15  }
0x12b: {  	v7 =	vadd.s32 $0x7D0, v63;
	v15 =	vld.idx.msk [tilespmem:v8+s3+$0x0], $0xffff;
	[tilespmem:s31+$0x9500] =	vst v13  }
0x12c: {  	v8 =	vadd.s32 $0x834, v63;
	v14 =	vld.idx.msk [tilespmem:v9+s3+$0x0], $0xffff;
	[tilespmem:s31+$0x9580] =	vst v18  }
0x12d: {  	v13 =	vld.idx.msk [tilespmem:v0+s3+$0x0], $0xffff;
	v0 =	vadd.s32 $0x898, v63;
	_ =	sdelay $0x1  }
0x12e: {  	[tilespmem:s31+$0x9600] =	vst v19  }
0x12f: {  	v12 =	vld.idx.msk [tilespmem:v7+s3+$0x0], $0xffff;
	v7 =	vadd.s32 $0x8FC, v63;
	[tilespmem:s31+$0x9680] =	vst v5  }
0x130: {  	v5 =	vadd.s32 $0x960, v63;
	v11 =	vld.idx.msk [tilespmem:v8+s3+$0x0], $0xffff;
	[tilespmem:s31+$0x9700] =	vst v1  }
0x131: {  	v10 =	vld.idx.msk [tilespmem:v0+s3+$0x0], $0xffff;
	v0 =	vadd.s32 $0x9C4, v63;
	_ =	sdelay $0x1  }
0x132: {  	[tilespmem:s31+$0x9780] =	vst v2  }
0x133: {  	v1 =	vadd.s32 $0xA28, v63;
	v9 =	vld.idx.msk [tilespmem:v7+s3+$0x0], $0xffff;
	[tilespmem:s31+$0x9800] =	vst v3  }
0x134: {  	v2 =	vadd.s32 $0xA8C, v63;
	v8 =	vld.idx.msk [tilespmem:v5+s3+$0x0], $0xffff;
	[tilespmem:s31+$0xA480] =	vst v4  }
0x135: {  	v7 =	vld.idx.msk [tilespmem:v0+s3+$0x0], $0xffff;
	v0 =	vadd.s32 $0xAF0, v63;
	_ =	sdelay $0x1  }
0x136: {  	[tilespmem:s31+$0xA500] =	vst v6  }
0x137: {  	v6 =	vld.idx.msk [tilespmem:v1+s3+$0x0], $0xffff;
	v1 =	vadd.s32 $0xB54, v63;
	[tilespmem:s31+$0xA580] =	vst v17  }
0x138: {  	v5 =	vld.idx.msk [tilespmem:v2+s3+$0x0], $0xffff;
	v2 =	vadd.s32 $0xBB8, v63;
	[tilespmem:s31+$0xA600] =	vst v21  }
0x139: {  	v3 =	vld.idx.msk [tilespmem:v0+s3+$0x0], $0xffff;
	v0 =	vadd.s32 $0xC1C, v63;
	_ =	sdelay $0x1  }
0x13a: {  	[tilespmem:s31+$0xA680] =	vst v22  }
0x13b: {  	v4 =	vld.idx.msk [tilespmem:v1+s3+$0x0], $0xffff;
	[tilespmem:s31+$0xA700] =	vst v23  }
0x13c: {  	v2 =	vld.idx.msk [tilespmem:v2+s3+$0x0], $0xffff;
	[tilespmem:s31+$0xA780] =	vst v24  }
0x13d: {  	s26 =	simm.s32 $0x10A0;
	v1 =	vld.idx.msk [tilespmem:v0+s3+$0x0], $0xffff;
	[tilespmem:s31+$0xA800] =	vst v25  }
0x13e: {  	s28 =	simm.s32 $0x30;
	s23 =	simm.s32 $0x20;
	v0 =	vld [tilespmem:s26+$0x0]  }
.LBB2_5:
0x13f: {  	p0 =	sne.s32 s28, $0x3F0;
	_ =	sdelay $0x2  }
0x140: {  	s24 =	sadd.s32 $0x80, s24;
	s25 =	sadd.s32 $0x200, s25  }
0x141: {  	s1 =	sadd.s32 $0xFFFFFE00, s25;
	s29 =	sadd.s32 $0xFFFFFF80, s24;
	v17 =	vadd.s32 $0x64, v0;
	v18 =	vadd.s32 $0x6A4, v0;
	v19 =	vadd.s32 $0x708, v0  }
0x142: {  	s30 =	sadd.s32 $0xFFFFFFF0, s23;
	s1 =	sand.u32 $0xFFFFC000, s1;
	s29 =	sand.u32 $0xC00, s29;
	v20 =	vadd.s32 $0xC8, v0;
	v21 =	vadd.s32 $0x76C, v0;
	v22 =	vadd.s32 $0x7D0, v0  }
0x143: {  	s30 =	sand.u32 $0x70, s30;
	s1 =	sor.u32 s29, s1;
	v23 =	vadd.s32 $0x12C, v0;
	v24 =	vadd.s32 $0x834, v0;
	v25 =	vadd.s32 $0x898, v0  }
0x144: {  	s29 =	sor.u32 s30, s1;
	v26 =	vadd.s32 $0x190, v0;
	v27 =	vadd.s32 $0x8FC, v0;
	v28 =	vadd.s32 $0x960, v0  }
0x145: {  	v30 =	vadd.s32 $0x9C4, v0;
	v31 =	vadd.s32 $0xA28, v0;
	v29 =	vld.idx.msk [tilespmem:v0+s3+$0x0], $0xffff;
	[tilespmem:s29+$0xB480] =	vst v16;
	v16 =	vadd.s32 $0x1F4, v0  }
0x146: {  	v32 =	vadd.s32 $0xA8C, v0;
	v33 =	vadd.s32 $0xAF0, v0;
	v17 =	vld.idx.msk [tilespmem:v17+s3+$0x0], $0xffff;
	[tilespmem:s29+$0xB500] =	vst v15;
	v15 =	vadd.s32 $0x258, v0  }
0x147: {  	v34 =	vadd.s32 $0xB54, v0;
	v35 =	vadd.s32 $0xBB8, v0;
	v20 =	vld.idx.msk [tilespmem:v20+s3+$0x0], $0xffff;
	[tilespmem:s29+$0xB580] =	vst v14;
	v14 =	vadd.s32 $0x2BC, v0  }
0x148: {  	v36 =	vadd.s32 $0xC1C, v0;
	v23 =	vld.idx.msk [tilespmem:v23+s3+$0x0], $0xffff;
	[tilespmem:s29+$0xB600] =	vst v13;
	v13 =	vadd.s32 $0x320, v0  }
0x149: {  	v26 =	vld.idx.msk [tilespmem:v26+s3+$0x0], $0xffff;
	[tilespmem:s29+$0xB680] =	vst v12;
	v12 =	vadd.s32 $0x384, v0  }
0x14a: {  	v37 =	vld.idx.msk [tilespmem:v16+s3+$0x0], $0xffff;
	[tilespmem:s29+$0xB700] =	vst v11;
	v11 =	vadd.s32 $0x3E8, v0  }
0x14b: {  	v38 =	vld.idx.msk [tilespmem:v15+s3+$0x0], $0xffff;
	[tilespmem:s29+$0xB780] =	vst v10;
	v10 =	vadd.s32 $0x44C, v0  }
0x14c: {  	v39 =	vld.idx.msk [tilespmem:v14+s3+$0x0], $0xffff;
	[tilespmem:s29+$0xB800] =	vst v9;
	v9 =	vadd.s32 $0x4B0, v0  }
0x14d: {  	v40 =	vld.idx.msk [tilespmem:v13+s3+$0x0], $0xffff;
	[tilespmem:s29+$0xC480] =	vst v8;
	v8 =	vadd.s32 $0x514, v0  }
0x14e: {  	v41 =	vld.idx.msk [tilespmem:v12+s3+$0x0], $0xffff;
	[tilespmem:s29+$0xC500] =	vst v7;
	v7 =	vadd.s32 $0x578, v0  }
0x14f: {  	v42 =	vld.idx.msk [tilespmem:v11+s3+$0x0], $0xffff;
	[tilespmem:s29+$0xC580] =	vst v6;
	v6 =	vadd.s32 $0x5DC, v0  }
0x150: {  	v0 =	vadd.s32 $0x640, v0;
	v43 =	vld.idx.msk [tilespmem:v10+s3+$0x0], $0xffff;
	[tilespmem:s29+$0xC600] =	vst v5  }
0x151: {  	v44 =	vld.idx.msk [tilespmem:v9+s3+$0x0], $0xffff;
	[tilespmem:s29+$0xC680] =	vst v3  }
0x152: {  	s1 =	sand.u32 $0x4000, s25;
	s30 =	sand.u32 $0xC00, s24;
	v45 =	vld.idx.msk [tilespmem:v8+s3+$0x0], $0xffff;
	[tilespmem:s29+$0xC700] =	vst v4  }
0x153: {  	s31 =	sand.u32 $0x70, s23;
	s23 =	smov.u32 s28;
	s1 =	sor.u32 s30, s1;
	v46 =	vld.idx.msk [tilespmem:v7+s3+$0x0], $0xffff;
	[tilespmem:s29+$0xC780] =	vst v2  }
0x154: {  	s1 =	sor.u32 s31, s1;
	v47 =	vld.idx.msk [tilespmem:v6+s3+$0x0], $0xffff;
	[tilespmem:s29+$0xC800] =	vst v1  }
0x155: {  	v16 =	vld.idx.msk [tilespmem:v0+s3+$0x0], $0xffff;
	[tilespmem:s1+$0x9480] =	vst v29  }
0x156: {  	v15 =	vld.idx.msk [tilespmem:v18+s3+$0x0], $0xffff;
	[tilespmem:s1+$0x9500] =	vst v17  }
0x157: {  	v14 =	vld.idx.msk [tilespmem:v19+s3+$0x0], $0xffff;
	[tilespmem:s1+$0x9580] =	vst v20  }
0x158: {  	v13 =	vld.idx.msk [tilespmem:v21+s3+$0x0], $0xffff;
	[tilespmem:s1+$0x9600] =	vst v23  }
0x159: {  	v12 =	vld.idx.msk [tilespmem:v22+s3+$0x0], $0xffff;
	[tilespmem:s1+$0x9680] =	vst v26  }
0x15a: {  	v11 =	vld.idx.msk [tilespmem:v24+s3+$0x0], $0xffff;
	[tilespmem:s1+$0x9700] =	vst v37  }
0x15b: {  	v10 =	vld.idx.msk [tilespmem:v25+s3+$0x0], $0xffff;
	[tilespmem:s1+$0x9780] =	vst v38  }
0x15c: {  	v9 =	vld.idx.msk [tilespmem:v27+s3+$0x0], $0xffff;
	[tilespmem:s1+$0x9800] =	vst v39  }
0x15d: {  	v8 =	vld.idx.msk [tilespmem:v28+s3+$0x0], $0xffff;
	[tilespmem:s1+$0xA480] =	vst v40  }
0x15e: {  	v7 =	vld.idx.msk [tilespmem:v30+s3+$0x0], $0xffff;
	[tilespmem:s1+$0xA500] =	vst v41  }
0x15f: {  	v6 =	vld.idx.msk [tilespmem:v31+s3+$0x0], $0xffff;
	[tilespmem:s1+$0xA580] =	vst v42  }
0x160: {  	v5 =	vld.idx.msk [tilespmem:v32+s3+$0x0], $0xffff;
	[tilespmem:s1+$0xA600] =	vst v43  }
.Ltmp1:
0x161: {  	v3 =	vld.idx.msk [tilespmem:v33+s3+$0x0], $0xffff;
	[tilespmem:s1+$0xA680] =	vst v44;
	(pc) =	sbr.rel @p0 .LBB2_5-.Ltmp1, $4  }
0x162: {  	v4 =	vld.idx.msk [tilespmem:v34+s3+$0x0], $0xffff;
	[tilespmem:s1+$0xA700] =	vst v45  }
0x163: {  	v2 =	vld.idx.msk [tilespmem:v35+s3+$0x0], $0xffff;
	[tilespmem:s1+$0xA780] =	vst v46  }
0x164: {  	s26 =	sadd.s32 $0x10, s26;
	v1 =	vld.idx.msk [tilespmem:v36+s3+$0x0], $0xffff;
	[tilespmem:s1+$0xA800] =	vst v47  }
0x165: {  	s28 =	sadd.s32 $0x10, s28;
	v0 =	vld [tilespmem:s26+$0x0]  }
0x166: {  	_ =	sdelay $0x2  }
0x167: {  	s1 =	sadd.s32 $0x80, s24;
	s29 =	sadd.s32 $0x200, s25  }
0x168: {  	s25 =	sadd.s32 $0xFFFFFE00, s29;
	s26 =	sadd.s32 $0xFFFFFF80, s1;
	v17 =	vadd.s32 $0x64, v0  }
0x169: {  	s28 =	sadd.s32 $0xFFFFFFF0, s23;
	s25 =	sand.u32 $0xFFFFC000, s25;
	s26 =	sand.u32 $0xC00, s26;
	v18 =	vadd.s32 $0xC8, v0  }
0x16a: {  	s28 =	sand.u32 $0x70, s28;
	s25 =	sor.u32 s26, s25;
	v20 =	vadd.s32 $0x12C, v0  }
0x16b: {  	s25 =	sor.u32 s28, s25;
	v36 =	vadd.s32 $0x190, v0  }
0x16c: {  	v19 =	vld.idx.msk [tilespmem:v0+s3+$0x0], $0xffff;
	v37 =	vadd.s32 $0x1F4, v0;
	[tilespmem:s25+$0xB480] =	vst v16  }
0x16d: {  	v38 =	vadd.s32 $0x258, v0;
	v16 =	vld.idx.msk [tilespmem:v17+s3+$0x0], $0xffff;
	[tilespmem:s25+$0xB500] =	vst v15  }
0x16e: {  	v39 =	vadd.s32 $0x2BC, v0;
	v15 =	vld.idx.msk [tilespmem:v18+s3+$0x0], $0xffff;
	[tilespmem:s25+$0xB580] =	vst v14  }
0x16f: {  	v40 =	vadd.s32 $0x320, v0;
	v14 =	vld.idx.msk [tilespmem:v20+s3+$0x0], $0xffff;
	[tilespmem:s25+$0xB600] =	vst v13  }
0x170: {  	v41 =	vadd.s32 $0x384, v0;
	v13 =	vld.idx.msk [tilespmem:v36+s3+$0x0], $0xffff;
	[tilespmem:s25+$0xB680] =	vst v12  }
0x171: {  	v42 =	vadd.s32 $0x3E8, v0;
	v12 =	vld.idx.msk [tilespmem:v37+s3+$0x0], $0xffff;
	[tilespmem:s25+$0xB700] =	vst v11  }
0x172: {  	v43 =	vadd.s32 $0x44C, v0;
	v11 =	vld.idx.msk [tilespmem:v38+s3+$0x0], $0xffff;
	[tilespmem:s25+$0xB780] =	vst v10  }
0x173: {  	v44 =	vadd.s32 $0x4B0, v0;
	v10 =	vld.idx.msk [tilespmem:v39+s3+$0x0], $0xffff;
	[tilespmem:s25+$0xB800] =	vst v9  }
0x174: {  	v45 =	vadd.s32 $0x514, v0;
	v9 =	vld.idx.msk [tilespmem:v40+s3+$0x0], $0xffff;
	[tilespmem:s25+$0xC480] =	vst v8  }
0x175: {  	v46 =	vadd.s32 $0x578, v0;
	v8 =	vld.idx.msk [tilespmem:v41+s3+$0x0], $0xffff;
	[tilespmem:s25+$0xC500] =	vst v7  }
0x176: {  	v47 =	vadd.s32 $0x5DC, v0;
	v7 =	vld.idx.msk [tilespmem:v42+s3+$0x0], $0xffff;
	[tilespmem:s25+$0xC580] =	vst v6  }
0x177: {  	v48 =	vadd.s32 $0x640, v0;
	v6 =	vld.idx.msk [tilespmem:v43+s3+$0x0], $0xffff;
	[tilespmem:s25+$0xC600] =	vst v5  }
0x178: {  	v49 =	vadd.s32 $0x6A4, v0;
	v5 =	vld.idx.msk [tilespmem:v44+s3+$0x0], $0xffff;
	[tilespmem:s25+$0xC680] =	vst v3  }
0x179: {  	s24 =	sand.u32 $0x4000, s29;
	s1 =	sand.u32 $0xC00, s1;
	v50 =	vadd.s32 $0x708, v0;
	v3 =	vld.idx.msk [tilespmem:v45+s3+$0x0], $0xffff;
	[tilespmem:s25+$0xC700] =	vst v4  }
0x17a: {  	s30 =	sand.u32 $0x70, s23;
	s1 =	sor.u32 s1, s24;
	v51 =	vadd.s32 $0x76C, v0;
	v4 =	vld.idx.msk [tilespmem:v46+s3+$0x0], $0xffff;
	[tilespmem:s25+$0xC780] =	vst v2  }
0x17b: {  	s1 =	sor.u32 s30, s1;
	v52 =	vadd.s32 $0x7D0, v0;
	v2 =	vld.idx.msk [tilespmem:v47+s3+$0x0], $0xffff;
	[tilespmem:s25+$0xC800] =	vst v1  }
0x17c: {  	v53 =	vadd.s32 $0x834, v0;
	v1 =	vld.idx.msk [tilespmem:v48+s3+$0x0], $0xffff;
	[tilespmem:s1+$0x9480] =	vst v19  }
0x17d: {  	v54 =	vadd.s32 $0x898, v0;
	v18 =	vld.idx.msk [tilespmem:v49+s3+$0x0], $0xffff;
	[tilespmem:s1+$0x9500] =	vst v16  }
0x17e: {  	v55 =	vadd.s32 $0x8FC, v0;
	v16 =	vld.idx.msk [tilespmem:v50+s3+$0x0], $0xffff;
	[tilespmem:s1+$0x9580] =	vst v15  }
0x17f: {  	v56 =	vadd.s32 $0x960, v0;
	v15 =	vld.idx.msk [tilespmem:v51+s3+$0x0], $0xffff;
	[tilespmem:s1+$0x9600] =	vst v14  }
0x180: {  	v57 =	vadd.s32 $0x9C4, v0;
	v14 =	vld.idx.msk [tilespmem:v52+s3+$0x0], $0xffff;
	[tilespmem:s1+$0x9680] =	vst v13  }
0x181: {  	v58 =	vadd.s32 $0xA28, v0;
	v13 =	vld.idx.msk [tilespmem:v53+s3+$0x0], $0xffff;
	[tilespmem:s1+$0x9700] =	vst v12  }
0x182: {  	v59 =	vadd.s32 $0xA8C, v0;
	v12 =	vld.idx.msk [tilespmem:v54+s3+$0x0], $0xffff;
	[tilespmem:s1+$0x9780] =	vst v11  }
0x183: {  	v60 =	vadd.s32 $0xAF0, v0;
	v11 =	vld.idx.msk [tilespmem:v55+s3+$0x0], $0xffff;
	[tilespmem:s1+$0x9800] =	vst v10  }
0x184: {  	v61 =	vadd.s32 $0xB54, v0;
	v10 =	vld.idx.msk [tilespmem:v56+s3+$0x0], $0xffff;
	[tilespmem:s1+$0xA480] =	vst v9  }
0x185: {  	v62 =	vadd.s32 $0xBB8, v0;
	v9 =	vld.idx.msk [tilespmem:v57+s3+$0x0], $0xffff;
	[tilespmem:s1+$0xA500] =	vst v8  }
0x186: {  	v63 =	vadd.s32 $0xC1C, v0;
	v8 =	vld.idx.msk [tilespmem:v58+s3+$0x0], $0xffff;
	[tilespmem:s1+$0xA580] =	vst v7  }
0x187: {  	v7 =	vld.idx.msk [tilespmem:v59+s3+$0x0], $0xffff;
	[tilespmem:s1+$0xA600] =	vst v6  }
0x188: {  	v6 =	vld.idx.msk [tilespmem:v60+s3+$0x0], $0xffff;
	[tilespmem:s1+$0xA680] =	vst v5  }
0x189: {  	v5 =	vld.idx.msk [tilespmem:v61+s3+$0x0], $0xffff;
	[tilespmem:s1+$0xA700] =	vst v3  }
0x18a: {  	v3 =	vld.idx.msk [tilespmem:v62+s3+$0x0], $0xffff;
	[tilespmem:s1+$0xA780] =	vst v4  }
0x18b: {  	v0 =	vld.idx.msk [tilespmem:v63+s3+$0x0], $0xffff;
	[tilespmem:s1+$0xA800] =	vst v2  }
0x18c: {  	[tilespmem:$0x100F0] =	vst v1  }
0x18d: {  	[tilespmem:$0x10170] =	vst v18  }
0x18e: {  	[tilespmem:$0x101F0] =	vst v16  }
0x18f: {  	[tilespmem:$0x10270] =	vst v15  }
0x190: {  	[tilespmem:$0x102F0] =	vst v14  }
0x191: {  	[tilespmem:$0x10370] =	vst v13  }
0x192: {  	[tilespmem:$0x103F0] =	vst v12  }
0x193: {  	[tilespmem:$0x10470] =	vst v11  }
0x194: {  	[tilespmem:$0x110F0] =	vst v10  }
0x195: {  	[tilespmem:$0x11170] =	vst v9  }
0x196: {  	s21 =	sadd.s32 $0x1, s21;
	[tilespmem:$0x111F0] =	vst v8  }
0x197: {  	p0 =	sne.s32 s21, $0x32;
	[tilespmem:$0x11270] =	vst v7  }
.Ltmp2:
0x198: {  	s31 =	sshll.u32 s22, $0x14;
	[tilespmem:$0x112F0] =	vst v6;
	(pc) =	sbr.rel @p0 .LBB2_2-.Ltmp2, $4  }
0x199: {  	s1 =	sor.u32 s8, s31;
	[tilespmem:$0x11370] =	vst v5  }
0x19a: {  	s1 =	sshrl.u32 s1, $0x3;
	[tilespmem:$0x113F0] =	vst v3  }
0x19b: {  	s1 =	sadd.s32 s2, s1;
	[tilespmem:$0x11470] =	vst v0  }
0x19c: {  	[hbm4b:s1+s15] =	stream.strided.scatter [tilespmem:s18], [sflag:$0x2], $0x8000, s16, s15, $0x38;
	[tilespmem:$0x11480] =	vst v63  }
0x19d: {  	s20 =	sadd.s32 $0x1, s20  }
0x19e: {  	_ =	swait.ge [sflag:s19], $0x8000;
	p0 =	sne.s32 s20, s10  }
.Ltmp3:
0x19f: {  	[sflag:s19] =	ssyncset.done $0x0;
	(pc) =	sbr.rel @p0 .LBB2_1-.Ltmp3, $4  }
0x1a0: {  	[sflag:s19] =	ssyncadd.s32 $0xFFFF8000  }
0x1a1: {  	_ =	swait.ge [sflag:s19], $0x8000  }
0x1a2: {  	[sflag:s19] =	ssyncset.done $0x0  }
0x1a3: {  	[sflag:s19] =	ssyncadd.s32 $0xFFFF8000  }
0x1a4: {  	_ =	sfence.sel $0x180000  }
0x1a5: {  	[bflag:$0x0] =	sbarrier.arrive $0xFFFF  }
0x1a6: {  	_ =	strace $0x90000047  }
0x1a7: {  	[bflag:$0x2] =	sbarrier.arrive $0xFFFF  }
0x1a8: {  	p0 =	sne.s32 s0, $0x0;
	s0 =	rddreg [dreg:$0x2]  }
0x1a9: {  	s0 =	sadd.s32 @!p0 $0x100000, s0  }
0x1aa: {  	[sflag:s0] =	ssyncadd.tile.s32 @!p0 $0x1;
	_ =	shalt  }
.Lfunc_end2:
_tile_overlayer_lowered:
.L_overlay_start_2:
0x1ab: {  	(tag) =	ssettag $0x2  }
0x1ac: {  	s0 =	rddreg [dreg:$0x0];
	s2 =	stileid.u32  }
0x1ad: {  	s1 =	rddreg [dreg:$0x1];
	p0 =	sne.s32 s2, $0x0  }
0x1ae: {  	s3 =	rddreg [dreg:$0x2];
	[bflag:$0x3] =	sbarrier.arrive $0xFFFF;
	s2 =	simm.s32 @!p0 $0x1C03  }
0x1af: {  	[timem:s3], [sflag:s2] =	dma.local @!p0 [hbm:s0], s1  }
0x1b0: {  	s0 =	simm.s32 @!p0 $0x3  }
0x1b1: {  	_ =	swait.ge @!p0 [sflag:s0], s1  }
0x1b2: {  	s1 =	ssub.s32 @!p0 $0x0, s1;
	[sflag:s0] =	ssyncset.done @!p0 $0x0  }
0x1b3: {  	[sflag:s0] =	ssyncadd.s32 @!p0 s1  }
0x1b4: {  	[bflag:$0x3] =	sbarrier.arrive $0xFFFF  }
0x1b5: {  	_ =	shalt  }

</sc_bundles>
